<compile_context>
chip_gen: v7x
topology: tpu7x:2x2x1
jax: 0.10.2.dev20260603
libtpu: 0.0.44.dev20260713+nightly
codegen_flags: <defaults>
</compile_context>

<pallas_src>
import functools

import jax
import jax.numpy as jnp
from jax import lax
from jax.experimental import pallas as pl
from jax.experimental.pallas import tpu as pltpu
from jax.experimental.pallas import tpu_sc as plsc

H = W = 384
C = 384
B = H * W
NC, NS = 2, 16
NW = NC * NS
PPW = B // NW
K = 16
NCH = PPW // K


def _prep_body(u_ref, v_ref, i00, i10, i01, i11, w00, w10, w01, w11):
    u = u_ref[...]
    v = v_ref[...]
    gx = u * 2.0 - 1.0
    gy = -(v * 2.0 - 1.0)
    ix = ((gx + 1.0) * W - 1.0) * 0.5
    iy = ((gy + 1.0) * H - 1.0) * 0.5
    ix0 = jnp.floor(ix)
    iy0 = jnp.floor(iy)
    ix1 = ix0 + 1.0
    iy1 = iy0 + 1.0
    wx1 = ix - ix0
    wx0 = 1.0 - wx1
    wy1 = iy - iy0
    wy0 = 1.0 - wy1
    vx0 = (ix0 >= 0) & (ix0 <= W - 1)
    vx1 = (ix1 >= 0) & (ix1 <= W - 1)
    vy0 = (iy0 >= 0) & (iy0 <= H - 1)
    vy1 = (iy1 >= 0) & (iy1 <= H - 1)
    cx0 = jnp.clip(ix0, 0, W - 1).astype(jnp.int32)
    cx1 = jnp.clip(ix1, 0, W - 1).astype(jnp.int32)
    cy0 = jnp.clip(iy0, 0, H - 1).astype(jnp.int32)
    cy1 = jnp.clip(iy1, 0, H - 1).astype(jnp.int32)
    live = u != 0.0
    zero = jnp.zeros_like(u)
    i00[...] = cy0 * W + cx0
    i10[...] = cy0 * W + cx1
    i01[...] = cy1 * W + cx0
    i11[...] = cy1 * W + cx1
    w00[...] = jnp.where(vx0 & vy0 & live, wx0 * wy0, zero)
    w10[...] = jnp.where(vx1 & vy0 & live, wx1 * wy0, zero)
    w01[...] = jnp.where(vx0 & vy1 & live, wx0 * wy1, zero)
    w11[...] = jnp.where(vx1 & vy1 & live, wx1 * wy1, zero)


def _prep(u, v):
    shp = jax.ShapeDtypeStruct((H, W), jnp.int32)
    shpf = jax.ShapeDtypeStruct((H, W), jnp.float32)
    return pl.pallas_call(
        _prep_body,
        out_shape=(shp, shp, shp, shp, shpf, shpf, shpf, shpf),
    )(u, v)


def _sc_body(table, idxh, wgth, out_hbm,
             idxv, wgtv, r0, r1, o0, o1,
             wm00, wm10, wm01, wm11,
             sg0, sg1, so0, so1):
    wid = lax.axis_index("s") * NC + lax.axis_index("c")
    base = wid * PPW
    rbuf = (r0, r1)
    obuf = (o0, o1)
    sg = (sg0, sg1)
    so = (so0, so1)

    pltpu.sync_copy(idxh.at[pl.ds(base * 4, PPW * 4)], idxv)
    pltpu.sync_copy(wgth.at[pl.ds(base * 4, PPW * 4)], wgtv)

    def fire(b, g):
        off4 = pl.multiple_of(g * (4 * K), 4 * K)
        pltpu.async_copy(table.at[idxv.at[pl.ds(off4, 4 * K)]], rbuf[b], sg[b])

    def drain_gather(b):
        pltpu.make_async_copy(table.at[pl.ds(0, 4 * K)], rbuf[b], sg[b]).wait()

    def drain_out(b):
        pltpu.make_async_copy(out_hbm.at[pl.ds(0, K)], obuf[b], so[b]).wait()

    fire(0, 0)
    fire(1, 1)

    def loop2(g2, carry):
        for b in range(2):
            g = g2 * 2 + b
            off4 = pl.multiple_of(g * (4 * K), 4 * K)
            wv00 = wgtv[pl.ds(off4, 16)]
            wv10 = wgtv[pl.ds(off4 + 16, 16)]
            wv01 = wgtv[pl.ds(off4 + 32, 16)]
            wv11 = wgtv[pl.ds(off4 + 48, 16)]
            for l in range(16):
                wm00[l, :] = jnp.full((16,), wv00[l], jnp.float32)
                wm10[l, :] = jnp.full((16,), wv10[l], jnp.float32)
                wm01[l, :] = jnp.full((16,), wv01[l], jnp.float32)
                wm11[l, :] = jnp.full((16,), wv11[l], jnp.float32)
            drain_gather(b)
            @pl.when(g2 > 0)
            def _():
                drain_out(b)
            rb = rbuf[b]
            ob = obuf[b]

            def pix(k, carry2):
                w00b = wm00[k, :]
                w10b = wm10[k, :]
                w01b = wm01[k, :]
                w11b = wm11[k, :]
                for j in range(C // 16):
                    sl = pl.ds(16 * j, 16)
                    ob[k, sl] = (rb[k, sl] * w00b + rb[k + 16, sl] * w10b
                                 + rb[k + 32, sl] * w01b + rb[k + 48, sl] * w11b)
                return carry2

            lax.fori_loop(0, K, pix, 0)
            pltpu.async_copy(ob, out_hbm.at[pl.ds(base + g * K, K)], so[b])
            @pl.when(g2 < NCH // 2 - 1)
            def _():
                fire(b, g + 2)
        return carry

    lax.fori_loop(0, NCH // 2, loop2, 0)
    drain_out(0)
    drain_out(1)


@functools.lru_cache(maxsize=1)
def _sc_gather():
  return functools.partial(
    pl.kernel,
    out_type=jax.ShapeDtypeStruct((B, C), jnp.float32),
    mesh=plsc.VectorSubcoreMesh(core_axis_name="c", subcore_axis_name="s",
                                num_cores=NC, num_subcores=NS),
    scratch_types=[
        pltpu.VMEM((PPW * 4,), jnp.int32),
        pltpu.VMEM((PPW * 4,), jnp.float32),
        pltpu.VMEM((4 * K, C), jnp.float32),
        pltpu.VMEM((4 * K, C), jnp.float32),
        pltpu.VMEM((K, C), jnp.float32),
        pltpu.VMEM((K, C), jnp.float32),
        pltpu.VMEM((16, 16), jnp.float32),
        pltpu.VMEM((16, 16), jnp.float32),
        pltpu.VMEM((16, 16), jnp.float32),
        pltpu.VMEM((16, 16), jnp.float32),
        pltpu.SemaphoreType.DMA,
        pltpu.SemaphoreType.DMA,
        pltpu.SemaphoreType.DMA,
        pltpu.SemaphoreType.DMA,
    ],
  )(_sc_body)


def kernel(uv_map, neural_tex):
    u = uv_map[0, :, :, 0]
    v = uv_map[0, :, :, 1]
    i00, i10, i01, i11, w00, w10, w01, w11 = _prep(u, v)
    idx4 = jnp.stack([i00.reshape(B), i10.reshape(B),
                      i01.reshape(B), i11.reshape(B)])
    wgt4 = jnp.stack([w00.reshape(B), w10.reshape(B),
                      w01.reshape(B), w11.reshape(B)])
    idx_flat = idx4.reshape(4, B // K, K).transpose(1, 0, 2).reshape(-1)
    wgt_flat = wgt4.reshape(4, B // K, K).transpose(1, 0, 2).reshape(-1)
    table = jnp.transpose(neural_tex.reshape(C, B))
    rows = _sc_gather()(table, idx_flat, wgt_flat)
    out = jnp.transpose(rows)
    return out.reshape(1, C, H, W)

# --- scband reference (transcript-rebuilt; emitter-appended) ---
"""Pipeline reference for scband-texture-no-grad-mapper-54924041782038 (READ-ONLY COPY).

The authoritative reference and input builder live on the scoring server;
editing this copy changes nothing except your own understanding.
"""

import jax, jax.numpy as jnp
import numpy as np


def _grid_sample_bilinear_zeros(inp, grid):
    # inp: [N, C, Hin, Win], grid: [N, Hout, Wout, 2] with (x, y) in [-1, 1]
    # Matches torch.nn.functional.grid_sample(mode='bilinear', padding_mode='zeros', align_corners=False)
    N, C, Hin, Win = inp.shape
    gx = grid[..., 0]
    gy = grid[..., 1]
    ix = ((gx + 1.0) * Win - 1.0) / 2.0
    iy = ((gy + 1.0) * Hin - 1.0) / 2.0
    ix0 = jnp.floor(ix)
    iy0 = jnp.floor(iy)
    ix1 = ix0 + 1.0
    iy1 = iy0 + 1.0
    wx1 = ix - ix0
    wx0 = 1.0 - wx1
    wy1 = iy - iy0
    wy0 = 1.0 - wy1

    def corner(ixf, iyf, w):
        valid = (ixf >= 0) & (ixf <= Win - 1) & (iyf >= 0) & (iyf <= Hin - 1)
        ixc = jnp.clip(ixf, 0, Win - 1).astype(jnp.int32)
        iyc = jnp.clip(iyf, 0, Hin - 1).astype(jnp.int32)

        def per_batch(img, iyb, ixb, vb, wb):
            v = img[:, iyb, ixb]  # [C, Hout, Wout] gather
            return v * (vb.astype(img.dtype) * wb)[None]

        return jax.vmap(per_batch)(inp, iyc, ixc, valid, w)

    out = (corner(ix0, iy0, wx0 * wy0) + corner(ix1, iy0, wx1 * wy0)
           + corner(ix0, iy1, wx0 * wy1) + corner(ix1, iy1, wx1 * wy1))
    return out


def setup_inputs(seed: int = 0) -> dict:
    key = jax.random.key(seed)
    k1, k2 = jax.random.split(key)
    uv_map = jax.random.uniform(k1, (1, 384, 384, 2), dtype=jnp.float32)
    neural_tex = jax.random.normal(k2, (1, 384, 384, 384), dtype=jnp.float32)
    return {"uv_map": uv_map, "neural_tex": neural_tex}


def reference(uv_map, neural_tex):
    # grid_uv_map = uv_map * 2 - 1; flip sign of last coord (v)
    grid = uv_map * 2.0 - 1.0
    grid = grid.at[..., -1].set(-grid[..., -1])
    output = _grid_sample_bilinear_zeros(neural_tex, grid)  # [N, C, H, W]
    # mask where u-channel of uv_map == 0 -> zero out all channels there
    mask = (uv_map[..., 0] == 0.0)  # [N, H, W]
    output = jnp.where(mask[:, None, :, :], 0.0, output)
    return output

if __name__ == "__main__":
    import jax
    _d = setup_inputs()
    print(jax.jit(kernel)(*tuple(_d.values())))

</pallas_src>

<mosaic_0001>
#map = affine_map<(d0, d1) -> (0, 0)>
#map1 = affine_map<(d0, d1) -> (0)>
module attributes {stable_mosaic.version = 14 : i64} {
  func.func @_sc_body(%arg0: i32, %arg1: i32, %arg2: memref<147456x384xf32, #tpu.memory_space<hbm>>, %arg3: memref<589824xi32, #tpu.memory_space<hbm>>, %arg4: memref<589824xf32, #tpu.memory_space<hbm>>, %arg5: memref<147456x384xf32, #tpu.memory_space<hbm>>, %arg6: memref<18432xi32, #tpu.memory_space<vmem>>, %arg7: memref<18432xf32, #tpu.memory_space<vmem>>, %arg8: memref<64x384xf32, #tpu.memory_space<vmem>>, %arg9: memref<64x384xf32, #tpu.memory_space<vmem>>, %arg10: memref<16x384xf32, #tpu.memory_space<vmem>>, %arg11: memref<16x384xf32, #tpu.memory_space<vmem>>, %arg12: memref<16x16xf32, #tpu.memory_space<vmem>>, %arg13: memref<16x16xf32, #tpu.memory_space<vmem>>, %arg14: memref<16x16xf32, #tpu.memory_space<vmem>>, %arg15: memref<16x16xf32, #tpu.memory_space<vmem>>, %arg16: memref<!tpu.dma_semaphore, #tpu.memory_space<semaphore_mem>>, %arg17: memref<!tpu.dma_semaphore, #tpu.memory_space<semaphore_mem>>, %arg18: memref<!tpu.dma_semaphore, #tpu.memory_space<semaphore_mem>>, %arg19: memref<!tpu.dma_semaphore, #tpu.memory_space<semaphore_mem>>) attributes {dimension_semantics = [#tpu.dimension_semantics<core_parallel>, #tpu.dimension_semantics<subcore_parallel>], iteration_bounds = array<i64: 2, 16>, scalar_prefetch = 0 : i64, scratch_operands = 14 : i64, tpu.core_type = #tpu.core_type<sc_vector_subcore>, window_params = [{transform_indices = #map}, {transform_indices = #map1}, {transform_indices = #map1}, {transform_indices = #map}]} {
    %mul3A = arith.constant 2 : i32
    %mul3A_0 = arith.muli %arg1, %mul3A : i32
    %add3A = arith.addi %mul3A_0, %arg0 : i32
    %mul3A_1 = arith.constant 4608 : i32
    %mul3A_2 = arith.muli %add3A, %mul3A_1 : i32
    %mul3A_3 = arith.constant 4 : i32
    %mul3A_4 = arith.muli %mul3A_2, %mul3A_3 : i32
    "tpu.region"() ({
      %run_scoped3A = tpu.sem_alloc : memref<!tpu.dma_semaphore, #tpu.memory_space<semaphore_mem>>
      %dma_start3A_33 = tpu.memref_slice %arg3[%mul3A_4] : memref<589824xi32, #tpu.memory_space<hbm>> -> memref<18432xi32, #tpu.memory_space<hbm>>
      %dma_start3A_34 = tpu.memref_slice %arg3[%mul3A_4] : memref<589824xi32, #tpu.memory_space<hbm>> -> memref<18432xi32, #tpu.memory_space<hbm>>
      tpu.enqueue_dma source(%dma_start3A_34 : memref<18432xi32, #tpu.memory_space<hbm>>) target(%arg6 : memref<18432xi32, #tpu.memory_space<vmem>>) target_semaphore(%run_scoped3A : memref<!tpu.dma_semaphore, #tpu.memory_space<semaphore_mem>>)
      %dma_wait3A_35 = tpu.memref_slice %arg3[%mul3A_4] : memref<589824xi32, #tpu.memory_space<hbm>> -> memref<18432xi32, #tpu.memory_space<hbm>>
      %dma_wait3A_36 = tpu.memref_slice %arg3[%mul3A_4] : memref<589824xi32, #tpu.memory_space<hbm>> -> memref<18432xi32, #tpu.memory_space<hbm>>
      tpu.wait_dma2 semaphore(%run_scoped3A : memref<!tpu.dma_semaphore, #tpu.memory_space<semaphore_mem>>) src(%dma_wait3A_36 : memref<18432xi32, #tpu.memory_space<hbm>>) dst(%arg6 : memref<18432xi32, #tpu.memory_space<vmem>>)
      tpu.yield
    }) : () -> ()
    %mul3A_5 = arith.constant 4 : i32
    %mul3A_6 = arith.muli %mul3A_2, %mul3A_5 : i32
    "tpu.region"() ({
      %run_scoped3A = tpu.sem_alloc : memref<!tpu.dma_semaphore, #tpu.memory_space<semaphore_mem>>
      %dma_start3A_33 = tpu.memref_slice %arg4[%mul3A_6] : memref<589824xf32, #tpu.memory_space<hbm>> -> memref<18432xf32, #tpu.memory_space<hbm>>
      %dma_start3A_34 = tpu.memref_slice %arg4[%mul3A_6] : memref<589824xf32, #tpu.memory_space<hbm>> -> memref<18432xf32, #tpu.memory_space<hbm>>
      tpu.enqueue_dma source(%dma_start3A_34 : memref<18432xf32, #tpu.memory_space<hbm>>) target(%arg7 : memref<18432xf32, #tpu.memory_space<vmem>>) target_semaphore(%run_scoped3A : memref<!tpu.dma_semaphore, #tpu.memory_space<semaphore_mem>>)
      %dma_wait3A_35 = tpu.memref_slice %arg4[%mul3A_6] : memref<589824xf32, #tpu.memory_space<hbm>> -> memref<18432xf32, #tpu.memory_space<hbm>>
      %dma_wait3A_36 = tpu.memref_slice %arg4[%mul3A_6] : memref<589824xf32, #tpu.memory_space<hbm>> -> memref<18432xf32, #tpu.memory_space<hbm>>
      tpu.wait_dma2 semaphore(%run_scoped3A : memref<!tpu.dma_semaphore, #tpu.memory_space<semaphore_mem>>) src(%dma_wait3A_36 : memref<18432xf32, #tpu.memory_space<hbm>>) dst(%arg7 : memref<18432xf32, #tpu.memory_space<vmem>>)
      tpu.yield
    }) : () -> ()
    %multiple_of3A = arith.constant 0 : i32
    %multiple_of3A_7 = tpu.assume_multiple %multiple_of3A, 64 : i32
    %dma_start3A = tpu.memref_slice %arg6[%multiple_of3A_7] : memref<18432xi32, #tpu.memory_space<vmem>> -> memref<64xi32, #tpu.memory_space<vmem>>
    %dma_start3A_8 = arith.constant 0 : i32
    %dma_start3A_9 = arith.constant 0 : i32
    %dma_start3A_10 = tpu.memref_slice %arg2[%dma_start3A_8, %dma_start3A_9] : memref<147456x384xf32, #tpu.memory_space<hbm>> -> memref<147456x384xf32, #tpu.memory_space<hbm>>
    tpu.enqueue_indirect_dma source(%dma_start3A_10 : memref<147456x384xf32, #tpu.memory_space<hbm>>) target(%arg8 : memref<64x384xf32, #tpu.memory_space<vmem>>) offsets(%dma_start3A : memref<64xi32, #tpu.memory_space<vmem>>) semaphore(%arg16 : memref<!tpu.dma_semaphore, #tpu.memory_space<semaphore_mem>>)
    %multiple_of3A_11 = arith.constant 64 : i32
    %multiple_of3A_12 = tpu.assume_multiple %multiple_of3A_11, 64 : i32
    %dma_start3A_13 = tpu.memref_slice %arg6[%multiple_of3A_12] : memref<18432xi32, #tpu.memory_space<vmem>> -> memref<64xi32, #tpu.memory_space<vmem>>
    %dma_start3A_14 = arith.constant 0 : i32
    %dma_start3A_15 = arith.constant 0 : i32
    %dma_start3A_16 = tpu.memref_slice %arg2[%dma_start3A_14, %dma_start3A_15] : memref<147456x384xf32, #tpu.memory_space<hbm>> -> memref<147456x384xf32, #tpu.memory_space<hbm>>
    tpu.enqueue_indirect_dma source(%dma_start3A_16 : memref<147456x384xf32, #tpu.memory_space<hbm>>) target(%arg9 : memref<64x384xf32, #tpu.memory_space<vmem>>) offsets(%dma_start3A_13 : memref<64xi32, #tpu.memory_space<vmem>>) semaphore(%arg17 : memref<!tpu.dma_semaphore, #tpu.memory_space<semaphore_mem>>)
    %scan3A = arith.constant 0 : i32
    %scan3A_17 = arith.constant 0 : i32
    %scan3A_18 = arith.constant 144 : i32
    %scan3A_19 = arith.addi %scan3A_17, %scan3A_18 : i32
    %scan3A_20 = arith.constant 1 : i32
    scf.for %scan3A_33 = %scan3A_17 to %scan3A_19 step %scan3A_20  : i32 {
      %mul3A_34 = arith.constant 2 : i32
      %mul3A_35 = arith.muli %scan3A_33, %mul3A_34 : i32
      %add3A_36 = arith.constant 0 : i32
      %add3A_37 = arith.addi %mul3A_35, %add3A_36 : i32
      %mul3A_38 = arith.constant 64 : i32
      %mul3A_39 = arith.muli %add3A_37, %mul3A_38 : i32
      %multiple_of3A_40 = tpu.assume_multiple %mul3A_39, 64 : i32
      %get3A = arith.index_cast %multiple_of3A_40 : i32 to index
      %get3A_41 = tpu.vector_load %arg7[%get3A] {strides = array<i32>} : memref<18432xf32, #tpu.memory_space<vmem>>, vector<16xf32>,
      %get3A_42 = vector.shape_cast %get3A_41 : vector<16xf32> to vector<16xf32>
      %add3A_43 = arith.constant 16 : i32
      %add3A_44 = arith.addi %multiple_of3A_40, %add3A_43 : i32
      %get3A_45 = arith.index_cast %add3A_44 : i32 to index
      %get3A_46 = tpu.vector_load %arg7[%get3A_45] {strides = array<i32>} : memref<18432xf32, #tpu.memory_space<vmem>>, vector<16xf32>,
      %get3A_47 = vector.shape_cast %get3A_46 : vector<16xf32> to vector<16xf32>
      %add3A_48 = arith.constant 32 : i32
      %add3A_49 = arith.addi %multiple_of3A_40, %add3A_48 : i32
      %get3A_50 = arith.index_cast %add3A_49 : i32 to index
      %get3A_51 = tpu.vector_load %arg7[%get3A_50] {strides = array<i32>} : memref<18432xf32, #tpu.memory_space<vmem>>, vector<16xf32>,
      %get3A_52 = vector.shape_cast %get3A_51 : vector<16xf32> to vector<16xf32>
      %add3A_53 = arith.constant 48 : i32
      %add3A_54 = arith.addi %multiple_of3A_40, %add3A_53 : i32
      %get3A_55 = arith.index_cast %add3A_54 : i32 to index
      %get3A_56 = tpu.vector_load %arg7[%get3A_55] {strides = array<i32>} : memref<18432xf32, #tpu.memory_space<vmem>>, vector<16xf32>,
      %get3A_57 = vector.shape_cast %get3A_56 : vector<16xf32> to vector<16xf32>
      %slice3A = vector.extract_strided_slice %get3A_42 {offsets = [0], sizes = [1], strides = [1]} : vector<16xf32> to vector<1xf32>
      %squeeze3A = vector.extract %slice3A[0] : f32 from vector<1xf32>
      %broadcast_in_dim3A = vector.broadcast %squeeze3A : f32 to vector<16xf32>
      %swap3A = arith.constant 0 : i32
      %swap3A_58 = arith.index_cast %swap3A : i32 to index
      %swap3A_59 = arith.constant 0 : index
      %swap3A_60 = tpu.vector_load %arg12[%swap3A_58, %swap3A_59] {strides = array<i32>} : memref<16x16xf32, #tpu.memory_space<vmem>>, vector<1x16xf32>,
      %swap3A_61 = vector.shape_cast %swap3A_60 : vector<1x16xf32> to vector<16xf32>
      %swap3A_62 = vector.shape_cast %broadcast_in_dim3A : vector<16xf32> to vector<1x16xf32>
      tpu.vector_store %arg12[%swap3A_58, %swap3A_59], %swap3A_62 {strides = array<i32>} : memref<16x16xf32, #tpu.memory_space<vmem>>, vector<1x16xf32>,
      %slice3A_63 = vector.extract_strided_slice %get3A_47 {offsets = [0], sizes = [1], strides = [1]} : vector<16xf32> to vector<1xf32>
      %squeeze3A_64 = vector.extract %slice3A_63[0] : f32 from vector<1xf32>
      %broadcast_in_dim3A_65 = vector.broadcast %squeeze3A_64 : f32 to vector<16xf32>
      %swap3A_66 = arith.constant 0 : i32
      %swap3A_67 = arith.index_cast %swap3A_66 : i32 to index
      %swap3A_68 = arith.constant 0 : index
      %swap3A_69 = tpu.vector_load %arg13[%swap3A_67, %swap3A_68] {strides = array<i32>} : memref<16x16xf32, #tpu.memory_space<vmem>>, vector<1x16xf32>,
      %swap3A_70 = vector.shape_cast %swap3A_69 : vector<1x16xf32> to vector<16xf32>
      %swap3A_71 = vector.shape_cast %broadcast_in_dim3A_65 : vector<16xf32> to vector<1x16xf32>
      tpu.vector_store %arg13[%swap3A_67, %swap3A_68], %swap3A_71 {strides = array<i32>} : memref<16x16xf32, #tpu.memory_space<vmem>>, vector<1x16xf32>,
      %slice3A_72 = vector.extract_strided_slice %get3A_52 {offsets = [0], sizes = [1], strides = [1]} : vector<16xf32> to vector<1xf32>
      %squeeze3A_73 = vector.extract %slice3A_72[0] : f32 from vector<1xf32>
      %broadcast_in_dim3A_74 = vector.broadcast %squeeze3A_73 : f32 to vector<16xf32>
      %swap3A_75 = arith.constant 0 : i32
      %swap3A_76 = arith.index_cast %swap3A_75 : i32 to index
      %swap3A_77 = arith.constant 0 : index
      %swap3A_78 = tpu.vector_load %arg14[%swap3A_76, %swap3A_77] {strides = array<i32>} : memref<16x16xf32, #tpu.memory_space<vmem>>, vector<1x16xf32>,
      %swap3A_79 = vector.shape_cast %swap3A_78 : vector<1x16xf32> to vector<16xf32>
      %swap3A_80 = vector.shape_cast %broadcast_in_dim3A_74 : vector<16xf32> to vector<1x16xf32>
      tpu.vector_store %arg14[%swap3A_76, %swap3A_77], %swap3A_80 {strides = array<i32>} : memref<16x16xf32, #tpu.memory_space<vmem>>, vector<1x16xf32>,
      %slice3A_81 = vector.extract_strided_slice %get3A_57 {offsets = [0], sizes = [1], strides = [1]} : vector<16xf32> to vector<1xf32>
      %squeeze3A_82 = vector.extract %slice3A_81[0] : f32 from vector<1xf32>
      %broadcast_in_dim3A_83 = vector.broadcast %squeeze3A_82 : f32 to vector<16xf32>
      %swap3A_84 = arith.constant 0 : i32
      %swap3A_85 = arith.index_cast %swap3A_84 : i32 to index
      %swap3A_86 = arith.constant 0 : index
      %swap3A_87 = tpu.vector_load %arg15[%swap3A_85, %swap3A_86] {strides = array<i32>} : memref<16x16xf32, #tpu.memory_space<vmem>>, vector<1x16xf32>,
      %swap3A_88 = vector.shape_cast %swap3A_87 : vector<1x16xf32> to vector<16xf32>
      %swap3A_89 = vector.shape_cast %broadcast_in_dim3A_83 : vector<16xf32> to vector<1x16xf32>
      tpu.vector_store %arg15[%swap3A_85, %swap3A_86], %swap3A_89 {strides = array<i32>} : memref<16x16xf32, #tpu.memory_space<vmem>>, vector<1x16xf32>,
      %slice3A_90 = vector.extract_strided_slice %get3A_42 {offsets = [1], sizes = [1], strides = [1]} : vector<16xf32> to vector<1xf32>
      %squeeze3A_91 = vector.extract %slice3A_90[0] : f32 from vector<1xf32>
      %broadcast_in_dim3A_92 = vector.broadcast %squeeze3A_91 : f32 to vector<16xf32>
      %swap3A_93 = arith.constant 1 : i32
      %swap3A_94 = arith.index_cast %swap3A_93 : i32 to index
      %swap3A_95 = arith.constant 0 : index
      %swap3A_96 = tpu.vector_load %arg12[%swap3A_94, %swap3A_95] {strides = array<i32>} : memref<16x16xf32, #tpu.memory_space<vmem>>, vector<1x16xf32>,
      %swap3A_97 = vector.shape_cast %swap3A_96 : vector<1x16xf32> to vector<16xf32>
      %swap3A_98 = vector.shape_cast %broadcast_in_dim3A_92 : vector<16xf32> to vector<1x16xf32>
      tpu.vector_store %arg12[%swap3A_94, %swap3A_95], %swap3A_98 {strides = array<i32>} : memref<16x16xf32, #tpu.memory_space<vmem>>, vector<1x16xf32>,
      %slice3A_99 = vector.extract_strided_slice %get3A_47 {offsets = [1], sizes = [1], strides = [1]} : vector<16xf32> to vector<1xf32>
      %squeeze3A_100 = vector.extract %slice3A_99[0] : f32 from vector<1xf32>
      %broadcast_in_dim3A_101 = vector.broadcast %squeeze3A_100 : f32 to vector<16xf32>
      %swap3A_102 = arith.constant 1 : i32
      %swap3A_103 = arith.index_cast %swap3A_102 : i32 to index
      %swap3A_104 = arith.constant 0 : index
      %swap3A_105 = tpu.vector_load %arg13[%swap3A_103, %swap3A_104] {strides = array<i32>} : memref<16x16xf32, #tpu.memory_space<vmem>>, vector<1x16xf32>,
      %swap3A_106 = vector.shape_cast %swap3A_105 : vector<1x16xf32> to vector<16xf32>
      %swap3A_107 = vector.shape_cast %broadcast_in_dim3A_101 : vector<16xf32> to vector<1x16xf32>
      tpu.vector_store %arg13[%swap3A_103, %swap3A_104], %swap3A_107 {strides = array<i32>} : memref<16x16xf32, #tpu.memory_space<vmem>>, vector<1x16xf32>,
      %slice3A_108 = vector.extract_strided_slice %get3A_52 {offsets = [1], sizes = [1], strides = [1]} : vector<16xf32> to vector<1xf32>
      %squeeze3A_109 = vector.extract %slice3A_108[0] : f32 from vector<1xf32>
      %broadcast_in_dim3A_110 = vector.broadcast %squeeze3A_109 : f32 to vector<16xf32>
      %swap3A_111 = arith.constant 1 : i32
      %swap3A_112 = arith.index_cast %swap3A_111 : i32 to index
      %swap3A_113 = arith.constant 0 : index
      %swap3A_114 = tpu.vector_load %arg14[%swap3A_112, %swap3A_113] {strides = array<i32>} : memref<16x16xf32, #tpu.memory_space<vmem>>, vector<1x16xf32>,
      %swap3A_115 = vector.shape_cast %swap3A_114 : vector<1x16xf32> to vector<16xf32>
      %swap3A_116 = vector.shape_cast %broadcast_in_dim3A_110 : vector<16xf32> to vector<1x16xf32>
      tpu.vector_store %arg14[%swap3A_112, %swap3A_113], %swap3A_116 {strides = array<i32>} : memref<16x16xf32, #tpu.memory_space<vmem>>, vector<1x16xf32>,
      %slice3A_117 = vector.extract_strided_slice %get3A_57 {offsets = [1], sizes = [1], strides = [1]} : vector<16xf32> to vector<1xf32>
      %squeeze3A_118 = vector.extract %slice3A_117[0] : f32 from vector<1xf32>
      %broadcast_in_dim3A_119 = vector.broadcast %squeeze3A_118 : f32 to vector<16xf32>
      %swap3A_120 = arith.constant 1 : i32
      %swap3A_121 = arith.index_cast %swap3A_120 : i32 to index
      %swap3A_122 = arith.constant 0 : index
      %swap3A_123 = tpu.vector_load %arg15[%swap3A_121, %swap3A_122] {strides = array<i32>} : memref<16x16xf32, #tpu.memory_space<vmem>>, vector<1x16xf32>,
      %swap3A_124 = vector.shape_cast %swap3A_123 : vector<1x16xf32> to vector<16xf32>
      %swap3A_125 = vector.shape_cast %broadcast_in_dim3A_119 : vector<16xf32> to vector<1x16xf32>
      tpu.vector_store %arg15[%swap3A_121, %swap3A_122], %swap3A_125 {strides = array<i32>} : memref<16x16xf32, #tpu.memory_space<vmem>>, vector<1x16xf32>,
      %slice3A_126 = vector.extract_strided_slice %get3A_42 {offsets = [2], sizes = [1], strides = [1]} : vector<16xf32> to vector<1xf32>
      %squeeze3A_127 = vector.extract %slice3A_126[0] : f32 from vector<1xf32>
      %broadcast_in_dim3A_128 = vector.broadcast %squeeze3A_127 : f32 to vector<16xf32>
      %swap3A_129 = arith.constant 2 : i32
      %swap3A_130 = arith.index_cast %swap3A_129 : i32 to index
      %swap3A_131 = arith.constant 0 : index
      %swap3A_132 = tpu.vector_load %arg12[%swap3A_130, %swap3A_131] {strides = array<i32>} : memref<16x16xf32, #tpu.memory_space<vmem>>, vector<1x16xf32>,
      %swap3A_133 = vector.shape_cast %swap3A_132 : vector<1x16xf32> to vector<16xf32>
      %swap3A_134 = vector.shape_cast %broadcast_in_dim3A_128 : vector<16xf32> to vector<1x16xf32>
      tpu.vector_store %arg12[%swap3A_130, %swap3A_131], %swap3A_134 {strides = array<i32>} : memref<16x16xf32, #tpu.memory_space<vmem>>, vector<1x16xf32>,
      %slice3A_135 = vector.extract_strided_slice %get3A_47 {offsets = [2], sizes = [1], strides = [1]} : vector<16xf32> to vector<1xf32>
      %squeeze3A_136 = vector.extract %slice3A_135[0] : f32 from vector<1xf32>
      %broadcast_in_dim3A_137 = vector.broadcast %squeeze3A_136 : f32 to vector<16xf32>
      %swap3A_138 = arith.constant 2 : i32
      %swap3A_139 = arith.index_cast %swap3A_138 : i32 to index
      %swap3A_140 = arith.constant 0 : index
      %swap3A_141 = tpu.vector_load %arg13[%swap3A_139, %swap3A_140] {strides = array<i32>} : memref<16x16xf32, #tpu.memory_space<vmem>>, vector<1x16xf32>,
      %swap3A_142 = vector.shape_cast %swap3A_141 : vector<1x16xf32> to vector<16xf32>
      %swap3A_143 = vector.shape_cast %broadcast_in_dim3A_137 : vector<16xf32> to vector<1x16xf32>
      tpu.vector_store %arg13[%swap3A_139, %swap3A_140], %swap3A_143 {strides = array<i32>} : memref<16x16xf32, #tpu.memory_space<vmem>>, vector<1x16xf32>,
      %slice3A_144 = vector.extract_strided_slice %get3A_52 {offsets = [2], sizes = [1], strides = [1]} : vector<16xf32> to vector<1xf32>
      %squeeze3A_145 = vector.extract %slice3A_144[0] : f32 from vector<1xf32>
      %broadcast_in_dim3A_146 = vector.broadcast %squeeze3A_145 : f32 to vector<16xf32>
      %swap3A_147 = arith.constant 2 : i32
      %swap3A_148 = arith.index_cast %swap3A_147 : i32 to index
      %swap3A_149 = arith.constant 0 : index
      %swap3A_150 = tpu.vector_load %arg14[%swap3A_148, %swap3A_149] {strides = array<i32>} : memref<16x16xf32, #tpu.memory_space<vmem>>, vector<1x16xf32>,
      %swap3A_151 = vector.shape_cast %swap3A_150 : vector<1x16xf32> to vector<16xf32>
      %swap3A_152 = vector.shape_cast %broadcast_in_dim3A_146 : vector<16xf32> to vector<1x16xf32>
      tpu.vector_store %arg14[%swap3A_148, %swap3A_149], %swap3A_152 {strides = array<i32>} : memref<16x16xf32, #tpu.memory_space<vmem>>, vector<1x16xf32>,
      %slice3A_153 = vector.extract_strided_slice %get3A_57 {offsets = [2], sizes = [1], strides = [1]} : vector<16xf32> to vector<1xf32>
      %squeeze3A_154 = vector.extract %slice3A_153[0] : f32 from vector<1xf32>
      %broadcast_in_dim3A_155 = vector.broadcast %squeeze3A_154 : f32 to vector<16xf32>
      %swap3A_156 = arith.constant 2 : i32
      %swap3A_157 = arith.index_cast %swap3A_156 : i32 to index
      %swap3A_158 = arith.constant 0 : index
      %swap3A_159 = tpu.vector_load %arg15[%swap3A_157, %swap3A_158] {strides = array<i32>} : memref<16x16xf32, #tpu.memory_space<vmem>>, vector<1x16xf32>,
      %swap3A_160 = vector.shape_cast %swap3A_159 : vector<1x16xf32> to vector<16xf32>
      %swap3A_161 = vector.shape_cast %broadcast_in_dim3A_155 : vector<16xf32> to vector<1x16xf32>
      tpu.vector_store %arg15[%swap3A_157, %swap3A_158], %swap3A_161 {strides = array<i32>} : memref<16x16xf32, #tpu.memory_space<vmem>>, vector<1x16xf32>,
      %slice3A_162 = vector.extract_strided_slice %get3A_42 {offsets = [3], sizes = [1], strides = [1]} : vector<16xf32> to vector<1xf32>
      %squeeze3A_163 = vector.extract %slice3A_162[0] : f32 from vector<1xf32>
      %broadcast_in_dim3A_164 = vector.broadcast %squeeze3A_163 : f32 to vector<16xf32>
      %swap3A_165 = arith.constant 3 : i32
      %swap3A_166 = arith.index_cast %swap3A_165 : i32 to index
      %swap3A_167 = arith.constant 0 : index
      %swap3A_168 = tpu.vector_load %arg12[%swap3A_166, %swap3A_167] {strides = array<i32>} : memref<16x16xf32, #tpu.memory_space<vmem>>, vector<1x16xf32>,
      %swap3A_169 = vector.shape_cast %swap3A_168 : vector<1x16xf32> to vector<16xf32>
      %swap3A_170 = vector.shape_cast %broadcast_in_dim3A_164 : vector<16xf32> to vector<1x16xf32>
      tpu.vector_store %arg12[%swap3A_166, %swap3A_167], %swap3A_170 {strides = array<i32>} : memref<16x16xf32, #tpu.memory_space<vmem>>, vector<1x16xf32>,
      %slice3A_171 = vector.extract_strided_slice %get3A_47 {offsets = [3], sizes = [1], strides = [1]} : vector<16xf32> to vector<1xf32>
      %squeeze3A_172 = vector.extract %slice3A_171[0] : f32 from vector<1xf32>
      %broadcast_in_dim3A_173 = vector.broadcast %squeeze3A_172 : f32 to vector<16xf32>
      %swap3A_174 = arith.constant 3 : i32
      %swap3A_175 = arith.index_cast %swap3A_174 : i32 to index
      %swap3A_176 = arith.constant 0 : index
      %swap3A_177 = tpu.vector_load %arg13[%swap3A_175, %swap3A_176] {strides = array<i32>} : memref<16x16xf32, #tpu.memory_space<vmem>>, vector<1x16xf32>,
      %swap3A_178 = vector.shape_cast %swap3A_177 : vector<1x16xf32> to vector<16xf32>
      %swap3A_179 = vector.shape_cast %broadcast_in_dim3A_173 : vector<16xf32> to vector<1x16xf32>
      tpu.vector_store %arg13[%swap3A_175, %swap3A_176], %swap3A_179 {strides = array<i32>} : memref<16x16xf32, #tpu.memory_space<vmem>>, vector<1x16xf32>,
      %slice3A_180 = vector.extract_strided_slice %get3A_52 {offsets = [3], sizes = [1], strides = [1]} : vector<16xf32> to vector<1xf32>
      %squeeze3A_181 = vector.extract %slice3A_180[0] : f32 from vector<1xf32>
      %broadcast_in_dim3A_182 = vector.broadcast %squeeze3A_181 : f32 to vector<16xf32>
      %swap3A_183 = arith.constant 3 : i32
      %swap3A_184 = arith.index_cast %swap3A_183 : i32 to index
      %swap3A_185 = arith.constant 0 : index
      %swap3A_186 = tpu.vector_load %arg14[%swap3A_184, %swap3A_185] {strides = array<i32>} : memref<16x16xf32, #tpu.memory_space<vmem>>, vector<1x16xf32>,
      %swap3A_187 = vector.shape_cast %swap3A_186 : vector<1x16xf32> to vector<16xf32>
      %swap3A_188 = vector.shape_cast %broadcast_in_dim3A_182 : vector<16xf32> to vector<1x16xf32>
      tpu.vector_store %arg14[%swap3A_184, %swap3A_185], %swap3A_188 {strides = array<i32>} : memref<16x16xf32, #tpu.memory_space<vmem>>, vector<1x16xf32>,
      %slice3A_189 = vector.extract_strided_slice %get3A_57 {offsets = [3], sizes = [1], strides = [1]} : vector<16xf32> to vector<1xf32>
      %squeeze3A_190 = vector.extract %slice3A_189[0] : f32 from vector<1xf32>
      %broadcast_in_dim3A_191 = vector.broadcast %squeeze3A_190 : f32 to vector<16xf32>
      %swap3A_192 = arith.constant 3 : i32
      %swap3A_193 = arith.index_cast %swap3A_192 : i32 to index
      %swap3A_194 = arith.constant 0 : index
      %swap3A_195 = tpu.vector_load %arg15[%swap3A_193, %swap3A_194] {strides = array<i32>} : memref<16x16xf32, #tpu.memory_space<vmem>>, vector<1x16xf32>,
      %swap3A_196 = vector.shape_cast %swap3A_195 : vector<1x16xf32> to vector<16xf32>
      %swap3A_197 = vector.shape_cast %broadcast_in_dim3A_191 : vector<16xf32> to vector<1x16xf32>
      tpu.vector_store %arg15[%swap3A_193, %swap3A_194], %swap3A_197 {strides = array<i32>} : memref<16x16xf32, #tpu.memory_space<vmem>>, vector<1x16xf32>,
      %slice3A_198 = vector.extract_strided_slice %get3A_42 {offsets = [4], sizes = [1], strides = [1]} : vector<16xf32> to vector<1xf32>
      %squeeze3A_199 = vector.extract %slice3A_198[0] : f32 from vector<1xf32>
      %broadcast_in_dim3A_200 = vector.broadcast %squeeze3A_199 : f32 to vector<16xf32>
      %swap3A_201 = arith.constant 4 : i32
      %swap3A_202 = arith.index_cast %swap3A_201 : i32 to index
      %swap3A_203 = arith.constant 0 : index
      %swap3A_204 = tpu.vector_load %arg12[%swap3A_202, %swap3A_203] {strides = array<i32>} : memref<16x16xf32, #tpu.memory_space<vmem>>, vector<1x16xf32>,
      %swap3A_205 = vector.shape_cast %swap3A_204 : vector<1x16xf32> to vector<16xf32>
      %swap3A_206 = vector.shape_cast %broadcast_in_dim3A_200 : vector<16xf32> to vector<1x16xf32>
      tpu.vector_store %arg12[%swap3A_202, %swap3A_203], %swap3A_206 {strides = array<i32>} : memref<16x16xf32, #tpu.memory_space<vmem>>, vector<1x16xf32>,
      %slice3A_207 = vector.extract_strided_slice %get3A_47 {offsets = [4], sizes = [1], strides = [1]} : vector<16xf32> to vector<1xf32>
      %squeeze3A_208 = vector.extract %slice3A_207[0] : f32 from vector<1xf32>
      %broadcast_in_dim3A_209 = vector.broadcast %squeeze3A_208 : f32 to vector<16xf32>
      %swap3A_210 = arith.constant 4 : i32
      %swap3A_211 = arith.index_cast %swap3A_210 : i32 to index
      %swap3A_212 = arith.constant 0 : index
      %swap3A_213 = tpu.vector_load %arg13[%swap3A_211, %swap3A_212] {strides = array<i32>} : memref<16x16xf32, #tpu.memory_space<vmem>>, vector<1x16xf32>,
      %swap3A_214 = vector.shape_cast %swap3A_213 : vector<1x16xf32> to vector<16xf32>
      %swap3A_215 = vector.shape_cast %broadcast_in_dim3A_209 : vector<16xf32> to vector<1x16xf32>
      tpu.vector_store %arg13[%swap3A_211, %swap3A_212], %swap3A_215 {strides = array<i32>} : memref<16x16xf32, #tpu.memory_space<vmem>>, vector<1x16xf32>,
      %slice3A_216 = vector.extract_strided_slice %get3A_52 {offsets = [4], sizes = [1], strides = [1]} : vector<16xf32> to vector<1xf32>
      %squeeze3A_217 = vector.extract %slice3A_216[0] : f32 from vector<1xf32>
      %broadcast_in_dim3A_218 = vector.broadcast %squeeze3A_217 : f32 to vector<16xf32>
      %swap3A_219 = arith.constant 4 : i32
      %swap3A_220 = arith.index_cast %swap3A_219 : i32 to index
      %swap3A_221 = arith.constant 0 : index
      %swap3A_222 = tpu.vector_load %arg14[%swap3A_220, %swap3A_221] {strides = array<i32>} : memref<16x16xf32, #tpu.memory_space<vmem>>, vector<1x16xf32>,
      %swap3A_223 = vector.shape_cast %swap3A_222 : vector<1x16xf32> to vector<16xf32>
      %swap3A_224 = vector.shape_cast %broadcast_in_dim3A_218 : vector<16xf32> to vector<1x16xf32>
      tpu.vector_store %arg14[%swap3A_220, %swap3A_221], %swap3A_224 {strides = array<i32>} : memref<16x16xf32, #tpu.memory_space<vmem>>, vector<1x16xf32>,
      %slice3A_225 = vector.extract_strided_slice %get3A_57 {offsets = [4], sizes = [1], strides = [1]} : vector<16xf32> to vector<1xf32>
      %squeeze3A_226 = vector.extract %slice3A_225[0] : f32 from vector<1xf32>
      %broadcast_in_dim3A_227 = vector.broadcast %squeeze3A_226 : f32 to vector<16xf32>
      %swap3A_228 = arith.constant 4 : i32
      %swap3A_229 = arith.index_cast %swap3A_228 : i32 to index
      %swap3A_230 = arith.constant 0 : index
      %swap3A_231 = tpu.vector_load %arg15[%swap3A_229, %swap3A_230] {strides = array<i32>} : memref<16x16xf32, #tpu.memory_space<vmem>>, vector<1x16xf32>,
      %swap3A_232 = vector.shape_cast %swap3A_231 : vector<1x16xf32> to vector<16xf32>
      %swap3A_233 = vector.shape_cast %broadcast_in_dim3A_227 : vector<16xf32> to vector<1x16xf32>
      tpu.vector_store %arg15[%swap3A_229, %swap3A_230], %swap3A_233 {strides = array<i32>} : memref<16x16xf32, #tpu.memory_space<vmem>>, vector<1x16xf32>,
      %slice3A_234 = vector.extract_strided_slice %get3A_42 {offsets = [5], sizes = [1], strides = [1]} : vector<16xf32> to vector<1xf32>
      %squeeze3A_235 = vector.extract %slice3A_234[0] : f32 from vector<1xf32>
      %broadcast_in_dim3A_236 = vector.broadcast %squeeze3A_235 : f32 to vector<16xf32>
      %swap3A_237 = arith.constant 5 : i32
      %swap3A_238 = arith.index_cast %swap3A_237 : i32 to index
      %swap3A_239 = arith.constant 0 : index
      %swap3A_240 = tpu.vector_load %arg12[%swap3A_238, %swap3A_239] {strides = array<i32>} : memref<16x16xf32, #tpu.memory_space<vmem>>, vector<1x16xf32>,
      %swap3A_241 = vector.shape_cast %swap3A_240 : vector<1x16xf32> to vector<16xf32>
      %swap3A_242 = vector.shape_cast %broadcast_in_dim3A_236 : vector<16xf32> to vector<1x16xf32>
      tpu.vector_store %arg12[%swap3A_238, %swap3A_239], %swap3A_242 {strides = array<i32>} : memref<16x16xf32, #tpu.memory_space<vmem>>, vector<1x16xf32>,
      %slice3A_243 = vector.extract_strided_slice %get3A_47 {offsets = [5], sizes = [1], strides = [1]} : vector<16xf32> to vector<1xf32>
      %squeeze3A_244 = vector.extract %slice3A_243[0] : f32 from vector<1xf32>
      %broadcast_in_dim3A_245 = vector.broadcast %squeeze3A_244 : f32 to vector<16xf32>
      %swap3A_246 = arith.constant 5 : i32
      %swap3A_247 = arith.index_cast %swap3A_246 : i32 to index
      %swap3A_248 = arith.constant 0 : index
      %swap3A_249 = tpu.vector_load %arg13[%swap3A_247, %swap3A_248] {strides = array<i32>} : memref<16x16xf32, #tpu.memory_space<vmem>>, vector<1x16xf32>,
      %swap3A_250 = vector.shape_cast %swap3A_249 : vector<1x16xf32> to vector<16xf32>
      %swap3A_251 = vector.shape_cast %broadcast_in_dim3A_245 : vector<16xf32> to vector<1x16xf32>
      tpu.vector_store %arg13[%swap3A_247, %swap3A_248], %swap3A_251 {strides = array<i32>} : memref<16x16xf32, #tpu.memory_space<vmem>>, vector<1x16xf32>,
      %slice3A_252 = vector.extract_strided_slice %get3A_52 {offsets = [5], sizes = [1], strides = [1]} : vector<16xf32> to vector<1xf32>
      %squeeze3A_253 = vector.extract %slice3A_252[0] : f32 from vector<1xf32>
      %broadcast_in_dim3A_254 = vector.broadcast %squeeze3A_253 : f32 to vector<16xf32>
      %swap3A_255 = arith.constant 5 : i32
      %swap3A_256 = arith.index_cast %swap3A_255 : i32 to index
      %swap3A_257 = arith.constant 0 : index
      %swap3A_258 = tpu.vector_load %arg14[%swap3A_256, %swap3A_257] {strides = array<i32>} : memref<16x16xf32, #tpu.memory_space<vmem>>, vector<1x16xf32>,
      %swap3A_259 = vector.shape_cast %swap3A_258 : vector<1x16xf32> to vector<16xf32>
      %swap3A_260 = vector.shape_cast %broadcast_in_dim3A_254 : vector<16xf32> to vector<1x16xf32>
      tpu.vector_store %arg14[%swap3A_256, %swap3A_257], %swap3A_260 {strides = array<i32>} : memref<16x16xf32, #tpu.memory_space<vmem>>, vector<1x16xf32>,
      %slice3A_261 = vector.extract_strided_slice %get3A_57 {offsets = [5], sizes = [1], strides = [1]} : vector<16xf32> to vector<1xf32>
      %squeeze3A_262 = vector.extract %slice3A_261[0] : f32 from vector<1xf32>
      %broadcast_in_dim3A_263 = vector.broadcast %squeeze3A_262 : f32 to vector<16xf32>
      %swap3A_264 = arith.constant 5 : i32
      %swap3A_265 = arith.index_cast %swap3A_264 : i32 to index
      %swap3A_266 = arith.constant 0 : index
      %swap3A_267 = tpu.vector_load %arg15[%swap3A_265, %swap3A_266] {strides = array<i32>} : memref<16x16xf32, #tpu.memory_space<vmem>>, vector<1x16xf32>,
      %swap3A_268 = vector.shape_cast %swap3A_267 : vector<1x16xf32> to vector<16xf32>
      %swap3A_269 = vector.shape_cast %broadcast_in_dim3A_263 : vector<16xf32> to vector<1x16xf32>
      tpu.vector_store %arg15[%swap3A_265, %swap3A_266], %swap3A_269 {strides = array<i32>} : memref<16x16xf32, #tpu.memory_space<vmem>>, vector<1x16xf32>,
      %slice3A_270 = vector.extract_strided_slice %get3A_42 {offsets = [6], sizes = [1], strides = [1]} : vector<16xf32> to vector<1xf32>
      %squeeze3A_271 = vector.extract %slice3A_270[0] : f32 from vector<1xf32>
      %broadcast_in_dim3A_272 = vector.broadcast %squeeze3A_271 : f32 to vector<16xf32>
      %swap3A_273 = arith.constant 6 : i32
      %swap3A_274 = arith.index_cast %swap3A_273 : i32 to index
      %swap3A_275 = arith.constant 0 : index
      %swap3A_276 = tpu.vector_load %arg12[%swap3A_274, %swap3A_275] {strides = array<i32>} : memref<16x16xf32, #tpu.memory_space<vmem>>, vector<1x16xf32>,
      %swap3A_277 = vector.shape_cast %swap3A_276 : vector<1x16xf32> to vector<16xf32>
      %swap3A_278 = vector.shape_cast %broadcast_in_dim3A_272 : vector<16xf32> to vector<1x16xf32>
      tpu.vector_store %arg12[%swap3A_274, %swap3A_275], %swap3A_278 {strides = array<i32>} : memref<16x16xf32, #tpu.memory_space<vmem>>, vector<1x16xf32>,
      %slice3A_279 = vector.extract_strided_slice %get3A_47 {offsets = [6], sizes = [1], strides = [1]} : vector<16xf32> to vector<1xf32>
      %squeeze3A_280 = vector.extract %slice3A_279[0] : f32 from vector<1xf32>
      %broadcast_in_dim3A_281 = vector.broadcast %squeeze3A_280 : f32 to vector<16xf32>
      %swap3A_282 = arith.constant 6 : i32
      %swap3A_283 = arith.index_cast %swap3A_282 : i32 to index
      %swap3A_284 = arith.constant 0 : index
      %swap3A_285 = tpu.vector_load %arg13[%swap3A_283, %swap3A_284] {strides = array<i32>} : memref<16x16xf32, #tpu.memory_space<vmem>>, vector<1x16xf32>,
      %swap3A_286 = vector.shape_cast %swap3A_285 : vector<1x16xf32> to vector<16xf32>
      %swap3A_287 = vector.shape_cast %broadcast_in_dim3A_281 : vector<16xf32> to vector<1x16xf32>
      tpu.vector_store %arg13[%swap3A_283, %swap3A_284], %swap3A_287 {strides = array<i32>} : memref<16x16xf32, #tpu.memory_space<vmem>>, vector<1x16xf32>,
      %slice3A_288 = vector.extract_strided_slice %get3A_52 {offsets = [6], sizes = [1], strides = [1]} : vector<16xf32> to vector<1xf32>
      %squeeze3A_289 = vector.extract %slice3A_288[0] : f32 from vector<1xf32>
      %broadcast_in_dim3A_290 = vector.broadcast %squeeze3A_289 : f32 to vector<16xf32>
      %swap3A_291 = arith.constant 6 : i32
      %swap3A_292 = arith.index_cast %swap3A_291 : i32 to index
      %swap3A_293 = arith.constant 0 : index
      %swap3A_294 = tpu.vector_load %arg14[%swap3A_292, %swap3A_293] {strides = array<i32>} : memref<16x16xf32, #tpu.memory_space<vmem>>, vector<1x16xf32>,
      %swap3A_295 = vector.shape_cast %swap3A_294 : vector<1x16xf32> to vector<16xf32>
      %swap3A_296 = vector.shape_cast %broadcast_in_dim3A_290 : vector<16xf32> to vector<1x16xf32>
      tpu.vector_store %arg14[%swap3A_292, %swap3A_293], %swap3A_296 {strides = array<i32>} : memref<16x16xf32, #tpu.memory_space<vmem>>, vector<1x16xf32>,
      %slice3A_297 = vector.extract_strided_slice %get3A_57 {offsets = [6], sizes = [1], strides = [1]} : vector<16xf32> to vector<1xf32>
      %squeeze3A_298 = vector.extract %slice3A_297[0] : f32 from vector<1xf32>
      %broadcast_in_dim3A_299 = vector.broadcast %squeeze3A_298 : f32 to vector<16xf32>
      %swap3A_300 = arith.constant 6 : i32
      %swap3A_301 = arith.index_cast %swap3A_300 : i32 to index
      %swap3A_302 = arith.constant 0 : index
      %swap3A_303 = tpu.vector_load %arg15[%swap3A_301, %swap3A_302] {strides = array<i32>} : memref<16x16xf32, #tpu.memory_space<vmem>>, vector<1x16xf32>,
      %swap3A_304 = vector.shape_cast %swap3A_303 : vector<1x16xf32> to vector<16xf32>
      %swap3A_305 = vector.shape_cast %broadcast_in_dim3A_299 : vector<16xf32> to vector<1x16xf32>
      tpu.vector_store %arg15[%swap3A_301, %swap3A_302], %swap3A_305 {strides = array<i32>} : memref<16x16xf32, #tpu.memory_space<vmem>>, vector<1x16xf32>,
      %slice3A_306 = vector.extract_strided_slice %get3A_42 {offsets = [7], sizes = [1], strides = [1]} : vector<16xf32> to vector<1xf32>
      %squeeze3A_307 = vector.extract %slice3A_306[0] : f32 from vector<1xf32>
      %broadcast_in_dim3A_308 = vector.broadcast %squeeze3A_307 : f32 to vector<16xf32>
      %swap3A_309 = arith.constant 7 : i32
      %swap3A_310 = arith.index_cast %swap3A_309 : i32 to index
      %swap3A_311 = arith.constant 0 : index
      %swap3A_312 = tpu.vector_load %arg12[%swap3A_310, %swap3A_311] {strides = array<i32>} : memref<16x16xf32, #tpu.memory_space<vmem>>, vector<1x16xf32>,
      %swap3A_313 = vector.shape_cast %swap3A_312 : vector<1x16xf32> to vector<16xf32>
      %swap3A_314 = vector.shape_cast %broadcast_in_dim3A_308 : vector<16xf32> to vector<1x16xf32>
      tpu.vector_store %arg12[%swap3A_310, %swap3A_311], %swap3A_314 {strides = array<i32>} : memref<16x16xf32, #tpu.memory_space<vmem>>, vector<1x16xf32>,
      %slice3A_315 = vector.extract_strided_slice %get3A_47 {offsets = [7], sizes = [1], strides = [1]} : vector<16xf32> to vector<1xf32>
      %squeeze3A_316 = vector.extract %slice3A_315[0] : f32 from vector<1xf32>
      %broadcast_in_dim3A_317 = vector.broadcast %squeeze3A_316 : f32 to vector<16xf32>
      %swap3A_318 = arith.constant 7 : i32
      %swap3A_319 = arith.index_cast %swap3A_318 : i32 to index
      %swap3A_320 = arith.constant 0 : index
      %swap3A_321 = tpu.vector_load %arg13[%swap3A_319, %swap3A_320] {strides = array<i32>} : memref<16x16xf32, #tpu.memory_space<vmem>>, vector<1x16xf32>,
      %swap3A_322 = vector.shape_cast %swap3A_321 : vector<1x16xf32> to vector<16xf32>
      %swap3A_323 = vector.shape_cast %broadcast_in_dim3A_317 : vector<16xf32> to vector<1x16xf32>
      tpu.vector_store %arg13[%swap3A_319, %swap3A_320], %swap3A_323 {strides = array<i32>} : memref<16x16xf32, #tpu.memory_space<vmem>>, vector<1x16xf32>,
      %slice3A_324 = vector.extract_strided_slice %get3A_52 {offsets = [7], sizes = [1], strides = [1]} : vector<16xf32> to vector<1xf32>
      %squeeze3A_325 = vector.extract %slice3A_324[0] : f32 from vector<1xf32>
      %broadcast_in_dim3A_326 = vector.broadcast %squeeze3A_325 : f32 to vector<16xf32>
      %swap3A_327 = arith.constant 7 : i32
      %swap3A_328 = arith.index_cast %swap3A_327 : i32 to index
      %swap3A_329 = arith.constant 0 : index
      %swap3A_330 = tpu.vector_load %arg14[%swap3A_328, %swap3A_329] {strides = array<i32>} : memref<16x16xf32, #tpu.memory_space<vmem>>, vector<1x16xf32>,
      %swap3A_331 = vector.shape_cast %swap3A_330 : vector<1x16xf32> to vector<16xf32>
      %swap3A_332 = vector.shape_cast %broadcast_in_dim3A_326 : vector<16xf32> to vector<1x16xf32>
      tpu.vector_store %arg14[%swap3A_328, %swap3A_329], %swap3A_332 {strides = array<i32>} : memref<16x16xf32, #tpu.memory_space<vmem>>, vector<1x16xf32>,
      %slice3A_333 = vector.extract_strided_slice %get3A_57 {offsets = [7], sizes = [1], strides = [1]} : vector<16xf32> to vector<1xf32>
      %squeeze3A_334 = vector.extract %slice3A_333[0] : f32 from vector<1xf32>
      %broadcast_in_dim3A_335 = vector.broadcast %squeeze3A_334 : f32 to vector<16xf32>
      %swap3A_336 = arith.constant 7 : i32
      %swap3A_337 = arith.index_cast %swap3A_336 : i32 to index
      %swap3A_338 = arith.constant 0 : index
      %swap3A_339 = tpu.vector_load %arg15[%swap3A_337, %swap3A_338] {strides = array<i32>} : memref<16x16xf32, #tpu.memory_space<vmem>>, vector<1x16xf32>,
      %swap3A_340 = vector.shape_cast %swap3A_339 : vector<1x16xf32> to vector<16xf32>
      %swap3A_341 = vector.shape_cast %broadcast_in_dim3A_335 : vector<16xf32> to vector<1x16xf32>
      tpu.vector_store %arg15[%swap3A_337, %swap3A_338], %swap3A_341 {strides = array<i32>} : memref<16x16xf32, #tpu.memory_space<vmem>>, vector<1x16xf32>,
      %slice3A_342 = vector.extract_strided_slice %get3A_42 {offsets = [8], sizes = [1], strides = [1]} : vector<16xf32> to vector<1xf32>
      %squeeze3A_343 = vector.extract %slice3A_342[0] : f32 from vector<1xf32>
      %broadcast_in_dim3A_344 = vector.broadcast %squeeze3A_343 : f32 to vector<16xf32>
      %swap3A_345 = arith.constant 8 : i32
      %swap3A_346 = arith.index_cast %swap3A_345 : i32 to index
      %swap3A_347 = arith.constant 0 : index
      %swap3A_348 = tpu.vector_load %arg12[%swap3A_346, %swap3A_347] {strides = array<i32>} : memref<16x16xf32, #tpu.memory_space<vmem>>, vector<1x16xf32>,
      %swap3A_349 = vector.shape_cast %swap3A_348 : vector<1x16xf32> to vector<16xf32>
      %swap3A_350 = vector.shape_cast %broadcast_in_dim3A_344 : vector<16xf32> to vector<1x16xf32>
      tpu.vector_store %arg12[%swap3A_346, %swap3A_347], %swap3A_350 {strides = array<i32>} : memref<16x16xf32, #tpu.memory_space<vmem>>, vector<1x16xf32>,
      %slice3A_351 = vector.extract_strided_slice %get3A_47 {offsets = [8], sizes = [1], strides = [1]} : vector<16xf32> to vector<1xf32>
      %squeeze3A_352 = vector.extract %slice3A_351[0] : f32 from vector<1xf32>
      %broadcast_in_dim3A_353 = vector.broadcast %squeeze3A_352 : f32 to vector<16xf32>
      %swap3A_354 = arith.constant 8 : i32
      %swap3A_355 = arith.index_cast %swap3A_354 : i32 to index
      %swap3A_356 = arith.constant 0 : index
      %swap3A_357 = tpu.vector_load %arg13[%swap3A_355, %swap3A_356] {strides = array<i32>} : memref<16x16xf32, #tpu.memory_space<vmem>>, vector<1x16xf32>,
      %swap3A_358 = vector.shape_cast %swap3A_357 : vector<1x16xf32> to vector<16xf32>
      %swap3A_359 = vector.shape_cast %broadcast_in_dim3A_353 : vector<16xf32> to vector<1x16xf32>
      tpu.vector_store %arg13[%swap3A_355, %swap3A_356], %swap3A_359 {strides = array<i32>} : memref<16x16xf32, #tpu.memory_space<vmem>>, vector<1x16xf32>,
      %slice3A_360 = vector.extract_strided_slice %get3A_52 {offsets = [8], sizes = [1], strides = [1]} : vector<16xf32> to vector<1xf32>
      %squeeze3A_361 = vector.extract %slice3A_360[0] : f32 from vector<1xf32>
      %broadcast_in_dim3A_362 = vector.broadcast %squeeze3A_361 : f32 to vector<16xf32>
      %swap3A_363 = arith.constant 8 : i32
      %swap3A_364 = arith.index_cast %swap3A_363 : i32 to index
      %swap3A_365 = arith.constant 0 : index
      %swap3A_366 = tpu.vector_load %arg14[%swap3A_364, %swap3A_365] {strides = array<i32>} : memref<16x16xf32, #tpu.memory_space<vmem>>, vector<1x16xf32>,
      %swap3A_367 = vector.shape_cast %swap3A_366 : vector<1x16xf32> to vector<16xf32>
      %swap3A_368 = vector.shape_cast %broadcast_in_dim3A_362 : vector<16xf32> to vector<1x16xf32>
      tpu.vector_store %arg14[%swap3A_364, %swap3A_365], %swap3A_368 {strides = array<i32>} : memref<16x16xf32, #tpu.memory_space<vmem>>, vector<1x16xf32>,
      %slice3A_369 = vector.extract_strided_slice %get3A_57 {offsets = [8], sizes = [1], strides = [1]} : vector<16xf32> to vector<1xf32>
      %squeeze3A_370 = vector.extract %slice3A_369[0] : f32 from vector<1xf32>
      %broadcast_in_dim3A_371 = vector.broadcast %squeeze3A_370 : f32 to vector<16xf32>
      %swap3A_372 = arith.constant 8 : i32
      %swap3A_373 = arith.index_cast %swap3A_372 : i32 to index
      %swap3A_374 = arith.constant 0 : index
      %swap3A_375 = tpu.vector_load %arg15[%swap3A_373, %swap3A_374] {strides = array<i32>} : memref<16x16xf32, #tpu.memory_space<vmem>>, vector<1x16xf32>,
      %swap3A_376 = vector.shape_cast %swap3A_375 : vector<1x16xf32> to vector<16xf32>
      %swap3A_377 = vector.shape_cast %broadcast_in_dim3A_371 : vector<16xf32> to vector<1x16xf32>
      tpu.vector_store %arg15[%swap3A_373, %swap3A_374], %swap3A_377 {strides = array<i32>} : memref<16x16xf32, #tpu.memory_space<vmem>>, vector<1x16xf32>,
      %slice3A_378 = vector.extract_strided_slice %get3A_42 {offsets = [9], sizes = [1], strides = [1]} : vector<16xf32> to vector<1xf32>
      %squeeze3A_379 = vector.extract %slice3A_378[0] : f32 from vector<1xf32>
      %broadcast_in_dim3A_380 = vector.broadcast %squeeze3A_379 : f32 to vector<16xf32>
      %swap3A_381 = arith.constant 9 : i32
      %swap3A_382 = arith.index_cast %swap3A_381 : i32 to index
      %swap3A_383 = arith.constant 0 : index
      %swap3A_384 = tpu.vector_load %arg12[%swap3A_382, %swap3A_383] {strides = array<i32>} : memref<16x16xf32, #tpu.memory_space<vmem>>, vector<1x16xf32>,
      %swap3A_385 = vector.shape_cast %swap3A_384 : vector<1x16xf32> to vector<16xf32>
      %swap3A_386 = vector.shape_cast %broadcast_in_dim3A_380 : vector<16xf32> to vector<1x16xf32>
      tpu.vector_store %arg12[%swap3A_382, %swap3A_383], %swap3A_386 {strides = array<i32>} : memref<16x16xf32, #tpu.memory_space<vmem>>, vector<1x16xf32>,
      %slice3A_387 = vector.extract_strided_slice %get3A_47 {offsets = [9], sizes = [1], strides = [1]} : vector<16xf32> to vector<1xf32>
      %squeeze3A_388 = vector.extract %slice3A_387[0] : f32 from vector<1xf32>
      %broadcast_in_dim3A_389 = vector.broadcast %squeeze3A_388 : f32 to vector<16xf32>
      %swap3A_390 = arith.constant 9 : i32
      %swap3A_391 = arith.index_cast %swap3A_390 : i32 to index
      %swap3A_392 = arith.constant 0 : index
      %swap3A_393 = tpu.vector_load %arg13[%swap3A_391, %swap3A_392] {strides = array<i32>} : memref<16x16xf32, #tpu.memory_space<vmem>>, vector<1x16xf32>,
      %swap3A_394 = vector.shape_cast %swap3A_393 : vector<1x16xf32> to vector<16xf32>
      %swap3A_395 = vector.shape_cast %broadcast_in_dim3A_389 : vector<16xf32> to vector<1x16xf32>
      tpu.vector_store %arg13[%swap3A_391, %swap3A_392], %swap3A_395 {strides = array<i32>} : memref<16x16xf32, #tpu.memory_space<vmem>>, vector<1x16xf32>,
      %slice3A_396 = vector.extract_strided_slice %get3A_52 {offsets = [9], sizes = [1], strides = [1]} : vector<16xf32> to vector<1xf32>
      %squeeze3A_397 = vector.extract %slice3A_396[0] : f32 from vector<1xf32>
      %broadcast_in_dim3A_398 = vector.broadcast %squeeze3A_397 : f32 to vector<16xf32>
      %swap3A_399 = arith.constant 9 : i32
      %swap3A_400 = arith.index_cast %swap3A_399 : i32 to index
      %swap3A_401 = arith.constant 0 : index
      %swap3A_402 = tpu.vector_load %arg14[%swap3A_400, %swap3A_401] {strides = array<i32>} : memref<16x16xf32, #tpu.memory_space<vmem>>, vector<1x16xf32>,
      %swap3A_403 = vector.shape_cast %swap3A_402 : vector<1x16xf32> to vector<16xf32>
      %swap3A_404 = vector.shape_cast %broadcast_in_dim3A_398 : vector<16xf32> to vector<1x16xf32>
      tpu.vector_store %arg14[%swap3A_400, %swap3A_401], %swap3A_404 {strides = array<i32>} : memref<16x16xf32, #tpu.memory_space<vmem>>, vector<1x16xf32>,
      %slice3A_405 = vector.extract_strided_slice %get3A_57 {offsets = [9], sizes = [1], strides = [1]} : vector<16xf32> to vector<1xf32>
      %squeeze3A_406 = vector.extract %slice3A_405[0] : f32 from vector<1xf32>
      %broadcast_in_dim3A_407 = vector.broadcast %squeeze3A_406 : f32 to vector<16xf32>
      %swap3A_408 = arith.constant 9 : i32
      %swap3A_409 = arith.index_cast %swap3A_408 : i32 to index
      %swap3A_410 = arith.constant 0 : index
      %swap3A_411 = tpu.vector_load %arg15[%swap3A_409, %swap3A_410] {strides = array<i32>} : memref<16x16xf32, #tpu.memory_space<vmem>>, vector<1x16xf32>,
      %swap3A_412 = vector.shape_cast %swap3A_411 : vector<1x16xf32> to vector<16xf32>
      %swap3A_413 = vector.shape_cast %broadcast_in_dim3A_407 : vector<16xf32> to vector<1x16xf32>
      tpu.vector_store %arg15[%swap3A_409, %swap3A_410], %swap3A_413 {strides = array<i32>} : memref<16x16xf32, #tpu.memory_space<vmem>>, vector<1x16xf32>,
      %slice3A_414 = vector.extract_strided_slice %get3A_42 {offsets = [10], sizes = [1], strides = [1]} : vector<16xf32> to vector<1xf32>
      %squeeze3A_415 = vector.extract %slice3A_414[0] : f32 from vector<1xf32>
      %broadcast_in_dim3A_416 = vector.broadcast %squeeze3A_415 : f32 to vector<16xf32>
      %swap3A_417 = arith.constant 10 : i32
      %swap3A_418 = arith.index_cast %swap3A_417 : i32 to index
      %swap3A_419 = arith.constant 0 : index
      %swap3A_420 = tpu.vector_load %arg12[%swap3A_418, %swap3A_419] {strides = array<i32>} : memref<16x16xf32, #tpu.memory_space<vmem>>, vector<1x16xf32>,
      %swap3A_421 = vector.shape_cast %swap3A_420 : vector<1x16xf32> to vector<16xf32>
      %swap3A_422 = vector.shape_cast %broadcast_in_dim3A_416 : vector<16xf32> to vector<1x16xf32>
      tpu.vector_store %arg12[%swap3A_418, %swap3A_419], %swap3A_422 {strides = array<i32>} : memref<16x16xf32, #tpu.memory_space<vmem>>, vector<1x16xf32>,
      %slice3A_423 = vector.extract_strided_slice %get3A_47 {offsets = [10], sizes = [1], strides = [1]} : vector<16xf32> to vector<1xf32>
      %squeeze3A_424 = vector.extract %slice3A_423[0] : f32 from vector<1xf32>
      %broadcast_in_dim3A_425 = vector.broadcast %squeeze3A_424 : f32 to vector<16xf32>
      %swap3A_426 = arith.constant 10 : i32
      %swap3A_427 = arith.index_cast %swap3A_426 : i32 to index
      %swap3A_428 = arith.constant 0 : index
      %swap3A_429 = tpu.vector_load %arg13[%swap3A_427, %swap3A_428] {strides = array<i32>} : memref<16x16xf32, #tpu.memory_space<vmem>>, vector<1x16xf32>,
      %swap3A_430 = vector.shape_cast %swap3A_429 : vector<1x16xf32> to vector<16xf32>
      %swap3A_431 = vector.shape_cast %broadcast_in_dim3A_425 : vector<16xf32> to vector<1x16xf32>
      tpu.vector_store %arg13[%swap3A_427, %swap3A_428], %swap3A_431 {strides = array<i32>} : memref<16x16xf32, #tpu.memory_space<vmem>>, vector<1x16xf32>,
      %slice3A_432 = vector.extract_strided_slice %get3A_52 {offsets = [10], sizes = [1], strides = [1]} : vector<16xf32> to vector<1xf32>
      %squeeze3A_433 = vector.extract %slice3A_432[0] : f32 from vector<1xf32>
      %broadcast_in_dim3A_434 = vector.broadcast %squeeze3A_433 : f32 to vector<16xf32>
      %swap3A_435 = arith.constant 10 : i32
      %swap3A_436 = arith.index_cast %swap3A_435 : i32 to index
      %swap3A_437 = arith.constant 0 : index
      %swap3A_438 = tpu.vector_load %arg14[%swap3A_436, %swap3A_437] {strides = array<i32>} : memref<16x16xf32, #tpu.memory_space<vmem>>, vector<1x16xf32>,
      %swap3A_439 = vector.shape_cast %swap3A_438 : vector<1x16xf32> to vector<16xf32>
      %swap3A_440 = vector.shape_cast %broadcast_in_dim3A_434 : vector<16xf32> to vector<1x16xf32>
      tpu.vector_store %arg14[%swap3A_436, %swap3A_437], %swap3A_440 {strides = array<i32>} : memref<16x16xf32, #tpu.memory_space<vmem>>, vector<1x16xf32>,
      %slice3A_441 = vector.extract_strided_slice %get3A_57 {offsets = [10], sizes = [1], strides = [1]} : vector<16xf32> to vector<1xf32>
      %squeeze3A_442 = vector.extract %slice3A_441[0] : f32 from vector<1xf32>
      %broadcast_in_dim3A_443 = vector.broadcast %squeeze3A_442 : f32 to vector<16xf32>
      %swap3A_444 = arith.constant 10 : i32
      %swap3A_445 = arith.index_cast %swap3A_444 : i32 to index
      %swap3A_446 = arith.constant 0 : index
      %swap3A_447 = tpu.vector_load %arg15[%swap3A_445, %swap3A_446] {strides = array<i32>} : memref<16x16xf32, #tpu.memory_space<vmem>>, vector<1x16xf32>,
      %swap3A_448 = vector.shape_cast %swap3A_447 : vector<1x16xf32> to vector<16xf32>
      %swap3A_449 = vector.shape_cast %broadcast_in_dim3A_443 : vector<16xf32> to vector<1x16xf32>
      tpu.vector_store %arg15[%swap3A_445, %swap3A_446], %swap3A_449 {strides = array<i32>} : memref<16x16xf32, #tpu.memory_space<vmem>>, vector<1x16xf32>,
      %slice3A_450 = vector.extract_strided_slice %get3A_42 {offsets = [11], sizes = [1], strides = [1]} : vector<16xf32> to vector<1xf32>
      %squeeze3A_451 = vector.extract %slice3A_450[0] : f32 from vector<1xf32>
      %broadcast_in_dim3A_452 = vector.broadcast %squeeze3A_451 : f32 to vector<16xf32>
      %swap3A_453 = arith.constant 11 : i32
      %swap3A_454 = arith.index_cast %swap3A_453 : i32 to index
      %swap3A_455 = arith.constant 0 : index
      %swap3A_456 = tpu.vector_load %arg12[%swap3A_454, %swap3A_455] {strides = array<i32>} : memref<16x16xf32, #tpu.memory_space<vmem>>, vector<1x16xf32>,
      %swap3A_457 = vector.shape_cast %swap3A_456 : vector<1x16xf32> to vector<16xf32>
      %swap3A_458 = vector.shape_cast %broadcast_in_dim3A_452 : vector<16xf32> to vector<1x16xf32>
      tpu.vector_store %arg12[%swap3A_454, %swap3A_455], %swap3A_458 {strides = array<i32>} : memref<16x16xf32, #tpu.memory_space<vmem>>, vector<1x16xf32>,
      %slice3A_459 = vector.extract_strided_slice %get3A_47 {offsets = [11], sizes = [1], strides = [1]} : vector<16xf32> to vector<1xf32>
      %squeeze3A_460 = vector.extract %slice3A_459[0] : f32 from vector<1xf32>
      %broadcast_in_dim3A_461 = vector.broadcast %squeeze3A_460 : f32 to vector<16xf32>
      %swap3A_462 = arith.constant 11 : i32
      %swap3A_463 = arith.index_cast %swap3A_462 : i32 to index
      %swap3A_464 = arith.constant 0 : index
      %swap3A_465 = tpu.vector_load %arg13[%swap3A_463, %swap3A_464] {strides = array<i32>} : memref<16x16xf32, #tpu.memory_space<vmem>>, vector<1x16xf32>,
      %swap3A_466 = vector.shape_cast %swap3A_465 : vector<1x16xf32> to vector<16xf32>
      %swap3A_467 = vector.shape_cast %broadcast_in_dim3A_461 : vector<16xf32> to vector<1x16xf32>
      tpu.vector_store %arg13[%swap3A_463, %swap3A_464], %swap3A_467 {strides = array<i32>} : memref<16x16xf32, #tpu.memory_space<vmem>>, vector<1x16xf32>,
      %slice3A_468 = vector.extract_strided_slice %get3A_52 {offsets = [11], sizes = [1], strides = [1]} : vector<16xf32> to vector<1xf32>
      %squeeze3A_469 = vector.extract %slice3A_468[0] : f32 from vector<1xf32>
      %broadcast_in_dim3A_470 = vector.broadcast %squeeze3A_469 : f32 to vector<16xf32>
      %swap3A_471 = arith.constant 11 : i32
      %swap3A_472 = arith.index_cast %swap3A_471 : i32 to index
      %swap3A_473 = arith.constant 0 : index
      %swap3A_474 = tpu.vector_load %arg14[%swap3A_472, %swap3A_473] {strides = array<i32>} : memref<16x16xf32, #tpu.memory_space<vmem>>, vector<1x16xf32>,
      %swap3A_475 = vector.shape_cast %swap3A_474 : vector<1x16xf32> to vector<16xf32>
      %swap3A_476 = vector.shape_cast %broadcast_in_dim3A_470 : vector<16xf32> to vector<1x16xf32>
      tpu.vector_store %arg14[%swap3A_472, %swap3A_473], %swap3A_476 {strides = array<i32>} : memref<16x16xf32, #tpu.memory_space<vmem>>, vector<1x16xf32>,
      %slice3A_477 = vector.extract_strided_slice %get3A_57 {offsets = [11], sizes = [1], strides = [1]} : vector<16xf32> to vector<1xf32>
      %squeeze3A_478 = vector.extract %slice3A_477[0] : f32 from vector<1xf32>
      %broadcast_in_dim3A_479 = vector.broadcast %squeeze3A_478 : f32 to vector<16xf32>
      %swap3A_480 = arith.constant 11 : i32
      %swap3A_481 = arith.index_cast %swap3A_480 : i32 to index
      %swap3A_482 = arith.constant 0 : index
      %swap3A_483 = tpu.vector_load %arg15[%swap3A_481, %swap3A_482] {strides = array<i32>} : memref<16x16xf32, #tpu.memory_space<vmem>>, vector<1x16xf32>,
      %swap3A_484 = vector.shape_cast %swap3A_483 : vector<1x16xf32> to vector<16xf32>
      %swap3A_485 = vector.shape_cast %broadcast_in_dim3A_479 : vector<16xf32> to vector<1x16xf32>
      tpu.vector_store %arg15[%swap3A_481, %swap3A_482], %swap3A_485 {strides = array<i32>} : memref<16x16xf32, #tpu.memory_space<vmem>>, vector<1x16xf32>,
      %slice3A_486 = vector.extract_strided_slice %get3A_42 {offsets = [12], sizes = [1], strides = [1]} : vector<16xf32> to vector<1xf32>
      %squeeze3A_487 = vector.extract %slice3A_486[0] : f32 from vector<1xf32>
      %broadcast_in_dim3A_488 = vector.broadcast %squeeze3A_487 : f32 to vector<16xf32>
      %swap3A_489 = arith.constant 12 : i32
      %swap3A_490 = arith.index_cast %swap3A_489 : i32 to index
      %swap3A_491 = arith.constant 0 : index
      %swap3A_492 = tpu.vector_load %arg12[%swap3A_490, %swap3A_491] {strides = array<i32>} : memref<16x16xf32, #tpu.memory_space<vmem>>, vector<1x16xf32>,
      %swap3A_493 = vector.shape_cast %swap3A_492 : vector<1x16xf32> to vector<16xf32>
      %swap3A_494 = vector.shape_cast %broadcast_in_dim3A_488 : vector<16xf32> to vector<1x16xf32>
      tpu.vector_store %arg12[%swap3A_490, %swap3A_491], %swap3A_494 {strides = array<i32>} : memref<16x16xf32, #tpu.memory_space<vmem>>, vector<1x16xf32>,
      %slice3A_495 = vector.extract_strided_slice %get3A_47 {offsets = [12], sizes = [1], strides = [1]} : vector<16xf32> to vector<1xf32>
      %squeeze3A_496 = vector.extract %slice3A_495[0] : f32 from vector<1xf32>
      %broadcast_in_dim3A_497 = vector.broadcast %squeeze3A_496 : f32 to vector<16xf32>
      %swap3A_498 = arith.constant 12 : i32
      %swap3A_499 = arith.index_cast %swap3A_498 : i32 to index
      %swap3A_500 = arith.constant 0 : index
      %swap3A_501 = tpu.vector_load %arg13[%swap3A_499, %swap3A_500] {strides = array<i32>} : memref<16x16xf32, #tpu.memory_space<vmem>>, vector<1x16xf32>,
      %swap3A_502 = vector.shape_cast %swap3A_501 : vector<1x16xf32> to vector<16xf32>
      %swap3A_503 = vector.shape_cast %broadcast_in_dim3A_497 : vector<16xf32> to vector<1x16xf32>
      tpu.vector_store %arg13[%swap3A_499, %swap3A_500], %swap3A_503 {strides = array<i32>} : memref<16x16xf32, #tpu.memory_space<vmem>>, vector<1x16xf32>,
      %slice3A_504 = vector.extract_strided_slice %get3A_52 {offsets = [12], sizes = [1], strides = [1]} : vector<16xf32> to vector<1xf32>
      %squeeze3A_505 = vector.extract %slice3A_504[0] : f32 from vector<1xf32>
      %broadcast_in_dim3A_506 = vector.broadcast %squeeze3A_505 : f32 to vector<16xf32>
      %swap3A_507 = arith.constant 12 : i32
      %swap3A_508 = arith.index_cast %swap3A_507 : i32 to index
      %swap3A_509 = arith.constant 0 : index
      %swap3A_510 = tpu.vector_load %arg14[%swap3A_508, %swap3A_509] {strides = array<i32>} : memref<16x16xf32, #tpu.memory_space<vmem>>, vector<1x16xf32>,
      %swap3A_511 = vector.shape_cast %swap3A_510 : vector<1x16xf32> to vector<16xf32>
      %swap3A_512 = vector.shape_cast %broadcast_in_dim3A_506 : vector<16xf32> to vector<1x16xf32>
      tpu.vector_store %arg14[%swap3A_508, %swap3A_509], %swap3A_512 {strides = array<i32>} : memref<16x16xf32, #tpu.memory_space<vmem>>, vector<1x16xf32>,
      %slice3A_513 = vector.extract_strided_slice %get3A_57 {offsets = [12], sizes = [1], strides = [1]} : vector<16xf32> to vector<1xf32>
      %squeeze3A_514 = vector.extract %slice3A_513[0] : f32 from vector<1xf32>
      %broadcast_in_dim3A_515 = vector.broadcast %squeeze3A_514 : f32 to vector<16xf32>
      %swap3A_516 = arith.constant 12 : i32
      %swap3A_517 = arith.index_cast %swap3A_516 : i32 to index
      %swap3A_518 = arith.constant 0 : index
      %swap3A_519 = tpu.vector_load %arg15[%swap3A_517, %swap3A_518] {strides = array<i32>} : memref<16x16xf32, #tpu.memory_space<vmem>>, vector<1x16xf32>,
      %swap3A_520 = vector.shape_cast %swap3A_519 : vector<1x16xf32> to vector<16xf32>
      %swap3A_521 = vector.shape_cast %broadcast_in_dim3A_515 : vector<16xf32> to vector<1x16xf32>
      tpu.vector_store %arg15[%swap3A_517, %swap3A_518], %swap3A_521 {strides = array<i32>} : memref<16x16xf32, #tpu.memory_space<vmem>>, vector<1x16xf32>,
      %slice3A_522 = vector.extract_strided_slice %get3A_42 {offsets = [13], sizes = [1], strides = [1]} : vector<16xf32> to vector<1xf32>
      %squeeze3A_523 = vector.extract %slice3A_522[0] : f32 from vector<1xf32>
      %broadcast_in_dim3A_524 = vector.broadcast %squeeze3A_523 : f32 to vector<16xf32>
      %swap3A_525 = arith.constant 13 : i32
      %swap3A_526 = arith.index_cast %swap3A_525 : i32 to index
      %swap3A_527 = arith.constant 0 : index
      %swap3A_528 = tpu.vector_load %arg12[%swap3A_526, %swap3A_527] {strides = array<i32>} : memref<16x16xf32, #tpu.memory_space<vmem>>, vector<1x16xf32>,
      %swap3A_529 = vector.shape_cast %swap3A_528 : vector<1x16xf32> to vector<16xf32>
      %swap3A_530 = vector.shape_cast %broadcast_in_dim3A_524 : vector<16xf32> to vector<1x16xf32>
      tpu.vector_store %arg12[%swap3A_526, %swap3A_527], %swap3A_530 {strides = array<i32>} : memref<16x16xf32, #tpu.memory_space<vmem>>, vector<1x16xf32>,
      %slice3A_531 = vector.extract_strided_slice %get3A_47 {offsets = [13], sizes = [1], strides = [1]} : vector<16xf32> to vector<1xf32>
      %squeeze3A_532 = vector.extract %slice3A_531[0] : f32 from vector<1xf32>
      %broadcast_in_dim3A_533 = vector.broadcast %squeeze3A_532 : f32 to vector<16xf32>
      %swap3A_534 = arith.constant 13 : i32
      %swap3A_535 = arith.index_cast %swap3A_534 : i32 to index
      %swap3A_536 = arith.constant 0 : index
      %swap3A_537 = tpu.vector_load %arg13[%swap3A_535, %swap3A_536] {strides = array<i32>} : memref<16x16xf32, #tpu.memory_space<vmem>>, vector<1x16xf32>,
      %swap3A_538 = vector.shape_cast %swap3A_537 : vector<1x16xf32> to vector<16xf32>
      %swap3A_539 = vector.shape_cast %broadcast_in_dim3A_533 : vector<16xf32> to vector<1x16xf32>
      tpu.vector_store %arg13[%swap3A_535, %swap3A_536], %swap3A_539 {strides = array<i32>} : memref<16x16xf32, #tpu.memory_space<vmem>>, vector<1x16xf32>,
      %slice3A_540 = vector.extract_strided_slice %get3A_52 {offsets = [13], sizes = [1], strides = [1]} : vector<16xf32> to vector<1xf32>
      %squeeze3A_541 = vector.extract %slice3A_540[0] : f32 from vector<1xf32>
      %broadcast_in_dim3A_542 = vector.broadcast %squeeze3A_541 : f32 to vector<16xf32>
      %swap3A_543 = arith.constant 13 : i32
      %swap3A_544 = arith.index_cast %swap3A_543 : i32 to index
      %swap3A_545 = arith.constant 0 : index
      %swap3A_546 = tpu.vector_load %arg14[%swap3A_544, %swap3A_545] {strides = array<i32>} : memref<16x16xf32, #tpu.memory_space<vmem>>, vector<1x16xf32>,
      %swap3A_547 = vector.shape_cast %swap3A_546 : vector<1x16xf32> to vector<16xf32>
      %swap3A_548 = vector.shape_cast %broadcast_in_dim3A_542 : vector<16xf32> to vector<1x16xf32>
      tpu.vector_store %arg14[%swap3A_544, %swap3A_545], %swap3A_548 {strides = array<i32>} : memref<16x16xf32, #tpu.memory_space<vmem>>, vector<1x16xf32>,
      %slice3A_549 = vector.extract_strided_slice %get3A_57 {offsets = [13], sizes = [1], strides = [1]} : vector<16xf32> to vector<1xf32>
      %squeeze3A_550 = vector.extract %slice3A_549[0] : f32 from vector<1xf32>
      %broadcast_in_dim3A_551 = vector.broadcast %squeeze3A_550 : f32 to vector<16xf32>
      %swap3A_552 = arith.constant 13 : i32
      %swap3A_553 = arith.index_cast %swap3A_552 : i32 to index
      %swap3A_554 = arith.constant 0 : index
      %swap3A_555 = tpu.vector_load %arg15[%swap3A_553, %swap3A_554] {strides = array<i32>} : memref<16x16xf32, #tpu.memory_space<vmem>>, vector<1x16xf32>,
      %swap3A_556 = vector.shape_cast %swap3A_555 : vector<1x16xf32> to vector<16xf32>
      %swap3A_557 = vector.shape_cast %broadcast_in_dim3A_551 : vector<16xf32> to vector<1x16xf32>
      tpu.vector_store %arg15[%swap3A_553, %swap3A_554], %swap3A_557 {strides = array<i32>} : memref<16x16xf32, #tpu.memory_space<vmem>>, vector<1x16xf32>,
      %slice3A_558 = vector.extract_strided_slice %get3A_42 {offsets = [14], sizes = [1], strides = [1]} : vector<16xf32> to vector<1xf32>
      %squeeze3A_559 = vector.extract %slice3A_558[0] : f32 from vector<1xf32>
      %broadcast_in_dim3A_560 = vector.broadcast %squeeze3A_559 : f32 to vector<16xf32>
      %swap3A_561 = arith.constant 14 : i32
      %swap3A_562 = arith.index_cast %swap3A_561 : i32 to index
      %swap3A_563 = arith.constant 0 : index
      %swap3A_564 = tpu.vector_load %arg12[%swap3A_562, %swap3A_563] {strides = array<i32>} : memref<16x16xf32, #tpu.memory_space<vmem>>, vector<1x16xf32>,
      %swap3A_565 = vector.shape_cast %swap3A_564 : vector<1x16xf32> to vector<16xf32>
      %swap3A_566 = vector.shape_cast %broadcast_in_dim3A_560 : vector<16xf32> to vector<1x16xf32>
      tpu.vector_store %arg12[%swap3A_562, %swap3A_563], %swap3A_566 {strides = array<i32>} : memref<16x16xf32, #tpu.memory_space<vmem>>, vector<1x16xf32>,
      %slice3A_567 = vector.extract_strided_slice %get3A_47 {offsets = [14], sizes = [1], strides = [1]} : vector<16xf32> to vector<1xf32>
      %squeeze3A_568 = vector.extract %slice3A_567[0] : f32 from vector<1xf32>
      %broadcast_in_dim3A_569 = vector.broadcast %squeeze3A_568 : f32 to vector<16xf32>
      %swap3A_570 = arith.constant 14 : i32
      %swap3A_571 = arith.index_cast %swap3A_570 : i32 to index
      %swap3A_572 = arith.constant 0 : index
      %swap3A_573 = tpu.vector_load %arg13[%swap3A_571, %swap3A_572] {strides = array<i32>} : memref<16x16xf32, #tpu.memory_space<vmem>>, vector<1x16xf32>,
      %swap3A_574 = vector.shape_cast %swap3A_573 : vector<1x16xf32> to vector<16xf32>
      %swap3A_575 = vector.shape_cast %broadcast_in_dim3A_569 : vector<16xf32> to vector<1x16xf32>
      tpu.vector_store %arg13[%swap3A_571, %swap3A_572], %swap3A_575 {strides = array<i32>} : memref<16x16xf32, #tpu.memory_space<vmem>>, vector<1x16xf32>,
      %slice3A_576 = vector.extract_strided_slice %get3A_52 {offsets = [14], sizes = [1], strides = [1]} : vector<16xf32> to vector<1xf32>
      %squeeze3A_577 = vector.extract %slice3A_576[0] : f32 from vector<1xf32>
      %broadcast_in_dim3A_578 = vector.broadcast %squeeze3A_577 : f32 to vector<16xf32>
      %swap3A_579 = arith.constant 14 : i32
      %swap3A_580 = arith.index_cast %swap3A_579 : i32 to index
      %swap3A_581 = arith.constant 0 : index
      %swap3A_582 = tpu.vector_load %arg14[%swap3A_580, %swap3A_581] {strides = array<i32>} : memref<16x16xf32, #tpu.memory_space<vmem>>, vector<1x16xf32>,
      %swap3A_583 = vector.shape_cast %swap3A_582 : vector<1x16xf32> to vector<16xf32>
      %swap3A_584 = vector.shape_cast %broadcast_in_dim3A_578 : vector<16xf32> to vector<1x16xf32>
      tpu.vector_store %arg14[%swap3A_580, %swap3A_581], %swap3A_584 {strides = array<i32>} : memref<16x16xf32, #tpu.memory_space<vmem>>, vector<1x16xf32>,
      %slice3A_585 = vector.extract_strided_slice %get3A_57 {offsets = [14], sizes = [1], strides = [1]} : vector<16xf32> to vector<1xf32>
      %squeeze3A_586 = vector.extract %slice3A_585[0] : f32 from vector<1xf32>
      %broadcast_in_dim3A_587 = vector.broadcast %squeeze3A_586 : f32 to vector<16xf32>
      %swap3A_588 = arith.constant 14 : i32
      %swap3A_589 = arith.index_cast %swap3A_588 : i32 to index
      %swap3A_590 = arith.constant 0 : index
      %swap3A_591 = tpu.vector_load %arg15[%swap3A_589, %swap3A_590] {strides = array<i32>} : memref<16x16xf32, #tpu.memory_space<vmem>>, vector<1x16xf32>,
      %swap3A_592 = vector.shape_cast %swap3A_591 : vector<1x16xf32> to vector<16xf32>
      %swap3A_593 = vector.shape_cast %broadcast_in_dim3A_587 : vector<16xf32> to vector<1x16xf32>
      tpu.vector_store %arg15[%swap3A_589, %swap3A_590], %swap3A_593 {strides = array<i32>} : memref<16x16xf32, #tpu.memory_space<vmem>>, vector<1x16xf32>,
      %slice3A_594 = vector.extract_strided_slice %get3A_42 {offsets = [15], sizes = [1], strides = [1]} : vector<16xf32> to vector<1xf32>
      %squeeze3A_595 = vector.extract %slice3A_594[0] : f32 from vector<1xf32>
      %broadcast_in_dim3A_596 = vector.broadcast %squeeze3A_595 : f32 to vector<16xf32>
      %swap3A_597 = arith.constant 15 : i32
      %swap3A_598 = arith.index_cast %swap3A_597 : i32 to index
      %swap3A_599 = arith.constant 0 : index
      %swap3A_600 = tpu.vector_load %arg12[%swap3A_598, %swap3A_599] {strides = array<i32>} : memref<16x16xf32, #tpu.memory_space<vmem>>, vector<1x16xf32>,
      %swap3A_601 = vector.shape_cast %swap3A_600 : vector<1x16xf32> to vector<16xf32>
      %swap3A_602 = vector.shape_cast %broadcast_in_dim3A_596 : vector<16xf32> to vector<1x16xf32>
      tpu.vector_store %arg12[%swap3A_598, %swap3A_599], %swap3A_602 {strides = array<i32>} : memref<16x16xf32, #tpu.memory_space<vmem>>, vector<1x16xf32>,
      %slice3A_603 = vector.extract_strided_slice %get3A_47 {offsets = [15], sizes = [1], strides = [1]} : vector<16xf32> to vector<1xf32>
      %squeeze3A_604 = vector.extract %slice3A_603[0] : f32 from vector<1xf32>
      %broadcast_in_dim3A_605 = vector.broadcast %squeeze3A_604 : f32 to vector<16xf32>
      %swap3A_606 = arith.constant 15 : i32
      %swap3A_607 = arith.index_cast %swap3A_606 : i32 to index
      %swap3A_608 = arith.constant 0 : index
      %swap3A_609 = tpu.vector_load %arg13[%swap3A_607, %swap3A_608] {strides = array<i32>} : memref<16x16xf32, #tpu.memory_space<vmem>>, vector<1x16xf32>,
      %swap3A_610 = vector.shape_cast %swap3A_609 : vector<1x16xf32> to vector<16xf32>
      %swap3A_611 = vector.shape_cast %broadcast_in_dim3A_605 : vector<16xf32> to vector<1x16xf32>
      tpu.vector_store %arg13[%swap3A_607, %swap3A_608], %swap3A_611 {strides = array<i32>} : memref<16x16xf32, #tpu.memory_space<vmem>>, vector<1x16xf32>,
      %slice3A_612 = vector.extract_strided_slice %get3A_52 {offsets = [15], sizes = [1], strides = [1]} : vector<16xf32> to vector<1xf32>
      %squeeze3A_613 = vector.extract %slice3A_612[0] : f32 from vector<1xf32>
      %broadcast_in_dim3A_614 = vector.broadcast %squeeze3A_613 : f32 to vector<16xf32>
      %swap3A_615 = arith.constant 15 : i32
      %swap3A_616 = arith.index_cast %swap3A_615 : i32 to index
      %swap3A_617 = arith.constant 0 : index
      %swap3A_618 = tpu.vector_load %arg14[%swap3A_616, %swap3A_617] {strides = array<i32>} : memref<16x16xf32, #tpu.memory_space<vmem>>, vector<1x16xf32>,
      %swap3A_619 = vector.shape_cast %swap3A_618 : vector<1x16xf32> to vector<16xf32>
      %swap3A_620 = vector.shape_cast %broadcast_in_dim3A_614 : vector<16xf32> to vector<1x16xf32>
      tpu.vector_store %arg14[%swap3A_616, %swap3A_617], %swap3A_620 {strides = array<i32>} : memref<16x16xf32, #tpu.memory_space<vmem>>, vector<1x16xf32>,
      %slice3A_621 = vector.extract_strided_slice %get3A_57 {offsets = [15], sizes = [1], strides = [1]} : vector<16xf32> to vector<1xf32>
      %squeeze3A_622 = vector.extract %slice3A_621[0] : f32 from vector<1xf32>
      %broadcast_in_dim3A_623 = vector.broadcast %squeeze3A_622 : f32 to vector<16xf32>
      %swap3A_624 = arith.constant 15 : i32
      %swap3A_625 = arith.index_cast %swap3A_624 : i32 to index
      %swap3A_626 = arith.constant 0 : index
      %swap3A_627 = tpu.vector_load %arg15[%swap3A_625, %swap3A_626] {strides = array<i32>} : memref<16x16xf32, #tpu.memory_space<vmem>>, vector<1x16xf32>,
      %swap3A_628 = vector.shape_cast %swap3A_627 : vector<1x16xf32> to vector<16xf32>
      %swap3A_629 = vector.shape_cast %broadcast_in_dim3A_623 : vector<16xf32> to vector<1x16xf32>
      tpu.vector_store %arg15[%swap3A_625, %swap3A_626], %swap3A_629 {strides = array<i32>} : memref<16x16xf32, #tpu.memory_space<vmem>>, vector<1x16xf32>,
      %dma_wait3A_630 = arith.constant 0 : i32
      %dma_wait3A_631 = arith.constant 0 : i32
      %dma_wait3A_632 = tpu.memref_slice %arg2[%dma_wait3A_630, %dma_wait3A_631] : memref<147456x384xf32, #tpu.memory_space<hbm>> -> memref<64x384xf32, #tpu.memory_space<hbm>>
      %dma_wait3A_633 = arith.constant 0 : i32
      %dma_wait3A_634 = arith.constant 0 : i32
      %dma_wait3A_635 = tpu.memref_slice %arg2[%dma_wait3A_633, %dma_wait3A_634] : memref<147456x384xf32, #tpu.memory_space<hbm>> -> memref<64x384xf32, #tpu.memory_space<hbm>>
      tpu.wait_dma2 semaphore(%arg16 : memref<!tpu.dma_semaphore, #tpu.memory_space<semaphore_mem>>) src(%dma_wait3A_635 : memref<64x384xf32, #tpu.memory_space<hbm>>) dst(%arg8 : memref<64x384xf32, #tpu.memory_space<vmem>>)
      %gt3A = arith.constant 0 : i32
      %gt3A_636 = arith.cmpi sgt, %scan3A_33, %gt3A : i32
      %convert_element_type3A = arith.extui %gt3A_636 : i1 to i32
      %cond3A = arith.constant 0 : i32
      %cond3A_637 = arith.cmpi ne, %convert_element_type3A, %cond3A : i32
      scf.if %cond3A_637 {
        %dma_wait3A_1285 = arith.constant 0 : i32
        %dma_wait3A_1286 = arith.constant 0 : i32
        %dma_wait3A_1287 = tpu.memref_slice %arg5[%dma_wait3A_1285, %dma_wait3A_1286] : memref<147456x384xf32, #tpu.memory_space<hbm>> -> memref<16x384xf32, #tpu.memory_space<hbm>>
        %dma_wait3A_1288 = arith.constant 0 : i32
        %dma_wait3A_1289 = arith.constant 0 : i32
        %dma_wait3A_1290 = tpu.memref_slice %arg5[%dma_wait3A_1288, %dma_wait3A_1289] : memref<147456x384xf32, #tpu.memory_space<hbm>> -> memref<16x384xf32, #tpu.memory_space<hbm>>
        tpu.wait_dma2 semaphore(%arg18 : memref<!tpu.dma_semaphore, #tpu.memory_space<semaphore_mem>>) src(%dma_wait3A_1290 : memref<16x384xf32, #tpu.memory_space<hbm>>) dst(%arg10 : memref<16x384xf32, #tpu.memory_space<vmem>>)
      } else {
      }
      %scan3A_638 = arith.constant 0 : i32
      %scan3A_639 = arith.constant 0 : i32
      %scan3A_640 = arith.constant 16 : i32
      %scan3A_641 = arith.addi %scan3A_639, %scan3A_640 : i32
      %scan3A_642 = arith.constant 1 : i32
      scf.for %scan3A_1285 = %scan3A_639 to %scan3A_641 step %scan3A_642  : i32 {
        %get3A_1286 = arith.index_cast %scan3A_1285 : i32 to index
        %get3A_1287 = arith.constant 0 : index
        %get3A_1288 = tpu.vector_load %arg12[%get3A_1286, %get3A_1287] {strides = array<i32>} : memref<16x16xf32, #tpu.memory_space<vmem>>, vector<1x16xf32>,
        %get3A_1289 = vector.shape_cast %get3A_1288 : vector<1x16xf32> to vector<16xf32>
        %get3A_1290 = arith.index_cast %scan3A_1285 : i32 to index
        %get3A_1291 = arith.constant 0 : index
        %get3A_1292 = tpu.vector_load %arg13[%get3A_1290, %get3A_1291] {strides = array<i32>} : memref<16x16xf32, #tpu.memory_space<vmem>>, vector<1x16xf32>,
        %get3A_1293 = vector.shape_cast %get3A_1292 : vector<1x16xf32> to vector<16xf32>
        %get3A_1294 = arith.index_cast %scan3A_1285 : i32 to index
        %get3A_1295 = arith.constant 0 : index
        %get3A_1296 = tpu.vector_load %arg14[%get3A_1294, %get3A_1295] {strides = array<i32>} : memref<16x16xf32, #tpu.memory_space<vmem>>, vector<1x16xf32>,
        %get3A_1297 = vector.shape_cast %get3A_1296 : vector<1x16xf32> to vector<16xf32>
        %get3A_1298 = arith.index_cast %scan3A_1285 : i32 to index
        %get3A_1299 = arith.constant 0 : index
        %get3A_1300 = tpu.vector_load %arg15[%get3A_1298, %get3A_1299] {strides = array<i32>} : memref<16x16xf32, #tpu.memory_space<vmem>>, vector<1x16xf32>,
        %get3A_1301 = vector.shape_cast %get3A_1300 : vector<1x16xf32> to vector<16xf32>
        %get3A_1302 = arith.index_cast %scan3A_1285 : i32 to index
        %get3A_1303 = arith.constant 0 : index
        %get3A_1304 = tpu.vector_load %arg8[%get3A_1302, %get3A_1303] {strides = array<i32>} : memref<64x384xf32, #tpu.memory_space<vmem>>, vector<1x16xf32>,
        %get3A_1305 = vector.shape_cast %get3A_1304 : vector<1x16xf32> to vector<16xf32>
        %mul3A_1306 = arith.mulf %get3A_1305, %get3A_1289 : vector<16xf32>
        %add3A_1307 = arith.constant 16 : i32
        %add3A_1308 = arith.addi %scan3A_1285, %add3A_1307 : i32
        %get3A_1309 = arith.index_cast %add3A_1308 : i32 to index
        %get3A_1310 = arith.constant 0 : index
        %get3A_1311 = tpu.vector_load %arg8[%get3A_1309, %get3A_1310] {strides = array<i32>} : memref<64x384xf32, #tpu.memory_space<vmem>>, vector<1x16xf32>,
        %get3A_1312 = vector.shape_cast %get3A_1311 : vector<1x16xf32> to vector<16xf32>
        %mul3A_1313 = arith.mulf %get3A_1312, %get3A_1293 : vector<16xf32>
        %add3A_1314 = arith.addf %mul3A_1306, %mul3A_1313 : vector<16xf32>
        %add3A_1315 = arith.constant 32 : i32
        %add3A_1316 = arith.addi %scan3A_1285, %add3A_1315 : i32
        %get3A_1317 = arith.index_cast %add3A_1316 : i32 to index
        %get3A_1318 = arith.constant 0 : index
        %get3A_1319 = tpu.vector_load %arg8[%get3A_1317, %get3A_1318] {strides = array<i32>} : memref<64x384xf32, #tpu.memory_space<vmem>>, vector<1x16xf32>,
        %get3A_1320 = vector.shape_cast %get3A_1319 : vector<1x16xf32> to vector<16xf32>
        %mul3A_1321 = arith.mulf %get3A_1320, %get3A_1297 : vector<16xf32>
        %add3A_1322 = arith.addf %add3A_1314, %mul3A_1321 : vector<16xf32>
        %add3A_1323 = arith.constant 48 : i32
        %add3A_1324 = arith.addi %scan3A_1285, %add3A_1323 : i32
        %get3A_1325 = arith.index_cast %add3A_1324 : i32 to index
        %get3A_1326 = arith.constant 0 : index
        %get3A_1327 = tpu.vector_load %arg8[%get3A_1325, %get3A_1326] {strides = array<i32>} : memref<64x384xf32, #tpu.memory_space<vmem>>, vector<1x16xf32>,
        %get3A_1328 = vector.shape_cast %get3A_1327 : vector<1x16xf32> to vector<16xf32>
        %mul3A_1329 = arith.mulf %get3A_1328, %get3A_1301 : vector<16xf32>
        %add3A_1330 = arith.addf %add3A_1322, %mul3A_1329 : vector<16xf32>
        %swap3A_1331 = arith.index_cast %scan3A_1285 : i32 to index
        %swap3A_1332 = arith.constant 0 : index
        %swap3A_1333 = tpu.vector_load %arg10[%swap3A_1331, %swap3A_1332] {strides = array<i32>} : memref<16x384xf32, #tpu.memory_space<vmem>>, vector<1x16xf32>,
        %swap3A_1334 = vector.shape_cast %swap3A_1333 : vector<1x16xf32> to vector<16xf32>
        %swap3A_1335 = vector.shape_cast %add3A_1330 : vector<16xf32> to vector<1x16xf32>
        tpu.vector_store %arg10[%swap3A_1331, %swap3A_1332], %swap3A_1335 {strides = array<i32>} : memref<16x384xf32, #tpu.memory_space<vmem>>, vector<1x16xf32>,
        %get3A_1336 = arith.index_cast %scan3A_1285 : i32 to index
        %get3A_1337 = arith.constant 16 : index
        %get3A_1338 = tpu.vector_load %arg8[%get3A_1336, %get3A_1337] {strides = array<i32>} : memref<64x384xf32, #tpu.memory_space<vmem>>, vector<1x16xf32>,
        %get3A_1339 = vector.shape_cast %get3A_1338 : vector<1x16xf32> to vector<16xf32>
        %mul3A_1340 = arith.mulf %get3A_1339, %get3A_1289 : vector<16xf32>
        %add3A_1341 = arith.constant 16 : i32
        %add3A_1342 = arith.addi %scan3A_1285, %add3A_1341 : i32
        %get3A_1343 = arith.index_cast %add3A_1342 : i32 to index
        %get3A_1344 = arith.constant 16 : index
        %get3A_1345 = tpu.vector_load %arg8[%get3A_1343, %get3A_1344] {strides = array<i32>} : memref<64x384xf32, #tpu.memory_space<vmem>>, vector<1x16xf32>,
        %get3A_1346 = vector.shape_cast %get3A_1345 : vector<1x16xf32> to vector<16xf32>
        %mul3A_1347 = arith.mulf %get3A_1346, %get3A_1293 : vector<16xf32>
        %add3A_1348 = arith.addf %mul3A_1340, %mul3A_1347 : vector<16xf32>
        %add3A_1349 = arith.constant 32 : i32
        %add3A_1350 = arith.addi %scan3A_1285, %add3A_1349 : i32
        %get3A_1351 = arith.index_cast %add3A_1350 : i32 to index
        %get3A_1352 = arith.constant 16 : index
        %get3A_1353 = tpu.vector_load %arg8[%get3A_1351, %get3A_1352] {strides = array<i32>} : memref<64x384xf32, #tpu.memory_space<vmem>>, vector<1x16xf32>,
        %get3A_1354 = vector.shape_cast %get3A_1353 : vector<1x16xf32> to vector<16xf32>
        %mul3A_1355 = arith.mulf %get3A_1354, %get3A_1297 : vector<16xf32>
        %add3A_1356 = arith.addf %add3A_1348, %mul3A_1355 : vector<16xf32>
        %add3A_1357 = arith.constant 48 : i32
        %add3A_1358 = arith.addi %scan3A_1285, %add3A_1357 : i32
        %get3A_1359 = arith.index_cast %add3A_1358 : i32 to index
        %get3A_1360 = arith.constant 16 : index
        %get3A_1361 = tpu.vector_load %arg8[%get3A_1359, %get3A_1360] {strides = array<i32>} : memref<64x384xf32, #tpu.memory_space<vmem>>, vector<1x16xf32>,
        %get3A_1362 = vector.shape_cast %get3A_1361 : vector<1x16xf32> to vector<16xf32>
        %mul3A_1363 = arith.mulf %get3A_1362, %get3A_1301 : vector<16xf32>
        %add3A_1364 = arith.addf %add3A_1356, %mul3A_1363 : vector<16xf32>
        %swap3A_1365 = arith.index_cast %scan3A_1285 : i32 to index
        %swap3A_1366 = arith.constant 16 : index
        %swap3A_1367 = tpu.vector_load %arg10[%swap3A_1365, %swap3A_1366] {strides = array<i32>} : memref<16x384xf32, #tpu.memory_space<vmem>>, vector<1x16xf32>,
        %swap3A_1368 = vector.shape_cast %swap3A_1367 : vector<1x16xf32> to vector<16xf32>
        %swap3A_1369 = vector.shape_cast %add3A_1364 : vector<16xf32> to vector<1x16xf32>
        tpu.vector_store %arg10[%swap3A_1365, %swap3A_1366], %swap3A_1369 {strides = array<i32>} : memref<16x384xf32, #tpu.memory_space<vmem>>, vector<1x16xf32>,
        %get3A_1370 = arith.index_cast %scan3A_1285 : i32 to index
        %get3A_1371 = arith.constant 32 : index
        %get3A_1372 = tpu.vector_load %arg8[%get3A_1370, %get3A_1371] {strides = array<i32>} : memref<64x384xf32, #tpu.memory_space<vmem>>, vector<1x16xf32>,
        %get3A_1373 = vector.shape_cast %get3A_1372 : vector<1x16xf32> to vector<16xf32>
        %mul3A_1374 = arith.mulf %get3A_1373, %get3A_1289 : vector<16xf32>
        %add3A_1375 = arith.constant 16 : i32
        %add3A_1376 = arith.addi %scan3A_1285, %add3A_1375 : i32
        %get3A_1377 = arith.index_cast %add3A_1376 : i32 to index
        %get3A_1378 = arith.constant 32 : index
        %get3A_1379 = tpu.vector_load %arg8[%get3A_1377, %get3A_1378] {strides = array<i32>} : memref<64x384xf32, #tpu.memory_space<vmem>>, vector<1x16xf32>,
        %get3A_1380 = vector.shape_cast %get3A_1379 : vector<1x16xf32> to vector<16xf32>
        %mul3A_1381 = arith.mulf %get3A_1380, %get3A_1293 : vector<16xf32>
        %add3A_1382 = arith.addf %mul3A_1374, %mul3A_1381 : vector<16xf32>
        %add3A_1383 = arith.constant 32 : i32
        %add3A_1384 = arith.addi %scan3A_1285, %add3A_1383 : i32
        %get3A_1385 = arith.index_cast %add3A_1384 : i32 to index
        %get3A_1386 = arith.constant 32 : index
        %get3A_1387 = tpu.vector_load %arg8[%get3A_1385, %get3A_1386] {strides = array<i32>} : memref<64x384xf32, #tpu.memory_space<vmem>>, vector<1x16xf32>,
        %get3A_1388 = vector.shape_cast %get3A_1387 : vector<1x16xf32> to vector<16xf32>
        %mul3A_1389 = arith.mulf %get3A_1388, %get3A_1297 : vector<16xf32>
        %add3A_1390 = arith.addf %add3A_1382, %mul3A_1389 : vector<16xf32>
        %add3A_1391 = arith.constant 48 : i32
        %add3A_1392 = arith.addi %scan3A_1285, %add3A_1391 : i32
        %get3A_1393 = arith.index_cast %add3A_1392 : i32 to index
        %get3A_1394 = arith.constant 32 : index
        %get3A_1395 = tpu.vector_load %arg8[%get3A_1393, %get3A_1394] {strides = array<i32>} : memref<64x384xf32, #tpu.memory_space<vmem>>, vector<1x16xf32>,
        %get3A_1396 = vector.shape_cast %get3A_1395 : vector<1x16xf32> to vector<16xf32>
        %mul3A_1397 = arith.mulf %get3A_1396, %get3A_1301 : vector<16xf32>
        %add3A_1398 = arith.addf %add3A_1390, %mul3A_1397 : vector<16xf32>
        %swap3A_1399 = arith.index_cast %scan3A_1285 : i32 to index
        %swap3A_1400 = arith.constant 32 : index
        %swap3A_1401 = tpu.vector_load %arg10[%swap3A_1399, %swap3A_1400] {strides = array<i32>} : memref<16x384xf32, #tpu.memory_space<vmem>>, vector<1x16xf32>,
        %swap3A_1402 = vector.shape_cast %swap3A_1401 : vector<1x16xf32> to vector<16xf32>
        %swap3A_1403 = vector.shape_cast %add3A_1398 : vector<16xf32> to vector<1x16xf32>
        tpu.vector_store %arg10[%swap3A_1399, %swap3A_1400], %swap3A_1403 {strides = array<i32>} : memref<16x384xf32, #tpu.memory_space<vmem>>, vector<1x16xf32>,
        %get3A_1404 = arith.index_cast %scan3A_1285 : i32 to index
        %get3A_1405 = arith.constant 48 : index
        %get3A_1406 = tpu.vector_load %arg8[%get3A_1404, %get3A_1405] {strides = array<i32>} : memref<64x384xf32, #tpu.memory_space<vmem>>, vector<1x16xf32>,
        %get3A_1407 = vector.shape_cast %get3A_1406 : vector<1x16xf32> to vector<16xf32>
        %mul3A_1408 = arith.mulf %get3A_1407, %get3A_1289 : vector<16xf32>
        %add3A_1409 = arith.constant 16 : i32
        %add3A_1410 = arith.addi %scan3A_1285, %add3A_1409 : i32
        %get3A_1411 = arith.index_cast %add3A_1410 : i32 to index
        %get3A_1412 = arith.constant 48 : index
        %get3A_1413 = tpu.vector_load %arg8[%get3A_1411, %get3A_1412] {strides = array<i32>} : memref<64x384xf32, #tpu.memory_space<vmem>>, vector<1x16xf32>,
        %get3A_1414 = vector.shape_cast %get3A_1413 : vector<1x16xf32> to vector<16xf32>
        %mul3A_1415 = arith.mulf %get3A_1414, %get3A_1293 : vector<16xf32>
        %add3A_1416 = arith.addf %mul3A_1408, %mul3A_1415 : vector<16xf32>
        %add3A_1417 = arith.constant 32 : i32
        %add3A_1418 = arith.addi %scan3A_1285, %add3A_1417 : i32
        %get3A_1419 = arith.index_cast %add3A_1418 : i32 to index
        %get3A_1420 = arith.constant 48 : index
        %get3A_1421 = tpu.vector_load %arg8[%get3A_1419, %get3A_1420] {strides = array<i32>} : memref<64x384xf32, #tpu.memory_space<vmem>>, vector<1x16xf32>,
        %get3A_1422 = vector.shape_cast %get3A_1421 : vector<1x16xf32> to vector<16xf32>
        %mul3A_1423 = arith.mulf %get3A_1422, %get3A_1297 : vector<16xf32>
        %add3A_1424 = arith.addf %add3A_1416, %mul3A_1423 : vector<16xf32>
        %add3A_1425 = arith.constant 48 : i32
        %add3A_1426 = arith.addi %scan3A_1285, %add3A_1425 : i32
        %get3A_1427 = arith.index_cast %add3A_1426 : i32 to index
        %get3A_1428 = arith.constant 48 : index
        %get3A_1429 = tpu.vector_load %arg8[%get3A_1427, %get3A_1428] {strides = array<i32>} : memref<64x384xf32, #tpu.memory_space<vmem>>, vector<1x16xf32>,
        %get3A_1430 = vector.shape_cast %get3A_1429 : vector<1x16xf32> to vector<16xf32>
        %mul3A_1431 = arith.mulf %get3A_1430, %get3A_1301 : vector<16xf32>
        %add3A_1432 = arith.addf %add3A_1424, %mul3A_1431 : vector<16xf32>
        %swap3A_1433 = arith.index_cast %scan3A_1285 : i32 to index
        %swap3A_1434 = arith.constant 48 : index
        %swap3A_1435 = tpu.vector_load %arg10[%swap3A_1433, %swap3A_1434] {strides = array<i32>} : memref<16x384xf32, #tpu.memory_space<vmem>>, vector<1x16xf32>,
        %swap3A_1436 = vector.shape_cast %swap3A_1435 : vector<1x16xf32> to vector<16xf32>
        %swap3A_1437 = vector.shape_cast %add3A_1432 : vector<16xf32> to vector<1x16xf32>
        tpu.vector_store %arg10[%swap3A_1433, %swap3A_1434], %swap3A_1437 {strides = array<i32>} : memref<16x384xf32, #tpu.memory_space<vmem>>, vector<1x16xf32>,
        %get3A_1438 = arith.index_cast %scan3A_1285 : i32 to index
        %get3A_1439 = arith.constant 64 : index
        %get3A_1440 = tpu.vector_load %arg8[%get3A_1438, %get3A_1439] {strides = array<i32>} : memref<64x384xf32, #tpu.memory_space<vmem>>, vector<1x16xf32>,
        %get3A_1441 = vector.shape_cast %get3A_1440 : vector<1x16xf32> to vector<16xf32>
        %mul3A_1442 = arith.mulf %get3A_1441, %get3A_1289 : vector<16xf32>
        %add3A_1443 = arith.constant 16 : i32
        %add3A_1444 = arith.addi %scan3A_1285, %add3A_1443 : i32
        %get3A_1445 = arith.index_cast %add3A_1444 : i32 to index
        %get3A_1446 = arith.constant 64 : index
        %get3A_1447 = tpu.vector_load %arg8[%get3A_1445, %get3A_1446] {strides = array<i32>} : memref<64x384xf32, #tpu.memory_space<vmem>>, vector<1x16xf32>,
        %get3A_1448 = vector.shape_cast %get3A_1447 : vector<1x16xf32> to vector<16xf32>
        %mul3A_1449 = arith.mulf %get3A_1448, %get3A_1293 : vector<16xf32>
        %add3A_1450 = arith.addf %mul3A_1442, %mul3A_1449 : vector<16xf32>
        %add3A_1451 = arith.constant 32 : i32
        %add3A_1452 = arith.addi %scan3A_1285, %add3A_1451 : i32
        %get3A_1453 = arith.index_cast %add3A_1452 : i32 to index
        %get3A_1454 = arith.constant 64 : index
        %get3A_1455 = tpu.vector_load %arg8[%get3A_1453, %get3A_1454] {strides = array<i32>} : memref<64x384xf32, #tpu.memory_space<vmem>>, vector<1x16xf32>,
        %get3A_1456 = vector.shape_cast %get3A_1455 : vector<1x16xf32> to vector<16xf32>
        %mul3A_1457 = arith.mulf %get3A_1456, %get3A_1297 : vector<16xf32>
        %add3A_1458 = arith.addf %add3A_1450, %mul3A_1457 : vector<16xf32>
        %add3A_1459 = arith.constant 48 : i32
        %add3A_1460 = arith.addi %scan3A_1285, %add3A_1459 : i32
        %get3A_1461 = arith.index_cast %add3A_1460 : i32 to index
        %get3A_1462 = arith.constant 64 : index
        %get3A_1463 = tpu.vector_load %arg8[%get3A_1461, %get3A_1462] {strides = array<i32>} : memref<64x384xf32, #tpu.memory_space<vmem>>, vector<1x16xf32>,
        %get3A_1464 = vector.shape_cast %get3A_1463 : vector<1x16xf32> to vector<16xf32>
        %mul3A_1465 = arith.mulf %get3A_1464, %get3A_1301 : vector<16xf32>
        %add3A_1466 = arith.addf %add3A_1458, %mul3A_1465 : vector<16xf32>
        %swap3A_1467 = arith.index_cast %scan3A_1285 : i32 to index
        %swap3A_1468 = arith.constant 64 : index
        %swap3A_1469 = tpu.vector_load %arg10[%swap3A_1467, %swap3A_1468] {strides = array<i32>} : memref<16x384xf32, #tpu.memory_space<vmem>>, vector<1x16xf32>,
        %swap3A_1470 = vector.shape_cast %swap3A_1469 : vector<1x16xf32> to vector<16xf32>
        %swap3A_1471 = vector.shape_cast %add3A_1466 : vector<16xf32> to vector<1x16xf32>
        tpu.vector_store %arg10[%swap3A_1467, %swap3A_1468], %swap3A_1471 {strides = array<i32>} : memref<16x384xf32, #tpu.memory_space<vmem>>, vector<1x16xf32>,
        %get3A_1472 = arith.index_cast %scan3A_1285 : i32 to index
        %get3A_1473 = arith.constant 80 : index
        %get3A_1474 = tpu.vector_load %arg8[%get3A_1472, %get3A_1473] {strides = array<i32>} : memref<64x384xf32, #tpu.memory_space<vmem>>, vector<1x16xf32>,
        %get3A_1475 = vector.shape_cast %get3A_1474 : vector<1x16xf32> to vector<16xf32>
        %mul3A_1476 = arith.mulf %get3A_1475, %get3A_1289 : vector<16xf32>
        %add3A_1477 = arith.constant 16 : i32
        %add3A_1478 = arith.addi %scan3A_1285, %add3A_1477 : i32
        %get3A_1479 = arith.index_cast %add3A_1478 : i32 to index
        %get3A_1480 = arith.constant 80 : index
        %get3A_1481 = tpu.vector_load %arg8[%get3A_1479, %get3A_1480] {strides = array<i32>} : memref<64x384xf32, #tpu.memory_space<vmem>>, vector<1x16xf32>,
        %get3A_1482 = vector.shape_cast %get3A_1481 : vector<1x16xf32> to vector<16xf32>
        %mul3A_1483 = arith.mulf %get3A_1482, %get3A_1293 : vector<16xf32>
        %add3A_1484 = arith.addf %mul3A_1476, %mul3A_1483 : vector<16xf32>
        %add3A_1485 = arith.constant 32 : i32
        %add3A_1486 = arith.addi %scan3A_1285, %add3A_1485 : i32
        %get3A_1487 = arith.index_cast %add3A_1486 : i32 to index
        %get3A_1488 = arith.constant 80 : index
        %get3A_1489 = tpu.vector_load %arg8[%get3A_1487, %get3A_1488] {strides = array<i32>} : memref<64x384xf32, #tpu.memory_space<vmem>>, vector<1x16xf32>,
        %get3A_1490 = vector.shape_cast %get3A_1489 : vector<1x16xf32> to vector<16xf32>
        %mul3A_1491 = arith.mulf %get3A_1490, %get3A_1297 : vector<16xf32>
        %add3A_1492 = arith.addf %add3A_1484, %mul3A_1491 : vector<16xf32>
        %add3A_1493 = arith.constant 48 : i32
        %add3A_1494 = arith.addi %scan3A_1285, %add3A_1493 : i32
        %get3A_1495 = arith.index_cast %add3A_1494 : i32 to index
        %get3A_1496 = arith.constant 80 : index
        %get3A_1497 = tpu.vector_load %arg8[%get3A_1495, %get3A_1496] {strides = array<i32>} : memref<64x384xf32, #tpu.memory_space<vmem>>, vector<1x16xf32>,
        %get3A_1498 = vector.shape_cast %get3A_1497 : vector<1x16xf32> to vector<16xf32>
        %mul3A_1499 = arith.mulf %get3A_1498, %get3A_1301 : vector<16xf32>
        %add3A_1500 = arith.addf %add3A_1492, %mul3A_1499 : vector<16xf32>
        %swap3A_1501 = arith.index_cast %scan3A_1285 : i32 to index
        %swap3A_1502 = arith.constant 80 : index
        %swap3A_1503 = tpu.vector_load %arg10[%swap3A_1501, %swap3A_1502] {strides = array<i32>} : memref<16x384xf32, #tpu.memory_space<vmem>>, vector<1x16xf32>,
        %swap3A_1504 = vector.shape_cast %swap3A_1503 : vector<1x16xf32> to vector<16xf32>
        %swap3A_1505 = vector.shape_cast %add3A_1500 : vector<16xf32> to vector<1x16xf32>
        tpu.vector_store %arg10[%swap3A_1501, %swap3A_1502], %swap3A_1505 {strides = array<i32>} : memref<16x384xf32, #tpu.memory_space<vmem>>, vector<1x16xf32>,
        %get3A_1506 = arith.index_cast %scan3A_1285 : i32 to index
        %get3A_1507 = arith.constant 96 : index
        %get3A_1508 = tpu.vector_load %arg8[%get3A_1506, %get3A_1507] {strides = array<i32>} : memref<64x384xf32, #tpu.memory_space<vmem>>, vector<1x16xf32>,
        %get3A_1509 = vector.shape_cast %get3A_1508 : vector<1x16xf32> to vector<16xf32>
        %mul3A_1510 = arith.mulf %get3A_1509, %get3A_1289 : vector<16xf32>
        %add3A_1511 = arith.constant 16 : i32
        %add3A_1512 = arith.addi %scan3A_1285, %add3A_1511 : i32
        %get3A_1513 = arith.index_cast %add3A_1512 : i32 to index
        %get3A_1514 = arith.constant 96 : index
        %get3A_1515 = tpu.vector_load %arg8[%get3A_1513, %get3A_1514] {strides = array<i32>} : memref<64x384xf32, #tpu.memory_space<vmem>>, vector<1x16xf32>,
        %get3A_1516 = vector.shape_cast %get3A_1515 : vector<1x16xf32> to vector<16xf32>
        %mul3A_1517 = arith.mulf %get3A_1516, %get3A_1293 : vector<16xf32>
        %add3A_1518 = arith.addf %mul3A_1510, %mul3A_1517 : vector<16xf32>
        %add3A_1519 = arith.constant 32 : i32
        %add3A_1520 = arith.addi %scan3A_1285, %add3A_1519 : i32
        %get3A_1521 = arith.index_cast %add3A_1520 : i32 to index
        %get3A_1522 = arith.constant 96 : index
        %get3A_1523 = tpu.vector_load %arg8[%get3A_1521, %get3A_1522] {strides = array<i32>} : memref<64x384xf32, #tpu.memory_space<vmem>>, vector<1x16xf32>,
        %get3A_1524 = vector.shape_cast %get3A_1523 : vector<1x16xf32> to vector<16xf32>
        %mul3A_1525 = arith.mulf %get3A_1524, %get3A_1297 : vector<16xf32>
        %add3A_1526 = arith.addf %add3A_1518, %mul3A_1525 : vector<16xf32>
        %add3A_1527 = arith.constant 48 : i32
        %add3A_1528 = arith.addi %scan3A_1285, %add3A_1527 : i32
        %get3A_1529 = arith.index_cast %add3A_1528 : i32 to index
        %get3A_1530 = arith.constant 96 : index
        %get3A_1531 = tpu.vector_load %arg8[%get3A_1529, %get3A_1530] {strides = array<i32>} : memref<64x384xf32, #tpu.memory_space<vmem>>, vector<1x16xf32>,
        %get3A_1532 = vector.shape_cast %get3A_1531 : vector<1x16xf32> to vector<16xf32>
        %mul3A_1533 = arith.mulf %get3A_1532, %get3A_1301 : vector<16xf32>
        %add3A_1534 = arith.addf %add3A_1526, %mul3A_1533 : vector<16xf32>
        %swap3A_1535 = arith.index_cast %scan3A_1285 : i32 to index
        %swap3A_1536 = arith.constant 96 : index
        %swap3A_1537 = tpu.vector_load %arg10[%swap3A_1535, %swap3A_1536] {strides = array<i32>} : memref<16x384xf32, #tpu.memory_space<vmem>>, vector<1x16xf32>,
        %swap3A_1538 = vector.shape_cast %swap3A_1537 : vector<1x16xf32> to vector<16xf32>
        %swap3A_1539 = vector.shape_cast %add3A_1534 : vector<16xf32> to vector<1x16xf32>
        tpu.vector_store %arg10[%swap3A_1535, %swap3A_1536], %swap3A_1539 {strides = array<i32>} : memref<16x384xf32, #tpu.memory_space<vmem>>, vector<1x16xf32>,
        %get3A_1540 = arith.index_cast %scan3A_1285 : i32 to index
        %get3A_1541 = arith.constant 112 : index
        %get3A_1542 = tpu.vector_load %arg8[%get3A_1540, %get3A_1541] {strides = array<i32>} : memref<64x384xf32, #tpu.memory_space<vmem>>, vector<1x16xf32>,
        %get3A_1543 = vector.shape_cast %get3A_1542 : vector<1x16xf32> to vector<16xf32>
        %mul3A_1544 = arith.mulf %get3A_1543, %get3A_1289 : vector<16xf32>
        %add3A_1545 = arith.constant 16 : i32
        %add3A_1546 = arith.addi %scan3A_1285, %add3A_1545 : i32
        %get3A_1547 = arith.index_cast %add3A_1546 : i32 to index
        %get3A_1548 = arith.constant 112 : index
        %get3A_1549 = tpu.vector_load %arg8[%get3A_1547, %get3A_1548] {strides = array<i32>} : memref<64x384xf32, #tpu.memory_space<vmem>>, vector<1x16xf32>,
        %get3A_1550 = vector.shape_cast %get3A_1549 : vector<1x16xf32> to vector<16xf32>
        %mul3A_1551 = arith.mulf %get3A_1550, %get3A_1293 : vector<16xf32>
        %add3A_1552 = arith.addf %mul3A_1544, %mul3A_1551 : vector<16xf32>
        %add3A_1553 = arith.constant 32 : i32
        %add3A_1554 = arith.addi %scan3A_1285, %add3A_1553 : i32
        %get3A_1555 = arith.index_cast %add3A_1554 : i32 to index
        %get3A_1556 = arith.constant 112 : index
        %get3A_1557 = tpu.vector_load %arg8[%get3A_1555, %get3A_1556] {strides = array<i32>} : memref<64x384xf32, #tpu.memory_space<vmem>>, vector<1x16xf32>,
        %get3A_1558 = vector.shape_cast %get3A_1557 : vector<1x16xf32> to vector<16xf32>
        %mul3A_1559 = arith.mulf %get3A_1558, %get3A_1297 : vector<16xf32>
        %add3A_1560 = arith.addf %add3A_1552, %mul3A_1559 : vector<16xf32>
        %add3A_1561 = arith.constant 48 : i32
        %add3A_1562 = arith.addi %scan3A_1285, %add3A_1561 : i32
        %get3A_1563 = arith.index_cast %add3A_1562 : i32 to index
        %get3A_1564 = arith.constant 112 : index
        %get3A_1565 = tpu.vector_load %arg8[%get3A_1563, %get3A_1564] {strides = array<i32>} : memref<64x384xf32, #tpu.memory_space<vmem>>, vector<1x16xf32>,
        %get3A_1566 = vector.shape_cast %get3A_1565 : vector<1x16xf32> to vector<16xf32>
        %mul3A_1567 = arith.mulf %get3A_1566, %get3A_1301 : vector<16xf32>
        %add3A_1568 = arith.addf %add3A_1560, %mul3A_1567 : vector<16xf32>
        %swap3A_1569 = arith.index_cast %scan3A_1285 : i32 to index
        %swap3A_1570 = arith.constant 112 : index
        %swap3A_1571 = tpu.vector_load %arg10[%swap3A_1569, %swap3A_1570] {strides = array<i32>} : memref<16x384xf32, #tpu.memory_space<vmem>>, vector<1x16xf32>,
        %swap3A_1572 = vector.shape_cast %swap3A_1571 : vector<1x16xf32> to vector<16xf32>
        %swap3A_1573 = vector.shape_cast %add3A_1568 : vector<16xf32> to vector<1x16xf32>
        tpu.vector_store %arg10[%swap3A_1569, %swap3A_1570], %swap3A_1573 {strides = array<i32>} : memref<16x384xf32, #tpu.memory_space<vmem>>, vector<1x16xf32>,
        %get3A_1574 = arith.index_cast %scan3A_1285 : i32 to index
        %get3A_1575 = arith.constant 128 : index
        %get3A_1576 = tpu.vector_load %arg8[%get3A_1574, %get3A_1575] {strides = array<i32>} : memref<64x384xf32, #tpu.memory_space<vmem>>, vector<1x16xf32>,
        %get3A_1577 = vector.shape_cast %get3A_1576 : vector<1x16xf32> to vector<16xf32>
        %mul3A_1578 = arith.mulf %get3A_1577, %get3A_1289 : vector<16xf32>
        %add3A_1579 = arith.constant 16 : i32
        %add3A_1580 = arith.addi %scan3A_1285, %add3A_1579 : i32
        %get3A_1581 = arith.index_cast %add3A_1580 : i32 to index
        %get3A_1582 = arith.constant 128 : index
        %get3A_1583 = tpu.vector_load %arg8[%get3A_1581, %get3A_1582] {strides = array<i32>} : memref<64x384xf32, #tpu.memory_space<vmem>>, vector<1x16xf32>,
        %get3A_1584 = vector.shape_cast %get3A_1583 : vector<1x16xf32> to vector<16xf32>
        %mul3A_1585 = arith.mulf %get3A_1584, %get3A_1293 : vector<16xf32>
        %add3A_1586 = arith.addf %mul3A_1578, %mul3A_1585 : vector<16xf32>
        %add3A_1587 = arith.constant 32 : i32
        %add3A_1588 = arith.addi %scan3A_1285, %add3A_1587 : i32
        %get3A_1589 = arith.index_cast %add3A_1588 : i32 to index
        %get3A_1590 = arith.constant 128 : index
        %get3A_1591 = tpu.vector_load %arg8[%get3A_1589, %get3A_1590] {strides = array<i32>} : memref<64x384xf32, #tpu.memory_space<vmem>>, vector<1x16xf32>,
        %get3A_1592 = vector.shape_cast %get3A_1591 : vector<1x16xf32> to vector<16xf32>
        %mul3A_1593 = arith.mulf %get3A_1592, %get3A_1297 : vector<16xf32>
        %add3A_1594 = arith.addf %add3A_1586, %mul3A_1593 : vector<16xf32>
        %add3A_1595 = arith.constant 48 : i32
        %add3A_1596 = arith.addi %scan3A_1285, %add3A_1595 : i32
        %get3A_1597 = arith.index_cast %add3A_1596 : i32 to index
        %get3A_1598 = arith.constant 128 : index
        %get3A_1599 = tpu.vector_load %arg8[%get3A_1597, %get3A_1598] {strides = array<i32>} : memref<64x384xf32, #tpu.memory_space<vmem>>, vector<1x16xf32>,
        %get3A_1600 = vector.shape_cast %get3A_1599 : vector<1x16xf32> to vector<16xf32>
        %mul3A_1601 = arith.mulf %get3A_1600, %get3A_1301 : vector<16xf32>
        %add3A_1602 = arith.addf %add3A_1594, %mul3A_1601 : vector<16xf32>
        %swap3A_1603 = arith.index_cast %scan3A_1285 : i32 to index
        %swap3A_1604 = arith.constant 128 : index
        %swap3A_1605 = tpu.vector_load %arg10[%swap3A_1603, %swap3A_1604] {strides = array<i32>} : memref<16x384xf32, #tpu.memory_space<vmem>>, vector<1x16xf32>,
        %swap3A_1606 = vector.shape_cast %swap3A_1605 : vector<1x16xf32> to vector<16xf32>
        %swap3A_1607 = vector.shape_cast %add3A_1602 : vector<16xf32> to vector<1x16xf32>
        tpu.vector_store %arg10[%swap3A_1603, %swap3A_1604], %swap3A_1607 {strides = array<i32>} : memref<16x384xf32, #tpu.memory_space<vmem>>, vector<1x16xf32>,
        %get3A_1608 = arith.index_cast %scan3A_1285 : i32 to index
        %get3A_1609 = arith.constant 144 : index
        %get3A_1610 = tpu.vector_load %arg8[%get3A_1608, %get3A_1609] {strides = array<i32>} : memref<64x384xf32, #tpu.memory_space<vmem>>, vector<1x16xf32>,
        %get3A_1611 = vector.shape_cast %get3A_1610 : vector<1x16xf32> to vector<16xf32>
        %mul3A_1612 = arith.mulf %get3A_1611, %get3A_1289 : vector<16xf32>
        %add3A_1613 = arith.constant 16 : i32
        %add3A_1614 = arith.addi %scan3A_1285, %add3A_1613 : i32
        %get3A_1615 = arith.index_cast %add3A_1614 : i32 to index
        %get3A_1616 = arith.constant 144 : index
        %get3A_1617 = tpu.vector_load %arg8[%get3A_1615, %get3A_1616] {strides = array<i32>} : memref<64x384xf32, #tpu.memory_space<vmem>>, vector<1x16xf32>,
        %get3A_1618 = vector.shape_cast %get3A_1617 : vector<1x16xf32> to vector<16xf32>
        %mul3A_1619 = arith.mulf %get3A_1618, %get3A_1293 : vector<16xf32>
        %add3A_1620 = arith.addf %mul3A_1612, %mul3A_1619 : vector<16xf32>
        %add3A_1621 = arith.constant 32 : i32
        %add3A_1622 = arith.addi %scan3A_1285, %add3A_1621 : i32
        %get3A_1623 = arith.index_cast %add3A_1622 : i32 to index
        %get3A_1624 = arith.constant 144 : index
        %get3A_1625 = tpu.vector_load %arg8[%get3A_1623, %get3A_1624] {strides = array<i32>} : memref<64x384xf32, #tpu.memory_space<vmem>>, vector<1x16xf32>,
        %get3A_1626 = vector.shape_cast %get3A_1625 : vector<1x16xf32> to vector<16xf32>
        %mul3A_1627 = arith.mulf %get3A_1626, %get3A_1297 : vector<16xf32>
        %add3A_1628 = arith.addf %add3A_1620, %mul3A_1627 : vector<16xf32>
        %add3A_1629 = arith.constant 48 : i32
        %add3A_1630 = arith.addi %scan3A_1285, %add3A_1629 : i32
        %get3A_1631 = arith.index_cast %add3A_1630 : i32 to index
        %get3A_1632 = arith.constant 144 : index
        %get3A_1633 = tpu.vector_load %arg8[%get3A_1631, %get3A_1632] {strides = array<i32>} : memref<64x384xf32, #tpu.memory_space<vmem>>, vector<1x16xf32>,
        %get3A_1634 = vector.shape_cast %get3A_1633 : vector<1x16xf32> to vector<16xf32>
        %mul3A_1635 = arith.mulf %get3A_1634, %get3A_1301 : vector<16xf32>
        %add3A_1636 = arith.addf %add3A_1628, %mul3A_1635 : vector<16xf32>
        %swap3A_1637 = arith.index_cast %scan3A_1285 : i32 to index
        %swap3A_1638 = arith.constant 144 : index
        %swap3A_1639 = tpu.vector_load %arg10[%swap3A_1637, %swap3A_1638] {strides = array<i32>} : memref<16x384xf32, #tpu.memory_space<vmem>>, vector<1x16xf32>,
        %swap3A_1640 = vector.shape_cast %swap3A_1639 : vector<1x16xf32> to vector<16xf32>
        %swap3A_1641 = vector.shape_cast %add3A_1636 : vector<16xf32> to vector<1x16xf32>
        tpu.vector_store %arg10[%swap3A_1637, %swap3A_1638], %swap3A_1641 {strides = array<i32>} : memref<16x384xf32, #tpu.memory_space<vmem>>, vector<1x16xf32>,
        %get3A_1642 = arith.index_cast %scan3A_1285 : i32 to index
        %get3A_1643 = arith.constant 160 : index
        %get3A_1644 = tpu.vector_load %arg8[%get3A_1642, %get3A_1643] {strides = array<i32>} : memref<64x384xf32, #tpu.memory_space<vmem>>, vector<1x16xf32>,
        %get3A_1645 = vector.shape_cast %get3A_1644 : vector<1x16xf32> to vector<16xf32>
        %mul3A_1646 = arith.mulf %get3A_1645, %get3A_1289 : vector<16xf32>
        %add3A_1647 = arith.constant 16 : i32
        %add3A_1648 = arith.addi %scan3A_1285, %add3A_1647 : i32
        %get3A_1649 = arith.index_cast %add3A_1648 : i32 to index
        %get3A_1650 = arith.constant 160 : index
        %get3A_1651 = tpu.vector_load %arg8[%get3A_1649, %get3A_1650] {strides = array<i32>} : memref<64x384xf32, #tpu.memory_space<vmem>>, vector<1x16xf32>,
        %get3A_1652 = vector.shape_cast %get3A_1651 : vector<1x16xf32> to vector<16xf32>
        %mul3A_1653 = arith.mulf %get3A_1652, %get3A_1293 : vector<16xf32>
        %add3A_1654 = arith.addf %mul3A_1646, %mul3A_1653 : vector<16xf32>
        %add3A_1655 = arith.constant 32 : i32
        %add3A_1656 = arith.addi %scan3A_1285, %add3A_1655 : i32
        %get3A_1657 = arith.index_cast %add3A_1656 : i32 to index
        %get3A_1658 = arith.constant 160 : index
        %get3A_1659 = tpu.vector_load %arg8[%get3A_1657, %get3A_1658] {strides = array<i32>} : memref<64x384xf32, #tpu.memory_space<vmem>>, vector<1x16xf32>,
        %get3A_1660 = vector.shape_cast %get3A_1659 : vector<1x16xf32> to vector<16xf32>
        %mul3A_1661 = arith.mulf %get3A_1660, %get3A_1297 : vector<16xf32>
        %add3A_1662 = arith.addf %add3A_1654, %mul3A_1661 : vector<16xf32>
        %add3A_1663 = arith.constant 48 : i32
        %add3A_1664 = arith.addi %scan3A_1285, %add3A_1663 : i32
        %get3A_1665 = arith.index_cast %add3A_1664 : i32 to index
        %get3A_1666 = arith.constant 160 : index
        %get3A_1667 = tpu.vector_load %arg8[%get3A_1665, %get3A_1666] {strides = array<i32>} : memref<64x384xf32, #tpu.memory_space<vmem>>, vector<1x16xf32>,
        %get3A_1668 = vector.shape_cast %get3A_1667 : vector<1x16xf32> to vector<16xf32>
        %mul3A_1669 = arith.mulf %get3A_1668, %get3A_1301 : vector<16xf32>
        %add3A_1670 = arith.addf %add3A_1662, %mul3A_1669 : vector<16xf32>
        %swap3A_1671 = arith.index_cast %scan3A_1285 : i32 to index
        %swap3A_1672 = arith.constant 160 : index
        %swap3A_1673 = tpu.vector_load %arg10[%swap3A_1671, %swap3A_1672] {strides = array<i32>} : memref<16x384xf32, #tpu.memory_space<vmem>>, vector<1x16xf32>,
        %swap3A_1674 = vector.shape_cast %swap3A_1673 : vector<1x16xf32> to vector<16xf32>
        %swap3A_1675 = vector.shape_cast %add3A_1670 : vector<16xf32> to vector<1x16xf32>
        tpu.vector_store %arg10[%swap3A_1671, %swap3A_1672], %swap3A_1675 {strides = array<i32>} : memref<16x384xf32, #tpu.memory_space<vmem>>, vector<1x16xf32>,
        %get3A_1676 = arith.index_cast %scan3A_1285 : i32 to index
        %get3A_1677 = arith.constant 176 : index
        %get3A_1678 = tpu.vector_load %arg8[%get3A_1676, %get3A_1677] {strides = array<i32>} : memref<64x384xf32, #tpu.memory_space<vmem>>, vector<1x16xf32>,
        %get3A_1679 = vector.shape_cast %get3A_1678 : vector<1x16xf32> to vector<16xf32>
        %mul3A_1680 = arith.mulf %get3A_1679, %get3A_1289 : vector<16xf32>
        %add3A_1681 = arith.constant 16 : i32
        %add3A_1682 = arith.addi %scan3A_1285, %add3A_1681 : i32
        %get3A_1683 = arith.index_cast %add3A_1682 : i32 to index
        %get3A_1684 = arith.constant 176 : index
        %get3A_1685 = tpu.vector_load %arg8[%get3A_1683, %get3A_1684] {strides = array<i32>} : memref<64x384xf32, #tpu.memory_space<vmem>>, vector<1x16xf32>,
        %get3A_1686 = vector.shape_cast %get3A_1685 : vector<1x16xf32> to vector<16xf32>
        %mul3A_1687 = arith.mulf %get3A_1686, %get3A_1293 : vector<16xf32>
        %add3A_1688 = arith.addf %mul3A_1680, %mul3A_1687 : vector<16xf32>
        %add3A_1689 = arith.constant 32 : i32
        %add3A_1690 = arith.addi %scan3A_1285, %add3A_1689 : i32
        %get3A_1691 = arith.index_cast %add3A_1690 : i32 to index
        %get3A_1692 = arith.constant 176 : index
        %get3A_1693 = tpu.vector_load %arg8[%get3A_1691, %get3A_1692] {strides = array<i32>} : memref<64x384xf32, #tpu.memory_space<vmem>>, vector<1x16xf32>,
        %get3A_1694 = vector.shape_cast %get3A_1693 : vector<1x16xf32> to vector<16xf32>
        %mul3A_1695 = arith.mulf %get3A_1694, %get3A_1297 : vector<16xf32>
        %add3A_1696 = arith.addf %add3A_1688, %mul3A_1695 : vector<16xf32>
        %add3A_1697 = arith.constant 48 : i32
        %add3A_1698 = arith.addi %scan3A_1285, %add3A_1697 : i32
        %get3A_1699 = arith.index_cast %add3A_1698 : i32 to index
        %get3A_1700 = arith.constant 176 : index
        %get3A_1701 = tpu.vector_load %arg8[%get3A_1699, %get3A_1700] {strides = array<i32>} : memref<64x384xf32, #tpu.memory_space<vmem>>, vector<1x16xf32>,
        %get3A_1702 = vector.shape_cast %get3A_1701 : vector<1x16xf32> to vector<16xf32>
        %mul3A_1703 = arith.mulf %get3A_1702, %get3A_1301 : vector<16xf32>
        %add3A_1704 = arith.addf %add3A_1696, %mul3A_1703 : vector<16xf32>
        %swap3A_1705 = arith.index_cast %scan3A_1285 : i32 to index
        %swap3A_1706 = arith.constant 176 : index
        %swap3A_1707 = tpu.vector_load %arg10[%swap3A_1705, %swap3A_1706] {strides = array<i32>} : memref<16x384xf32, #tpu.memory_space<vmem>>, vector<1x16xf32>,
        %swap3A_1708 = vector.shape_cast %swap3A_1707 : vector<1x16xf32> to vector<16xf32>
        %swap3A_1709 = vector.shape_cast %add3A_1704 : vector<16xf32> to vector<1x16xf32>
        tpu.vector_store %arg10[%swap3A_1705, %swap3A_1706], %swap3A_1709 {strides = array<i32>} : memref<16x384xf32, #tpu.memory_space<vmem>>, vector<1x16xf32>,
        %get3A_1710 = arith.index_cast %scan3A_1285 : i32 to index
        %get3A_1711 = arith.constant 192 : index
        %get3A_1712 = tpu.vector_load %arg8[%get3A_1710, %get3A_1711] {strides = array<i32>} : memref<64x384xf32, #tpu.memory_space<vmem>>, vector<1x16xf32>,
        %get3A_1713 = vector.shape_cast %get3A_1712 : vector<1x16xf32> to vector<16xf32>
        %mul3A_1714 = arith.mulf %get3A_1713, %get3A_1289 : vector<16xf32>
        %add3A_1715 = arith.constant 16 : i32
        %add3A_1716 = arith.addi %scan3A_1285, %add3A_1715 : i32
        %get3A_1717 = arith.index_cast %add3A_1716 : i32 to index
        %get3A_1718 = arith.constant 192 : index
        %get3A_1719 = tpu.vector_load %arg8[%get3A_1717, %get3A_1718] {strides = array<i32>} : memref<64x384xf32, #tpu.memory_space<vmem>>, vector<1x16xf32>,
        %get3A_1720 = vector.shape_cast %get3A_1719 : vector<1x16xf32> to vector<16xf32>
        %mul3A_1721 = arith.mulf %get3A_1720, %get3A_1293 : vector<16xf32>
        %add3A_1722 = arith.addf %mul3A_1714, %mul3A_1721 : vector<16xf32>
        %add3A_1723 = arith.constant 32 : i32
        %add3A_1724 = arith.addi %scan3A_1285, %add3A_1723 : i32
        %get3A_1725 = arith.index_cast %add3A_1724 : i32 to index
        %get3A_1726 = arith.constant 192 : index
        %get3A_1727 = tpu.vector_load %arg8[%get3A_1725, %get3A_1726] {strides = array<i32>} : memref<64x384xf32, #tpu.memory_space<vmem>>, vector<1x16xf32>,
        %get3A_1728 = vector.shape_cast %get3A_1727 : vector<1x16xf32> to vector<16xf32>
        %mul3A_1729 = arith.mulf %get3A_1728, %get3A_1297 : vector<16xf32>
        %add3A_1730 = arith.addf %add3A_1722, %mul3A_1729 : vector<16xf32>
        %add3A_1731 = arith.constant 48 : i32
        %add3A_1732 = arith.addi %scan3A_1285, %add3A_1731 : i32
        %get3A_1733 = arith.index_cast %add3A_1732 : i32 to index
        %get3A_1734 = arith.constant 192 : index
        %get3A_1735 = tpu.vector_load %arg8[%get3A_1733, %get3A_1734] {strides = array<i32>} : memref<64x384xf32, #tpu.memory_space<vmem>>, vector<1x16xf32>,
        %get3A_1736 = vector.shape_cast %get3A_1735 : vector<1x16xf32> to vector<16xf32>
        %mul3A_1737 = arith.mulf %get3A_1736, %get3A_1301 : vector<16xf32>
        %add3A_1738 = arith.addf %add3A_1730, %mul3A_1737 : vector<16xf32>
        %swap3A_1739 = arith.index_cast %scan3A_1285 : i32 to index
        %swap3A_1740 = arith.constant 192 : index
        %swap3A_1741 = tpu.vector_load %arg10[%swap3A_1739, %swap3A_1740] {strides = array<i32>} : memref<16x384xf32, #tpu.memory_space<vmem>>, vector<1x16xf32>,
        %swap3A_1742 = vector.shape_cast %swap3A_1741 : vector<1x16xf32> to vector<16xf32>
        %swap3A_1743 = vector.shape_cast %add3A_1738 : vector<16xf32> to vector<1x16xf32>
        tpu.vector_store %arg10[%swap3A_1739, %swap3A_1740], %swap3A_1743 {strides = array<i32>} : memref<16x384xf32, #tpu.memory_space<vmem>>, vector<1x16xf32>,
        %get3A_1744 = arith.index_cast %scan3A_1285 : i32 to index
        %get3A_1745 = arith.constant 208 : index
        %get3A_1746 = tpu.vector_load %arg8[%get3A_1744, %get3A_1745] {strides = array<i32>} : memref<64x384xf32, #tpu.memory_space<vmem>>, vector<1x16xf32>,
        %get3A_1747 = vector.shape_cast %get3A_1746 : vector<1x16xf32> to vector<16xf32>
        %mul3A_1748 = arith.mulf %get3A_1747, %get3A_1289 : vector<16xf32>
        %add3A_1749 = arith.constant 16 : i32
        %add3A_1750 = arith.addi %scan3A_1285, %add3A_1749 : i32
        %get3A_1751 = arith.index_cast %add3A_1750 : i32 to index
        %get3A_1752 = arith.constant 208 : index
        %get3A_1753 = tpu.vector_load %arg8[%get3A_1751, %get3A_1752] {strides = array<i32>} : memref<64x384xf32, #tpu.memory_space<vmem>>, vector<1x16xf32>,
        %get3A_1754 = vector.shape_cast %get3A_1753 : vector<1x16xf32> to vector<16xf32>
        %mul3A_1755 = arith.mulf %get3A_1754, %get3A_1293 : vector<16xf32>
        %add3A_1756 = arith.addf %mul3A_1748, %mul3A_1755 : vector<16xf32>
        %add3A_1757 = arith.constant 32 : i32
        %add3A_1758 = arith.addi %scan3A_1285, %add3A_1757 : i32
        %get3A_1759 = arith.index_cast %add3A_1758 : i32 to index
        %get3A_1760 = arith.constant 208 : index
        %get3A_1761 = tpu.vector_load %arg8[%get3A_1759, %get3A_1760] {strides = array<i32>} : memref<64x384xf32, #tpu.memory_space<vmem>>, vector<1x16xf32>,
        %get3A_1762 = vector.shape_cast %get3A_1761 : vector<1x16xf32> to vector<16xf32>
        %mul3A_1763 = arith.mulf %get3A_1762, %get3A_1297 : vector<16xf32>
        %add3A_1764 = arith.addf %add3A_1756, %mul3A_1763 : vector<16xf32>
        %add3A_1765 = arith.constant 48 : i32
        %add3A_1766 = arith.addi %scan3A_1285, %add3A_1765 : i32
        %get3A_1767 = arith.index_cast %add3A_1766 : i32 to index
        %get3A_1768 = arith.constant 208 : index
        %get3A_1769 = tpu.vector_load %arg8[%get3A_1767, %get3A_1768] {strides = array<i32>} : memref<64x384xf32, #tpu.memory_space<vmem>>, vector<1x16xf32>,
        %get3A_1770 = vector.shape_cast %get3A_1769 : vector<1x16xf32> to vector<16xf32>
        %mul3A_1771 = arith.mulf %get3A_1770, %get3A_1301 : vector<16xf32>
        %add3A_1772 = arith.addf %add3A_1764, %mul3A_1771 : vector<16xf32>
        %swap3A_1773 = arith.index_cast %scan3A_1285 : i32 to index
        %swap3A_1774 = arith.constant 208 : index
        %swap3A_1775 = tpu.vector_load %arg10[%swap3A_1773, %swap3A_1774] {strides = array<i32>} : memref<16x384xf32, #tpu.memory_space<vmem>>, vector<1x16xf32>,
        %swap3A_1776 = vector.shape_cast %swap3A_1775 : vector<1x16xf32> to vector<16xf32>
        %swap3A_1777 = vector.shape_cast %add3A_1772 : vector<16xf32> to vector<1x16xf32>
        tpu.vector_store %arg10[%swap3A_1773, %swap3A_1774], %swap3A_1777 {strides = array<i32>} : memref<16x384xf32, #tpu.memory_space<vmem>>, vector<1x16xf32>,
        %get3A_1778 = arith.index_cast %scan3A_1285 : i32 to index
        %get3A_1779 = arith.constant 224 : index
        %get3A_1780 = tpu.vector_load %arg8[%get3A_1778, %get3A_1779] {strides = array<i32>} : memref<64x384xf32, #tpu.memory_space<vmem>>, vector<1x16xf32>,
        %get3A_1781 = vector.shape_cast %get3A_1780 : vector<1x16xf32> to vector<16xf32>
        %mul3A_1782 = arith.mulf %get3A_1781, %get3A_1289 : vector<16xf32>
        %add3A_1783 = arith.constant 16 : i32
        %add3A_1784 = arith.addi %scan3A_1285, %add3A_1783 : i32
        %get3A_1785 = arith.index_cast %add3A_1784 : i32 to index
        %get3A_1786 = arith.constant 224 : index
        %get3A_1787 = tpu.vector_load %arg8[%get3A_1785, %get3A_1786] {strides = array<i32>} : memref<64x384xf32, #tpu.memory_space<vmem>>, vector<1x16xf32>,
        %get3A_1788 = vector.shape_cast %get3A_1787 : vector<1x16xf32> to vector<16xf32>
        %mul3A_1789 = arith.mulf %get3A_1788, %get3A_1293 : vector<16xf32>
        %add3A_1790 = arith.addf %mul3A_1782, %mul3A_1789 : vector<16xf32>
        %add3A_1791 = arith.constant 32 : i32
        %add3A_1792 = arith.addi %scan3A_1285, %add3A_1791 : i32
        %get3A_1793 = arith.index_cast %add3A_1792 : i32 to index
        %get3A_1794 = arith.constant 224 : index
        %get3A_1795 = tpu.vector_load %arg8[%get3A_1793, %get3A_1794] {strides = array<i32>} : memref<64x384xf32, #tpu.memory_space<vmem>>, vector<1x16xf32>,
        %get3A_1796 = vector.shape_cast %get3A_1795 : vector<1x16xf32> to vector<16xf32>
        %mul3A_1797 = arith.mulf %get3A_1796, %get3A_1297 : vector<16xf32>
        %add3A_1798 = arith.addf %add3A_1790, %mul3A_1797 : vector<16xf32>
        %add3A_1799 = arith.constant 48 : i32
        %add3A_1800 = arith.addi %scan3A_1285, %add3A_1799 : i32
        %get3A_1801 = arith.index_cast %add3A_1800 : i32 to index
        %get3A_1802 = arith.constant 224 : index
        %get3A_1803 = tpu.vector_load %arg8[%get3A_1801, %get3A_1802] {strides = array<i32>} : memref<64x384xf32, #tpu.memory_space<vmem>>, vector<1x16xf32>,
        %get3A_1804 = vector.shape_cast %get3A_1803 : vector<1x16xf32> to vector<16xf32>
        %mul3A_1805 = arith.mulf %get3A_1804, %get3A_1301 : vector<16xf32>
        %add3A_1806 = arith.addf %add3A_1798, %mul3A_1805 : vector<16xf32>
        %swap3A_1807 = arith.index_cast %scan3A_1285 : i32 to index
        %swap3A_1808 = arith.constant 224 : index
        %swap3A_1809 = tpu.vector_load %arg10[%swap3A_1807, %swap3A_1808] {strides = array<i32>} : memref<16x384xf32, #tpu.memory_space<vmem>>, vector<1x16xf32>,
        %swap3A_1810 = vector.shape_cast %swap3A_1809 : vector<1x16xf32> to vector<16xf32>
        %swap3A_1811 = vector.shape_cast %add3A_1806 : vector<16xf32> to vector<1x16xf32>
        tpu.vector_store %arg10[%swap3A_1807, %swap3A_1808], %swap3A_1811 {strides = array<i32>} : memref<16x384xf32, #tpu.memory_space<vmem>>, vector<1x16xf32>,
        %get3A_1812 = arith.index_cast %scan3A_1285 : i32 to index
        %get3A_1813 = arith.constant 240 : index
        %get3A_1814 = tpu.vector_load %arg8[%get3A_1812, %get3A_1813] {strides = array<i32>} : memref<64x384xf32, #tpu.memory_space<vmem>>, vector<1x16xf32>,
        %get3A_1815 = vector.shape_cast %get3A_1814 : vector<1x16xf32> to vector<16xf32>
        %mul3A_1816 = arith.mulf %get3A_1815, %get3A_1289 : vector<16xf32>
        %add3A_1817 = arith.constant 16 : i32
        %add3A_1818 = arith.addi %scan3A_1285, %add3A_1817 : i32
        %get3A_1819 = arith.index_cast %add3A_1818 : i32 to index
        %get3A_1820 = arith.constant 240 : index
        %get3A_1821 = tpu.vector_load %arg8[%get3A_1819, %get3A_1820] {strides = array<i32>} : memref<64x384xf32, #tpu.memory_space<vmem>>, vector<1x16xf32>,
        %get3A_1822 = vector.shape_cast %get3A_1821 : vector<1x16xf32> to vector<16xf32>
        %mul3A_1823 = arith.mulf %get3A_1822, %get3A_1293 : vector<16xf32>
        %add3A_1824 = arith.addf %mul3A_1816, %mul3A_1823 : vector<16xf32>
        %add3A_1825 = arith.constant 32 : i32
        %add3A_1826 = arith.addi %scan3A_1285, %add3A_1825 : i32
        %get3A_1827 = arith.index_cast %add3A_1826 : i32 to index
        %get3A_1828 = arith.constant 240 : index
        %get3A_1829 = tpu.vector_load %arg8[%get3A_1827, %get3A_1828] {strides = array<i32>} : memref<64x384xf32, #tpu.memory_space<vmem>>, vector<1x16xf32>,
        %get3A_1830 = vector.shape_cast %get3A_1829 : vector<1x16xf32> to vector<16xf32>
        %mul3A_1831 = arith.mulf %get3A_1830, %get3A_1297 : vector<16xf32>
        %add3A_1832 = arith.addf %add3A_1824, %mul3A_1831 : vector<16xf32>
        %add3A_1833 = arith.constant 48 : i32
        %add3A_1834 = arith.addi %scan3A_1285, %add3A_1833 : i32
        %get3A_1835 = arith.index_cast %add3A_1834 : i32 to index
        %get3A_1836 = arith.constant 240 : index
        %get3A_1837 = tpu.vector_load %arg8[%get3A_1835, %get3A_1836] {strides = array<i32>} : memref<64x384xf32, #tpu.memory_space<vmem>>, vector<1x16xf32>,
        %get3A_1838 = vector.shape_cast %get3A_1837 : vector<1x16xf32> to vector<16xf32>
        %mul3A_1839 = arith.mulf %get3A_1838, %get3A_1301 : vector<16xf32>
        %add3A_1840 = arith.addf %add3A_1832, %mul3A_1839 : vector<16xf32>
        %swap3A_1841 = arith.index_cast %scan3A_1285 : i32 to index
        %swap3A_1842 = arith.constant 240 : index
        %swap3A_1843 = tpu.vector_load %arg10[%swap3A_1841, %swap3A_1842] {strides = array<i32>} : memref<16x384xf32, #tpu.memory_space<vmem>>, vector<1x16xf32>,
        %swap3A_1844 = vector.shape_cast %swap3A_1843 : vector<1x16xf32> to vector<16xf32>
        %swap3A_1845 = vector.shape_cast %add3A_1840 : vector<16xf32> to vector<1x16xf32>
        tpu.vector_store %arg10[%swap3A_1841, %swap3A_1842], %swap3A_1845 {strides = array<i32>} : memref<16x384xf32, #tpu.memory_space<vmem>>, vector<1x16xf32>,
        %get3A_1846 = arith.index_cast %scan3A_1285 : i32 to index
        %get3A_1847 = arith.constant 256 : index
        %get3A_1848 = tpu.vector_load %arg8[%get3A_1846, %get3A_1847] {strides = array<i32>} : memref<64x384xf32, #tpu.memory_space<vmem>>, vector<1x16xf32>,
        %get3A_1849 = vector.shape_cast %get3A_1848 : vector<1x16xf32> to vector<16xf32>
        %mul3A_1850 = arith.mulf %get3A_1849, %get3A_1289 : vector<16xf32>
        %add3A_1851 = arith.constant 16 : i32
        %add3A_1852 = arith.addi %scan3A_1285, %add3A_1851 : i32
        %get3A_1853 = arith.index_cast %add3A_1852 : i32 to index
        %get3A_1854 = arith.constant 256 : index
        %get3A_1855 = tpu.vector_load %arg8[%get3A_1853, %get3A_1854] {strides = array<i32>} : memref<64x384xf32, #tpu.memory_space<vmem>>, vector<1x16xf32>,
        %get3A_1856 = vector.shape_cast %get3A_1855 : vector<1x16xf32> to vector<16xf32>
        %mul3A_1857 = arith.mulf %get3A_1856, %get3A_1293 : vector<16xf32>
        %add3A_1858 = arith.addf %mul3A_1850, %mul3A_1857 : vector<16xf32>
        %add3A_1859 = arith.constant 32 : i32
        %add3A_1860 = arith.addi %scan3A_1285, %add3A_1859 : i32
        %get3A_1861 = arith.index_cast %add3A_1860 : i32 to index
        %get3A_1862 = arith.constant 256 : index
        %get3A_1863 = tpu.vector_load %arg8[%get3A_1861, %get3A_1862] {strides = array<i32>} : memref<64x384xf32, #tpu.memory_space<vmem>>, vector<1x16xf32>,
        %get3A_1864 = vector.shape_cast %get3A_1863 : vector<1x16xf32> to vector<16xf32>
        %mul3A_1865 = arith.mulf %get3A_1864, %get3A_1297 : vector<16xf32>
        %add3A_1866 = arith.addf %add3A_1858, %mul3A_1865 : vector<16xf32>
        %add3A_1867 = arith.constant 48 : i32
        %add3A_1868 = arith.addi %scan3A_1285, %add3A_1867 : i32
        %get3A_1869 = arith.index_cast %add3A_1868 : i32 to index
        %get3A_1870 = arith.constant 256 : index
        %get3A_1871 = tpu.vector_load %arg8[%get3A_1869, %get3A_1870] {strides = array<i32>} : memref<64x384xf32, #tpu.memory_space<vmem>>, vector<1x16xf32>,
        %get3A_1872 = vector.shape_cast %get3A_1871 : vector<1x16xf32> to vector<16xf32>
        %mul3A_1873 = arith.mulf %get3A_1872, %get3A_1301 : vector<16xf32>
        %add3A_1874 = arith.addf %add3A_1866, %mul3A_1873 : vector<16xf32>
        %swap3A_1875 = arith.index_cast %scan3A_1285 : i32 to index
        %swap3A_1876 = arith.constant 256 : index
        %swap3A_1877 = tpu.vector_load %arg10[%swap3A_1875, %swap3A_1876] {strides = array<i32>} : memref<16x384xf32, #tpu.memory_space<vmem>>, vector<1x16xf32>,
        %swap3A_1878 = vector.shape_cast %swap3A_1877 : vector<1x16xf32> to vector<16xf32>
        %swap3A_1879 = vector.shape_cast %add3A_1874 : vector<16xf32> to vector<1x16xf32>
        tpu.vector_store %arg10[%swap3A_1875, %swap3A_1876], %swap3A_1879 {strides = array<i32>} : memref<16x384xf32, #tpu.memory_space<vmem>>, vector<1x16xf32>,
        %get3A_1880 = arith.index_cast %scan3A_1285 : i32 to index
        %get3A_1881 = arith.constant 272 : index
        %get3A_1882 = tpu.vector_load %arg8[%get3A_1880, %get3A_1881] {strides = array<i32>} : memref<64x384xf32, #tpu.memory_space<vmem>>, vector<1x16xf32>,
        %get3A_1883 = vector.shape_cast %get3A_1882 : vector<1x16xf32> to vector<16xf32>
        %mul3A_1884 = arith.mulf %get3A_1883, %get3A_1289 : vector<16xf32>
        %add3A_1885 = arith.constant 16 : i32
        %add3A_1886 = arith.addi %scan3A_1285, %add3A_1885 : i32
        %get3A_1887 = arith.index_cast %add3A_1886 : i32 to index
        %get3A_1888 = arith.constant 272 : index
        %get3A_1889 = tpu.vector_load %arg8[%get3A_1887, %get3A_1888] {strides = array<i32>} : memref<64x384xf32, #tpu.memory_space<vmem>>, vector<1x16xf32>,
        %get3A_1890 = vector.shape_cast %get3A_1889 : vector<1x16xf32> to vector<16xf32>
        %mul3A_1891 = arith.mulf %get3A_1890, %get3A_1293 : vector<16xf32>
        %add3A_1892 = arith.addf %mul3A_1884, %mul3A_1891 : vector<16xf32>
        %add3A_1893 = arith.constant 32 : i32
        %add3A_1894 = arith.addi %scan3A_1285, %add3A_1893 : i32
        %get3A_1895 = arith.index_cast %add3A_1894 : i32 to index
        %get3A_1896 = arith.constant 272 : index
        %get3A_1897 = tpu.vector_load %arg8[%get3A_1895, %get3A_1896] {strides = array<i32>} : memref<64x384xf32, #tpu.memory_space<vmem>>, vector<1x16xf32>,
        %get3A_1898 = vector.shape_cast %get3A_1897 : vector<1x16xf32> to vector<16xf32>
        %mul3A_1899 = arith.mulf %get3A_1898, %get3A_1297 : vector<16xf32>
        %add3A_1900 = arith.addf %add3A_1892, %mul3A_1899 : vector<16xf32>
        %add3A_1901 = arith.constant 48 : i32
        %add3A_1902 = arith.addi %scan3A_1285, %add3A_1901 : i32
        %get3A_1903 = arith.index_cast %add3A_1902 : i32 to index
        %get3A_1904 = arith.constant 272 : index
        %get3A_1905 = tpu.vector_load %arg8[%get3A_1903, %get3A_1904] {strides = array<i32>} : memref<64x384xf32, #tpu.memory_space<vmem>>, vector<1x16xf32>,
        %get3A_1906 = vector.shape_cast %get3A_1905 : vector<1x16xf32> to vector<16xf32>
        %mul3A_1907 = arith.mulf %get3A_1906, %get3A_1301 : vector<16xf32>
        %add3A_1908 = arith.addf %add3A_1900, %mul3A_1907 : vector<16xf32>
        %swap3A_1909 = arith.index_cast %scan3A_1285 : i32 to index
        %swap3A_1910 = arith.constant 272 : index
        %swap3A_1911 = tpu.vector_load %arg10[%swap3A_1909, %swap3A_1910] {strides = array<i32>} : memref<16x384xf32, #tpu.memory_space<vmem>>, vector<1x16xf32>,
        %swap3A_1912 = vector.shape_cast %swap3A_1911 : vector<1x16xf32> to vector<16xf32>
        %swap3A_1913 = vector.shape_cast %add3A_1908 : vector<16xf32> to vector<1x16xf32>
        tpu.vector_store %arg10[%swap3A_1909, %swap3A_1910], %swap3A_1913 {strides = array<i32>} : memref<16x384xf32, #tpu.memory_space<vmem>>, vector<1x16xf32>,
        %get3A_1914 = arith.index_cast %scan3A_1285 : i32 to index
        %get3A_1915 = arith.constant 288 : index
        %get3A_1916 = tpu.vector_load %arg8[%get3A_1914, %get3A_1915] {strides = array<i32>} : memref<64x384xf32, #tpu.memory_space<vmem>>, vector<1x16xf32>,
        %get3A_1917 = vector.shape_cast %get3A_1916 : vector<1x16xf32> to vector<16xf32>
        %mul3A_1918 = arith.mulf %get3A_1917, %get3A_1289 : vector<16xf32>
        %add3A_1919 = arith.constant 16 : i32
        %add3A_1920 = arith.addi %scan3A_1285, %add3A_1919 : i32
        %get3A_1921 = arith.index_cast %add3A_1920 : i32 to index
        %get3A_1922 = arith.constant 288 : index
        %get3A_1923 = tpu.vector_load %arg8[%get3A_1921, %get3A_1922] {strides = array<i32>} : memref<64x384xf32, #tpu.memory_space<vmem>>, vector<1x16xf32>,
        %get3A_1924 = vector.shape_cast %get3A_1923 : vector<1x16xf32> to vector<16xf32>
        %mul3A_1925 = arith.mulf %get3A_1924, %get3A_1293 : vector<16xf32>
        %add3A_1926 = arith.addf %mul3A_1918, %mul3A_1925 : vector<16xf32>
        %add3A_1927 = arith.constant 32 : i32
        %add3A_1928 = arith.addi %scan3A_1285, %add3A_1927 : i32
        %get3A_1929 = arith.index_cast %add3A_1928 : i32 to index
        %get3A_1930 = arith.constant 288 : index
        %get3A_1931 = tpu.vector_load %arg8[%get3A_1929, %get3A_1930] {strides = array<i32>} : memref<64x384xf32, #tpu.memory_space<vmem>>, vector<1x16xf32>,
        %get3A_1932 = vector.shape_cast %get3A_1931 : vector<1x16xf32> to vector<16xf32>
        %mul3A_1933 = arith.mulf %get3A_1932, %get3A_1297 : vector<16xf32>
        %add3A_1934 = arith.addf %add3A_1926, %mul3A_1933 : vector<16xf32>
        %add3A_1935 = arith.constant 48 : i32
        %add3A_1936 = arith.addi %scan3A_1285, %add3A_1935 : i32
        %get3A_1937 = arith.index_cast %add3A_1936 : i32 to index
        %get3A_1938 = arith.constant 288 : index
        %get3A_1939 = tpu.vector_load %arg8[%get3A_1937, %get3A_1938] {strides = array<i32>} : memref<64x384xf32, #tpu.memory_space<vmem>>, vector<1x16xf32>,
        %get3A_1940 = vector.shape_cast %get3A_1939 : vector<1x16xf32> to vector<16xf32>
        %mul3A_1941 = arith.mulf %get3A_1940, %get3A_1301 : vector<16xf32>
        %add3A_1942 = arith.addf %add3A_1934, %mul3A_1941 : vector<16xf32>
        %swap3A_1943 = arith.index_cast %scan3A_1285 : i32 to index
        %swap3A_1944 = arith.constant 288 : index
        %swap3A_1945 = tpu.vector_load %arg10[%swap3A_1943, %swap3A_1944] {strides = array<i32>} : memref<16x384xf32, #tpu.memory_space<vmem>>, vector<1x16xf32>,
        %swap3A_1946 = vector.shape_cast %swap3A_1945 : vector<1x16xf32> to vector<16xf32>
        %swap3A_1947 = vector.shape_cast %add3A_1942 : vector<16xf32> to vector<1x16xf32>
        tpu.vector_store %arg10[%swap3A_1943, %swap3A_1944], %swap3A_1947 {strides = array<i32>} : memref<16x384xf32, #tpu.memory_space<vmem>>, vector<1x16xf32>,
        %get3A_1948 = arith.index_cast %scan3A_1285 : i32 to index
        %get3A_1949 = arith.constant 304 : index
        %get3A_1950 = tpu.vector_load %arg8[%get3A_1948, %get3A_1949] {strides = array<i32>} : memref<64x384xf32, #tpu.memory_space<vmem>>, vector<1x16xf32>,
        %get3A_1951 = vector.shape_cast %get3A_1950 : vector<1x16xf32> to vector<16xf32>
        %mul3A_1952 = arith.mulf %get3A_1951, %get3A_1289 : vector<16xf32>
        %add3A_1953 = arith.constant 16 : i32
        %add3A_1954 = arith.addi %scan3A_1285, %add3A_1953 : i32
        %get3A_1955 = arith.index_cast %add3A_1954 : i32 to index
        %get3A_1956 = arith.constant 304 : index
        %get3A_1957 = tpu.vector_load %arg8[%get3A_1955, %get3A_1956] {strides = array<i32>} : memref<64x384xf32, #tpu.memory_space<vmem>>, vector<1x16xf32>,
        %get3A_1958 = vector.shape_cast %get3A_1957 : vector<1x16xf32> to vector<16xf32>
        %mul3A_1959 = arith.mulf %get3A_1958, %get3A_1293 : vector<16xf32>
        %add3A_1960 = arith.addf %mul3A_1952, %mul3A_1959 : vector<16xf32>
        %add3A_1961 = arith.constant 32 : i32
        %add3A_1962 = arith.addi %scan3A_1285, %add3A_1961 : i32
        %get3A_1963 = arith.index_cast %add3A_1962 : i32 to index
        %get3A_1964 = arith.constant 304 : index
        %get3A_1965 = tpu.vector_load %arg8[%get3A_1963, %get3A_1964] {strides = array<i32>} : memref<64x384xf32, #tpu.memory_space<vmem>>, vector<1x16xf32>,
        %get3A_1966 = vector.shape_cast %get3A_1965 : vector<1x16xf32> to vector<16xf32>
        %mul3A_1967 = arith.mulf %get3A_1966, %get3A_1297 : vector<16xf32>
        %add3A_1968 = arith.addf %add3A_1960, %mul3A_1967 : vector<16xf32>
        %add3A_1969 = arith.constant 48 : i32
        %add3A_1970 = arith.addi %scan3A_1285, %add3A_1969 : i32
        %get3A_1971 = arith.index_cast %add3A_1970 : i32 to index
        %get3A_1972 = arith.constant 304 : index
        %get3A_1973 = tpu.vector_load %arg8[%get3A_1971, %get3A_1972] {strides = array<i32>} : memref<64x384xf32, #tpu.memory_space<vmem>>, vector<1x16xf32>,
        %get3A_1974 = vector.shape_cast %get3A_1973 : vector<1x16xf32> to vector<16xf32>
        %mul3A_1975 = arith.mulf %get3A_1974, %get3A_1301 : vector<16xf32>
        %add3A_1976 = arith.addf %add3A_1968, %mul3A_1975 : vector<16xf32>
        %swap3A_1977 = arith.index_cast %scan3A_1285 : i32 to index
        %swap3A_1978 = arith.constant 304 : index
        %swap3A_1979 = tpu.vector_load %arg10[%swap3A_1977, %swap3A_1978] {strides = array<i32>} : memref<16x384xf32, #tpu.memory_space<vmem>>, vector<1x16xf32>,
        %swap3A_1980 = vector.shape_cast %swap3A_1979 : vector<1x16xf32> to vector<16xf32>
        %swap3A_1981 = vector.shape_cast %add3A_1976 : vector<16xf32> to vector<1x16xf32>
        tpu.vector_store %arg10[%swap3A_1977, %swap3A_1978], %swap3A_1981 {strides = array<i32>} : memref<16x384xf32, #tpu.memory_space<vmem>>, vector<1x16xf32>,
        %get3A_1982 = arith.index_cast %scan3A_1285 : i32 to index
        %get3A_1983 = arith.constant 320 : index
        %get3A_1984 = tpu.vector_load %arg8[%get3A_1982, %get3A_1983] {strides = array<i32>} : memref<64x384xf32, #tpu.memory_space<vmem>>, vector<1x16xf32>,
        %get3A_1985 = vector.shape_cast %get3A_1984 : vector<1x16xf32> to vector<16xf32>
        %mul3A_1986 = arith.mulf %get3A_1985, %get3A_1289 : vector<16xf32>
        %add3A_1987 = arith.constant 16 : i32
        %add3A_1988 = arith.addi %scan3A_1285, %add3A_1987 : i32
        %get3A_1989 = arith.index_cast %add3A_1988 : i32 to index
        %get3A_1990 = arith.constant 320 : index
        %get3A_1991 = tpu.vector_load %arg8[%get3A_1989, %get3A_1990] {strides = array<i32>} : memref<64x384xf32, #tpu.memory_space<vmem>>, vector<1x16xf32>,
        %get3A_1992 = vector.shape_cast %get3A_1991 : vector<1x16xf32> to vector<16xf32>
        %mul3A_1993 = arith.mulf %get3A_1992, %get3A_1293 : vector<16xf32>
        %add3A_1994 = arith.addf %mul3A_1986, %mul3A_1993 : vector<16xf32>
        %add3A_1995 = arith.constant 32 : i32
        %add3A_1996 = arith.addi %scan3A_1285, %add3A_1995 : i32
        %get3A_1997 = arith.index_cast %add3A_1996 : i32 to index
        %get3A_1998 = arith.constant 320 : index
        %get3A_1999 = tpu.vector_load %arg8[%get3A_1997, %get3A_1998] {strides = array<i32>} : memref<64x384xf32, #tpu.memory_space<vmem>>, vector<1x16xf32>,
        %get3A_2000 = vector.shape_cast %get3A_1999 : vector<1x16xf32> to vector<16xf32>
        %mul3A_2001 = arith.mulf %get3A_2000, %get3A_1297 : vector<16xf32>
        %add3A_2002 = arith.addf %add3A_1994, %mul3A_2001 : vector<16xf32>
        %add3A_2003 = arith.constant 48 : i32
        %add3A_2004 = arith.addi %scan3A_1285, %add3A_2003 : i32
        %get3A_2005 = arith.index_cast %add3A_2004 : i32 to index
        %get3A_2006 = arith.constant 320 : index
        %get3A_2007 = tpu.vector_load %arg8[%get3A_2005, %get3A_2006] {strides = array<i32>} : memref<64x384xf32, #tpu.memory_space<vmem>>, vector<1x16xf32>,
        %get3A_2008 = vector.shape_cast %get3A_2007 : vector<1x16xf32> to vector<16xf32>
        %mul3A_2009 = arith.mulf %get3A_2008, %get3A_1301 : vector<16xf32>
        %add3A_2010 = arith.addf %add3A_2002, %mul3A_2009 : vector<16xf32>
        %swap3A_2011 = arith.index_cast %scan3A_1285 : i32 to index
        %swap3A_2012 = arith.constant 320 : index
        %swap3A_2013 = tpu.vector_load %arg10[%swap3A_2011, %swap3A_2012] {strides = array<i32>} : memref<16x384xf32, #tpu.memory_space<vmem>>, vector<1x16xf32>,
        %swap3A_2014 = vector.shape_cast %swap3A_2013 : vector<1x16xf32> to vector<16xf32>
        %swap3A_2015 = vector.shape_cast %add3A_2010 : vector<16xf32> to vector<1x16xf32>
        tpu.vector_store %arg10[%swap3A_2011, %swap3A_2012], %swap3A_2015 {strides = array<i32>} : memref<16x384xf32, #tpu.memory_space<vmem>>, vector<1x16xf32>,
        %get3A_2016 = arith.index_cast %scan3A_1285 : i32 to index
        %get3A_2017 = arith.constant 336 : index
        %get3A_2018 = tpu.vector_load %arg8[%get3A_2016, %get3A_2017] {strides = array<i32>} : memref<64x384xf32, #tpu.memory_space<vmem>>, vector<1x16xf32>,
        %get3A_2019 = vector.shape_cast %get3A_2018 : vector<1x16xf32> to vector<16xf32>
        %mul3A_2020 = arith.mulf %get3A_2019, %get3A_1289 : vector<16xf32>
        %add3A_2021 = arith.constant 16 : i32
        %add3A_2022 = arith.addi %scan3A_1285, %add3A_2021 : i32
        %get3A_2023 = arith.index_cast %add3A_2022 : i32 to index
        %get3A_2024 = arith.constant 336 : index
        %get3A_2025 = tpu.vector_load %arg8[%get3A_2023, %get3A_2024] {strides = array<i32>} : memref<64x384xf32, #tpu.memory_space<vmem>>, vector<1x16xf32>,
        %get3A_2026 = vector.shape_cast %get3A_2025 : vector<1x16xf32> to vector<16xf32>
        %mul3A_2027 = arith.mulf %get3A_2026, %get3A_1293 : vector<16xf32>
        %add3A_2028 = arith.addf %mul3A_2020, %mul3A_2027 : vector<16xf32>
        %add3A_2029 = arith.constant 32 : i32
        %add3A_2030 = arith.addi %scan3A_1285, %add3A_2029 : i32
        %get3A_2031 = arith.index_cast %add3A_2030 : i32 to index
        %get3A_2032 = arith.constant 336 : index
        %get3A_2033 = tpu.vector_load %arg8[%get3A_2031, %get3A_2032] {strides = array<i32>} : memref<64x384xf32, #tpu.memory_space<vmem>>, vector<1x16xf32>,
        %get3A_2034 = vector.shape_cast %get3A_2033 : vector<1x16xf32> to vector<16xf32>
        %mul3A_2035 = arith.mulf %get3A_2034, %get3A_1297 : vector<16xf32>
        %add3A_2036 = arith.addf %add3A_2028, %mul3A_2035 : vector<16xf32>
        %add3A_2037 = arith.constant 48 : i32
        %add3A_2038 = arith.addi %scan3A_1285, %add3A_2037 : i32
        %get3A_2039 = arith.index_cast %add3A_2038 : i32 to index
        %get3A_2040 = arith.constant 336 : index
        %get3A_2041 = tpu.vector_load %arg8[%get3A_2039, %get3A_2040] {strides = array<i32>} : memref<64x384xf32, #tpu.memory_space<vmem>>, vector<1x16xf32>,
        %get3A_2042 = vector.shape_cast %get3A_2041 : vector<1x16xf32> to vector<16xf32>
        %mul3A_2043 = arith.mulf %get3A_2042, %get3A_1301 : vector<16xf32>
        %add3A_2044 = arith.addf %add3A_2036, %mul3A_2043 : vector<16xf32>
        %swap3A_2045 = arith.index_cast %scan3A_1285 : i32 to index
        %swap3A_2046 = arith.constant 336 : index
        %swap3A_2047 = tpu.vector_load %arg10[%swap3A_2045, %swap3A_2046] {strides = array<i32>} : memref<16x384xf32, #tpu.memory_space<vmem>>, vector<1x16xf32>,
        %swap3A_2048 = vector.shape_cast %swap3A_2047 : vector<1x16xf32> to vector<16xf32>
        %swap3A_2049 = vector.shape_cast %add3A_2044 : vector<16xf32> to vector<1x16xf32>
        tpu.vector_store %arg10[%swap3A_2045, %swap3A_2046], %swap3A_2049 {strides = array<i32>} : memref<16x384xf32, #tpu.memory_space<vmem>>, vector<1x16xf32>,
        %get3A_2050 = arith.index_cast %scan3A_1285 : i32 to index
        %get3A_2051 = arith.constant 352 : index
        %get3A_2052 = tpu.vector_load %arg8[%get3A_2050, %get3A_2051] {strides = array<i32>} : memref<64x384xf32, #tpu.memory_space<vmem>>, vector<1x16xf32>,
        %get3A_2053 = vector.shape_cast %get3A_2052 : vector<1x16xf32> to vector<16xf32>
        %mul3A_2054 = arith.mulf %get3A_2053, %get3A_1289 : vector<16xf32>
        %add3A_2055 = arith.constant 16 : i32
        %add3A_2056 = arith.addi %scan3A_1285, %add3A_2055 : i32
        %get3A_2057 = arith.index_cast %add3A_2056 : i32 to index
        %get3A_2058 = arith.constant 352 : index
        %get3A_2059 = tpu.vector_load %arg8[%get3A_2057, %get3A_2058] {strides = array<i32>} : memref<64x384xf32, #tpu.memory_space<vmem>>, vector<1x16xf32>,
        %get3A_2060 = vector.shape_cast %get3A_2059 : vector<1x16xf32> to vector<16xf32>
        %mul3A_2061 = arith.mulf %get3A_2060, %get3A_1293 : vector<16xf32>
        %add3A_2062 = arith.addf %mul3A_2054, %mul3A_2061 : vector<16xf32>
        %add3A_2063 = arith.constant 32 : i32
        %add3A_2064 = arith.addi %scan3A_1285, %add3A_2063 : i32
        %get3A_2065 = arith.index_cast %add3A_2064 : i32 to index
        %get3A_2066 = arith.constant 352 : index
        %get3A_2067 = tpu.vector_load %arg8[%get3A_2065, %get3A_2066] {strides = array<i32>} : memref<64x384xf32, #tpu.memory_space<vmem>>, vector<1x16xf32>,
        %get3A_2068 = vector.shape_cast %get3A_2067 : vector<1x16xf32> to vector<16xf32>
        %mul3A_2069 = arith.mulf %get3A_2068, %get3A_1297 : vector<16xf32>
        %add3A_2070 = arith.addf %add3A_2062, %mul3A_2069 : vector<16xf32>
        %add3A_2071 = arith.constant 48 : i32
        %add3A_2072 = arith.addi %scan3A_1285, %add3A_2071 : i32
        %get3A_2073 = arith.index_cast %add3A_2072 : i32 to index
        %get3A_2074 = arith.constant 352 : index
        %get3A_2075 = tpu.vector_load %arg8[%get3A_2073, %get3A_2074] {strides = array<i32>} : memref<64x384xf32, #tpu.memory_space<vmem>>, vector<1x16xf32>,
        %get3A_2076 = vector.shape_cast %get3A_2075 : vector<1x16xf32> to vector<16xf32>
        %mul3A_2077 = arith.mulf %get3A_2076, %get3A_1301 : vector<16xf32>
        %add3A_2078 = arith.addf %add3A_2070, %mul3A_2077 : vector<16xf32>
        %swap3A_2079 = arith.index_cast %scan3A_1285 : i32 to index
        %swap3A_2080 = arith.constant 352 : index
        %swap3A_2081 = tpu.vector_load %arg10[%swap3A_2079, %swap3A_2080] {strides = array<i32>} : memref<16x384xf32, #tpu.memory_space<vmem>>, vector<1x16xf32>,
        %swap3A_2082 = vector.shape_cast %swap3A_2081 : vector<1x16xf32> to vector<16xf32>
        %swap3A_2083 = vector.shape_cast %add3A_2078 : vector<16xf32> to vector<1x16xf32>
        tpu.vector_store %arg10[%swap3A_2079, %swap3A_2080], %swap3A_2083 {strides = array<i32>} : memref<16x384xf32, #tpu.memory_space<vmem>>, vector<1x16xf32>,
        %get3A_2084 = arith.index_cast %scan3A_1285 : i32 to index
        %get3A_2085 = arith.constant 368 : index
        %get3A_2086 = tpu.vector_load %arg8[%get3A_2084, %get3A_2085] {strides = array<i32>} : memref<64x384xf32, #tpu.memory_space<vmem>>, vector<1x16xf32>,
        %get3A_2087 = vector.shape_cast %get3A_2086 : vector<1x16xf32> to vector<16xf32>
        %mul3A_2088 = arith.mulf %get3A_2087, %get3A_1289 : vector<16xf32>
        %add3A_2089 = arith.constant 16 : i32
        %add3A_2090 = arith.addi %scan3A_1285, %add3A_2089 : i32
        %get3A_2091 = arith.index_cast %add3A_2090 : i32 to index
        %get3A_2092 = arith.constant 368 : index
        %get3A_2093 = tpu.vector_load %arg8[%get3A_2091, %get3A_2092] {strides = array<i32>} : memref<64x384xf32, #tpu.memory_space<vmem>>, vector<1x16xf32>,
        %get3A_2094 = vector.shape_cast %get3A_2093 : vector<1x16xf32> to vector<16xf32>
        %mul3A_2095 = arith.mulf %get3A_2094, %get3A_1293 : vector<16xf32>
        %add3A_2096 = arith.addf %mul3A_2088, %mul3A_2095 : vector<16xf32>
        %add3A_2097 = arith.constant 32 : i32
        %add3A_2098 = arith.addi %scan3A_1285, %add3A_2097 : i32
        %get3A_2099 = arith.index_cast %add3A_2098 : i32 to index
        %get3A_2100 = arith.constant 368 : index
        %get3A_2101 = tpu.vector_load %arg8[%get3A_2099, %get3A_2100] {strides = array<i32>} : memref<64x384xf32, #tpu.memory_space<vmem>>, vector<1x16xf32>,
        %get3A_2102 = vector.shape_cast %get3A_2101 : vector<1x16xf32> to vector<16xf32>
        %mul3A_2103 = arith.mulf %get3A_2102, %get3A_1297 : vector<16xf32>
        %add3A_2104 = arith.addf %add3A_2096, %mul3A_2103 : vector<16xf32>
        %add3A_2105 = arith.constant 48 : i32
        %add3A_2106 = arith.addi %scan3A_1285, %add3A_2105 : i32
        %get3A_2107 = arith.index_cast %add3A_2106 : i32 to index
        %get3A_2108 = arith.constant 368 : index
        %get3A_2109 = tpu.vector_load %arg8[%get3A_2107, %get3A_2108] {strides = array<i32>} : memref<64x384xf32, #tpu.memory_space<vmem>>, vector<1x16xf32>,
        %get3A_2110 = vector.shape_cast %get3A_2109 : vector<1x16xf32> to vector<16xf32>
        %mul3A_2111 = arith.mulf %get3A_2110, %get3A_1301 : vector<16xf32>
        %add3A_2112 = arith.addf %add3A_2104, %mul3A_2111 : vector<16xf32>
        %swap3A_2113 = arith.index_cast %scan3A_1285 : i32 to index
        %swap3A_2114 = arith.constant 368 : index
        %swap3A_2115 = tpu.vector_load %arg10[%swap3A_2113, %swap3A_2114] {strides = array<i32>} : memref<16x384xf32, #tpu.memory_space<vmem>>, vector<1x16xf32>,
        %swap3A_2116 = vector.shape_cast %swap3A_2115 : vector<1x16xf32> to vector<16xf32>
        %swap3A_2117 = vector.shape_cast %add3A_2112 : vector<16xf32> to vector<1x16xf32>
        tpu.vector_store %arg10[%swap3A_2113, %swap3A_2114], %swap3A_2117 {strides = array<i32>} : memref<16x384xf32, #tpu.memory_space<vmem>>, vector<1x16xf32>,
      }
      %scan3A_643 = arith.constant 16 : i32
      %mul3A_644 = arith.constant 16 : i32
      %mul3A_645 = arith.muli %add3A_37, %mul3A_644 : i32
      %add3A_646 = arith.addi %mul3A_2, %mul3A_645 : i32
      %dma_start3A_647 = arith.constant 0 : i32
      %dma_start3A_648 = tpu.memref_slice %arg5[%add3A_646, %dma_start3A_647] : memref<147456x384xf32, #tpu.memory_space<hbm>> -> memref<16x384xf32, #tpu.memory_space<hbm>>
      %dma_start3A_649 = arith.constant 0 : i32
      %dma_start3A_650 = tpu.memref_slice %arg5[%add3A_646, %dma_start3A_649] : memref<147456x384xf32, #tpu.memory_space<hbm>> -> memref<16x384xf32, #tpu.memory_space<hbm>>
      tpu.enqueue_dma source(%arg10 : memref<16x384xf32, #tpu.memory_space<vmem>>) target(%dma_start3A_650 : memref<16x384xf32, #tpu.memory_space<hbm>>) target_semaphore(%arg18 : memref<!tpu.dma_semaphore, #tpu.memory_space<semaphore_mem>>)
      %lt3A = arith.constant 143 : i32
      %lt3A_651 = arith.cmpi slt, %scan3A_33, %lt3A : i32
      %convert_element_type3A_652 = arith.extui %lt3A_651 : i1 to i32
      %cond3A_653 = arith.constant 0 : i32
      %cond3A_654 = arith.cmpi ne, %convert_element_type3A_652, %cond3A_653 : i32
      scf.if %cond3A_654 {
        %add3A_1285 = arith.constant 2 : i32
        %add3A_1286 = arith.addi %add3A_37, %add3A_1285 : i32
        %mul3A_1287 = arith.constant 64 : i32
        %mul3A_1288 = arith.muli %add3A_1286, %mul3A_1287 : i32
        %multiple_of3A_1289 = tpu.assume_multiple %mul3A_1288, 64 : i32
        %dma_start3A_1290 = tpu.memref_slice %arg6[%multiple_of3A_1289] : memref<18432xi32, #tpu.memory_space<vmem>> -> memref<64xi32, #tpu.memory_space<vmem>>
        %dma_start3A_1291 = arith.constant 0 : i32
        %dma_start3A_1292 = arith.constant 0 : i32
        %dma_start3A_1293 = tpu.memref_slice %arg2[%dma_start3A_1291, %dma_start3A_1292] : memref<147456x384xf32, #tpu.memory_space<hbm>> -> memref<147456x384xf32, #tpu.memory_space<hbm>>
        tpu.enqueue_indirect_dma source(%dma_start3A_1293 : memref<147456x384xf32, #tpu.memory_space<hbm>>) target(%arg8 : memref<64x384xf32, #tpu.memory_space<vmem>>) offsets(%dma_start3A_1290 : memref<64xi32, #tpu.memory_space<vmem>>) semaphore(%arg16 : memref<!tpu.dma_semaphore, #tpu.memory_space<semaphore_mem>>)
      } else {
      }
      %mul3A_655 = arith.constant 2 : i32
      %mul3A_656 = arith.muli %scan3A_33, %mul3A_655 : i32
      %add3A_657 = arith.constant 1 : i32
      %add3A_658 = arith.addi %mul3A_656, %add3A_657 : i32
      %mul3A_659 = arith.constant 64 : i32
      %mul3A_660 = arith.muli %add3A_658, %mul3A_659 : i32
      %multiple_of3A_661 = tpu.assume_multiple %mul3A_660, 64 : i32
      %get3A_662 = arith.index_cast %multiple_of3A_661 : i32 to index
      %get3A_663 = tpu.vector_load %arg7[%get3A_662] {strides = array<i32>} : memref<18432xf32, #tpu.memory_space<vmem>>, vector<16xf32>,
      %get3A_664 = vector.shape_cast %get3A_663 : vector<16xf32> to vector<16xf32>
      %add3A_665 = arith.constant 16 : i32
      %add3A_666 = arith.addi %multiple_of3A_661, %add3A_665 : i32
      %get3A_667 = arith.index_cast %add3A_666 : i32 to index
      %get3A_668 = tpu.vector_load %arg7[%get3A_667] {strides = array<i32>} : memref<18432xf32, #tpu.memory_space<vmem>>, vector<16xf32>,
      %get3A_669 = vector.shape_cast %get3A_668 : vector<16xf32> to vector<16xf32>
      %add3A_670 = arith.constant 32 : i32
      %add3A_671 = arith.addi %multiple_of3A_661, %add3A_670 : i32
      %get3A_672 = arith.index_cast %add3A_671 : i32 to index
      %get3A_673 = tpu.vector_load %arg7[%get3A_672] {strides = array<i32>} : memref<18432xf32, #tpu.memory_space<vmem>>, vector<16xf32>,
      %get3A_674 = vector.shape_cast %get3A_673 : vector<16xf32> to vector<16xf32>
      %add3A_675 = arith.constant 48 : i32
      %add3A_676 = arith.addi %multiple_of3A_661, %add3A_675 : i32
      %get3A_677 = arith.index_cast %add3A_676 : i32 to index
      %get3A_678 = tpu.vector_load %arg7[%get3A_677] {strides = array<i32>} : memref<18432xf32, #tpu.memory_space<vmem>>, vector<16xf32>,
      %get3A_679 = vector.shape_cast %get3A_678 : vector<16xf32> to vector<16xf32>
      %slice3A_680 = vector.extract_strided_slice %get3A_664 {offsets = [0], sizes = [1], strides = [1]} : vector<16xf32> to vector<1xf32>
      %squeeze3A_681 = vector.extract %slice3A_680[0] : f32 from vector<1xf32>
      %broadcast_in_dim3A_682 = vector.broadcast %squeeze3A_681 : f32 to vector<16xf32>
      %swap3A_683 = arith.constant 0 : i32
      %swap3A_684 = arith.index_cast %swap3A_683 : i32 to index
      %swap3A_685 = arith.constant 0 : index
      %swap3A_686 = tpu.vector_load %arg12[%swap3A_684, %swap3A_685] {strides = array<i32>} : memref<16x16xf32, #tpu.memory_space<vmem>>, vector<1x16xf32>,
      %swap3A_687 = vector.shape_cast %swap3A_686 : vector<1x16xf32> to vector<16xf32>
      %swap3A_688 = vector.shape_cast %broadcast_in_dim3A_682 : vector<16xf32> to vector<1x16xf32>
      tpu.vector_store %arg12[%swap3A_684, %swap3A_685], %swap3A_688 {strides = array<i32>} : memref<16x16xf32, #tpu.memory_space<vmem>>, vector<1x16xf32>,
      %slice3A_689 = vector.extract_strided_slice %get3A_669 {offsets = [0], sizes = [1], strides = [1]} : vector<16xf32> to vector<1xf32>
      %squeeze3A_690 = vector.extract %slice3A_689[0] : f32 from vector<1xf32>
      %broadcast_in_dim3A_691 = vector.broadcast %squeeze3A_690 : f32 to vector<16xf32>
      %swap3A_692 = arith.constant 0 : i32
      %swap3A_693 = arith.index_cast %swap3A_692 : i32 to index
      %swap3A_694 = arith.constant 0 : index
      %swap3A_695 = tpu.vector_load %arg13[%swap3A_693, %swap3A_694] {strides = array<i32>} : memref<16x16xf32, #tpu.memory_space<vmem>>, vector<1x16xf32>,
      %swap3A_696 = vector.shape_cast %swap3A_695 : vector<1x16xf32> to vector<16xf32>
      %swap3A_697 = vector.shape_cast %broadcast_in_dim3A_691 : vector<16xf32> to vector<1x16xf32>
      tpu.vector_store %arg13[%swap3A_693, %swap3A_694], %swap3A_697 {strides = array<i32>} : memref<16x16xf32, #tpu.memory_space<vmem>>, vector<1x16xf32>,
      %slice3A_698 = vector.extract_strided_slice %get3A_674 {offsets = [0], sizes = [1], strides = [1]} : vector<16xf32> to vector<1xf32>
      %squeeze3A_699 = vector.extract %slice3A_698[0] : f32 from vector<1xf32>
      %broadcast_in_dim3A_700 = vector.broadcast %squeeze3A_699 : f32 to vector<16xf32>
      %swap3A_701 = arith.constant 0 : i32
      %swap3A_702 = arith.index_cast %swap3A_701 : i32 to index
      %swap3A_703 = arith.constant 0 : index
      %swap3A_704 = tpu.vector_load %arg14[%swap3A_702, %swap3A_703] {strides = array<i32>} : memref<16x16xf32, #tpu.memory_space<vmem>>, vector<1x16xf32>,
      %swap3A_705 = vector.shape_cast %swap3A_704 : vector<1x16xf32> to vector<16xf32>
      %swap3A_706 = vector.shape_cast %broadcast_in_dim3A_700 : vector<16xf32> to vector<1x16xf32>
      tpu.vector_store %arg14[%swap3A_702, %swap3A_703], %swap3A_706 {strides = array<i32>} : memref<16x16xf32, #tpu.memory_space<vmem>>, vector<1x16xf32>,
      %slice3A_707 = vector.extract_strided_slice %get3A_679 {offsets = [0], sizes = [1], strides = [1]} : vector<16xf32> to vector<1xf32>
      %squeeze3A_708 = vector.extract %slice3A_707[0] : f32 from vector<1xf32>
      %broadcast_in_dim3A_709 = vector.broadcast %squeeze3A_708 : f32 to vector<16xf32>
      %swap3A_710 = arith.constant 0 : i32
      %swap3A_711 = arith.index_cast %swap3A_710 : i32 to index
      %swap3A_712 = arith.constant 0 : index
      %swap3A_713 = tpu.vector_load %arg15[%swap3A_711, %swap3A_712] {strides = array<i32>} : memref<16x16xf32, #tpu.memory_space<vmem>>, vector<1x16xf32>,
      %swap3A_714 = vector.shape_cast %swap3A_713 : vector<1x16xf32> to vector<16xf32>
      %swap3A_715 = vector.shape_cast %broadcast_in_dim3A_709 : vector<16xf32> to vector<1x16xf32>
      tpu.vector_store %arg15[%swap3A_711, %swap3A_712], %swap3A_715 {strides = array<i32>} : memref<16x16xf32, #tpu.memory_space<vmem>>, vector<1x16xf32>,
      %slice3A_716 = vector.extract_strided_slice %get3A_664 {offsets = [1], sizes = [1], strides = [1]} : vector<16xf32> to vector<1xf32>
      %squeeze3A_717 = vector.extract %slice3A_716[0] : f32 from vector<1xf32>
      %broadcast_in_dim3A_718 = vector.broadcast %squeeze3A_717 : f32 to vector<16xf32>
      %swap3A_719 = arith.constant 1 : i32
      %swap3A_720 = arith.index_cast %swap3A_719 : i32 to index
      %swap3A_721 = arith.constant 0 : index
      %swap3A_722 = tpu.vector_load %arg12[%swap3A_720, %swap3A_721] {strides = array<i32>} : memref<16x16xf32, #tpu.memory_space<vmem>>, vector<1x16xf32>,
      %swap3A_723 = vector.shape_cast %swap3A_722 : vector<1x16xf32> to vector<16xf32>
      %swap3A_724 = vector.shape_cast %broadcast_in_dim3A_718 : vector<16xf32> to vector<1x16xf32>
      tpu.vector_store %arg12[%swap3A_720, %swap3A_721], %swap3A_724 {strides = array<i32>} : memref<16x16xf32, #tpu.memory_space<vmem>>, vector<1x16xf32>,
      %slice3A_725 = vector.extract_strided_slice %get3A_669 {offsets = [1], sizes = [1], strides = [1]} : vector<16xf32> to vector<1xf32>
      %squeeze3A_726 = vector.extract %slice3A_725[0] : f32 from vector<1xf32>
      %broadcast_in_dim3A_727 = vector.broadcast %squeeze3A_726 : f32 to vector<16xf32>
      %swap3A_728 = arith.constant 1 : i32
      %swap3A_729 = arith.index_cast %swap3A_728 : i32 to index
      %swap3A_730 = arith.constant 0 : index
      %swap3A_731 = tpu.vector_load %arg13[%swap3A_729, %swap3A_730] {strides = array<i32>} : memref<16x16xf32, #tpu.memory_space<vmem>>, vector<1x16xf32>,
      %swap3A_732 = vector.shape_cast %swap3A_731 : vector<1x16xf32> to vector<16xf32>
      %swap3A_733 = vector.shape_cast %broadcast_in_dim3A_727 : vector<16xf32> to vector<1x16xf32>
      tpu.vector_store %arg13[%swap3A_729, %swap3A_730], %swap3A_733 {strides = array<i32>} : memref<16x16xf32, #tpu.memory_space<vmem>>, vector<1x16xf32>,
      %slice3A_734 = vector.extract_strided_slice %get3A_674 {offsets = [1], sizes = [1], strides = [1]} : vector<16xf32> to vector<1xf32>
      %squeeze3A_735 = vector.extract %slice3A_734[0] : f32 from vector<1xf32>
      %broadcast_in_dim3A_736 = vector.broadcast %squeeze3A_735 : f32 to vector<16xf32>
      %swap3A_737 = arith.constant 1 : i32
      %swap3A_738 = arith.index_cast %swap3A_737 : i32 to index
      %swap3A_739 = arith.constant 0 : index
      %swap3A_740 = tpu.vector_load %arg14[%swap3A_738, %swap3A_739] {strides = array<i32>} : memref<16x16xf32, #tpu.memory_space<vmem>>, vector<1x16xf32>,
      %swap3A_741 = vector.shape_cast %swap3A_740 : vector<1x16xf32> to vector<16xf32>
      %swap3A_742 = vector.shape_cast %broadcast_in_dim3A_736 : vector<16xf32> to vector<1x16xf32>
      tpu.vector_store %arg14[%swap3A_738, %swap3A_739], %swap3A_742 {strides = array<i32>} : memref<16x16xf32, #tpu.memory_space<vmem>>, vector<1x16xf32>,
      %slice3A_743 = vector.extract_strided_slice %get3A_679 {offsets = [1], sizes = [1], strides = [1]} : vector<16xf32> to vector<1xf32>
      %squeeze3A_744 = vector.extract %slice3A_743[0] : f32 from vector<1xf32>
      %broadcast_in_dim3A_745 = vector.broadcast %squeeze3A_744 : f32 to vector<16xf32>
      %swap3A_746 = arith.constant 1 : i32
      %swap3A_747 = arith.index_cast %swap3A_746 : i32 to index
      %swap3A_748 = arith.constant 0 : index
      %swap3A_749 = tpu.vector_load %arg15[%swap3A_747, %swap3A_748] {strides = array<i32>} : memref<16x16xf32, #tpu.memory_space<vmem>>, vector<1x16xf32>,
      %swap3A_750 = vector.shape_cast %swap3A_749 : vector<1x16xf32> to vector<16xf32>
      %swap3A_751 = vector.shape_cast %broadcast_in_dim3A_745 : vector<16xf32> to vector<1x16xf32>
      tpu.vector_store %arg15[%swap3A_747, %swap3A_748], %swap3A_751 {strides = array<i32>} : memref<16x16xf32, #tpu.memory_space<vmem>>, vector<1x16xf32>,
      %slice3A_752 = vector.extract_strided_slice %get3A_664 {offsets = [2], sizes = [1], strides = [1]} : vector<16xf32> to vector<1xf32>
      %squeeze3A_753 = vector.extract %slice3A_752[0] : f32 from vector<1xf32>
      %broadcast_in_dim3A_754 = vector.broadcast %squeeze3A_753 : f32 to vector<16xf32>
      %swap3A_755 = arith.constant 2 : i32
      %swap3A_756 = arith.index_cast %swap3A_755 : i32 to index
      %swap3A_757 = arith.constant 0 : index
      %swap3A_758 = tpu.vector_load %arg12[%swap3A_756, %swap3A_757] {strides = array<i32>} : memref<16x16xf32, #tpu.memory_space<vmem>>, vector<1x16xf32>,
      %swap3A_759 = vector.shape_cast %swap3A_758 : vector<1x16xf32> to vector<16xf32>
      %swap3A_760 = vector.shape_cast %broadcast_in_dim3A_754 : vector<16xf32> to vector<1x16xf32>
      tpu.vector_store %arg12[%swap3A_756, %swap3A_757], %swap3A_760 {strides = array<i32>} : memref<16x16xf32, #tpu.memory_space<vmem>>, vector<1x16xf32>,
      %slice3A_761 = vector.extract_strided_slice %get3A_669 {offsets = [2], sizes = [1], strides = [1]} : vector<16xf32> to vector<1xf32>
      %squeeze3A_762 = vector.extract %slice3A_761[0] : f32 from vector<1xf32>
      %broadcast_in_dim3A_763 = vector.broadcast %squeeze3A_762 : f32 to vector<16xf32>
      %swap3A_764 = arith.constant 2 : i32
      %swap3A_765 = arith.index_cast %swap3A_764 : i32 to index
      %swap3A_766 = arith.constant 0 : index
      %swap3A_767 = tpu.vector_load %arg13[%swap3A_765, %swap3A_766] {strides = array<i32>} : memref<16x16xf32, #tpu.memory_space<vmem>>, vector<1x16xf32>,
      %swap3A_768 = vector.shape_cast %swap3A_767 : vector<1x16xf32> to vector<16xf32>
      %swap3A_769 = vector.shape_cast %broadcast_in_dim3A_763 : vector<16xf32> to vector<1x16xf32>
      tpu.vector_store %arg13[%swap3A_765, %swap3A_766], %swap3A_769 {strides = array<i32>} : memref<16x16xf32, #tpu.memory_space<vmem>>, vector<1x16xf32>,
      %slice3A_770 = vector.extract_strided_slice %get3A_674 {offsets = [2], sizes = [1], strides = [1]} : vector<16xf32> to vector<1xf32>
      %squeeze3A_771 = vector.extract %slice3A_770[0] : f32 from vector<1xf32>
      %broadcast_in_dim3A_772 = vector.broadcast %squeeze3A_771 : f32 to vector<16xf32>
      %swap3A_773 = arith.constant 2 : i32
      %swap3A_774 = arith.index_cast %swap3A_773 : i32 to index
      %swap3A_775 = arith.constant 0 : index
      %swap3A_776 = tpu.vector_load %arg14[%swap3A_774, %swap3A_775] {strides = array<i32>} : memref<16x16xf32, #tpu.memory_space<vmem>>, vector<1x16xf32>,
      %swap3A_777 = vector.shape_cast %swap3A_776 : vector<1x16xf32> to vector<16xf32>
      %swap3A_778 = vector.shape_cast %broadcast_in_dim3A_772 : vector<16xf32> to vector<1x16xf32>
      tpu.vector_store %arg14[%swap3A_774, %swap3A_775], %swap3A_778 {strides = array<i32>} : memref<16x16xf32, #tpu.memory_space<vmem>>, vector<1x16xf32>,
      %slice3A_779 = vector.extract_strided_slice %get3A_679 {offsets = [2], sizes = [1], strides = [1]} : vector<16xf32> to vector<1xf32>
      %squeeze3A_780 = vector.extract %slice3A_779[0] : f32 from vector<1xf32>
      %broadcast_in_dim3A_781 = vector.broadcast %squeeze3A_780 : f32 to vector<16xf32>
      %swap3A_782 = arith.constant 2 : i32
      %swap3A_783 = arith.index_cast %swap3A_782 : i32 to index
      %swap3A_784 = arith.constant 0 : index
      %swap3A_785 = tpu.vector_load %arg15[%swap3A_783, %swap3A_784] {strides = array<i32>} : memref<16x16xf32, #tpu.memory_space<vmem>>, vector<1x16xf32>,
      %swap3A_786 = vector.shape_cast %swap3A_785 : vector<1x16xf32> to vector<16xf32>
      %swap3A_787 = vector.shape_cast %broadcast_in_dim3A_781 : vector<16xf32> to vector<1x16xf32>
      tpu.vector_store %arg15[%swap3A_783, %swap3A_784], %swap3A_787 {strides = array<i32>} : memref<16x16xf32, #tpu.memory_space<vmem>>, vector<1x16xf32>,
      %slice3A_788 = vector.extract_strided_slice %get3A_664 {offsets = [3], sizes = [1], strides = [1]} : vector<16xf32> to vector<1xf32>
      %squeeze3A_789 = vector.extract %slice3A_788[0] : f32 from vector<1xf32>
      %broadcast_in_dim3A_790 = vector.broadcast %squeeze3A_789 : f32 to vector<16xf32>
      %swap3A_791 = arith.constant 3 : i32
      %swap3A_792 = arith.index_cast %swap3A_791 : i32 to index
      %swap3A_793 = arith.constant 0 : index
      %swap3A_794 = tpu.vector_load %arg12[%swap3A_792, %swap3A_793] {strides = array<i32>} : memref<16x16xf32, #tpu.memory_space<vmem>>, vector<1x16xf32>,
      %swap3A_795 = vector.shape_cast %swap3A_794 : vector<1x16xf32> to vector<16xf32>
      %swap3A_796 = vector.shape_cast %broadcast_in_dim3A_790 : vector<16xf32> to vector<1x16xf32>
      tpu.vector_store %arg12[%swap3A_792, %swap3A_793], %swap3A_796 {strides = array<i32>} : memref<16x16xf32, #tpu.memory_space<vmem>>, vector<1x16xf32>,
      %slice3A_797 = vector.extract_strided_slice %get3A_669 {offsets = [3], sizes = [1], strides = [1]} : vector<16xf32> to vector<1xf32>
      %squeeze3A_798 = vector.extract %slice3A_797[0] : f32 from vector<1xf32>
      %broadcast_in_dim3A_799 = vector.broadcast %squeeze3A_798 : f32 to vector<16xf32>
      %swap3A_800 = arith.constant 3 : i32
      %swap3A_801 = arith.index_cast %swap3A_800 : i32 to index
      %swap3A_802 = arith.constant 0 : index
      %swap3A_803 = tpu.vector_load %arg13[%swap3A_801, %swap3A_802] {strides = array<i32>} : memref<16x16xf32, #tpu.memory_space<vmem>>, vector<1x16xf32>,
      %swap3A_804 = vector.shape_cast %swap3A_803 : vector<1x16xf32> to vector<16xf32>
      %swap3A_805 = vector.shape_cast %broadcast_in_dim3A_799 : vector<16xf32> to vector<1x16xf32>
      tpu.vector_store %arg13[%swap3A_801, %swap3A_802], %swap3A_805 {strides = array<i32>} : memref<16x16xf32, #tpu.memory_space<vmem>>, vector<1x16xf32>,
      %slice3A_806 = vector.extract_strided_slice %get3A_674 {offsets = [3], sizes = [1], strides = [1]} : vector<16xf32> to vector<1xf32>
      %squeeze3A_807 = vector.extract %slice3A_806[0] : f32 from vector<1xf32>
      %broadcast_in_dim3A_808 = vector.broadcast %squeeze3A_807 : f32 to vector<16xf32>
      %swap3A_809 = arith.constant 3 : i32
      %swap3A_810 = arith.index_cast %swap3A_809 : i32 to index
      %swap3A_811 = arith.constant 0 : index
      %swap3A_812 = tpu.vector_load %arg14[%swap3A_810, %swap3A_811] {strides = array<i32>} : memref<16x16xf32, #tpu.memory_space<vmem>>, vector<1x16xf32>,
      %swap3A_813 = vector.shape_cast %swap3A_812 : vector<1x16xf32> to vector<16xf32>
      %swap3A_814 = vector.shape_cast %broadcast_in_dim3A_808 : vector<16xf32> to vector<1x16xf32>
      tpu.vector_store %arg14[%swap3A_810, %swap3A_811], %swap3A_814 {strides = array<i32>} : memref<16x16xf32, #tpu.memory_space<vmem>>, vector<1x16xf32>,
      %slice3A_815 = vector.extract_strided_slice %get3A_679 {offsets = [3], sizes = [1], strides = [1]} : vector<16xf32> to vector<1xf32>
      %squeeze3A_816 = vector.extract %slice3A_815[0] : f32 from vector<1xf32>
      %broadcast_in_dim3A_817 = vector.broadcast %squeeze3A_816 : f32 to vector<16xf32>
      %swap3A_818 = arith.constant 3 : i32
      %swap3A_819 = arith.index_cast %swap3A_818 : i32 to index
      %swap3A_820 = arith.constant 0 : index
      %swap3A_821 = tpu.vector_load %arg15[%swap3A_819, %swap3A_820] {strides = array<i32>} : memref<16x16xf32, #tpu.memory_space<vmem>>, vector<1x16xf32>,
      %swap3A_822 = vector.shape_cast %swap3A_821 : vector<1x16xf32> to vector<16xf32>
      %swap3A_823 = vector.shape_cast %broadcast_in_dim3A_817 : vector<16xf32> to vector<1x16xf32>
      tpu.vector_store %arg15[%swap3A_819, %swap3A_820], %swap3A_823 {strides = array<i32>} : memref<16x16xf32, #tpu.memory_space<vmem>>, vector<1x16xf32>,
      %slice3A_824 = vector.extract_strided_slice %get3A_664 {offsets = [4], sizes = [1], strides = [1]} : vector<16xf32> to vector<1xf32>
      %squeeze3A_825 = vector.extract %slice3A_824[0] : f32 from vector<1xf32>
      %broadcast_in_dim3A_826 = vector.broadcast %squeeze3A_825 : f32 to vector<16xf32>
      %swap3A_827 = arith.constant 4 : i32
      %swap3A_828 = arith.index_cast %swap3A_827 : i32 to index
      %swap3A_829 = arith.constant 0 : index
      %swap3A_830 = tpu.vector_load %arg12[%swap3A_828, %swap3A_829] {strides = array<i32>} : memref<16x16xf32, #tpu.memory_space<vmem>>, vector<1x16xf32>,
      %swap3A_831 = vector.shape_cast %swap3A_830 : vector<1x16xf32> to vector<16xf32>
      %swap3A_832 = vector.shape_cast %broadcast_in_dim3A_826 : vector<16xf32> to vector<1x16xf32>
      tpu.vector_store %arg12[%swap3A_828, %swap3A_829], %swap3A_832 {strides = array<i32>} : memref<16x16xf32, #tpu.memory_space<vmem>>, vector<1x16xf32>,
      %slice3A_833 = vector.extract_strided_slice %get3A_669 {offsets = [4], sizes = [1], strides = [1]} : vector<16xf32> to vector<1xf32>
      %squeeze3A_834 = vector.extract %slice3A_833[0] : f32 from vector<1xf32>
      %broadcast_in_dim3A_835 = vector.broadcast %squeeze3A_834 : f32 to vector<16xf32>
      %swap3A_836 = arith.constant 4 : i32
      %swap3A_837 = arith.index_cast %swap3A_836 : i32 to index
      %swap3A_838 = arith.constant 0 : index
      %swap3A_839 = tpu.vector_load %arg13[%swap3A_837, %swap3A_838] {strides = array<i32>} : memref<16x16xf32, #tpu.memory_space<vmem>>, vector<1x16xf32>,
      %swap3A_840 = vector.shape_cast %swap3A_839 : vector<1x16xf32> to vector<16xf32>
      %swap3A_841 = vector.shape_cast %broadcast_in_dim3A_835 : vector<16xf32> to vector<1x16xf32>
      tpu.vector_store %arg13[%swap3A_837, %swap3A_838], %swap3A_841 {strides = array<i32>} : memref<16x16xf32, #tpu.memory_space<vmem>>, vector<1x16xf32>,
      %slice3A_842 = vector.extract_strided_slice %get3A_674 {offsets = [4], sizes = [1], strides = [1]} : vector<16xf32> to vector<1xf32>
      %squeeze3A_843 = vector.extract %slice3A_842[0] : f32 from vector<1xf32>
      %broadcast_in_dim3A_844 = vector.broadcast %squeeze3A_843 : f32 to vector<16xf32>
      %swap3A_845 = arith.constant 4 : i32
      %swap3A_846 = arith.index_cast %swap3A_845 : i32 to index
      %swap3A_847 = arith.constant 0 : index
      %swap3A_848 = tpu.vector_load %arg14[%swap3A_846, %swap3A_847] {strides = array<i32>} : memref<16x16xf32, #tpu.memory_space<vmem>>, vector<1x16xf32>,
      %swap3A_849 = vector.shape_cast %swap3A_848 : vector<1x16xf32> to vector<16xf32>
      %swap3A_850 = vector.shape_cast %broadcast_in_dim3A_844 : vector<16xf32> to vector<1x16xf32>
      tpu.vector_store %arg14[%swap3A_846, %swap3A_847], %swap3A_850 {strides = array<i32>} : memref<16x16xf32, #tpu.memory_space<vmem>>, vector<1x16xf32>,
      %slice3A_851 = vector.extract_strided_slice %get3A_679 {offsets = [4], sizes = [1], strides = [1]} : vector<16xf32> to vector<1xf32>
      %squeeze3A_852 = vector.extract %slice3A_851[0] : f32 from vector<1xf32>
      %broadcast_in_dim3A_853 = vector.broadcast %squeeze3A_852 : f32 to vector<16xf32>
      %swap3A_854 = arith.constant 4 : i32
      %swap3A_855 = arith.index_cast %swap3A_854 : i32 to index
      %swap3A_856 = arith.constant 0 : index
      %swap3A_857 = tpu.vector_load %arg15[%swap3A_855, %swap3A_856] {strides = array<i32>} : memref<16x16xf32, #tpu.memory_space<vmem>>, vector<1x16xf32>,
      %swap3A_858 = vector.shape_cast %swap3A_857 : vector<1x16xf32> to vector<16xf32>
      %swap3A_859 = vector.shape_cast %broadcast_in_dim3A_853 : vector<16xf32> to vector<1x16xf32>
      tpu.vector_store %arg15[%swap3A_855, %swap3A_856], %swap3A_859 {strides = array<i32>} : memref<16x16xf32, #tpu.memory_space<vmem>>, vector<1x16xf32>,
      %slice3A_860 = vector.extract_strided_slice %get3A_664 {offsets = [5], sizes = [1], strides = [1]} : vector<16xf32> to vector<1xf32>
      %squeeze3A_861 = vector.extract %slice3A_860[0] : f32 from vector<1xf32>
      %broadcast_in_dim3A_862 = vector.broadcast %squeeze3A_861 : f32 to vector<16xf32>
      %swap3A_863 = arith.constant 5 : i32
      %swap3A_864 = arith.index_cast %swap3A_863 : i32 to index
      %swap3A_865 = arith.constant 0 : index
      %swap3A_866 = tpu.vector_load %arg12[%swap3A_864, %swap3A_865] {strides = array<i32>} : memref<16x16xf32, #tpu.memory_space<vmem>>, vector<1x16xf32>,
      %swap3A_867 = vector.shape_cast %swap3A_866 : vector<1x16xf32> to vector<16xf32>
      %swap3A_868 = vector.shape_cast %broadcast_in_dim3A_862 : vector<16xf32> to vector<1x16xf32>
      tpu.vector_store %arg12[%swap3A_864, %swap3A_865], %swap3A_868 {strides = array<i32>} : memref<16x16xf32, #tpu.memory_space<vmem>>, vector<1x16xf32>,
      %slice3A_869 = vector.extract_strided_slice %get3A_669 {offsets = [5], sizes = [1], strides = [1]} : vector<16xf32> to vector<1xf32>
      %squeeze3A_870 = vector.extract %slice3A_869[0] : f32 from vector<1xf32>
      %broadcast_in_dim3A_871 = vector.broadcast %squeeze3A_870 : f32 to vector<16xf32>
      %swap3A_872 = arith.constant 5 : i32
      %swap3A_873 = arith.index_cast %swap3A_872 : i32 to index
      %swap3A_874 = arith.constant 0 : index
      %swap3A_875 = tpu.vector_load %arg13[%swap3A_873, %swap3A_874] {strides = array<i32>} : memref<16x16xf32, #tpu.memory_space<vmem>>, vector<1x16xf32>,
      %swap3A_876 = vector.shape_cast %swap3A_875 : vector<1x16xf32> to vector<16xf32>
      %swap3A_877 = vector.shape_cast %broadcast_in_dim3A_871 : vector<16xf32> to vector<1x16xf32>
      tpu.vector_store %arg13[%swap3A_873, %swap3A_874], %swap3A_877 {strides = array<i32>} : memref<16x16xf32, #tpu.memory_space<vmem>>, vector<1x16xf32>,
      %slice3A_878 = vector.extract_strided_slice %get3A_674 {offsets = [5], sizes = [1], strides = [1]} : vector<16xf32> to vector<1xf32>
      %squeeze3A_879 = vector.extract %slice3A_878[0] : f32 from vector<1xf32>
      %broadcast_in_dim3A_880 = vector.broadcast %squeeze3A_879 : f32 to vector<16xf32>
      %swap3A_881 = arith.constant 5 : i32
      %swap3A_882 = arith.index_cast %swap3A_881 : i32 to index
      %swap3A_883 = arith.constant 0 : index
      %swap3A_884 = tpu.vector_load %arg14[%swap3A_882, %swap3A_883] {strides = array<i32>} : memref<16x16xf32, #tpu.memory_space<vmem>>, vector<1x16xf32>,
      %swap3A_885 = vector.shape_cast %swap3A_884 : vector<1x16xf32> to vector<16xf32>
      %swap3A_886 = vector.shape_cast %broadcast_in_dim3A_880 : vector<16xf32> to vector<1x16xf32>
      tpu.vector_store %arg14[%swap3A_882, %swap3A_883], %swap3A_886 {strides = array<i32>} : memref<16x16xf32, #tpu.memory_space<vmem>>, vector<1x16xf32>,
      %slice3A_887 = vector.extract_strided_slice %get3A_679 {offsets = [5], sizes = [1], strides = [1]} : vector<16xf32> to vector<1xf32>
      %squeeze3A_888 = vector.extract %slice3A_887[0] : f32 from vector<1xf32>
      %broadcast_in_dim3A_889 = vector.broadcast %squeeze3A_888 : f32 to vector<16xf32>
      %swap3A_890 = arith.constant 5 : i32
      %swap3A_891 = arith.index_cast %swap3A_890 : i32 to index
      %swap3A_892 = arith.constant 0 : index
      %swap3A_893 = tpu.vector_load %arg15[%swap3A_891, %swap3A_892] {strides = array<i32>} : memref<16x16xf32, #tpu.memory_space<vmem>>, vector<1x16xf32>,
      %swap3A_894 = vector.shape_cast %swap3A_893 : vector<1x16xf32> to vector<16xf32>
      %swap3A_895 = vector.shape_cast %broadcast_in_dim3A_889 : vector<16xf32> to vector<1x16xf32>
      tpu.vector_store %arg15[%swap3A_891, %swap3A_892], %swap3A_895 {strides = array<i32>} : memref<16x16xf32, #tpu.memory_space<vmem>>, vector<1x16xf32>,
      %slice3A_896 = vector.extract_strided_slice %get3A_664 {offsets = [6], sizes = [1], strides = [1]} : vector<16xf32> to vector<1xf32>
      %squeeze3A_897 = vector.extract %slice3A_896[0] : f32 from vector<1xf32>
      %broadcast_in_dim3A_898 = vector.broadcast %squeeze3A_897 : f32 to vector<16xf32>
      %swap3A_899 = arith.constant 6 : i32
      %swap3A_900 = arith.index_cast %swap3A_899 : i32 to index
      %swap3A_901 = arith.constant 0 : index
      %swap3A_902 = tpu.vector_load %arg12[%swap3A_900, %swap3A_901] {strides = array<i32>} : memref<16x16xf32, #tpu.memory_space<vmem>>, vector<1x16xf32>,
      %swap3A_903 = vector.shape_cast %swap3A_902 : vector<1x16xf32> to vector<16xf32>
      %swap3A_904 = vector.shape_cast %broadcast_in_dim3A_898 : vector<16xf32> to vector<1x16xf32>
      tpu.vector_store %arg12[%swap3A_900, %swap3A_901], %swap3A_904 {strides = array<i32>} : memref<16x16xf32, #tpu.memory_space<vmem>>, vector<1x16xf32>,
      %slice3A_905 = vector.extract_strided_slice %get3A_669 {offsets = [6], sizes = [1], strides = [1]} : vector<16xf32> to vector<1xf32>
      %squeeze3A_906 = vector.extract %slice3A_905[0] : f32 from vector<1xf32>
      %broadcast_in_dim3A_907 = vector.broadcast %squeeze3A_906 : f32 to vector<16xf32>
      %swap3A_908 = arith.constant 6 : i32
      %swap3A_909 = arith.index_cast %swap3A_908 : i32 to index
      %swap3A_910 = arith.constant 0 : index
      %swap3A_911 = tpu.vector_load %arg13[%swap3A_909, %swap3A_910] {strides = array<i32>} : memref<16x16xf32, #tpu.memory_space<vmem>>, vector<1x16xf32>,
      %swap3A_912 = vector.shape_cast %swap3A_911 : vector<1x16xf32> to vector<16xf32>
      %swap3A_913 = vector.shape_cast %broadcast_in_dim3A_907 : vector<16xf32> to vector<1x16xf32>
      tpu.vector_store %arg13[%swap3A_909, %swap3A_910], %swap3A_913 {strides = array<i32>} : memref<16x16xf32, #tpu.memory_space<vmem>>, vector<1x16xf32>,
      %slice3A_914 = vector.extract_strided_slice %get3A_674 {offsets = [6], sizes = [1], strides = [1]} : vector<16xf32> to vector<1xf32>
      %squeeze3A_915 = vector.extract %slice3A_914[0] : f32 from vector<1xf32>
      %broadcast_in_dim3A_916 = vector.broadcast %squeeze3A_915 : f32 to vector<16xf32>
      %swap3A_917 = arith.constant 6 : i32
      %swap3A_918 = arith.index_cast %swap3A_917 : i32 to index
      %swap3A_919 = arith.constant 0 : index
      %swap3A_920 = tpu.vector_load %arg14[%swap3A_918, %swap3A_919] {strides = array<i32>} : memref<16x16xf32, #tpu.memory_space<vmem>>, vector<1x16xf32>,
      %swap3A_921 = vector.shape_cast %swap3A_920 : vector<1x16xf32> to vector<16xf32>
      %swap3A_922 = vector.shape_cast %broadcast_in_dim3A_916 : vector<16xf32> to vector<1x16xf32>
      tpu.vector_store %arg14[%swap3A_918, %swap3A_919], %swap3A_922 {strides = array<i32>} : memref<16x16xf32, #tpu.memory_space<vmem>>, vector<1x16xf32>,
      %slice3A_923 = vector.extract_strided_slice %get3A_679 {offsets = [6], sizes = [1], strides = [1]} : vector<16xf32> to vector<1xf32>
      %squeeze3A_924 = vector.extract %slice3A_923[0] : f32 from vector<1xf32>
      %broadcast_in_dim3A_925 = vector.broadcast %squeeze3A_924 : f32 to vector<16xf32>
      %swap3A_926 = arith.constant 6 : i32
      %swap3A_927 = arith.index_cast %swap3A_926 : i32 to index
      %swap3A_928 = arith.constant 0 : index
      %swap3A_929 = tpu.vector_load %arg15[%swap3A_927, %swap3A_928] {strides = array<i32>} : memref<16x16xf32, #tpu.memory_space<vmem>>, vector<1x16xf32>,
      %swap3A_930 = vector.shape_cast %swap3A_929 : vector<1x16xf32> to vector<16xf32>
      %swap3A_931 = vector.shape_cast %broadcast_in_dim3A_925 : vector<16xf32> to vector<1x16xf32>
      tpu.vector_store %arg15[%swap3A_927, %swap3A_928], %swap3A_931 {strides = array<i32>} : memref<16x16xf32, #tpu.memory_space<vmem>>, vector<1x16xf32>,
      %slice3A_932 = vector.extract_strided_slice %get3A_664 {offsets = [7], sizes = [1], strides = [1]} : vector<16xf32> to vector<1xf32>
      %squeeze3A_933 = vector.extract %slice3A_932[0] : f32 from vector<1xf32>
      %broadcast_in_dim3A_934 = vector.broadcast %squeeze3A_933 : f32 to vector<16xf32>
      %swap3A_935 = arith.constant 7 : i32
      %swap3A_936 = arith.index_cast %swap3A_935 : i32 to index
      %swap3A_937 = arith.constant 0 : index
      %swap3A_938 = tpu.vector_load %arg12[%swap3A_936, %swap3A_937] {strides = array<i32>} : memref<16x16xf32, #tpu.memory_space<vmem>>, vector<1x16xf32>,
      %swap3A_939 = vector.shape_cast %swap3A_938 : vector<1x16xf32> to vector<16xf32>
      %swap3A_940 = vector.shape_cast %broadcast_in_dim3A_934 : vector<16xf32> to vector<1x16xf32>
      tpu.vector_store %arg12[%swap3A_936, %swap3A_937], %swap3A_940 {strides = array<i32>} : memref<16x16xf32, #tpu.memory_space<vmem>>, vector<1x16xf32>,
      %slice3A_941 = vector.extract_strided_slice %get3A_669 {offsets = [7], sizes = [1], strides = [1]} : vector<16xf32> to vector<1xf32>
      %squeeze3A_942 = vector.extract %slice3A_941[0] : f32 from vector<1xf32>
      %broadcast_in_dim3A_943 = vector.broadcast %squeeze3A_942 : f32 to vector<16xf32>
      %swap3A_944 = arith.constant 7 : i32
      %swap3A_945 = arith.index_cast %swap3A_944 : i32 to index
      %swap3A_946 = arith.constant 0 : index
      %swap3A_947 = tpu.vector_load %arg13[%swap3A_945, %swap3A_946] {strides = array<i32>} : memref<16x16xf32, #tpu.memory_space<vmem>>, vector<1x16xf32>,
      %swap3A_948 = vector.shape_cast %swap3A_947 : vector<1x16xf32> to vector<16xf32>
      %swap3A_949 = vector.shape_cast %broadcast_in_dim3A_943 : vector<16xf32> to vector<1x16xf32>
      tpu.vector_store %arg13[%swap3A_945, %swap3A_946], %swap3A_949 {strides = array<i32>} : memref<16x16xf32, #tpu.memory_space<vmem>>, vector<1x16xf32>,
      %slice3A_950 = vector.extract_strided_slice %get3A_674 {offsets = [7], sizes = [1], strides = [1]} : vector<16xf32> to vector<1xf32>
      %squeeze3A_951 = vector.extract %slice3A_950[0] : f32 from vector<1xf32>
      %broadcast_in_dim3A_952 = vector.broadcast %squeeze3A_951 : f32 to vector<16xf32>
      %swap3A_953 = arith.constant 7 : i32
      %swap3A_954 = arith.index_cast %swap3A_953 : i32 to index
      %swap3A_955 = arith.constant 0 : index
      %swap3A_956 = tpu.vector_load %arg14[%swap3A_954, %swap3A_955] {strides = array<i32>} : memref<16x16xf32, #tpu.memory_space<vmem>>, vector<1x16xf32>,
      %swap3A_957 = vector.shape_cast %swap3A_956 : vector<1x16xf32> to vector<16xf32>
      %swap3A_958 = vector.shape_cast %broadcast_in_dim3A_952 : vector<16xf32> to vector<1x16xf32>
      tpu.vector_store %arg14[%swap3A_954, %swap3A_955], %swap3A_958 {strides = array<i32>} : memref<16x16xf32, #tpu.memory_space<vmem>>, vector<1x16xf32>,
      %slice3A_959 = vector.extract_strided_slice %get3A_679 {offsets = [7], sizes = [1], strides = [1]} : vector<16xf32> to vector<1xf32>
      %squeeze3A_960 = vector.extract %slice3A_959[0] : f32 from vector<1xf32>
      %broadcast_in_dim3A_961 = vector.broadcast %squeeze3A_960 : f32 to vector<16xf32>
      %swap3A_962 = arith.constant 7 : i32
      %swap3A_963 = arith.index_cast %swap3A_962 : i32 to index
      %swap3A_964 = arith.constant 0 : index
      %swap3A_965 = tpu.vector_load %arg15[%swap3A_963, %swap3A_964] {strides = array<i32>} : memref<16x16xf32, #tpu.memory_space<vmem>>, vector<1x16xf32>,
      %swap3A_966 = vector.shape_cast %swap3A_965 : vector<1x16xf32> to vector<16xf32>
      %swap3A_967 = vector.shape_cast %broadcast_in_dim3A_961 : vector<16xf32> to vector<1x16xf32>
      tpu.vector_store %arg15[%swap3A_963, %swap3A_964], %swap3A_967 {strides = array<i32>} : memref<16x16xf32, #tpu.memory_space<vmem>>, vector<1x16xf32>,
      %slice3A_968 = vector.extract_strided_slice %get3A_664 {offsets = [8], sizes = [1], strides = [1]} : vector<16xf32> to vector<1xf32>
      %squeeze3A_969 = vector.extract %slice3A_968[0] : f32 from vector<1xf32>
      %broadcast_in_dim3A_970 = vector.broadcast %squeeze3A_969 : f32 to vector<16xf32>
      %swap3A_971 = arith.constant 8 : i32
      %swap3A_972 = arith.index_cast %swap3A_971 : i32 to index
      %swap3A_973 = arith.constant 0 : index
      %swap3A_974 = tpu.vector_load %arg12[%swap3A_972, %swap3A_973] {strides = array<i32>} : memref<16x16xf32, #tpu.memory_space<vmem>>, vector<1x16xf32>,
      %swap3A_975 = vector.shape_cast %swap3A_974 : vector<1x16xf32> to vector<16xf32>
      %swap3A_976 = vector.shape_cast %broadcast_in_dim3A_970 : vector<16xf32> to vector<1x16xf32>
      tpu.vector_store %arg12[%swap3A_972, %swap3A_973], %swap3A_976 {strides = array<i32>} : memref<16x16xf32, #tpu.memory_space<vmem>>, vector<1x16xf32>,
      %slice3A_977 = vector.extract_strided_slice %get3A_669 {offsets = [8], sizes = [1], strides = [1]} : vector<16xf32> to vector<1xf32>
      %squeeze3A_978 = vector.extract %slice3A_977[0] : f32 from vector<1xf32>
      %broadcast_in_dim3A_979 = vector.broadcast %squeeze3A_978 : f32 to vector<16xf32>
      %swap3A_980 = arith.constant 8 : i32
      %swap3A_981 = arith.index_cast %swap3A_980 : i32 to index
      %swap3A_982 = arith.constant 0 : index
      %swap3A_983 = tpu.vector_load %arg13[%swap3A_981, %swap3A_982] {strides = array<i32>} : memref<16x16xf32, #tpu.memory_space<vmem>>, vector<1x16xf32>,
      %swap3A_984 = vector.shape_cast %swap3A_983 : vector<1x16xf32> to vector<16xf32>
      %swap3A_985 = vector.shape_cast %broadcast_in_dim3A_979 : vector<16xf32> to vector<1x16xf32>
      tpu.vector_store %arg13[%swap3A_981, %swap3A_982], %swap3A_985 {strides = array<i32>} : memref<16x16xf32, #tpu.memory_space<vmem>>, vector<1x16xf32>,
      %slice3A_986 = vector.extract_strided_slice %get3A_674 {offsets = [8], sizes = [1], strides = [1]} : vector<16xf32> to vector<1xf32>
      %squeeze3A_987 = vector.extract %slice3A_986[0] : f32 from vector<1xf32>
      %broadcast_in_dim3A_988 = vector.broadcast %squeeze3A_987 : f32 to vector<16xf32>
      %swap3A_989 = arith.constant 8 : i32
      %swap3A_990 = arith.index_cast %swap3A_989 : i32 to index
      %swap3A_991 = arith.constant 0 : index
      %swap3A_992 = tpu.vector_load %arg14[%swap3A_990, %swap3A_991] {strides = array<i32>} : memref<16x16xf32, #tpu.memory_space<vmem>>, vector<1x16xf32>,
      %swap3A_993 = vector.shape_cast %swap3A_992 : vector<1x16xf32> to vector<16xf32>
      %swap3A_994 = vector.shape_cast %broadcast_in_dim3A_988 : vector<16xf32> to vector<1x16xf32>
      tpu.vector_store %arg14[%swap3A_990, %swap3A_991], %swap3A_994 {strides = array<i32>} : memref<16x16xf32, #tpu.memory_space<vmem>>, vector<1x16xf32>,
      %slice3A_995 = vector.extract_strided_slice %get3A_679 {offsets = [8], sizes = [1], strides = [1]} : vector<16xf32> to vector<1xf32>
      %squeeze3A_996 = vector.extract %slice3A_995[0] : f32 from vector<1xf32>
      %broadcast_in_dim3A_997 = vector.broadcast %squeeze3A_996 : f32 to vector<16xf32>
      %swap3A_998 = arith.constant 8 : i32
      %swap3A_999 = arith.index_cast %swap3A_998 : i32 to index
      %swap3A_1000 = arith.constant 0 : index
      %swap3A_1001 = tpu.vector_load %arg15[%swap3A_999, %swap3A_1000] {strides = array<i32>} : memref<16x16xf32, #tpu.memory_space<vmem>>, vector<1x16xf32>,
      %swap3A_1002 = vector.shape_cast %swap3A_1001 : vector<1x16xf32> to vector<16xf32>
      %swap3A_1003 = vector.shape_cast %broadcast_in_dim3A_997 : vector<16xf32> to vector<1x16xf32>
      tpu.vector_store %arg15[%swap3A_999, %swap3A_1000], %swap3A_1003 {strides = array<i32>} : memref<16x16xf32, #tpu.memory_space<vmem>>, vector<1x16xf32>,
      %slice3A_1004 = vector.extract_strided_slice %get3A_664 {offsets = [9], sizes = [1], strides = [1]} : vector<16xf32> to vector<1xf32>
      %squeeze3A_1005 = vector.extract %slice3A_1004[0] : f32 from vector<1xf32>
      %broadcast_in_dim3A_1006 = vector.broadcast %squeeze3A_1005 : f32 to vector<16xf32>
      %swap3A_1007 = arith.constant 9 : i32
      %swap3A_1008 = arith.index_cast %swap3A_1007 : i32 to index
      %swap3A_1009 = arith.constant 0 : index
      %swap3A_1010 = tpu.vector_load %arg12[%swap3A_1008, %swap3A_1009] {strides = array<i32>} : memref<16x16xf32, #tpu.memory_space<vmem>>, vector<1x16xf32>,
      %swap3A_1011 = vector.shape_cast %swap3A_1010 : vector<1x16xf32> to vector<16xf32>
      %swap3A_1012 = vector.shape_cast %broadcast_in_dim3A_1006 : vector<16xf32> to vector<1x16xf32>
      tpu.vector_store %arg12[%swap3A_1008, %swap3A_1009], %swap3A_1012 {strides = array<i32>} : memref<16x16xf32, #tpu.memory_space<vmem>>, vector<1x16xf32>,
      %slice3A_1013 = vector.extract_strided_slice %get3A_669 {offsets = [9], sizes = [1], strides = [1]} : vector<16xf32> to vector<1xf32>
      %squeeze3A_1014 = vector.extract %slice3A_1013[0] : f32 from vector<1xf32>
      %broadcast_in_dim3A_1015 = vector.broadcast %squeeze3A_1014 : f32 to vector<16xf32>
      %swap3A_1016 = arith.constant 9 : i32
      %swap3A_1017 = arith.index_cast %swap3A_1016 : i32 to index
      %swap3A_1018 = arith.constant 0 : index
      %swap3A_1019 = tpu.vector_load %arg13[%swap3A_1017, %swap3A_1018] {strides = array<i32>} : memref<16x16xf32, #tpu.memory_space<vmem>>, vector<1x16xf32>,
      %swap3A_1020 = vector.shape_cast %swap3A_1019 : vector<1x16xf32> to vector<16xf32>
      %swap3A_1021 = vector.shape_cast %broadcast_in_dim3A_1015 : vector<16xf32> to vector<1x16xf32>
      tpu.vector_store %arg13[%swap3A_1017, %swap3A_1018], %swap3A_1021 {strides = array<i32>} : memref<16x16xf32, #tpu.memory_space<vmem>>, vector<1x16xf32>,
      %slice3A_1022 = vector.extract_strided_slice %get3A_674 {offsets = [9], sizes = [1], strides = [1]} : vector<16xf32> to vector<1xf32>
      %squeeze3A_1023 = vector.extract %slice3A_1022[0] : f32 from vector<1xf32>
      %broadcast_in_dim3A_1024 = vector.broadcast %squeeze3A_1023 : f32 to vector<16xf32>
      %swap3A_1025 = arith.constant 9 : i32
      %swap3A_1026 = arith.index_cast %swap3A_1025 : i32 to index
      %swap3A_1027 = arith.constant 0 : index
      %swap3A_1028 = tpu.vector_load %arg14[%swap3A_1026, %swap3A_1027] {strides = array<i32>} : memref<16x16xf32, #tpu.memory_space<vmem>>, vector<1x16xf32>,
      %swap3A_1029 = vector.shape_cast %swap3A_1028 : vector<1x16xf32> to vector<16xf32>
      %swap3A_1030 = vector.shape_cast %broadcast_in_dim3A_1024 : vector<16xf32> to vector<1x16xf32>
      tpu.vector_store %arg14[%swap3A_1026, %swap3A_1027], %swap3A_1030 {strides = array<i32>} : memref<16x16xf32, #tpu.memory_space<vmem>>, vector<1x16xf32>,
      %slice3A_1031 = vector.extract_strided_slice %get3A_679 {offsets = [9], sizes = [1], strides = [1]} : vector<16xf32> to vector<1xf32>
      %squeeze3A_1032 = vector.extract %slice3A_1031[0] : f32 from vector<1xf32>
      %broadcast_in_dim3A_1033 = vector.broadcast %squeeze3A_1032 : f32 to vector<16xf32>
      %swap3A_1034 = arith.constant 9 : i32
      %swap3A_1035 = arith.index_cast %swap3A_1034 : i32 to index
      %swap3A_1036 = arith.constant 0 : index
      %swap3A_1037 = tpu.vector_load %arg15[%swap3A_1035, %swap3A_1036] {strides = array<i32>} : memref<16x16xf32, #tpu.memory_space<vmem>>, vector<1x16xf32>,
      %swap3A_1038 = vector.shape_cast %swap3A_1037 : vector<1x16xf32> to vector<16xf32>
      %swap3A_1039 = vector.shape_cast %broadcast_in_dim3A_1033 : vector<16xf32> to vector<1x16xf32>
      tpu.vector_store %arg15[%swap3A_1035, %swap3A_1036], %swap3A_1039 {strides = array<i32>} : memref<16x16xf32, #tpu.memory_space<vmem>>, vector<1x16xf32>,
      %slice3A_1040 = vector.extract_strided_slice %get3A_664 {offsets = [10], sizes = [1], strides = [1]} : vector<16xf32> to vector<1xf32>
      %squeeze3A_1041 = vector.extract %slice3A_1040[0] : f32 from vector<1xf32>
      %broadcast_in_dim3A_1042 = vector.broadcast %squeeze3A_1041 : f32 to vector<16xf32>
      %swap3A_1043 = arith.constant 10 : i32
      %swap3A_1044 = arith.index_cast %swap3A_1043 : i32 to index
      %swap3A_1045 = arith.constant 0 : index
      %swap3A_1046 = tpu.vector_load %arg12[%swap3A_1044, %swap3A_1045] {strides = array<i32>} : memref<16x16xf32, #tpu.memory_space<vmem>>, vector<1x16xf32>,
      %swap3A_1047 = vector.shape_cast %swap3A_1046 : vector<1x16xf32> to vector<16xf32>
      %swap3A_1048 = vector.shape_cast %broadcast_in_dim3A_1042 : vector<16xf32> to vector<1x16xf32>
      tpu.vector_store %arg12[%swap3A_1044, %swap3A_1045], %swap3A_1048 {strides = array<i32>} : memref<16x16xf32, #tpu.memory_space<vmem>>, vector<1x16xf32>,
      %slice3A_1049 = vector.extract_strided_slice %get3A_669 {offsets = [10], sizes = [1], strides = [1]} : vector<16xf32> to vector<1xf32>
      %squeeze3A_1050 = vector.extract %slice3A_1049[0] : f32 from vector<1xf32>
      %broadcast_in_dim3A_1051 = vector.broadcast %squeeze3A_1050 : f32 to vector<16xf32>
      %swap3A_1052 = arith.constant 10 : i32
      %swap3A_1053 = arith.index_cast %swap3A_1052 : i32 to index
      %swap3A_1054 = arith.constant 0 : index
      %swap3A_1055 = tpu.vector_load %arg13[%swap3A_1053, %swap3A_1054] {strides = array<i32>} : memref<16x16xf32, #tpu.memory_space<vmem>>, vector<1x16xf32>,
      %swap3A_1056 = vector.shape_cast %swap3A_1055 : vector<1x16xf32> to vector<16xf32>
      %swap3A_1057 = vector.shape_cast %broadcast_in_dim3A_1051 : vector<16xf32> to vector<1x16xf32>
      tpu.vector_store %arg13[%swap3A_1053, %swap3A_1054], %swap3A_1057 {strides = array<i32>} : memref<16x16xf32, #tpu.memory_space<vmem>>, vector<1x16xf32>,
      %slice3A_1058 = vector.extract_strided_slice %get3A_674 {offsets = [10], sizes = [1], strides = [1]} : vector<16xf32> to vector<1xf32>
      %squeeze3A_1059 = vector.extract %slice3A_1058[0] : f32 from vector<1xf32>
      %broadcast_in_dim3A_1060 = vector.broadcast %squeeze3A_1059 : f32 to vector<16xf32>
      %swap3A_1061 = arith.constant 10 : i32
      %swap3A_1062 = arith.index_cast %swap3A_1061 : i32 to index
      %swap3A_1063 = arith.constant 0 : index
      %swap3A_1064 = tpu.vector_load %arg14[%swap3A_1062, %swap3A_1063] {strides = array<i32>} : memref<16x16xf32, #tpu.memory_space<vmem>>, vector<1x16xf32>,
      %swap3A_1065 = vector.shape_cast %swap3A_1064 : vector<1x16xf32> to vector<16xf32>
      %swap3A_1066 = vector.shape_cast %broadcast_in_dim3A_1060 : vector<16xf32> to vector<1x16xf32>
      tpu.vector_store %arg14[%swap3A_1062, %swap3A_1063], %swap3A_1066 {strides = array<i32>} : memref<16x16xf32, #tpu.memory_space<vmem>>, vector<1x16xf32>,
      %slice3A_1067 = vector.extract_strided_slice %get3A_679 {offsets = [10], sizes = [1], strides = [1]} : vector<16xf32> to vector<1xf32>
      %squeeze3A_1068 = vector.extract %slice3A_1067[0] : f32 from vector<1xf32>
      %broadcast_in_dim3A_1069 = vector.broadcast %squeeze3A_1068 : f32 to vector<16xf32>
      %swap3A_1070 = arith.constant 10 : i32
      %swap3A_1071 = arith.index_cast %swap3A_1070 : i32 to index
      %swap3A_1072 = arith.constant 0 : index
      %swap3A_1073 = tpu.vector_load %arg15[%swap3A_1071, %swap3A_1072] {strides = array<i32>} : memref<16x16xf32, #tpu.memory_space<vmem>>, vector<1x16xf32>,
      %swap3A_1074 = vector.shape_cast %swap3A_1073 : vector<1x16xf32> to vector<16xf32>
      %swap3A_1075 = vector.shape_cast %broadcast_in_dim3A_1069 : vector<16xf32> to vector<1x16xf32>
      tpu.vector_store %arg15[%swap3A_1071, %swap3A_1072], %swap3A_1075 {strides = array<i32>} : memref<16x16xf32, #tpu.memory_space<vmem>>, vector<1x16xf32>,
      %slice3A_1076 = vector.extract_strided_slice %get3A_664 {offsets = [11], sizes = [1], strides = [1]} : vector<16xf32> to vector<1xf32>
      %squeeze3A_1077 = vector.extract %slice3A_1076[0] : f32 from vector<1xf32>
      %broadcast_in_dim3A_1078 = vector.broadcast %squeeze3A_1077 : f32 to vector<16xf32>
      %swap3A_1079 = arith.constant 11 : i32
      %swap3A_1080 = arith.index_cast %swap3A_1079 : i32 to index
      %swap3A_1081 = arith.constant 0 : index
      %swap3A_1082 = tpu.vector_load %arg12[%swap3A_1080, %swap3A_1081] {strides = array<i32>} : memref<16x16xf32, #tpu.memory_space<vmem>>, vector<1x16xf32>,
      %swap3A_1083 = vector.shape_cast %swap3A_1082 : vector<1x16xf32> to vector<16xf32>
      %swap3A_1084 = vector.shape_cast %broadcast_in_dim3A_1078 : vector<16xf32> to vector<1x16xf32>
      tpu.vector_store %arg12[%swap3A_1080, %swap3A_1081], %swap3A_1084 {strides = array<i32>} : memref<16x16xf32, #tpu.memory_space<vmem>>, vector<1x16xf32>,
      %slice3A_1085 = vector.extract_strided_slice %get3A_669 {offsets = [11], sizes = [1], strides = [1]} : vector<16xf32> to vector<1xf32>
      %squeeze3A_1086 = vector.extract %slice3A_1085[0] : f32 from vector<1xf32>
      %broadcast_in_dim3A_1087 = vector.broadcast %squeeze3A_1086 : f32 to vector<16xf32>
      %swap3A_1088 = arith.constant 11 : i32
      %swap3A_1089 = arith.index_cast %swap3A_1088 : i32 to index
      %swap3A_1090 = arith.constant 0 : index
      %swap3A_1091 = tpu.vector_load %arg13[%swap3A_1089, %swap3A_1090] {strides = array<i32>} : memref<16x16xf32, #tpu.memory_space<vmem>>, vector<1x16xf32>,
      %swap3A_1092 = vector.shape_cast %swap3A_1091 : vector<1x16xf32> to vector<16xf32>
      %swap3A_1093 = vector.shape_cast %broadcast_in_dim3A_1087 : vector<16xf32> to vector<1x16xf32>
      tpu.vector_store %arg13[%swap3A_1089, %swap3A_1090], %swap3A_1093 {strides = array<i32>} : memref<16x16xf32, #tpu.memory_space<vmem>>, vector<1x16xf32>,
      %slice3A_1094 = vector.extract_strided_slice %get3A_674 {offsets = [11], sizes = [1], strides = [1]} : vector<16xf32> to vector<1xf32>
      %squeeze3A_1095 = vector.extract %slice3A_1094[0] : f32 from vector<1xf32>
      %broadcast_in_dim3A_1096 = vector.broadcast %squeeze3A_1095 : f32 to vector<16xf32>
      %swap3A_1097 = arith.constant 11 : i32
      %swap3A_1098 = arith.index_cast %swap3A_1097 : i32 to index
      %swap3A_1099 = arith.constant 0 : index
      %swap3A_1100 = tpu.vector_load %arg14[%swap3A_1098, %swap3A_1099] {strides = array<i32>} : memref<16x16xf32, #tpu.memory_space<vmem>>, vector<1x16xf32>,
      %swap3A_1101 = vector.shape_cast %swap3A_1100 : vector<1x16xf32> to vector<16xf32>
      %swap3A_1102 = vector.shape_cast %broadcast_in_dim3A_1096 : vector<16xf32> to vector<1x16xf32>
      tpu.vector_store %arg14[%swap3A_1098, %swap3A_1099], %swap3A_1102 {strides = array<i32>} : memref<16x16xf32, #tpu.memory_space<vmem>>, vector<1x16xf32>,
      %slice3A_1103 = vector.extract_strided_slice %get3A_679 {offsets = [11], sizes = [1], strides = [1]} : vector<16xf32> to vector<1xf32>
      %squeeze3A_1104 = vector.extract %slice3A_1103[0] : f32 from vector<1xf32>
      %broadcast_in_dim3A_1105 = vector.broadcast %squeeze3A_1104 : f32 to vector<16xf32>
      %swap3A_1106 = arith.constant 11 : i32
      %swap3A_1107 = arith.index_cast %swap3A_1106 : i32 to index
      %swap3A_1108 = arith.constant 0 : index
      %swap3A_1109 = tpu.vector_load %arg15[%swap3A_1107, %swap3A_1108] {strides = array<i32>} : memref<16x16xf32, #tpu.memory_space<vmem>>, vector<1x16xf32>,
      %swap3A_1110 = vector.shape_cast %swap3A_1109 : vector<1x16xf32> to vector<16xf32>
      %swap3A_1111 = vector.shape_cast %broadcast_in_dim3A_1105 : vector<16xf32> to vector<1x16xf32>
      tpu.vector_store %arg15[%swap3A_1107, %swap3A_1108], %swap3A_1111 {strides = array<i32>} : memref<16x16xf32, #tpu.memory_space<vmem>>, vector<1x16xf32>,
      %slice3A_1112 = vector.extract_strided_slice %get3A_664 {offsets = [12], sizes = [1], strides = [1]} : vector<16xf32> to vector<1xf32>
      %squeeze3A_1113 = vector.extract %slice3A_1112[0] : f32 from vector<1xf32>
      %broadcast_in_dim3A_1114 = vector.broadcast %squeeze3A_1113 : f32 to vector<16xf32>
      %swap3A_1115 = arith.constant 12 : i32
      %swap3A_1116 = arith.index_cast %swap3A_1115 : i32 to index
      %swap3A_1117 = arith.constant 0 : index
      %swap3A_1118 = tpu.vector_load %arg12[%swap3A_1116, %swap3A_1117] {strides = array<i32>} : memref<16x16xf32, #tpu.memory_space<vmem>>, vector<1x16xf32>,
      %swap3A_1119 = vector.shape_cast %swap3A_1118 : vector<1x16xf32> to vector<16xf32>
      %swap3A_1120 = vector.shape_cast %broadcast_in_dim3A_1114 : vector<16xf32> to vector<1x16xf32>
      tpu.vector_store %arg12[%swap3A_1116, %swap3A_1117], %swap3A_1120 {strides = array<i32>} : memref<16x16xf32, #tpu.memory_space<vmem>>, vector<1x16xf32>,
      %slice3A_1121 = vector.extract_strided_slice %get3A_669 {offsets = [12], sizes = [1], strides = [1]} : vector<16xf32> to vector<1xf32>
      %squeeze3A_1122 = vector.extract %slice3A_1121[0] : f32 from vector<1xf32>
      %broadcast_in_dim3A_1123 = vector.broadcast %squeeze3A_1122 : f32 to vector<16xf32>
      %swap3A_1124 = arith.constant 12 : i32
      %swap3A_1125 = arith.index_cast %swap3A_1124 : i32 to index
      %swap3A_1126 = arith.constant 0 : index
      %swap3A_1127 = tpu.vector_load %arg13[%swap3A_1125, %swap3A_1126] {strides = array<i32>} : memref<16x16xf32, #tpu.memory_space<vmem>>, vector<1x16xf32>,
      %swap3A_1128 = vector.shape_cast %swap3A_1127 : vector<1x16xf32> to vector<16xf32>
      %swap3A_1129 = vector.shape_cast %broadcast_in_dim3A_1123 : vector<16xf32> to vector<1x16xf32>
      tpu.vector_store %arg13[%swap3A_1125, %swap3A_1126], %swap3A_1129 {strides = array<i32>} : memref<16x16xf32, #tpu.memory_space<vmem>>, vector<1x16xf32>,
      %slice3A_1130 = vector.extract_strided_slice %get3A_674 {offsets = [12], sizes = [1], strides = [1]} : vector<16xf32> to vector<1xf32>
      %squeeze3A_1131 = vector.extract %slice3A_1130[0] : f32 from vector<1xf32>
      %broadcast_in_dim3A_1132 = vector.broadcast %squeeze3A_1131 : f32 to vector<16xf32>
      %swap3A_1133 = arith.constant 12 : i32
      %swap3A_1134 = arith.index_cast %swap3A_1133 : i32 to index
      %swap3A_1135 = arith.constant 0 : index
      %swap3A_1136 = tpu.vector_load %arg14[%swap3A_1134, %swap3A_1135] {strides = array<i32>} : memref<16x16xf32, #tpu.memory_space<vmem>>, vector<1x16xf32>,
      %swap3A_1137 = vector.shape_cast %swap3A_1136 : vector<1x16xf32> to vector<16xf32>
      %swap3A_1138 = vector.shape_cast %broadcast_in_dim3A_1132 : vector<16xf32> to vector<1x16xf32>
      tpu.vector_store %arg14[%swap3A_1134, %swap3A_1135], %swap3A_1138 {strides = array<i32>} : memref<16x16xf32, #tpu.memory_space<vmem>>, vector<1x16xf32>,
      %slice3A_1139 = vector.extract_strided_slice %get3A_679 {offsets = [12], sizes = [1], strides = [1]} : vector<16xf32> to vector<1xf32>
      %squeeze3A_1140 = vector.extract %slice3A_1139[0] : f32 from vector<1xf32>
      %broadcast_in_dim3A_1141 = vector.broadcast %squeeze3A_1140 : f32 to vector<16xf32>
      %swap3A_1142 = arith.constant 12 : i32
      %swap3A_1143 = arith.index_cast %swap3A_1142 : i32 to index
      %swap3A_1144 = arith.constant 0 : index
      %swap3A_1145 = tpu.vector_load %arg15[%swap3A_1143, %swap3A_1144] {strides = array<i32>} : memref<16x16xf32, #tpu.memory_space<vmem>>, vector<1x16xf32>,
      %swap3A_1146 = vector.shape_cast %swap3A_1145 : vector<1x16xf32> to vector<16xf32>
      %swap3A_1147 = vector.shape_cast %broadcast_in_dim3A_1141 : vector<16xf32> to vector<1x16xf32>
      tpu.vector_store %arg15[%swap3A_1143, %swap3A_1144], %swap3A_1147 {strides = array<i32>} : memref<16x16xf32, #tpu.memory_space<vmem>>, vector<1x16xf32>,
      %slice3A_1148 = vector.extract_strided_slice %get3A_664 {offsets = [13], sizes = [1], strides = [1]} : vector<16xf32> to vector<1xf32>
      %squeeze3A_1149 = vector.extract %slice3A_1148[0] : f32 from vector<1xf32>
      %broadcast_in_dim3A_1150 = vector.broadcast %squeeze3A_1149 : f32 to vector<16xf32>
      %swap3A_1151 = arith.constant 13 : i32
      %swap3A_1152 = arith.index_cast %swap3A_1151 : i32 to index
      %swap3A_1153 = arith.constant 0 : index
      %swap3A_1154 = tpu.vector_load %arg12[%swap3A_1152, %swap3A_1153] {strides = array<i32>} : memref<16x16xf32, #tpu.memory_space<vmem>>, vector<1x16xf32>,
      %swap3A_1155 = vector.shape_cast %swap3A_1154 : vector<1x16xf32> to vector<16xf32>
      %swap3A_1156 = vector.shape_cast %broadcast_in_dim3A_1150 : vector<16xf32> to vector<1x16xf32>
      tpu.vector_store %arg12[%swap3A_1152, %swap3A_1153], %swap3A_1156 {strides = array<i32>} : memref<16x16xf32, #tpu.memory_space<vmem>>, vector<1x16xf32>,
      %slice3A_1157 = vector.extract_strided_slice %get3A_669 {offsets = [13], sizes = [1], strides = [1]} : vector<16xf32> to vector<1xf32>
      %squeeze3A_1158 = vector.extract %slice3A_1157[0] : f32 from vector<1xf32>
      %broadcast_in_dim3A_1159 = vector.broadcast %squeeze3A_1158 : f32 to vector<16xf32>
      %swap3A_1160 = arith.constant 13 : i32
      %swap3A_1161 = arith.index_cast %swap3A_1160 : i32 to index
      %swap3A_1162 = arith.constant 0 : index
      %swap3A_1163 = tpu.vector_load %arg13[%swap3A_1161, %swap3A_1162] {strides = array<i32>} : memref<16x16xf32, #tpu.memory_space<vmem>>, vector<1x16xf32>,
      %swap3A_1164 = vector.shape_cast %swap3A_1163 : vector<1x16xf32> to vector<16xf32>
      %swap3A_1165 = vector.shape_cast %broadcast_in_dim3A_1159 : vector<16xf32> to vector<1x16xf32>
      tpu.vector_store %arg13[%swap3A_1161, %swap3A_1162], %swap3A_1165 {strides = array<i32>} : memref<16x16xf32, #tpu.memory_space<vmem>>, vector<1x16xf32>,
      %slice3A_1166 = vector.extract_strided_slice %get3A_674 {offsets = [13], sizes = [1], strides = [1]} : vector<16xf32> to vector<1xf32>
      %squeeze3A_1167 = vector.extract %slice3A_1166[0] : f32 from vector<1xf32>
      %broadcast_in_dim3A_1168 = vector.broadcast %squeeze3A_1167 : f32 to vector<16xf32>
      %swap3A_1169 = arith.constant 13 : i32
      %swap3A_1170 = arith.index_cast %swap3A_1169 : i32 to index
      %swap3A_1171 = arith.constant 0 : index
      %swap3A_1172 = tpu.vector_load %arg14[%swap3A_1170, %swap3A_1171] {strides = array<i32>} : memref<16x16xf32, #tpu.memory_space<vmem>>, vector<1x16xf32>,
      %swap3A_1173 = vector.shape_cast %swap3A_1172 : vector<1x16xf32> to vector<16xf32>
      %swap3A_1174 = vector.shape_cast %broadcast_in_dim3A_1168 : vector<16xf32> to vector<1x16xf32>
      tpu.vector_store %arg14[%swap3A_1170, %swap3A_1171], %swap3A_1174 {strides = array<i32>} : memref<16x16xf32, #tpu.memory_space<vmem>>, vector<1x16xf32>,
      %slice3A_1175 = vector.extract_strided_slice %get3A_679 {offsets = [13], sizes = [1], strides = [1]} : vector<16xf32> to vector<1xf32>
      %squeeze3A_1176 = vector.extract %slice3A_1175[0] : f32 from vector<1xf32>
      %broadcast_in_dim3A_1177 = vector.broadcast %squeeze3A_1176 : f32 to vector<16xf32>
      %swap3A_1178 = arith.constant 13 : i32
      %swap3A_1179 = arith.index_cast %swap3A_1178 : i32 to index
      %swap3A_1180 = arith.constant 0 : index
      %swap3A_1181 = tpu.vector_load %arg15[%swap3A_1179, %swap3A_1180] {strides = array<i32>} : memref<16x16xf32, #tpu.memory_space<vmem>>, vector<1x16xf32>,
      %swap3A_1182 = vector.shape_cast %swap3A_1181 : vector<1x16xf32> to vector<16xf32>
      %swap3A_1183 = vector.shape_cast %broadcast_in_dim3A_1177 : vector<16xf32> to vector<1x16xf32>
      tpu.vector_store %arg15[%swap3A_1179, %swap3A_1180], %swap3A_1183 {strides = array<i32>} : memref<16x16xf32, #tpu.memory_space<vmem>>, vector<1x16xf32>,
      %slice3A_1184 = vector.extract_strided_slice %get3A_664 {offsets = [14], sizes = [1], strides = [1]} : vector<16xf32> to vector<1xf32>
      %squeeze3A_1185 = vector.extract %slice3A_1184[0] : f32 from vector<1xf32>
      %broadcast_in_dim3A_1186 = vector.broadcast %squeeze3A_1185 : f32 to vector<16xf32>
      %swap3A_1187 = arith.constant 14 : i32
      %swap3A_1188 = arith.index_cast %swap3A_1187 : i32 to index
      %swap3A_1189 = arith.constant 0 : index
      %swap3A_1190 = tpu.vector_load %arg12[%swap3A_1188, %swap3A_1189] {strides = array<i32>} : memref<16x16xf32, #tpu.memory_space<vmem>>, vector<1x16xf32>,
      %swap3A_1191 = vector.shape_cast %swap3A_1190 : vector<1x16xf32> to vector<16xf32>
      %swap3A_1192 = vector.shape_cast %broadcast_in_dim3A_1186 : vector<16xf32> to vector<1x16xf32>
      tpu.vector_store %arg12[%swap3A_1188, %swap3A_1189], %swap3A_1192 {strides = array<i32>} : memref<16x16xf32, #tpu.memory_space<vmem>>, vector<1x16xf32>,
      %slice3A_1193 = vector.extract_strided_slice %get3A_669 {offsets = [14], sizes = [1], strides = [1]} : vector<16xf32> to vector<1xf32>
      %squeeze3A_1194 = vector.extract %slice3A_1193[0] : f32 from vector<1xf32>
      %broadcast_in_dim3A_1195 = vector.broadcast %squeeze3A_1194 : f32 to vector<16xf32>
      %swap3A_1196 = arith.constant 14 : i32
      %swap3A_1197 = arith.index_cast %swap3A_1196 : i32 to index
      %swap3A_1198 = arith.constant 0 : index
      %swap3A_1199 = tpu.vector_load %arg13[%swap3A_1197, %swap3A_1198] {strides = array<i32>} : memref<16x16xf32, #tpu.memory_space<vmem>>, vector<1x16xf32>,
      %swap3A_1200 = vector.shape_cast %swap3A_1199 : vector<1x16xf32> to vector<16xf32>
      %swap3A_1201 = vector.shape_cast %broadcast_in_dim3A_1195 : vector<16xf32> to vector<1x16xf32>
      tpu.vector_store %arg13[%swap3A_1197, %swap3A_1198], %swap3A_1201 {strides = array<i32>} : memref<16x16xf32, #tpu.memory_space<vmem>>, vector<1x16xf32>,
      %slice3A_1202 = vector.extract_strided_slice %get3A_674 {offsets = [14], sizes = [1], strides = [1]} : vector<16xf32> to vector<1xf32>
      %squeeze3A_1203 = vector.extract %slice3A_1202[0] : f32 from vector<1xf32>
      %broadcast_in_dim3A_1204 = vector.broadcast %squeeze3A_1203 : f32 to vector<16xf32>
      %swap3A_1205 = arith.constant 14 : i32
      %swap3A_1206 = arith.index_cast %swap3A_1205 : i32 to index
      %swap3A_1207 = arith.constant 0 : index
      %swap3A_1208 = tpu.vector_load %arg14[%swap3A_1206, %swap3A_1207] {strides = array<i32>} : memref<16x16xf32, #tpu.memory_space<vmem>>, vector<1x16xf32>,
      %swap3A_1209 = vector.shape_cast %swap3A_1208 : vector<1x16xf32> to vector<16xf32>
      %swap3A_1210 = vector.shape_cast %broadcast_in_dim3A_1204 : vector<16xf32> to vector<1x16xf32>
      tpu.vector_store %arg14[%swap3A_1206, %swap3A_1207], %swap3A_1210 {strides = array<i32>} : memref<16x16xf32, #tpu.memory_space<vmem>>, vector<1x16xf32>,
      %slice3A_1211 = vector.extract_strided_slice %get3A_679 {offsets = [14], sizes = [1], strides = [1]} : vector<16xf32> to vector<1xf32>
      %squeeze3A_1212 = vector.extract %slice3A_1211[0] : f32 from vector<1xf32>
      %broadcast_in_dim3A_1213 = vector.broadcast %squeeze3A_1212 : f32 to vector<16xf32>
      %swap3A_1214 = arith.constant 14 : i32
      %swap3A_1215 = arith.index_cast %swap3A_1214 : i32 to index
      %swap3A_1216 = arith.constant 0 : index
      %swap3A_1217 = tpu.vector_load %arg15[%swap3A_1215, %swap3A_1216] {strides = array<i32>} : memref<16x16xf32, #tpu.memory_space<vmem>>, vector<1x16xf32>,
      %swap3A_1218 = vector.shape_cast %swap3A_1217 : vector<1x16xf32> to vector<16xf32>
      %swap3A_1219 = vector.shape_cast %broadcast_in_dim3A_1213 : vector<16xf32> to vector<1x16xf32>
      tpu.vector_store %arg15[%swap3A_1215, %swap3A_1216], %swap3A_1219 {strides = array<i32>} : memref<16x16xf32, #tpu.memory_space<vmem>>, vector<1x16xf32>,
      %slice3A_1220 = vector.extract_strided_slice %get3A_664 {offsets = [15], sizes = [1], strides = [1]} : vector<16xf32> to vector<1xf32>
      %squeeze3A_1221 = vector.extract %slice3A_1220[0] : f32 from vector<1xf32>
      %broadcast_in_dim3A_1222 = vector.broadcast %squeeze3A_1221 : f32 to vector<16xf32>
      %swap3A_1223 = arith.constant 15 : i32
      %swap3A_1224 = arith.index_cast %swap3A_1223 : i32 to index
      %swap3A_1225 = arith.constant 0 : index
      %swap3A_1226 = tpu.vector_load %arg12[%swap3A_1224, %swap3A_1225] {strides = array<i32>} : memref<16x16xf32, #tpu.memory_space<vmem>>, vector<1x16xf32>,
      %swap3A_1227 = vector.shape_cast %swap3A_1226 : vector<1x16xf32> to vector<16xf32>
      %swap3A_1228 = vector.shape_cast %broadcast_in_dim3A_1222 : vector<16xf32> to vector<1x16xf32>
      tpu.vector_store %arg12[%swap3A_1224, %swap3A_1225], %swap3A_1228 {strides = array<i32>} : memref<16x16xf32, #tpu.memory_space<vmem>>, vector<1x16xf32>,
      %slice3A_1229 = vector.extract_strided_slice %get3A_669 {offsets = [15], sizes = [1], strides = [1]} : vector<16xf32> to vector<1xf32>
      %squeeze3A_1230 = vector.extract %slice3A_1229[0] : f32 from vector<1xf32>
      %broadcast_in_dim3A_1231 = vector.broadcast %squeeze3A_1230 : f32 to vector<16xf32>
      %swap3A_1232 = arith.constant 15 : i32
      %swap3A_1233 = arith.index_cast %swap3A_1232 : i32 to index
      %swap3A_1234 = arith.constant 0 : index
      %swap3A_1235 = tpu.vector_load %arg13[%swap3A_1233, %swap3A_1234] {strides = array<i32>} : memref<16x16xf32, #tpu.memory_space<vmem>>, vector<1x16xf32>,
      %swap3A_1236 = vector.shape_cast %swap3A_1235 : vector<1x16xf32> to vector<16xf32>
      %swap3A_1237 = vector.shape_cast %broadcast_in_dim3A_1231 : vector<16xf32> to vector<1x16xf32>
      tpu.vector_store %arg13[%swap3A_1233, %swap3A_1234], %swap3A_1237 {strides = array<i32>} : memref<16x16xf32, #tpu.memory_space<vmem>>, vector<1x16xf32>,
      %slice3A_1238 = vector.extract_strided_slice %get3A_674 {offsets = [15], sizes = [1], strides = [1]} : vector<16xf32> to vector<1xf32>
      %squeeze3A_1239 = vector.extract %slice3A_1238[0] : f32 from vector<1xf32>
      %broadcast_in_dim3A_1240 = vector.broadcast %squeeze3A_1239 : f32 to vector<16xf32>
      %swap3A_1241 = arith.constant 15 : i32
      %swap3A_1242 = arith.index_cast %swap3A_1241 : i32 to index
      %swap3A_1243 = arith.constant 0 : index
      %swap3A_1244 = tpu.vector_load %arg14[%swap3A_1242, %swap3A_1243] {strides = array<i32>} : memref<16x16xf32, #tpu.memory_space<vmem>>, vector<1x16xf32>,
      %swap3A_1245 = vector.shape_cast %swap3A_1244 : vector<1x16xf32> to vector<16xf32>
      %swap3A_1246 = vector.shape_cast %broadcast_in_dim3A_1240 : vector<16xf32> to vector<1x16xf32>
      tpu.vector_store %arg14[%swap3A_1242, %swap3A_1243], %swap3A_1246 {strides = array<i32>} : memref<16x16xf32, #tpu.memory_space<vmem>>, vector<1x16xf32>,
      %slice3A_1247 = vector.extract_strided_slice %get3A_679 {offsets = [15], sizes = [1], strides = [1]} : vector<16xf32> to vector<1xf32>
      %squeeze3A_1248 = vector.extract %slice3A_1247[0] : f32 from vector<1xf32>
      %broadcast_in_dim3A_1249 = vector.broadcast %squeeze3A_1248 : f32 to vector<16xf32>
      %swap3A_1250 = arith.constant 15 : i32
      %swap3A_1251 = arith.index_cast %swap3A_1250 : i32 to index
      %swap3A_1252 = arith.constant 0 : index
      %swap3A_1253 = tpu.vector_load %arg15[%swap3A_1251, %swap3A_1252] {strides = array<i32>} : memref<16x16xf32, #tpu.memory_space<vmem>>, vector<1x16xf32>,
      %swap3A_1254 = vector.shape_cast %swap3A_1253 : vector<1x16xf32> to vector<16xf32>
      %swap3A_1255 = vector.shape_cast %broadcast_in_dim3A_1249 : vector<16xf32> to vector<1x16xf32>
      tpu.vector_store %arg15[%swap3A_1251, %swap3A_1252], %swap3A_1255 {strides = array<i32>} : memref<16x16xf32, #tpu.memory_space<vmem>>, vector<1x16xf32>,
      %dma_wait3A_1256 = arith.constant 0 : i32
      %dma_wait3A_1257 = arith.constant 0 : i32
      %dma_wait3A_1258 = tpu.memref_slice %arg2[%dma_wait3A_1256, %dma_wait3A_1257] : memref<147456x384xf32, #tpu.memory_space<hbm>> -> memref<64x384xf32, #tpu.memory_space<hbm>>
      %dma_wait3A_1259 = arith.constant 0 : i32
      %dma_wait3A_1260 = arith.constant 0 : i32
      %dma_wait3A_1261 = tpu.memref_slice %arg2[%dma_wait3A_1259, %dma_wait3A_1260] : memref<147456x384xf32, #tpu.memory_space<hbm>> -> memref<64x384xf32, #tpu.memory_space<hbm>>
      tpu.wait_dma2 semaphore(%arg17 : memref<!tpu.dma_semaphore, #tpu.memory_space<semaphore_mem>>) src(%dma_wait3A_1261 : memref<64x384xf32, #tpu.memory_space<hbm>>) dst(%arg9 : memref<64x384xf32, #tpu.memory_space<vmem>>)
      %gt3A_1262 = arith.constant 0 : i32
      %gt3A_1263 = arith.cmpi sgt, %scan3A_33, %gt3A_1262 : i32
      %convert_element_type3A_1264 = arith.extui %gt3A_1263 : i1 to i32
      %cond3A_1265 = arith.constant 0 : i32
      %cond3A_1266 = arith.cmpi ne, %convert_element_type3A_1264, %cond3A_1265 : i32
      scf.if %cond3A_1266 {
        %dma_wait3A_1285 = arith.constant 0 : i32
        %dma_wait3A_1286 = arith.constant 0 : i32
        %dma_wait3A_1287 = tpu.memref_slice %arg5[%dma_wait3A_1285, %dma_wait3A_1286] : memref<147456x384xf32, #tpu.memory_space<hbm>> -> memref<16x384xf32, #tpu.memory_space<hbm>>
        %dma_wait3A_1288 = arith.constant 0 : i32
        %dma_wait3A_1289 = arith.constant 0 : i32
        %dma_wait3A_1290 = tpu.memref_slice %arg5[%dma_wait3A_1288, %dma_wait3A_1289] : memref<147456x384xf32, #tpu.memory_space<hbm>> -> memref<16x384xf32, #tpu.memory_space<hbm>>
        tpu.wait_dma2 semaphore(%arg19 : memref<!tpu.dma_semaphore, #tpu.memory_space<semaphore_mem>>) src(%dma_wait3A_1290 : memref<16x384xf32, #tpu.memory_space<hbm>>) dst(%arg11 : memref<16x384xf32, #tpu.memory_space<vmem>>)
      } else {
      }
      %scan3A_1267 = arith.constant 0 : i32
      %scan3A_1268 = arith.constant 0 : i32
      %scan3A_1269 = arith.constant 16 : i32
      %scan3A_1270 = arith.addi %scan3A_1268, %scan3A_1269 : i32
      %scan3A_1271 = arith.constant 1 : i32
      scf.for %scan3A_1285 = %scan3A_1268 to %scan3A_1270 step %scan3A_1271  : i32 {
        %get3A_1286 = arith.index_cast %scan3A_1285 : i32 to index
        %get3A_1287 = arith.constant 0 : index
        %get3A_1288 = tpu.vector_load %arg12[%get3A_1286, %get3A_1287] {strides = array<i32>} : memref<16x16xf32, #tpu.memory_space<vmem>>, vector<1x16xf32>,
        %get3A_1289 = vector.shape_cast %get3A_1288 : vector<1x16xf32> to vector<16xf32>
        %get3A_1290 = arith.index_cast %scan3A_1285 : i32 to index
        %get3A_1291 = arith.constant 0 : index
        %get3A_1292 = tpu.vector_load %arg13[%get3A_1290, %get3A_1291] {strides = array<i32>} : memref<16x16xf32, #tpu.memory_space<vmem>>, vector<1x16xf32>,
        %get3A_1293 = vector.shape_cast %get3A_1292 : vector<1x16xf32> to vector<16xf32>
        %get3A_1294 = arith.index_cast %scan3A_1285 : i32 to index
        %get3A_1295 = arith.constant 0 : index
        %get3A_1296 = tpu.vector_load %arg14[%get3A_1294, %get3A_1295] {strides = array<i32>} : memref<16x16xf32, #tpu.memory_space<vmem>>, vector<1x16xf32>,
        %get3A_1297 = vector.shape_cast %get3A_1296 : vector<1x16xf32> to vector<16xf32>
        %get3A_1298 = arith.index_cast %scan3A_1285 : i32 to index
        %get3A_1299 = arith.constant 0 : index
        %get3A_1300 = tpu.vector_load %arg15[%get3A_1298, %get3A_1299] {strides = array<i32>} : memref<16x16xf32, #tpu.memory_space<vmem>>, vector<1x16xf32>,
        %get3A_1301 = vector.shape_cast %get3A_1300 : vector<1x16xf32> to vector<16xf32>
        %get3A_1302 = arith.index_cast %scan3A_1285 : i32 to index
        %get3A_1303 = arith.constant 0 : index
        %get3A_1304 = tpu.vector_load %arg9[%get3A_1302, %get3A_1303] {strides = array<i32>} : memref<64x384xf32, #tpu.memory_space<vmem>>, vector<1x16xf32>,
        %get3A_1305 = vector.shape_cast %get3A_1304 : vector<1x16xf32> to vector<16xf32>
        %mul3A_1306 = arith.mulf %get3A_1305, %get3A_1289 : vector<16xf32>
        %add3A_1307 = arith.constant 16 : i32
        %add3A_1308 = arith.addi %scan3A_1285, %add3A_1307 : i32
        %get3A_1309 = arith.index_cast %add3A_1308 : i32 to index
        %get3A_1310 = arith.constant 0 : index
        %get3A_1311 = tpu.vector_load %arg9[%get3A_1309, %get3A_1310] {strides = array<i32>} : memref<64x384xf32, #tpu.memory_space<vmem>>, vector<1x16xf32>,
        %get3A_1312 = vector.shape_cast %get3A_1311 : vector<1x16xf32> to vector<16xf32>
        %mul3A_1313 = arith.mulf %get3A_1312, %get3A_1293 : vector<16xf32>
        %add3A_1314 = arith.addf %mul3A_1306, %mul3A_1313 : vector<16xf32>
        %add3A_1315 = arith.constant 32 : i32
        %add3A_1316 = arith.addi %scan3A_1285, %add3A_1315 : i32
        %get3A_1317 = arith.index_cast %add3A_1316 : i32 to index
        %get3A_1318 = arith.constant 0 : index
        %get3A_1319 = tpu.vector_load %arg9[%get3A_1317, %get3A_1318] {strides = array<i32>} : memref<64x384xf32, #tpu.memory_space<vmem>>, vector<1x16xf32>,
        %get3A_1320 = vector.shape_cast %get3A_1319 : vector<1x16xf32> to vector<16xf32>
        %mul3A_1321 = arith.mulf %get3A_1320, %get3A_1297 : vector<16xf32>
        %add3A_1322 = arith.addf %add3A_1314, %mul3A_1321 : vector<16xf32>
        %add3A_1323 = arith.constant 48 : i32
        %add3A_1324 = arith.addi %scan3A_1285, %add3A_1323 : i32
        %get3A_1325 = arith.index_cast %add3A_1324 : i32 to index
        %get3A_1326 = arith.constant 0 : index
        %get3A_1327 = tpu.vector_load %arg9[%get3A_1325, %get3A_1326] {strides = array<i32>} : memref<64x384xf32, #tpu.memory_space<vmem>>, vector<1x16xf32>,
        %get3A_1328 = vector.shape_cast %get3A_1327 : vector<1x16xf32> to vector<16xf32>
        %mul3A_1329 = arith.mulf %get3A_1328, %get3A_1301 : vector<16xf32>
        %add3A_1330 = arith.addf %add3A_1322, %mul3A_1329 : vector<16xf32>
        %swap3A_1331 = arith.index_cast %scan3A_1285 : i32 to index
        %swap3A_1332 = arith.constant 0 : index
        %swap3A_1333 = tpu.vector_load %arg11[%swap3A_1331, %swap3A_1332] {strides = array<i32>} : memref<16x384xf32, #tpu.memory_space<vmem>>, vector<1x16xf32>,
        %swap3A_1334 = vector.shape_cast %swap3A_1333 : vector<1x16xf32> to vector<16xf32>
        %swap3A_1335 = vector.shape_cast %add3A_1330 : vector<16xf32> to vector<1x16xf32>
        tpu.vector_store %arg11[%swap3A_1331, %swap3A_1332], %swap3A_1335 {strides = array<i32>} : memref<16x384xf32, #tpu.memory_space<vmem>>, vector<1x16xf32>,
        %get3A_1336 = arith.index_cast %scan3A_1285 : i32 to index
        %get3A_1337 = arith.constant 16 : index
        %get3A_1338 = tpu.vector_load %arg9[%get3A_1336, %get3A_1337] {strides = array<i32>} : memref<64x384xf32, #tpu.memory_space<vmem>>, vector<1x16xf32>,
        %get3A_1339 = vector.shape_cast %get3A_1338 : vector<1x16xf32> to vector<16xf32>
        %mul3A_1340 = arith.mulf %get3A_1339, %get3A_1289 : vector<16xf32>
        %add3A_1341 = arith.constant 16 : i32
        %add3A_1342 = arith.addi %scan3A_1285, %add3A_1341 : i32
        %get3A_1343 = arith.index_cast %add3A_1342 : i32 to index
        %get3A_1344 = arith.constant 16 : index
        %get3A_1345 = tpu.vector_load %arg9[%get3A_1343, %get3A_1344] {strides = array<i32>} : memref<64x384xf32, #tpu.memory_space<vmem>>, vector<1x16xf32>,
        %get3A_1346 = vector.shape_cast %get3A_1345 : vector<1x16xf32> to vector<16xf32>
        %mul3A_1347 = arith.mulf %get3A_1346, %get3A_1293 : vector<16xf32>
        %add3A_1348 = arith.addf %mul3A_1340, %mul3A_1347 : vector<16xf32>
        %add3A_1349 = arith.constant 32 : i32
        %add3A_1350 = arith.addi %scan3A_1285, %add3A_1349 : i32
        %get3A_1351 = arith.index_cast %add3A_1350 : i32 to index
        %get3A_1352 = arith.constant 16 : index
        %get3A_1353 = tpu.vector_load %arg9[%get3A_1351, %get3A_1352] {strides = array<i32>} : memref<64x384xf32, #tpu.memory_space<vmem>>, vector<1x16xf32>,
        %get3A_1354 = vector.shape_cast %get3A_1353 : vector<1x16xf32> to vector<16xf32>
        %mul3A_1355 = arith.mulf %get3A_1354, %get3A_1297 : vector<16xf32>
        %add3A_1356 = arith.addf %add3A_1348, %mul3A_1355 : vector<16xf32>
        %add3A_1357 = arith.constant 48 : i32
        %add3A_1358 = arith.addi %scan3A_1285, %add3A_1357 : i32
        %get3A_1359 = arith.index_cast %add3A_1358 : i32 to index
        %get3A_1360 = arith.constant 16 : index
        %get3A_1361 = tpu.vector_load %arg9[%get3A_1359, %get3A_1360] {strides = array<i32>} : memref<64x384xf32, #tpu.memory_space<vmem>>, vector<1x16xf32>,
        %get3A_1362 = vector.shape_cast %get3A_1361 : vector<1x16xf32> to vector<16xf32>
        %mul3A_1363 = arith.mulf %get3A_1362, %get3A_1301 : vector<16xf32>
        %add3A_1364 = arith.addf %add3A_1356, %mul3A_1363 : vector<16xf32>
        %swap3A_1365 = arith.index_cast %scan3A_1285 : i32 to index
        %swap3A_1366 = arith.constant 16 : index
        %swap3A_1367 = tpu.vector_load %arg11[%swap3A_1365, %swap3A_1366] {strides = array<i32>} : memref<16x384xf32, #tpu.memory_space<vmem>>, vector<1x16xf32>,
        %swap3A_1368 = vector.shape_cast %swap3A_1367 : vector<1x16xf32> to vector<16xf32>
        %swap3A_1369 = vector.shape_cast %add3A_1364 : vector<16xf32> to vector<1x16xf32>
        tpu.vector_store %arg11[%swap3A_1365, %swap3A_1366], %swap3A_1369 {strides = array<i32>} : memref<16x384xf32, #tpu.memory_space<vmem>>, vector<1x16xf32>,
        %get3A_1370 = arith.index_cast %scan3A_1285 : i32 to index
        %get3A_1371 = arith.constant 32 : index
        %get3A_1372 = tpu.vector_load %arg9[%get3A_1370, %get3A_1371] {strides = array<i32>} : memref<64x384xf32, #tpu.memory_space<vmem>>, vector<1x16xf32>,
        %get3A_1373 = vector.shape_cast %get3A_1372 : vector<1x16xf32> to vector<16xf32>
        %mul3A_1374 = arith.mulf %get3A_1373, %get3A_1289 : vector<16xf32>
        %add3A_1375 = arith.constant 16 : i32
        %add3A_1376 = arith.addi %scan3A_1285, %add3A_1375 : i32
        %get3A_1377 = arith.index_cast %add3A_1376 : i32 to index
        %get3A_1378 = arith.constant 32 : index
        %get3A_1379 = tpu.vector_load %arg9[%get3A_1377, %get3A_1378] {strides = array<i32>} : memref<64x384xf32, #tpu.memory_space<vmem>>, vector<1x16xf32>,
        %get3A_1380 = vector.shape_cast %get3A_1379 : vector<1x16xf32> to vector<16xf32>
        %mul3A_1381 = arith.mulf %get3A_1380, %get3A_1293 : vector<16xf32>
        %add3A_1382 = arith.addf %mul3A_1374, %mul3A_1381 : vector<16xf32>
        %add3A_1383 = arith.constant 32 : i32
        %add3A_1384 = arith.addi %scan3A_1285, %add3A_1383 : i32
        %get3A_1385 = arith.index_cast %add3A_1384 : i32 to index
        %get3A_1386 = arith.constant 32 : index
        %get3A_1387 = tpu.vector_load %arg9[%get3A_1385, %get3A_1386] {strides = array<i32>} : memref<64x384xf32, #tpu.memory_space<vmem>>, vector<1x16xf32>,
        %get3A_1388 = vector.shape_cast %get3A_1387 : vector<1x16xf32> to vector<16xf32>
        %mul3A_1389 = arith.mulf %get3A_1388, %get3A_1297 : vector<16xf32>
        %add3A_1390 = arith.addf %add3A_1382, %mul3A_1389 : vector<16xf32>
        %add3A_1391 = arith.constant 48 : i32
        %add3A_1392 = arith.addi %scan3A_1285, %add3A_1391 : i32
        %get3A_1393 = arith.index_cast %add3A_1392 : i32 to index
        %get3A_1394 = arith.constant 32 : index
        %get3A_1395 = tpu.vector_load %arg9[%get3A_1393, %get3A_1394] {strides = array<i32>} : memref<64x384xf32, #tpu.memory_space<vmem>>, vector<1x16xf32>,
        %get3A_1396 = vector.shape_cast %get3A_1395 : vector<1x16xf32> to vector<16xf32>
        %mul3A_1397 = arith.mulf %get3A_1396, %get3A_1301 : vector<16xf32>
        %add3A_1398 = arith.addf %add3A_1390, %mul3A_1397 : vector<16xf32>
        %swap3A_1399 = arith.index_cast %scan3A_1285 : i32 to index
        %swap3A_1400 = arith.constant 32 : index
        %swap3A_1401 = tpu.vector_load %arg11[%swap3A_1399, %swap3A_1400] {strides = array<i32>} : memref<16x384xf32, #tpu.memory_space<vmem>>, vector<1x16xf32>,
        %swap3A_1402 = vector.shape_cast %swap3A_1401 : vector<1x16xf32> to vector<16xf32>
        %swap3A_1403 = vector.shape_cast %add3A_1398 : vector<16xf32> to vector<1x16xf32>
        tpu.vector_store %arg11[%swap3A_1399, %swap3A_1400], %swap3A_1403 {strides = array<i32>} : memref<16x384xf32, #tpu.memory_space<vmem>>, vector<1x16xf32>,
        %get3A_1404 = arith.index_cast %scan3A_1285 : i32 to index
        %get3A_1405 = arith.constant 48 : index
        %get3A_1406 = tpu.vector_load %arg9[%get3A_1404, %get3A_1405] {strides = array<i32>} : memref<64x384xf32, #tpu.memory_space<vmem>>, vector<1x16xf32>,
        %get3A_1407 = vector.shape_cast %get3A_1406 : vector<1x16xf32> to vector<16xf32>
        %mul3A_1408 = arith.mulf %get3A_1407, %get3A_1289 : vector<16xf32>
        %add3A_1409 = arith.constant 16 : i32
        %add3A_1410 = arith.addi %scan3A_1285, %add3A_1409 : i32
        %get3A_1411 = arith.index_cast %add3A_1410 : i32 to index
        %get3A_1412 = arith.constant 48 : index
        %get3A_1413 = tpu.vector_load %arg9[%get3A_1411, %get3A_1412] {strides = array<i32>} : memref<64x384xf32, #tpu.memory_space<vmem>>, vector<1x16xf32>,
        %get3A_1414 = vector.shape_cast %get3A_1413 : vector<1x16xf32> to vector<16xf32>
        %mul3A_1415 = arith.mulf %get3A_1414, %get3A_1293 : vector<16xf32>
        %add3A_1416 = arith.addf %mul3A_1408, %mul3A_1415 : vector<16xf32>
        %add3A_1417 = arith.constant 32 : i32
        %add3A_1418 = arith.addi %scan3A_1285, %add3A_1417 : i32
        %get3A_1419 = arith.index_cast %add3A_1418 : i32 to index
        %get3A_1420 = arith.constant 48 : index
        %get3A_1421 = tpu.vector_load %arg9[%get3A_1419, %get3A_1420] {strides = array<i32>} : memref<64x384xf32, #tpu.memory_space<vmem>>, vector<1x16xf32>,
        %get3A_1422 = vector.shape_cast %get3A_1421 : vector<1x16xf32> to vector<16xf32>
        %mul3A_1423 = arith.mulf %get3A_1422, %get3A_1297 : vector<16xf32>
        %add3A_1424 = arith.addf %add3A_1416, %mul3A_1423 : vector<16xf32>
        %add3A_1425 = arith.constant 48 : i32
        %add3A_1426 = arith.addi %scan3A_1285, %add3A_1425 : i32
        %get3A_1427 = arith.index_cast %add3A_1426 : i32 to index
        %get3A_1428 = arith.constant 48 : index
        %get3A_1429 = tpu.vector_load %arg9[%get3A_1427, %get3A_1428] {strides = array<i32>} : memref<64x384xf32, #tpu.memory_space<vmem>>, vector<1x16xf32>,
        %get3A_1430 = vector.shape_cast %get3A_1429 : vector<1x16xf32> to vector<16xf32>
        %mul3A_1431 = arith.mulf %get3A_1430, %get3A_1301 : vector<16xf32>
        %add3A_1432 = arith.addf %add3A_1424, %mul3A_1431 : vector<16xf32>
        %swap3A_1433 = arith.index_cast %scan3A_1285 : i32 to index
        %swap3A_1434 = arith.constant 48 : index
        %swap3A_1435 = tpu.vector_load %arg11[%swap3A_1433, %swap3A_1434] {strides = array<i32>} : memref<16x384xf32, #tpu.memory_space<vmem>>, vector<1x16xf32>,
        %swap3A_1436 = vector.shape_cast %swap3A_1435 : vector<1x16xf32> to vector<16xf32>
        %swap3A_1437 = vector.shape_cast %add3A_1432 : vector<16xf32> to vector<1x16xf32>
        tpu.vector_store %arg11[%swap3A_1433, %swap3A_1434], %swap3A_1437 {strides = array<i32>} : memref<16x384xf32, #tpu.memory_space<vmem>>, vector<1x16xf32>,
        %get3A_1438 = arith.index_cast %scan3A_1285 : i32 to index
        %get3A_1439 = arith.constant 64 : index
        %get3A_1440 = tpu.vector_load %arg9[%get3A_1438, %get3A_1439] {strides = array<i32>} : memref<64x384xf32, #tpu.memory_space<vmem>>, vector<1x16xf32>,
        %get3A_1441 = vector.shape_cast %get3A_1440 : vector<1x16xf32> to vector<16xf32>
        %mul3A_1442 = arith.mulf %get3A_1441, %get3A_1289 : vector<16xf32>
        %add3A_1443 = arith.constant 16 : i32
        %add3A_1444 = arith.addi %scan3A_1285, %add3A_1443 : i32
        %get3A_1445 = arith.index_cast %add3A_1444 : i32 to index
        %get3A_1446 = arith.constant 64 : index
        %get3A_1447 = tpu.vector_load %arg9[%get3A_1445, %get3A_1446] {strides = array<i32>} : memref<64x384xf32, #tpu.memory_space<vmem>>, vector<1x16xf32>,
        %get3A_1448 = vector.shape_cast %get3A_1447 : vector<1x16xf32> to vector<16xf32>
        %mul3A_1449 = arith.mulf %get3A_1448, %get3A_1293 : vector<16xf32>
        %add3A_1450 = arith.addf %mul3A_1442, %mul3A_1449 : vector<16xf32>
        %add3A_1451 = arith.constant 32 : i32
        %add3A_1452 = arith.addi %scan3A_1285, %add3A_1451 : i32
        %get3A_1453 = arith.index_cast %add3A_1452 : i32 to index
        %get3A_1454 = arith.constant 64 : index
        %get3A_1455 = tpu.vector_load %arg9[%get3A_1453, %get3A_1454] {strides = array<i32>} : memref<64x384xf32, #tpu.memory_space<vmem>>, vector<1x16xf32>,
        %get3A_1456 = vector.shape_cast %get3A_1455 : vector<1x16xf32> to vector<16xf32>
        %mul3A_1457 = arith.mulf %get3A_1456, %get3A_1297 : vector<16xf32>
        %add3A_1458 = arith.addf %add3A_1450, %mul3A_1457 : vector<16xf32>
        %add3A_1459 = arith.constant 48 : i32
        %add3A_1460 = arith.addi %scan3A_1285, %add3A_1459 : i32
        %get3A_1461 = arith.index_cast %add3A_1460 : i32 to index
        %get3A_1462 = arith.constant 64 : index
        %get3A_1463 = tpu.vector_load %arg9[%get3A_1461, %get3A_1462] {strides = array<i32>} : memref<64x384xf32, #tpu.memory_space<vmem>>, vector<1x16xf32>,
        %get3A_1464 = vector.shape_cast %get3A_1463 : vector<1x16xf32> to vector<16xf32>
        %mul3A_1465 = arith.mulf %get3A_1464, %get3A_1301 : vector<16xf32>
        %add3A_1466 = arith.addf %add3A_1458, %mul3A_1465 : vector<16xf32>
        %swap3A_1467 = arith.index_cast %scan3A_1285 : i32 to index
        %swap3A_1468 = arith.constant 64 : index
        %swap3A_1469 = tpu.vector_load %arg11[%swap3A_1467, %swap3A_1468] {strides = array<i32>} : memref<16x384xf32, #tpu.memory_space<vmem>>, vector<1x16xf32>,
        %swap3A_1470 = vector.shape_cast %swap3A_1469 : vector<1x16xf32> to vector<16xf32>
        %swap3A_1471 = vector.shape_cast %add3A_1466 : vector<16xf32> to vector<1x16xf32>
        tpu.vector_store %arg11[%swap3A_1467, %swap3A_1468], %swap3A_1471 {strides = array<i32>} : memref<16x384xf32, #tpu.memory_space<vmem>>, vector<1x16xf32>,
        %get3A_1472 = arith.index_cast %scan3A_1285 : i32 to index
        %get3A_1473 = arith.constant 80 : index
        %get3A_1474 = tpu.vector_load %arg9[%get3A_1472, %get3A_1473] {strides = array<i32>} : memref<64x384xf32, #tpu.memory_space<vmem>>, vector<1x16xf32>,
        %get3A_1475 = vector.shape_cast %get3A_1474 : vector<1x16xf32> to vector<16xf32>
        %mul3A_1476 = arith.mulf %get3A_1475, %get3A_1289 : vector<16xf32>
        %add3A_1477 = arith.constant 16 : i32
        %add3A_1478 = arith.addi %scan3A_1285, %add3A_1477 : i32
        %get3A_1479 = arith.index_cast %add3A_1478 : i32 to index
        %get3A_1480 = arith.constant 80 : index
        %get3A_1481 = tpu.vector_load %arg9[%get3A_1479, %get3A_1480] {strides = array<i32>} : memref<64x384xf32, #tpu.memory_space<vmem>>, vector<1x16xf32>,
        %get3A_1482 = vector.shape_cast %get3A_1481 : vector<1x16xf32> to vector<16xf32>
        %mul3A_1483 = arith.mulf %get3A_1482, %get3A_1293 : vector<16xf32>
        %add3A_1484 = arith.addf %mul3A_1476, %mul3A_1483 : vector<16xf32>
        %add3A_1485 = arith.constant 32 : i32
        %add3A_1486 = arith.addi %scan3A_1285, %add3A_1485 : i32
        %get3A_1487 = arith.index_cast %add3A_1486 : i32 to index
        %get3A_1488 = arith.constant 80 : index
        %get3A_1489 = tpu.vector_load %arg9[%get3A_1487, %get3A_1488] {strides = array<i32>} : memref<64x384xf32, #tpu.memory_space<vmem>>, vector<1x16xf32>,
        %get3A_1490 = vector.shape_cast %get3A_1489 : vector<1x16xf32> to vector<16xf32>
        %mul3A_1491 = arith.mulf %get3A_1490, %get3A_1297 : vector<16xf32>
        %add3A_1492 = arith.addf %add3A_1484, %mul3A_1491 : vector<16xf32>
        %add3A_1493 = arith.constant 48 : i32
        %add3A_1494 = arith.addi %scan3A_1285, %add3A_1493 : i32
        %get3A_1495 = arith.index_cast %add3A_1494 : i32 to index
        %get3A_1496 = arith.constant 80 : index
        %get3A_1497 = tpu.vector_load %arg9[%get3A_1495, %get3A_1496] {strides = array<i32>} : memref<64x384xf32, #tpu.memory_space<vmem>>, vector<1x16xf32>,
        %get3A_1498 = vector.shape_cast %get3A_1497 : vector<1x16xf32> to vector<16xf32>
        %mul3A_1499 = arith.mulf %get3A_1498, %get3A_1301 : vector<16xf32>
        %add3A_1500 = arith.addf %add3A_1492, %mul3A_1499 : vector<16xf32>
        %swap3A_1501 = arith.index_cast %scan3A_1285 : i32 to index
        %swap3A_1502 = arith.constant 80 : index
        %swap3A_1503 = tpu.vector_load %arg11[%swap3A_1501, %swap3A_1502] {strides = array<i32>} : memref<16x384xf32, #tpu.memory_space<vmem>>, vector<1x16xf32>,
        %swap3A_1504 = vector.shape_cast %swap3A_1503 : vector<1x16xf32> to vector<16xf32>
        %swap3A_1505 = vector.shape_cast %add3A_1500 : vector<16xf32> to vector<1x16xf32>
        tpu.vector_store %arg11[%swap3A_1501, %swap3A_1502], %swap3A_1505 {strides = array<i32>} : memref<16x384xf32, #tpu.memory_space<vmem>>, vector<1x16xf32>,
        %get3A_1506 = arith.index_cast %scan3A_1285 : i32 to index
        %get3A_1507 = arith.constant 96 : index
        %get3A_1508 = tpu.vector_load %arg9[%get3A_1506, %get3A_1507] {strides = array<i32>} : memref<64x384xf32, #tpu.memory_space<vmem>>, vector<1x16xf32>,
        %get3A_1509 = vector.shape_cast %get3A_1508 : vector<1x16xf32> to vector<16xf32>
        %mul3A_1510 = arith.mulf %get3A_1509, %get3A_1289 : vector<16xf32>
        %add3A_1511 = arith.constant 16 : i32
        %add3A_1512 = arith.addi %scan3A_1285, %add3A_1511 : i32
        %get3A_1513 = arith.index_cast %add3A_1512 : i32 to index
        %get3A_1514 = arith.constant 96 : index
        %get3A_1515 = tpu.vector_load %arg9[%get3A_1513, %get3A_1514] {strides = array<i32>} : memref<64x384xf32, #tpu.memory_space<vmem>>, vector<1x16xf32>,
        %get3A_1516 = vector.shape_cast %get3A_1515 : vector<1x16xf32> to vector<16xf32>
        %mul3A_1517 = arith.mulf %get3A_1516, %get3A_1293 : vector<16xf32>
        %add3A_1518 = arith.addf %mul3A_1510, %mul3A_1517 : vector<16xf32>
        %add3A_1519 = arith.constant 32 : i32
        %add3A_1520 = arith.addi %scan3A_1285, %add3A_1519 : i32
        %get3A_1521 = arith.index_cast %add3A_1520 : i32 to index
        %get3A_1522 = arith.constant 96 : index
        %get3A_1523 = tpu.vector_load %arg9[%get3A_1521, %get3A_1522] {strides = array<i32>} : memref<64x384xf32, #tpu.memory_space<vmem>>, vector<1x16xf32>,
        %get3A_1524 = vector.shape_cast %get3A_1523 : vector<1x16xf32> to vector<16xf32>
        %mul3A_1525 = arith.mulf %get3A_1524, %get3A_1297 : vector<16xf32>
        %add3A_1526 = arith.addf %add3A_1518, %mul3A_1525 : vector<16xf32>
        %add3A_1527 = arith.constant 48 : i32
        %add3A_1528 = arith.addi %scan3A_1285, %add3A_1527 : i32
        %get3A_1529 = arith.index_cast %add3A_1528 : i32 to index
        %get3A_1530 = arith.constant 96 : index
        %get3A_1531 = tpu.vector_load %arg9[%get3A_1529, %get3A_1530] {strides = array<i32>} : memref<64x384xf32, #tpu.memory_space<vmem>>, vector<1x16xf32>,
        %get3A_1532 = vector.shape_cast %get3A_1531 : vector<1x16xf32> to vector<16xf32>
        %mul3A_1533 = arith.mulf %get3A_1532, %get3A_1301 : vector<16xf32>
        %add3A_1534 = arith.addf %add3A_1526, %mul3A_1533 : vector<16xf32>
        %swap3A_1535 = arith.index_cast %scan3A_1285 : i32 to index
        %swap3A_1536 = arith.constant 96 : index
        %swap3A_1537 = tpu.vector_load %arg11[%swap3A_1535, %swap3A_1536] {strides = array<i32>} : memref<16x384xf32, #tpu.memory_space<vmem>>, vector<1x16xf32>,
        %swap3A_1538 = vector.shape_cast %swap3A_1537 : vector<1x16xf32> to vector<16xf32>
        %swap3A_1539 = vector.shape_cast %add3A_1534 : vector<16xf32> to vector<1x16xf32>
        tpu.vector_store %arg11[%swap3A_1535, %swap3A_1536], %swap3A_1539 {strides = array<i32>} : memref<16x384xf32, #tpu.memory_space<vmem>>, vector<1x16xf32>,
        %get3A_1540 = arith.index_cast %scan3A_1285 : i32 to index
        %get3A_1541 = arith.constant 112 : index
        %get3A_1542 = tpu.vector_load %arg9[%get3A_1540, %get3A_1541] {strides = array<i32>} : memref<64x384xf32, #tpu.memory_space<vmem>>, vector<1x16xf32>,
        %get3A_1543 = vector.shape_cast %get3A_1542 : vector<1x16xf32> to vector<16xf32>
        %mul3A_1544 = arith.mulf %get3A_1543, %get3A_1289 : vector<16xf32>
        %add3A_1545 = arith.constant 16 : i32
        %add3A_1546 = arith.addi %scan3A_1285, %add3A_1545 : i32
        %get3A_1547 = arith.index_cast %add3A_1546 : i32 to index
        %get3A_1548 = arith.constant 112 : index
        %get3A_1549 = tpu.vector_load %arg9[%get3A_1547, %get3A_1548] {strides = array<i32>} : memref<64x384xf32, #tpu.memory_space<vmem>>, vector<1x16xf32>,
        %get3A_1550 = vector.shape_cast %get3A_1549 : vector<1x16xf32> to vector<16xf32>
        %mul3A_1551 = arith.mulf %get3A_1550, %get3A_1293 : vector<16xf32>
        %add3A_1552 = arith.addf %mul3A_1544, %mul3A_1551 : vector<16xf32>
        %add3A_1553 = arith.constant 32 : i32
        %add3A_1554 = arith.addi %scan3A_1285, %add3A_1553 : i32
        %get3A_1555 = arith.index_cast %add3A_1554 : i32 to index
        %get3A_1556 = arith.constant 112 : index
        %get3A_1557 = tpu.vector_load %arg9[%get3A_1555, %get3A_1556] {strides = array<i32>} : memref<64x384xf32, #tpu.memory_space<vmem>>, vector<1x16xf32>,
        %get3A_1558 = vector.shape_cast %get3A_1557 : vector<1x16xf32> to vector<16xf32>
        %mul3A_1559 = arith.mulf %get3A_1558, %get3A_1297 : vector<16xf32>
        %add3A_1560 = arith.addf %add3A_1552, %mul3A_1559 : vector<16xf32>
        %add3A_1561 = arith.constant 48 : i32
        %add3A_1562 = arith.addi %scan3A_1285, %add3A_1561 : i32
        %get3A_1563 = arith.index_cast %add3A_1562 : i32 to index
        %get3A_1564 = arith.constant 112 : index
        %get3A_1565 = tpu.vector_load %arg9[%get3A_1563, %get3A_1564] {strides = array<i32>} : memref<64x384xf32, #tpu.memory_space<vmem>>, vector<1x16xf32>,
        %get3A_1566 = vector.shape_cast %get3A_1565 : vector<1x16xf32> to vector<16xf32>
        %mul3A_1567 = arith.mulf %get3A_1566, %get3A_1301 : vector<16xf32>
        %add3A_1568 = arith.addf %add3A_1560, %mul3A_1567 : vector<16xf32>
        %swap3A_1569 = arith.index_cast %scan3A_1285 : i32 to index
        %swap3A_1570 = arith.constant 112 : index
        %swap3A_1571 = tpu.vector_load %arg11[%swap3A_1569, %swap3A_1570] {strides = array<i32>} : memref<16x384xf32, #tpu.memory_space<vmem>>, vector<1x16xf32>,
        %swap3A_1572 = vector.shape_cast %swap3A_1571 : vector<1x16xf32> to vector<16xf32>
        %swap3A_1573 = vector.shape_cast %add3A_1568 : vector<16xf32> to vector<1x16xf32>
        tpu.vector_store %arg11[%swap3A_1569, %swap3A_1570], %swap3A_1573 {strides = array<i32>} : memref<16x384xf32, #tpu.memory_space<vmem>>, vector<1x16xf32>,
        %get3A_1574 = arith.index_cast %scan3A_1285 : i32 to index
        %get3A_1575 = arith.constant 128 : index
        %get3A_1576 = tpu.vector_load %arg9[%get3A_1574, %get3A_1575] {strides = array<i32>} : memref<64x384xf32, #tpu.memory_space<vmem>>, vector<1x16xf32>,
        %get3A_1577 = vector.shape_cast %get3A_1576 : vector<1x16xf32> to vector<16xf32>
        %mul3A_1578 = arith.mulf %get3A_1577, %get3A_1289 : vector<16xf32>
        %add3A_1579 = arith.constant 16 : i32
        %add3A_1580 = arith.addi %scan3A_1285, %add3A_1579 : i32
        %get3A_1581 = arith.index_cast %add3A_1580 : i32 to index
        %get3A_1582 = arith.constant 128 : index
        %get3A_1583 = tpu.vector_load %arg9[%get3A_1581, %get3A_1582] {strides = array<i32>} : memref<64x384xf32, #tpu.memory_space<vmem>>, vector<1x16xf32>,
        %get3A_1584 = vector.shape_cast %get3A_1583 : vector<1x16xf32> to vector<16xf32>
        %mul3A_1585 = arith.mulf %get3A_1584, %get3A_1293 : vector<16xf32>
        %add3A_1586 = arith.addf %mul3A_1578, %mul3A_1585 : vector<16xf32>
        %add3A_1587 = arith.constant 32 : i32
        %add3A_1588 = arith.addi %scan3A_1285, %add3A_1587 : i32
        %get3A_1589 = arith.index_cast %add3A_1588 : i32 to index
        %get3A_1590 = arith.constant 128 : index
        %get3A_1591 = tpu.vector_load %arg9[%get3A_1589, %get3A_1590] {strides = array<i32>} : memref<64x384xf32, #tpu.memory_space<vmem>>, vector<1x16xf32>,
        %get3A_1592 = vector.shape_cast %get3A_1591 : vector<1x16xf32> to vector<16xf32>
        %mul3A_1593 = arith.mulf %get3A_1592, %get3A_1297 : vector<16xf32>
        %add3A_1594 = arith.addf %add3A_1586, %mul3A_1593 : vector<16xf32>
        %add3A_1595 = arith.constant 48 : i32
        %add3A_1596 = arith.addi %scan3A_1285, %add3A_1595 : i32
        %get3A_1597 = arith.index_cast %add3A_1596 : i32 to index
        %get3A_1598 = arith.constant 128 : index
        %get3A_1599 = tpu.vector_load %arg9[%get3A_1597, %get3A_1598] {strides = array<i32>} : memref<64x384xf32, #tpu.memory_space<vmem>>, vector<1x16xf32>,
        %get3A_1600 = vector.shape_cast %get3A_1599 : vector<1x16xf32> to vector<16xf32>
        %mul3A_1601 = arith.mulf %get3A_1600, %get3A_1301 : vector<16xf32>
        %add3A_1602 = arith.addf %add3A_1594, %mul3A_1601 : vector<16xf32>
        %swap3A_1603 = arith.index_cast %scan3A_1285 : i32 to index
        %swap3A_1604 = arith.constant 128 : index
        %swap3A_1605 = tpu.vector_load %arg11[%swap3A_1603, %swap3A_1604] {strides = array<i32>} : memref<16x384xf32, #tpu.memory_space<vmem>>, vector<1x16xf32>,
        %swap3A_1606 = vector.shape_cast %swap3A_1605 : vector<1x16xf32> to vector<16xf32>
        %swap3A_1607 = vector.shape_cast %add3A_1602 : vector<16xf32> to vector<1x16xf32>
        tpu.vector_store %arg11[%swap3A_1603, %swap3A_1604], %swap3A_1607 {strides = array<i32>} : memref<16x384xf32, #tpu.memory_space<vmem>>, vector<1x16xf32>,
        %get3A_1608 = arith.index_cast %scan3A_1285 : i32 to index
        %get3A_1609 = arith.constant 144 : index
        %get3A_1610 = tpu.vector_load %arg9[%get3A_1608, %get3A_1609] {strides = array<i32>} : memref<64x384xf32, #tpu.memory_space<vmem>>, vector<1x16xf32>,
        %get3A_1611 = vector.shape_cast %get3A_1610 : vector<1x16xf32> to vector<16xf32>
        %mul3A_1612 = arith.mulf %get3A_1611, %get3A_1289 : vector<16xf32>
        %add3A_1613 = arith.constant 16 : i32
        %add3A_1614 = arith.addi %scan3A_1285, %add3A_1613 : i32
        %get3A_1615 = arith.index_cast %add3A_1614 : i32 to index
        %get3A_1616 = arith.constant 144 : index
        %get3A_1617 = tpu.vector_load %arg9[%get3A_1615, %get3A_1616] {strides = array<i32>} : memref<64x384xf32, #tpu.memory_space<vmem>>, vector<1x16xf32>,
        %get3A_1618 = vector.shape_cast %get3A_1617 : vector<1x16xf32> to vector<16xf32>
        %mul3A_1619 = arith.mulf %get3A_1618, %get3A_1293 : vector<16xf32>
        %add3A_1620 = arith.addf %mul3A_1612, %mul3A_1619 : vector<16xf32>
        %add3A_1621 = arith.constant 32 : i32
        %add3A_1622 = arith.addi %scan3A_1285, %add3A_1621 : i32
        %get3A_1623 = arith.index_cast %add3A_1622 : i32 to index
        %get3A_1624 = arith.constant 144 : index
        %get3A_1625 = tpu.vector_load %arg9[%get3A_1623, %get3A_1624] {strides = array<i32>} : memref<64x384xf32, #tpu.memory_space<vmem>>, vector<1x16xf32>,
        %get3A_1626 = vector.shape_cast %get3A_1625 : vector<1x16xf32> to vector<16xf32>
        %mul3A_1627 = arith.mulf %get3A_1626, %get3A_1297 : vector<16xf32>
        %add3A_1628 = arith.addf %add3A_1620, %mul3A_1627 : vector<16xf32>
        %add3A_1629 = arith.constant 48 : i32
        %add3A_1630 = arith.addi %scan3A_1285, %add3A_1629 : i32
        %get3A_1631 = arith.index_cast %add3A_1630 : i32 to index
        %get3A_1632 = arith.constant 144 : index
        %get3A_1633 = tpu.vector_load %arg9[%get3A_1631, %get3A_1632] {strides = array<i32>} : memref<64x384xf32, #tpu.memory_space<vmem>>, vector<1x16xf32>,
        %get3A_1634 = vector.shape_cast %get3A_1633 : vector<1x16xf32> to vector<16xf32>
        %mul3A_1635 = arith.mulf %get3A_1634, %get3A_1301 : vector<16xf32>
        %add3A_1636 = arith.addf %add3A_1628, %mul3A_1635 : vector<16xf32>
        %swap3A_1637 = arith.index_cast %scan3A_1285 : i32 to index
        %swap3A_1638 = arith.constant 144 : index
        %swap3A_1639 = tpu.vector_load %arg11[%swap3A_1637, %swap3A_1638] {strides = array<i32>} : memref<16x384xf32, #tpu.memory_space<vmem>>, vector<1x16xf32>,
        %swap3A_1640 = vector.shape_cast %swap3A_1639 : vector<1x16xf32> to vector<16xf32>
        %swap3A_1641 = vector.shape_cast %add3A_1636 : vector<16xf32> to vector<1x16xf32>
        tpu.vector_store %arg11[%swap3A_1637, %swap3A_1638], %swap3A_1641 {strides = array<i32>} : memref<16x384xf32, #tpu.memory_space<vmem>>, vector<1x16xf32>,
        %get3A_1642 = arith.index_cast %scan3A_1285 : i32 to index
        %get3A_1643 = arith.constant 160 : index
        %get3A_1644 = tpu.vector_load %arg9[%get3A_1642, %get3A_1643] {strides = array<i32>} : memref<64x384xf32, #tpu.memory_space<vmem>>, vector<1x16xf32>,
        %get3A_1645 = vector.shape_cast %get3A_1644 : vector<1x16xf32> to vector<16xf32>
        %mul3A_1646 = arith.mulf %get3A_1645, %get3A_1289 : vector<16xf32>
        %add3A_1647 = arith.constant 16 : i32
        %add3A_1648 = arith.addi %scan3A_1285, %add3A_1647 : i32
        %get3A_1649 = arith.index_cast %add3A_1648 : i32 to index
        %get3A_1650 = arith.constant 160 : index
        %get3A_1651 = tpu.vector_load %arg9[%get3A_1649, %get3A_1650] {strides = array<i32>} : memref<64x384xf32, #tpu.memory_space<vmem>>, vector<1x16xf32>,
        %get3A_1652 = vector.shape_cast %get3A_1651 : vector<1x16xf32> to vector<16xf32>
        %mul3A_1653 = arith.mulf %get3A_1652, %get3A_1293 : vector<16xf32>
        %add3A_1654 = arith.addf %mul3A_1646, %mul3A_1653 : vector<16xf32>
        %add3A_1655 = arith.constant 32 : i32
        %add3A_1656 = arith.addi %scan3A_1285, %add3A_1655 : i32
        %get3A_1657 = arith.index_cast %add3A_1656 : i32 to index
        %get3A_1658 = arith.constant 160 : index
        %get3A_1659 = tpu.vector_load %arg9[%get3A_1657, %get3A_1658] {strides = array<i32>} : memref<64x384xf32, #tpu.memory_space<vmem>>, vector<1x16xf32>,
        %get3A_1660 = vector.shape_cast %get3A_1659 : vector<1x16xf32> to vector<16xf32>
        %mul3A_1661 = arith.mulf %get3A_1660, %get3A_1297 : vector<16xf32>
        %add3A_1662 = arith.addf %add3A_1654, %mul3A_1661 : vector<16xf32>
        %add3A_1663 = arith.constant 48 : i32
        %add3A_1664 = arith.addi %scan3A_1285, %add3A_1663 : i32
        %get3A_1665 = arith.index_cast %add3A_1664 : i32 to index
        %get3A_1666 = arith.constant 160 : index
        %get3A_1667 = tpu.vector_load %arg9[%get3A_1665, %get3A_1666] {strides = array<i32>} : memref<64x384xf32, #tpu.memory_space<vmem>>, vector<1x16xf32>,
        %get3A_1668 = vector.shape_cast %get3A_1667 : vector<1x16xf32> to vector<16xf32>
        %mul3A_1669 = arith.mulf %get3A_1668, %get3A_1301 : vector<16xf32>
        %add3A_1670 = arith.addf %add3A_1662, %mul3A_1669 : vector<16xf32>
        %swap3A_1671 = arith.index_cast %scan3A_1285 : i32 to index
        %swap3A_1672 = arith.constant 160 : index
        %swap3A_1673 = tpu.vector_load %arg11[%swap3A_1671, %swap3A_1672] {strides = array<i32>} : memref<16x384xf32, #tpu.memory_space<vmem>>, vector<1x16xf32>,
        %swap3A_1674 = vector.shape_cast %swap3A_1673 : vector<1x16xf32> to vector<16xf32>
        %swap3A_1675 = vector.shape_cast %add3A_1670 : vector<16xf32> to vector<1x16xf32>
        tpu.vector_store %arg11[%swap3A_1671, %swap3A_1672], %swap3A_1675 {strides = array<i32>} : memref<16x384xf32, #tpu.memory_space<vmem>>, vector<1x16xf32>,
        %get3A_1676 = arith.index_cast %scan3A_1285 : i32 to index
        %get3A_1677 = arith.constant 176 : index
        %get3A_1678 = tpu.vector_load %arg9[%get3A_1676, %get3A_1677] {strides = array<i32>} : memref<64x384xf32, #tpu.memory_space<vmem>>, vector<1x16xf32>,
        %get3A_1679 = vector.shape_cast %get3A_1678 : vector<1x16xf32> to vector<16xf32>
        %mul3A_1680 = arith.mulf %get3A_1679, %get3A_1289 : vector<16xf32>
        %add3A_1681 = arith.constant 16 : i32
        %add3A_1682 = arith.addi %scan3A_1285, %add3A_1681 : i32
        %get3A_1683 = arith.index_cast %add3A_1682 : i32 to index
        %get3A_1684 = arith.constant 176 : index
        %get3A_1685 = tpu.vector_load %arg9[%get3A_1683, %get3A_1684] {strides = array<i32>} : memref<64x384xf32, #tpu.memory_space<vmem>>, vector<1x16xf32>,
        %get3A_1686 = vector.shape_cast %get3A_1685 : vector<1x16xf32> to vector<16xf32>
        %mul3A_1687 = arith.mulf %get3A_1686, %get3A_1293 : vector<16xf32>
        %add3A_1688 = arith.addf %mul3A_1680, %mul3A_1687 : vector<16xf32>
        %add3A_1689 = arith.constant 32 : i32
        %add3A_1690 = arith.addi %scan3A_1285, %add3A_1689 : i32
        %get3A_1691 = arith.index_cast %add3A_1690 : i32 to index
        %get3A_1692 = arith.constant 176 : index
        %get3A_1693 = tpu.vector_load %arg9[%get3A_1691, %get3A_1692] {strides = array<i32>} : memref<64x384xf32, #tpu.memory_space<vmem>>, vector<1x16xf32>,
        %get3A_1694 = vector.shape_cast %get3A_1693 : vector<1x16xf32> to vector<16xf32>
        %mul3A_1695 = arith.mulf %get3A_1694, %get3A_1297 : vector<16xf32>
        %add3A_1696 = arith.addf %add3A_1688, %mul3A_1695 : vector<16xf32>
        %add3A_1697 = arith.constant 48 : i32
        %add3A_1698 = arith.addi %scan3A_1285, %add3A_1697 : i32
        %get3A_1699 = arith.index_cast %add3A_1698 : i32 to index
        %get3A_1700 = arith.constant 176 : index
        %get3A_1701 = tpu.vector_load %arg9[%get3A_1699, %get3A_1700] {strides = array<i32>} : memref<64x384xf32, #tpu.memory_space<vmem>>, vector<1x16xf32>,
        %get3A_1702 = vector.shape_cast %get3A_1701 : vector<1x16xf32> to vector<16xf32>
        %mul3A_1703 = arith.mulf %get3A_1702, %get3A_1301 : vector<16xf32>
        %add3A_1704 = arith.addf %add3A_1696, %mul3A_1703 : vector<16xf32>
        %swap3A_1705 = arith.index_cast %scan3A_1285 : i32 to index
        %swap3A_1706 = arith.constant 176 : index
        %swap3A_1707 = tpu.vector_load %arg11[%swap3A_1705, %swap3A_1706] {strides = array<i32>} : memref<16x384xf32, #tpu.memory_space<vmem>>, vector<1x16xf32>,
        %swap3A_1708 = vector.shape_cast %swap3A_1707 : vector<1x16xf32> to vector<16xf32>
        %swap3A_1709 = vector.shape_cast %add3A_1704 : vector<16xf32> to vector<1x16xf32>
        tpu.vector_store %arg11[%swap3A_1705, %swap3A_1706], %swap3A_1709 {strides = array<i32>} : memref<16x384xf32, #tpu.memory_space<vmem>>, vector<1x16xf32>,
        %get3A_1710 = arith.index_cast %scan3A_1285 : i32 to index
        %get3A_1711 = arith.constant 192 : index
        %get3A_1712 = tpu.vector_load %arg9[%get3A_1710, %get3A_1711] {strides = array<i32>} : memref<64x384xf32, #tpu.memory_space<vmem>>, vector<1x16xf32>,
        %get3A_1713 = vector.shape_cast %get3A_1712 : vector<1x16xf32> to vector<16xf32>
        %mul3A_1714 = arith.mulf %get3A_1713, %get3A_1289 : vector<16xf32>
        %add3A_1715 = arith.constant 16 : i32
        %add3A_1716 = arith.addi %scan3A_1285, %add3A_1715 : i32
        %get3A_1717 = arith.index_cast %add3A_1716 : i32 to index
        %get3A_1718 = arith.constant 192 : index
        %get3A_1719 = tpu.vector_load %arg9[%get3A_1717, %get3A_1718] {strides = array<i32>} : memref<64x384xf32, #tpu.memory_space<vmem>>, vector<1x16xf32>,
        %get3A_1720 = vector.shape_cast %get3A_1719 : vector<1x16xf32> to vector<16xf32>
        %mul3A_1721 = arith.mulf %get3A_1720, %get3A_1293 : vector<16xf32>
        %add3A_1722 = arith.addf %mul3A_1714, %mul3A_1721 : vector<16xf32>
        %add3A_1723 = arith.constant 32 : i32
        %add3A_1724 = arith.addi %scan3A_1285, %add3A_1723 : i32
        %get3A_1725 = arith.index_cast %add3A_1724 : i32 to index
        %get3A_1726 = arith.constant 192 : index
        %get3A_1727 = tpu.vector_load %arg9[%get3A_1725, %get3A_1726] {strides = array<i32>} : memref<64x384xf32, #tpu.memory_space<vmem>>, vector<1x16xf32>,
        %get3A_1728 = vector.shape_cast %get3A_1727 : vector<1x16xf32> to vector<16xf32>
        %mul3A_1729 = arith.mulf %get3A_1728, %get3A_1297 : vector<16xf32>
        %add3A_1730 = arith.addf %add3A_1722, %mul3A_1729 : vector<16xf32>
        %add3A_1731 = arith.constant 48 : i32
        %add3A_1732 = arith.addi %scan3A_1285, %add3A_1731 : i32
        %get3A_1733 = arith.index_cast %add3A_1732 : i32 to index
        %get3A_1734 = arith.constant 192 : index
        %get3A_1735 = tpu.vector_load %arg9[%get3A_1733, %get3A_1734] {strides = array<i32>} : memref<64x384xf32, #tpu.memory_space<vmem>>, vector<1x16xf32>,
        %get3A_1736 = vector.shape_cast %get3A_1735 : vector<1x16xf32> to vector<16xf32>
        %mul3A_1737 = arith.mulf %get3A_1736, %get3A_1301 : vector<16xf32>
        %add3A_1738 = arith.addf %add3A_1730, %mul3A_1737 : vector<16xf32>
        %swap3A_1739 = arith.index_cast %scan3A_1285 : i32 to index
        %swap3A_1740 = arith.constant 192 : index
        %swap3A_1741 = tpu.vector_load %arg11[%swap3A_1739, %swap3A_1740] {strides = array<i32>} : memref<16x384xf32, #tpu.memory_space<vmem>>, vector<1x16xf32>,
        %swap3A_1742 = vector.shape_cast %swap3A_1741 : vector<1x16xf32> to vector<16xf32>
        %swap3A_1743 = vector.shape_cast %add3A_1738 : vector<16xf32> to vector<1x16xf32>
        tpu.vector_store %arg11[%swap3A_1739, %swap3A_1740], %swap3A_1743 {strides = array<i32>} : memref<16x384xf32, #tpu.memory_space<vmem>>, vector<1x16xf32>,
        %get3A_1744 = arith.index_cast %scan3A_1285 : i32 to index
        %get3A_1745 = arith.constant 208 : index
        %get3A_1746 = tpu.vector_load %arg9[%get3A_1744, %get3A_1745] {strides = array<i32>} : memref<64x384xf32, #tpu.memory_space<vmem>>, vector<1x16xf32>,
        %get3A_1747 = vector.shape_cast %get3A_1746 : vector<1x16xf32> to vector<16xf32>
        %mul3A_1748 = arith.mulf %get3A_1747, %get3A_1289 : vector<16xf32>
        %add3A_1749 = arith.constant 16 : i32
        %add3A_1750 = arith.addi %scan3A_1285, %add3A_1749 : i32
        %get3A_1751 = arith.index_cast %add3A_1750 : i32 to index
        %get3A_1752 = arith.constant 208 : index
        %get3A_1753 = tpu.vector_load %arg9[%get3A_1751, %get3A_1752] {strides = array<i32>} : memref<64x384xf32, #tpu.memory_space<vmem>>, vector<1x16xf32>,
        %get3A_1754 = vector.shape_cast %get3A_1753 : vector<1x16xf32> to vector<16xf32>
        %mul3A_1755 = arith.mulf %get3A_1754, %get3A_1293 : vector<16xf32>
        %add3A_1756 = arith.addf %mul3A_1748, %mul3A_1755 : vector<16xf32>
        %add3A_1757 = arith.constant 32 : i32
        %add3A_1758 = arith.addi %scan3A_1285, %add3A_1757 : i32
        %get3A_1759 = arith.index_cast %add3A_1758 : i32 to index
        %get3A_1760 = arith.constant 208 : index
        %get3A_1761 = tpu.vector_load %arg9[%get3A_1759, %get3A_1760] {strides = array<i32>} : memref<64x384xf32, #tpu.memory_space<vmem>>, vector<1x16xf32>,
        %get3A_1762 = vector.shape_cast %get3A_1761 : vector<1x16xf32> to vector<16xf32>
        %mul3A_1763 = arith.mulf %get3A_1762, %get3A_1297 : vector<16xf32>
        %add3A_1764 = arith.addf %add3A_1756, %mul3A_1763 : vector<16xf32>
        %add3A_1765 = arith.constant 48 : i32
        %add3A_1766 = arith.addi %scan3A_1285, %add3A_1765 : i32
        %get3A_1767 = arith.index_cast %add3A_1766 : i32 to index
        %get3A_1768 = arith.constant 208 : index
        %get3A_1769 = tpu.vector_load %arg9[%get3A_1767, %get3A_1768] {strides = array<i32>} : memref<64x384xf32, #tpu.memory_space<vmem>>, vector<1x16xf32>,
        %get3A_1770 = vector.shape_cast %get3A_1769 : vector<1x16xf32> to vector<16xf32>
        %mul3A_1771 = arith.mulf %get3A_1770, %get3A_1301 : vector<16xf32>
        %add3A_1772 = arith.addf %add3A_1764, %mul3A_1771 : vector<16xf32>
        %swap3A_1773 = arith.index_cast %scan3A_1285 : i32 to index
        %swap3A_1774 = arith.constant 208 : index
        %swap3A_1775 = tpu.vector_load %arg11[%swap3A_1773, %swap3A_1774] {strides = array<i32>} : memref<16x384xf32, #tpu.memory_space<vmem>>, vector<1x16xf32>,
        %swap3A_1776 = vector.shape_cast %swap3A_1775 : vector<1x16xf32> to vector<16xf32>
        %swap3A_1777 = vector.shape_cast %add3A_1772 : vector<16xf32> to vector<1x16xf32>
        tpu.vector_store %arg11[%swap3A_1773, %swap3A_1774], %swap3A_1777 {strides = array<i32>} : memref<16x384xf32, #tpu.memory_space<vmem>>, vector<1x16xf32>,
        %get3A_1778 = arith.index_cast %scan3A_1285 : i32 to index
        %get3A_1779 = arith.constant 224 : index
        %get3A_1780 = tpu.vector_load %arg9[%get3A_1778, %get3A_1779] {strides = array<i32>} : memref<64x384xf32, #tpu.memory_space<vmem>>, vector<1x16xf32>,
        %get3A_1781 = vector.shape_cast %get3A_1780 : vector<1x16xf32> to vector<16xf32>
        %mul3A_1782 = arith.mulf %get3A_1781, %get3A_1289 : vector<16xf32>
        %add3A_1783 = arith.constant 16 : i32
        %add3A_1784 = arith.addi %scan3A_1285, %add3A_1783 : i32
        %get3A_1785 = arith.index_cast %add3A_1784 : i32 to index
        %get3A_1786 = arith.constant 224 : index
        %get3A_1787 = tpu.vector_load %arg9[%get3A_1785, %get3A_1786] {strides = array<i32>} : memref<64x384xf32, #tpu.memory_space<vmem>>, vector<1x16xf32>,
        %get3A_1788 = vector.shape_cast %get3A_1787 : vector<1x16xf32> to vector<16xf32>
        %mul3A_1789 = arith.mulf %get3A_1788, %get3A_1293 : vector<16xf32>
        %add3A_1790 = arith.addf %mul3A_1782, %mul3A_1789 : vector<16xf32>
        %add3A_1791 = arith.constant 32 : i32
        %add3A_1792 = arith.addi %scan3A_1285, %add3A_1791 : i32
        %get3A_1793 = arith.index_cast %add3A_1792 : i32 to index
        %get3A_1794 = arith.constant 224 : index
        %get3A_1795 = tpu.vector_load %arg9[%get3A_1793, %get3A_1794] {strides = array<i32>} : memref<64x384xf32, #tpu.memory_space<vmem>>, vector<1x16xf32>,
        %get3A_1796 = vector.shape_cast %get3A_1795 : vector<1x16xf32> to vector<16xf32>
        %mul3A_1797 = arith.mulf %get3A_1796, %get3A_1297 : vector<16xf32>
        %add3A_1798 = arith.addf %add3A_1790, %mul3A_1797 : vector<16xf32>
        %add3A_1799 = arith.constant 48 : i32
        %add3A_1800 = arith.addi %scan3A_1285, %add3A_1799 : i32
        %get3A_1801 = arith.index_cast %add3A_1800 : i32 to index
        %get3A_1802 = arith.constant 224 : index
        %get3A_1803 = tpu.vector_load %arg9[%get3A_1801, %get3A_1802] {strides = array<i32>} : memref<64x384xf32, #tpu.memory_space<vmem>>, vector<1x16xf32>,
        %get3A_1804 = vector.shape_cast %get3A_1803 : vector<1x16xf32> to vector<16xf32>
        %mul3A_1805 = arith.mulf %get3A_1804, %get3A_1301 : vector<16xf32>
        %add3A_1806 = arith.addf %add3A_1798, %mul3A_1805 : vector<16xf32>
        %swap3A_1807 = arith.index_cast %scan3A_1285 : i32 to index
        %swap3A_1808 = arith.constant 224 : index
        %swap3A_1809 = tpu.vector_load %arg11[%swap3A_1807, %swap3A_1808] {strides = array<i32>} : memref<16x384xf32, #tpu.memory_space<vmem>>, vector<1x16xf32>,
        %swap3A_1810 = vector.shape_cast %swap3A_1809 : vector<1x16xf32> to vector<16xf32>
        %swap3A_1811 = vector.shape_cast %add3A_1806 : vector<16xf32> to vector<1x16xf32>
        tpu.vector_store %arg11[%swap3A_1807, %swap3A_1808], %swap3A_1811 {strides = array<i32>} : memref<16x384xf32, #tpu.memory_space<vmem>>, vector<1x16xf32>,
        %get3A_1812 = arith.index_cast %scan3A_1285 : i32 to index
        %get3A_1813 = arith.constant 240 : index
        %get3A_1814 = tpu.vector_load %arg9[%get3A_1812, %get3A_1813] {strides = array<i32>} : memref<64x384xf32, #tpu.memory_space<vmem>>, vector<1x16xf32>,
        %get3A_1815 = vector.shape_cast %get3A_1814 : vector<1x16xf32> to vector<16xf32>
        %mul3A_1816 = arith.mulf %get3A_1815, %get3A_1289 : vector<16xf32>
        %add3A_1817 = arith.constant 16 : i32
        %add3A_1818 = arith.addi %scan3A_1285, %add3A_1817 : i32
        %get3A_1819 = arith.index_cast %add3A_1818 : i32 to index
        %get3A_1820 = arith.constant 240 : index
        %get3A_1821 = tpu.vector_load %arg9[%get3A_1819, %get3A_1820] {strides = array<i32>} : memref<64x384xf32, #tpu.memory_space<vmem>>, vector<1x16xf32>,
        %get3A_1822 = vector.shape_cast %get3A_1821 : vector<1x16xf32> to vector<16xf32>
        %mul3A_1823 = arith.mulf %get3A_1822, %get3A_1293 : vector<16xf32>
        %add3A_1824 = arith.addf %mul3A_1816, %mul3A_1823 : vector<16xf32>
        %add3A_1825 = arith.constant 32 : i32
        %add3A_1826 = arith.addi %scan3A_1285, %add3A_1825 : i32
        %get3A_1827 = arith.index_cast %add3A_1826 : i32 to index
        %get3A_1828 = arith.constant 240 : index
        %get3A_1829 = tpu.vector_load %arg9[%get3A_1827, %get3A_1828] {strides = array<i32>} : memref<64x384xf32, #tpu.memory_space<vmem>>, vector<1x16xf32>,
        %get3A_1830 = vector.shape_cast %get3A_1829 : vector<1x16xf32> to vector<16xf32>
        %mul3A_1831 = arith.mulf %get3A_1830, %get3A_1297 : vector<16xf32>
        %add3A_1832 = arith.addf %add3A_1824, %mul3A_1831 : vector<16xf32>
        %add3A_1833 = arith.constant 48 : i32
        %add3A_1834 = arith.addi %scan3A_1285, %add3A_1833 : i32
        %get3A_1835 = arith.index_cast %add3A_1834 : i32 to index
        %get3A_1836 = arith.constant 240 : index
        %get3A_1837 = tpu.vector_load %arg9[%get3A_1835, %get3A_1836] {strides = array<i32>} : memref<64x384xf32, #tpu.memory_space<vmem>>, vector<1x16xf32>,
        %get3A_1838 = vector.shape_cast %get3A_1837 : vector<1x16xf32> to vector<16xf32>
        %mul3A_1839 = arith.mulf %get3A_1838, %get3A_1301 : vector<16xf32>
        %add3A_1840 = arith.addf %add3A_1832, %mul3A_1839 : vector<16xf32>
        %swap3A_1841 = arith.index_cast %scan3A_1285 : i32 to index
        %swap3A_1842 = arith.constant 240 : index
        %swap3A_1843 = tpu.vector_load %arg11[%swap3A_1841, %swap3A_1842] {strides = array<i32>} : memref<16x384xf32, #tpu.memory_space<vmem>>, vector<1x16xf32>,
        %swap3A_1844 = vector.shape_cast %swap3A_1843 : vector<1x16xf32> to vector<16xf32>
        %swap3A_1845 = vector.shape_cast %add3A_1840 : vector<16xf32> to vector<1x16xf32>
        tpu.vector_store %arg11[%swap3A_1841, %swap3A_1842], %swap3A_1845 {strides = array<i32>} : memref<16x384xf32, #tpu.memory_space<vmem>>, vector<1x16xf32>,
        %get3A_1846 = arith.index_cast %scan3A_1285 : i32 to index
        %get3A_1847 = arith.constant 256 : index
        %get3A_1848 = tpu.vector_load %arg9[%get3A_1846, %get3A_1847] {strides = array<i32>} : memref<64x384xf32, #tpu.memory_space<vmem>>, vector<1x16xf32>,
        %get3A_1849 = vector.shape_cast %get3A_1848 : vector<1x16xf32> to vector<16xf32>
        %mul3A_1850 = arith.mulf %get3A_1849, %get3A_1289 : vector<16xf32>
        %add3A_1851 = arith.constant 16 : i32
        %add3A_1852 = arith.addi %scan3A_1285, %add3A_1851 : i32
        %get3A_1853 = arith.index_cast %add3A_1852 : i32 to index
        %get3A_1854 = arith.constant 256 : index
        %get3A_1855 = tpu.vector_load %arg9[%get3A_1853, %get3A_1854] {strides = array<i32>} : memref<64x384xf32, #tpu.memory_space<vmem>>, vector<1x16xf32>,
        %get3A_1856 = vector.shape_cast %get3A_1855 : vector<1x16xf32> to vector<16xf32>
        %mul3A_1857 = arith.mulf %get3A_1856, %get3A_1293 : vector<16xf32>
        %add3A_1858 = arith.addf %mul3A_1850, %mul3A_1857 : vector<16xf32>
        %add3A_1859 = arith.constant 32 : i32
        %add3A_1860 = arith.addi %scan3A_1285, %add3A_1859 : i32
        %get3A_1861 = arith.index_cast %add3A_1860 : i32 to index
        %get3A_1862 = arith.constant 256 : index
        %get3A_1863 = tpu.vector_load %arg9[%get3A_1861, %get3A_1862] {strides = array<i32>} : memref<64x384xf32, #tpu.memory_space<vmem>>, vector<1x16xf32>,
        %get3A_1864 = vector.shape_cast %get3A_1863 : vector<1x16xf32> to vector<16xf32>
        %mul3A_1865 = arith.mulf %get3A_1864, %get3A_1297 : vector<16xf32>
        %add3A_1866 = arith.addf %add3A_1858, %mul3A_1865 : vector<16xf32>
        %add3A_1867 = arith.constant 48 : i32
        %add3A_1868 = arith.addi %scan3A_1285, %add3A_1867 : i32
        %get3A_1869 = arith.index_cast %add3A_1868 : i32 to index
        %get3A_1870 = arith.constant 256 : index
        %get3A_1871 = tpu.vector_load %arg9[%get3A_1869, %get3A_1870] {strides = array<i32>} : memref<64x384xf32, #tpu.memory_space<vmem>>, vector<1x16xf32>,
        %get3A_1872 = vector.shape_cast %get3A_1871 : vector<1x16xf32> to vector<16xf32>
        %mul3A_1873 = arith.mulf %get3A_1872, %get3A_1301 : vector<16xf32>
        %add3A_1874 = arith.addf %add3A_1866, %mul3A_1873 : vector<16xf32>
        %swap3A_1875 = arith.index_cast %scan3A_1285 : i32 to index
        %swap3A_1876 = arith.constant 256 : index
        %swap3A_1877 = tpu.vector_load %arg11[%swap3A_1875, %swap3A_1876] {strides = array<i32>} : memref<16x384xf32, #tpu.memory_space<vmem>>, vector<1x16xf32>,
        %swap3A_1878 = vector.shape_cast %swap3A_1877 : vector<1x16xf32> to vector<16xf32>
        %swap3A_1879 = vector.shape_cast %add3A_1874 : vector<16xf32> to vector<1x16xf32>
        tpu.vector_store %arg11[%swap3A_1875, %swap3A_1876], %swap3A_1879 {strides = array<i32>} : memref<16x384xf32, #tpu.memory_space<vmem>>, vector<1x16xf32>,
        %get3A_1880 = arith.index_cast %scan3A_1285 : i32 to index
        %get3A_1881 = arith.constant 272 : index
        %get3A_1882 = tpu.vector_load %arg9[%get3A_1880, %get3A_1881] {strides = array<i32>} : memref<64x384xf32, #tpu.memory_space<vmem>>, vector<1x16xf32>,
        %get3A_1883 = vector.shape_cast %get3A_1882 : vector<1x16xf32> to vector<16xf32>
        %mul3A_1884 = arith.mulf %get3A_1883, %get3A_1289 : vector<16xf32>
        %add3A_1885 = arith.constant 16 : i32
        %add3A_1886 = arith.addi %scan3A_1285, %add3A_1885 : i32
        %get3A_1887 = arith.index_cast %add3A_1886 : i32 to index
        %get3A_1888 = arith.constant 272 : index
        %get3A_1889 = tpu.vector_load %arg9[%get3A_1887, %get3A_1888] {strides = array<i32>} : memref<64x384xf32, #tpu.memory_space<vmem>>, vector<1x16xf32>,
        %get3A_1890 = vector.shape_cast %get3A_1889 : vector<1x16xf32> to vector<16xf32>
        %mul3A_1891 = arith.mulf %get3A_1890, %get3A_1293 : vector<16xf32>
        %add3A_1892 = arith.addf %mul3A_1884, %mul3A_1891 : vector<16xf32>
        %add3A_1893 = arith.constant 32 : i32
        %add3A_1894 = arith.addi %scan3A_1285, %add3A_1893 : i32
        %get3A_1895 = arith.index_cast %add3A_1894 : i32 to index
        %get3A_1896 = arith.constant 272 : index
        %get3A_1897 = tpu.vector_load %arg9[%get3A_1895, %get3A_1896] {strides = array<i32>} : memref<64x384xf32, #tpu.memory_space<vmem>>, vector<1x16xf32>,
        %get3A_1898 = vector.shape_cast %get3A_1897 : vector<1x16xf32> to vector<16xf32>
        %mul3A_1899 = arith.mulf %get3A_1898, %get3A_1297 : vector<16xf32>
        %add3A_1900 = arith.addf %add3A_1892, %mul3A_1899 : vector<16xf32>
        %add3A_1901 = arith.constant 48 : i32
        %add3A_1902 = arith.addi %scan3A_1285, %add3A_1901 : i32
        %get3A_1903 = arith.index_cast %add3A_1902 : i32 to index
        %get3A_1904 = arith.constant 272 : index
        %get3A_1905 = tpu.vector_load %arg9[%get3A_1903, %get3A_1904] {strides = array<i32>} : memref<64x384xf32, #tpu.memory_space<vmem>>, vector<1x16xf32>,
        %get3A_1906 = vector.shape_cast %get3A_1905 : vector<1x16xf32> to vector<16xf32>
        %mul3A_1907 = arith.mulf %get3A_1906, %get3A_1301 : vector<16xf32>
        %add3A_1908 = arith.addf %add3A_1900, %mul3A_1907 : vector<16xf32>
        %swap3A_1909 = arith.index_cast %scan3A_1285 : i32 to index
        %swap3A_1910 = arith.constant 272 : index
        %swap3A_1911 = tpu.vector_load %arg11[%swap3A_1909, %swap3A_1910] {strides = array<i32>} : memref<16x384xf32, #tpu.memory_space<vmem>>, vector<1x16xf32>,
        %swap3A_1912 = vector.shape_cast %swap3A_1911 : vector<1x16xf32> to vector<16xf32>
        %swap3A_1913 = vector.shape_cast %add3A_1908 : vector<16xf32> to vector<1x16xf32>
        tpu.vector_store %arg11[%swap3A_1909, %swap3A_1910], %swap3A_1913 {strides = array<i32>} : memref<16x384xf32, #tpu.memory_space<vmem>>, vector<1x16xf32>,
        %get3A_1914 = arith.index_cast %scan3A_1285 : i32 to index
        %get3A_1915 = arith.constant 288 : index
        %get3A_1916 = tpu.vector_load %arg9[%get3A_1914, %get3A_1915] {strides = array<i32>} : memref<64x384xf32, #tpu.memory_space<vmem>>, vector<1x16xf32>,
        %get3A_1917 = vector.shape_cast %get3A_1916 : vector<1x16xf32> to vector<16xf32>
        %mul3A_1918 = arith.mulf %get3A_1917, %get3A_1289 : vector<16xf32>
        %add3A_1919 = arith.constant 16 : i32
        %add3A_1920 = arith.addi %scan3A_1285, %add3A_1919 : i32
        %get3A_1921 = arith.index_cast %add3A_1920 : i32 to index
        %get3A_1922 = arith.constant 288 : index
        %get3A_1923 = tpu.vector_load %arg9[%get3A_1921, %get3A_1922] {strides = array<i32>} : memref<64x384xf32, #tpu.memory_space<vmem>>, vector<1x16xf32>,
        %get3A_1924 = vector.shape_cast %get3A_1923 : vector<1x16xf32> to vector<16xf32>
        %mul3A_1925 = arith.mulf %get3A_1924, %get3A_1293 : vector<16xf32>
        %add3A_1926 = arith.addf %mul3A_1918, %mul3A_1925 : vector<16xf32>
        %add3A_1927 = arith.constant 32 : i32
        %add3A_1928 = arith.addi %scan3A_1285, %add3A_1927 : i32
        %get3A_1929 = arith.index_cast %add3A_1928 : i32 to index
        %get3A_1930 = arith.constant 288 : index
        %get3A_1931 = tpu.vector_load %arg9[%get3A_1929, %get3A_1930] {strides = array<i32>} : memref<64x384xf32, #tpu.memory_space<vmem>>, vector<1x16xf32>,
        %get3A_1932 = vector.shape_cast %get3A_1931 : vector<1x16xf32> to vector<16xf32>
        %mul3A_1933 = arith.mulf %get3A_1932, %get3A_1297 : vector<16xf32>
        %add3A_1934 = arith.addf %add3A_1926, %mul3A_1933 : vector<16xf32>
        %add3A_1935 = arith.constant 48 : i32
        %add3A_1936 = arith.addi %scan3A_1285, %add3A_1935 : i32
        %get3A_1937 = arith.index_cast %add3A_1936 : i32 to index
        %get3A_1938 = arith.constant 288 : index
        %get3A_1939 = tpu.vector_load %arg9[%get3A_1937, %get3A_1938] {strides = array<i32>} : memref<64x384xf32, #tpu.memory_space<vmem>>, vector<1x16xf32>,
        %get3A_1940 = vector.shape_cast %get3A_1939 : vector<1x16xf32> to vector<16xf32>
        %mul3A_1941 = arith.mulf %get3A_1940, %get3A_1301 : vector<16xf32>
        %add3A_1942 = arith.addf %add3A_1934, %mul3A_1941 : vector<16xf32>
        %swap3A_1943 = arith.index_cast %scan3A_1285 : i32 to index
        %swap3A_1944 = arith.constant 288 : index
        %swap3A_1945 = tpu.vector_load %arg11[%swap3A_1943, %swap3A_1944] {strides = array<i32>} : memref<16x384xf32, #tpu.memory_space<vmem>>, vector<1x16xf32>,
        %swap3A_1946 = vector.shape_cast %swap3A_1945 : vector<1x16xf32> to vector<16xf32>
        %swap3A_1947 = vector.shape_cast %add3A_1942 : vector<16xf32> to vector<1x16xf32>
        tpu.vector_store %arg11[%swap3A_1943, %swap3A_1944], %swap3A_1947 {strides = array<i32>} : memref<16x384xf32, #tpu.memory_space<vmem>>, vector<1x16xf32>,
        %get3A_1948 = arith.index_cast %scan3A_1285 : i32 to index
        %get3A_1949 = arith.constant 304 : index
        %get3A_1950 = tpu.vector_load %arg9[%get3A_1948, %get3A_1949] {strides = array<i32>} : memref<64x384xf32, #tpu.memory_space<vmem>>, vector<1x16xf32>,
        %get3A_1951 = vector.shape_cast %get3A_1950 : vector<1x16xf32> to vector<16xf32>
        %mul3A_1952 = arith.mulf %get3A_1951, %get3A_1289 : vector<16xf32>
        %add3A_1953 = arith.constant 16 : i32
        %add3A_1954 = arith.addi %scan3A_1285, %add3A_1953 : i32
        %get3A_1955 = arith.index_cast %add3A_1954 : i32 to index
        %get3A_1956 = arith.constant 304 : index
        %get3A_1957 = tpu.vector_load %arg9[%get3A_1955, %get3A_1956] {strides = array<i32>} : memref<64x384xf32, #tpu.memory_space<vmem>>, vector<1x16xf32>,
        %get3A_1958 = vector.shape_cast %get3A_1957 : vector<1x16xf32> to vector<16xf32>
        %mul3A_1959 = arith.mulf %get3A_1958, %get3A_1293 : vector<16xf32>
        %add3A_1960 = arith.addf %mul3A_1952, %mul3A_1959 : vector<16xf32>
        %add3A_1961 = arith.constant 32 : i32
        %add3A_1962 = arith.addi %scan3A_1285, %add3A_1961 : i32
        %get3A_1963 = arith.index_cast %add3A_1962 : i32 to index
        %get3A_1964 = arith.constant 304 : index
        %get3A_1965 = tpu.vector_load %arg9[%get3A_1963, %get3A_1964] {strides = array<i32>} : memref<64x384xf32, #tpu.memory_space<vmem>>, vector<1x16xf32>,
        %get3A_1966 = vector.shape_cast %get3A_1965 : vector<1x16xf32> to vector<16xf32>
        %mul3A_1967 = arith.mulf %get3A_1966, %get3A_1297 : vector<16xf32>
        %add3A_1968 = arith.addf %add3A_1960, %mul3A_1967 : vector<16xf32>
        %add3A_1969 = arith.constant 48 : i32
        %add3A_1970 = arith.addi %scan3A_1285, %add3A_1969 : i32
        %get3A_1971 = arith.index_cast %add3A_1970 : i32 to index
        %get3A_1972 = arith.constant 304 : index
        %get3A_1973 = tpu.vector_load %arg9[%get3A_1971, %get3A_1972] {strides = array<i32>} : memref<64x384xf32, #tpu.memory_space<vmem>>, vector<1x16xf32>,
        %get3A_1974 = vector.shape_cast %get3A_1973 : vector<1x16xf32> to vector<16xf32>
        %mul3A_1975 = arith.mulf %get3A_1974, %get3A_1301 : vector<16xf32>
        %add3A_1976 = arith.addf %add3A_1968, %mul3A_1975 : vector<16xf32>
        %swap3A_1977 = arith.index_cast %scan3A_1285 : i32 to index
        %swap3A_1978 = arith.constant 304 : index
        %swap3A_1979 = tpu.vector_load %arg11[%swap3A_1977, %swap3A_1978] {strides = array<i32>} : memref<16x384xf32, #tpu.memory_space<vmem>>, vector<1x16xf32>,
        %swap3A_1980 = vector.shape_cast %swap3A_1979 : vector<1x16xf32> to vector<16xf32>
        %swap3A_1981 = vector.shape_cast %add3A_1976 : vector<16xf32> to vector<1x16xf32>
        tpu.vector_store %arg11[%swap3A_1977, %swap3A_1978], %swap3A_1981 {strides = array<i32>} : memref<16x384xf32, #tpu.memory_space<vmem>>, vector<1x16xf32>,
        %get3A_1982 = arith.index_cast %scan3A_1285 : i32 to index
        %get3A_1983 = arith.constant 320 : index
        %get3A_1984 = tpu.vector_load %arg9[%get3A_1982, %get3A_1983] {strides = array<i32>} : memref<64x384xf32, #tpu.memory_space<vmem>>, vector<1x16xf32>,
        %get3A_1985 = vector.shape_cast %get3A_1984 : vector<1x16xf32> to vector<16xf32>
        %mul3A_1986 = arith.mulf %get3A_1985, %get3A_1289 : vector<16xf32>
        %add3A_1987 = arith.constant 16 : i32
        %add3A_1988 = arith.addi %scan3A_1285, %add3A_1987 : i32
        %get3A_1989 = arith.index_cast %add3A_1988 : i32 to index
        %get3A_1990 = arith.constant 320 : index
        %get3A_1991 = tpu.vector_load %arg9[%get3A_1989, %get3A_1990] {strides = array<i32>} : memref<64x384xf32, #tpu.memory_space<vmem>>, vector<1x16xf32>,
        %get3A_1992 = vector.shape_cast %get3A_1991 : vector<1x16xf32> to vector<16xf32>
        %mul3A_1993 = arith.mulf %get3A_1992, %get3A_1293 : vector<16xf32>
        %add3A_1994 = arith.addf %mul3A_1986, %mul3A_1993 : vector<16xf32>
        %add3A_1995 = arith.constant 32 : i32
        %add3A_1996 = arith.addi %scan3A_1285, %add3A_1995 : i32
        %get3A_1997 = arith.index_cast %add3A_1996 : i32 to index
        %get3A_1998 = arith.constant 320 : index
        %get3A_1999 = tpu.vector_load %arg9[%get3A_1997, %get3A_1998] {strides = array<i32>} : memref<64x384xf32, #tpu.memory_space<vmem>>, vector<1x16xf32>,
        %get3A_2000 = vector.shape_cast %get3A_1999 : vector<1x16xf32> to vector<16xf32>
        %mul3A_2001 = arith.mulf %get3A_2000, %get3A_1297 : vector<16xf32>
        %add3A_2002 = arith.addf %add3A_1994, %mul3A_2001 : vector<16xf32>
        %add3A_2003 = arith.constant 48 : i32
        %add3A_2004 = arith.addi %scan3A_1285, %add3A_2003 : i32
        %get3A_2005 = arith.index_cast %add3A_2004 : i32 to index
        %get3A_2006 = arith.constant 320 : index
        %get3A_2007 = tpu.vector_load %arg9[%get3A_2005, %get3A_2006] {strides = array<i32>} : memref<64x384xf32, #tpu.memory_space<vmem>>, vector<1x16xf32>,
        %get3A_2008 = vector.shape_cast %get3A_2007 : vector<1x16xf32> to vector<16xf32>
        %mul3A_2009 = arith.mulf %get3A_2008, %get3A_1301 : vector<16xf32>
        %add3A_2010 = arith.addf %add3A_2002, %mul3A_2009 : vector<16xf32>
        %swap3A_2011 = arith.index_cast %scan3A_1285 : i32 to index
        %swap3A_2012 = arith.constant 320 : index
        %swap3A_2013 = tpu.vector_load %arg11[%swap3A_2011, %swap3A_2012] {strides = array<i32>} : memref<16x384xf32, #tpu.memory_space<vmem>>, vector<1x16xf32>,
        %swap3A_2014 = vector.shape_cast %swap3A_2013 : vector<1x16xf32> to vector<16xf32>
        %swap3A_2015 = vector.shape_cast %add3A_2010 : vector<16xf32> to vector<1x16xf32>
        tpu.vector_store %arg11[%swap3A_2011, %swap3A_2012], %swap3A_2015 {strides = array<i32>} : memref<16x384xf32, #tpu.memory_space<vmem>>, vector<1x16xf32>,
        %get3A_2016 = arith.index_cast %scan3A_1285 : i32 to index
        %get3A_2017 = arith.constant 336 : index
        %get3A_2018 = tpu.vector_load %arg9[%get3A_2016, %get3A_2017] {strides = array<i32>} : memref<64x384xf32, #tpu.memory_space<vmem>>, vector<1x16xf32>,
        %get3A_2019 = vector.shape_cast %get3A_2018 : vector<1x16xf32> to vector<16xf32>
        %mul3A_2020 = arith.mulf %get3A_2019, %get3A_1289 : vector<16xf32>
        %add3A_2021 = arith.constant 16 : i32
        %add3A_2022 = arith.addi %scan3A_1285, %add3A_2021 : i32
        %get3A_2023 = arith.index_cast %add3A_2022 : i32 to index
        %get3A_2024 = arith.constant 336 : index
        %get3A_2025 = tpu.vector_load %arg9[%get3A_2023, %get3A_2024] {strides = array<i32>} : memref<64x384xf32, #tpu.memory_space<vmem>>, vector<1x16xf32>,
        %get3A_2026 = vector.shape_cast %get3A_2025 : vector<1x16xf32> to vector<16xf32>
        %mul3A_2027 = arith.mulf %get3A_2026, %get3A_1293 : vector<16xf32>
        %add3A_2028 = arith.addf %mul3A_2020, %mul3A_2027 : vector<16xf32>
        %add3A_2029 = arith.constant 32 : i32
        %add3A_2030 = arith.addi %scan3A_1285, %add3A_2029 : i32
        %get3A_2031 = arith.index_cast %add3A_2030 : i32 to index
        %get3A_2032 = arith.constant 336 : index
        %get3A_2033 = tpu.vector_load %arg9[%get3A_2031, %get3A_2032] {strides = array<i32>} : memref<64x384xf32, #tpu.memory_space<vmem>>, vector<1x16xf32>,
        %get3A_2034 = vector.shape_cast %get3A_2033 : vector<1x16xf32> to vector<16xf32>
        %mul3A_2035 = arith.mulf %get3A_2034, %get3A_1297 : vector<16xf32>
        %add3A_2036 = arith.addf %add3A_2028, %mul3A_2035 : vector<16xf32>
        %add3A_2037 = arith.constant 48 : i32
        %add3A_2038 = arith.addi %scan3A_1285, %add3A_2037 : i32
        %get3A_2039 = arith.index_cast %add3A_2038 : i32 to index
        %get3A_2040 = arith.constant 336 : index
        %get3A_2041 = tpu.vector_load %arg9[%get3A_2039, %get3A_2040] {strides = array<i32>} : memref<64x384xf32, #tpu.memory_space<vmem>>, vector<1x16xf32>,
        %get3A_2042 = vector.shape_cast %get3A_2041 : vector<1x16xf32> to vector<16xf32>
        %mul3A_2043 = arith.mulf %get3A_2042, %get3A_1301 : vector<16xf32>
        %add3A_2044 = arith.addf %add3A_2036, %mul3A_2043 : vector<16xf32>
        %swap3A_2045 = arith.index_cast %scan3A_1285 : i32 to index
        %swap3A_2046 = arith.constant 336 : index
        %swap3A_2047 = tpu.vector_load %arg11[%swap3A_2045, %swap3A_2046] {strides = array<i32>} : memref<16x384xf32, #tpu.memory_space<vmem>>, vector<1x16xf32>,
        %swap3A_2048 = vector.shape_cast %swap3A_2047 : vector<1x16xf32> to vector<16xf32>
        %swap3A_2049 = vector.shape_cast %add3A_2044 : vector<16xf32> to vector<1x16xf32>
        tpu.vector_store %arg11[%swap3A_2045, %swap3A_2046], %swap3A_2049 {strides = array<i32>} : memref<16x384xf32, #tpu.memory_space<vmem>>, vector<1x16xf32>,
        %get3A_2050 = arith.index_cast %scan3A_1285 : i32 to index
        %get3A_2051 = arith.constant 352 : index
        %get3A_2052 = tpu.vector_load %arg9[%get3A_2050, %get3A_2051] {strides = array<i32>} : memref<64x384xf32, #tpu.memory_space<vmem>>, vector<1x16xf32>,
        %get3A_2053 = vector.shape_cast %get3A_2052 : vector<1x16xf32> to vector<16xf32>
        %mul3A_2054 = arith.mulf %get3A_2053, %get3A_1289 : vector<16xf32>
        %add3A_2055 = arith.constant 16 : i32
        %add3A_2056 = arith.addi %scan3A_1285, %add3A_2055 : i32
        %get3A_2057 = arith.index_cast %add3A_2056 : i32 to index
        %get3A_2058 = arith.constant 352 : index
        %get3A_2059 = tpu.vector_load %arg9[%get3A_2057, %get3A_2058] {strides = array<i32>} : memref<64x384xf32, #tpu.memory_space<vmem>>, vector<1x16xf32>,
        %get3A_2060 = vector.shape_cast %get3A_2059 : vector<1x16xf32> to vector<16xf32>
        %mul3A_2061 = arith.mulf %get3A_2060, %get3A_1293 : vector<16xf32>
        %add3A_2062 = arith.addf %mul3A_2054, %mul3A_2061 : vector<16xf32>
        %add3A_2063 = arith.constant 32 : i32
        %add3A_2064 = arith.addi %scan3A_1285, %add3A_2063 : i32
        %get3A_2065 = arith.index_cast %add3A_2064 : i32 to index
        %get3A_2066 = arith.constant 352 : index
        %get3A_2067 = tpu.vector_load %arg9[%get3A_2065, %get3A_2066] {strides = array<i32>} : memref<64x384xf32, #tpu.memory_space<vmem>>, vector<1x16xf32>,
        %get3A_2068 = vector.shape_cast %get3A_2067 : vector<1x16xf32> to vector<16xf32>
        %mul3A_2069 = arith.mulf %get3A_2068, %get3A_1297 : vector<16xf32>
        %add3A_2070 = arith.addf %add3A_2062, %mul3A_2069 : vector<16xf32>
        %add3A_2071 = arith.constant 48 : i32
        %add3A_2072 = arith.addi %scan3A_1285, %add3A_2071 : i32
        %get3A_2073 = arith.index_cast %add3A_2072 : i32 to index
        %get3A_2074 = arith.constant 352 : index
        %get3A_2075 = tpu.vector_load %arg9[%get3A_2073, %get3A_2074] {strides = array<i32>} : memref<64x384xf32, #tpu.memory_space<vmem>>, vector<1x16xf32>,
        %get3A_2076 = vector.shape_cast %get3A_2075 : vector<1x16xf32> to vector<16xf32>
        %mul3A_2077 = arith.mulf %get3A_2076, %get3A_1301 : vector<16xf32>
        %add3A_2078 = arith.addf %add3A_2070, %mul3A_2077 : vector<16xf32>
        %swap3A_2079 = arith.index_cast %scan3A_1285 : i32 to index
        %swap3A_2080 = arith.constant 352 : index
        %swap3A_2081 = tpu.vector_load %arg11[%swap3A_2079, %swap3A_2080] {strides = array<i32>} : memref<16x384xf32, #tpu.memory_space<vmem>>, vector<1x16xf32>,
        %swap3A_2082 = vector.shape_cast %swap3A_2081 : vector<1x16xf32> to vector<16xf32>
        %swap3A_2083 = vector.shape_cast %add3A_2078 : vector<16xf32> to vector<1x16xf32>
        tpu.vector_store %arg11[%swap3A_2079, %swap3A_2080], %swap3A_2083 {strides = array<i32>} : memref<16x384xf32, #tpu.memory_space<vmem>>, vector<1x16xf32>,
        %get3A_2084 = arith.index_cast %scan3A_1285 : i32 to index
        %get3A_2085 = arith.constant 368 : index
        %get3A_2086 = tpu.vector_load %arg9[%get3A_2084, %get3A_2085] {strides = array<i32>} : memref<64x384xf32, #tpu.memory_space<vmem>>, vector<1x16xf32>,
        %get3A_2087 = vector.shape_cast %get3A_2086 : vector<1x16xf32> to vector<16xf32>
        %mul3A_2088 = arith.mulf %get3A_2087, %get3A_1289 : vector<16xf32>
        %add3A_2089 = arith.constant 16 : i32
        %add3A_2090 = arith.addi %scan3A_1285, %add3A_2089 : i32
        %get3A_2091 = arith.index_cast %add3A_2090 : i32 to index
        %get3A_2092 = arith.constant 368 : index
        %get3A_2093 = tpu.vector_load %arg9[%get3A_2091, %get3A_2092] {strides = array<i32>} : memref<64x384xf32, #tpu.memory_space<vmem>>, vector<1x16xf32>,
        %get3A_2094 = vector.shape_cast %get3A_2093 : vector<1x16xf32> to vector<16xf32>
        %mul3A_2095 = arith.mulf %get3A_2094, %get3A_1293 : vector<16xf32>
        %add3A_2096 = arith.addf %mul3A_2088, %mul3A_2095 : vector<16xf32>
        %add3A_2097 = arith.constant 32 : i32
        %add3A_2098 = arith.addi %scan3A_1285, %add3A_2097 : i32
        %get3A_2099 = arith.index_cast %add3A_2098 : i32 to index
        %get3A_2100 = arith.constant 368 : index
        %get3A_2101 = tpu.vector_load %arg9[%get3A_2099, %get3A_2100] {strides = array<i32>} : memref<64x384xf32, #tpu.memory_space<vmem>>, vector<1x16xf32>,
        %get3A_2102 = vector.shape_cast %get3A_2101 : vector<1x16xf32> to vector<16xf32>
        %mul3A_2103 = arith.mulf %get3A_2102, %get3A_1297 : vector<16xf32>
        %add3A_2104 = arith.addf %add3A_2096, %mul3A_2103 : vector<16xf32>
        %add3A_2105 = arith.constant 48 : i32
        %add3A_2106 = arith.addi %scan3A_1285, %add3A_2105 : i32
        %get3A_2107 = arith.index_cast %add3A_2106 : i32 to index
        %get3A_2108 = arith.constant 368 : index
        %get3A_2109 = tpu.vector_load %arg9[%get3A_2107, %get3A_2108] {strides = array<i32>} : memref<64x384xf32, #tpu.memory_space<vmem>>, vector<1x16xf32>,
        %get3A_2110 = vector.shape_cast %get3A_2109 : vector<1x16xf32> to vector<16xf32>
        %mul3A_2111 = arith.mulf %get3A_2110, %get3A_1301 : vector<16xf32>
        %add3A_2112 = arith.addf %add3A_2104, %mul3A_2111 : vector<16xf32>
        %swap3A_2113 = arith.index_cast %scan3A_1285 : i32 to index
        %swap3A_2114 = arith.constant 368 : index
        %swap3A_2115 = tpu.vector_load %arg11[%swap3A_2113, %swap3A_2114] {strides = array<i32>} : memref<16x384xf32, #tpu.memory_space<vmem>>, vector<1x16xf32>,
        %swap3A_2116 = vector.shape_cast %swap3A_2115 : vector<1x16xf32> to vector<16xf32>
        %swap3A_2117 = vector.shape_cast %add3A_2112 : vector<16xf32> to vector<1x16xf32>
        tpu.vector_store %arg11[%swap3A_2113, %swap3A_2114], %swap3A_2117 {strides = array<i32>} : memref<16x384xf32, #tpu.memory_space<vmem>>, vector<1x16xf32>,
      }
      %scan3A_1272 = arith.constant 16 : i32
      %mul3A_1273 = arith.constant 16 : i32
      %mul3A_1274 = arith.muli %add3A_658, %mul3A_1273 : i32
      %add3A_1275 = arith.addi %mul3A_2, %mul3A_1274 : i32
      %dma_start3A_1276 = arith.constant 0 : i32
      %dma_start3A_1277 = tpu.memref_slice %arg5[%add3A_1275, %dma_start3A_1276] : memref<147456x384xf32, #tpu.memory_space<hbm>> -> memref<16x384xf32, #tpu.memory_space<hbm>>
      %dma_start3A_1278 = arith.constant 0 : i32
      %dma_start3A_1279 = tpu.memref_slice %arg5[%add3A_1275, %dma_start3A_1278] : memref<147456x384xf32, #tpu.memory_space<hbm>> -> memref<16x384xf32, #tpu.memory_space<hbm>>
      tpu.enqueue_dma source(%arg11 : memref<16x384xf32, #tpu.memory_space<vmem>>) target(%dma_start3A_1279 : memref<16x384xf32, #tpu.memory_space<hbm>>) target_semaphore(%arg19 : memref<!tpu.dma_semaphore, #tpu.memory_space<semaphore_mem>>)
      %lt3A_1280 = arith.constant 143 : i32
      %lt3A_1281 = arith.cmpi slt, %scan3A_33, %lt3A_1280 : i32
      %convert_element_type3A_1282 = arith.extui %lt3A_1281 : i1 to i32
      %cond3A_1283 = arith.constant 0 : i32
      %cond3A_1284 = arith.cmpi ne, %convert_element_type3A_1282, %cond3A_1283 : i32
      scf.if %cond3A_1284 {
        %add3A_1285 = arith.constant 2 : i32
        %add3A_1286 = arith.addi %add3A_658, %add3A_1285 : i32
        %mul3A_1287 = arith.constant 64 : i32
        %mul3A_1288 = arith.muli %add3A_1286, %mul3A_1287 : i32
        %multiple_of3A_1289 = tpu.assume_multiple %mul3A_1288, 64 : i32
        %dma_start3A_1290 = tpu.memref_slice %arg6[%multiple_of3A_1289] : memref<18432xi32, #tpu.memory_space<vmem>> -> memref<64xi32, #tpu.memory_space<vmem>>
        %dma_start3A_1291 = arith.constant 0 : i32
        %dma_start3A_1292 = arith.constant 0 : i32
        %dma_start3A_1293 = tpu.memref_slice %arg2[%dma_start3A_1291, %dma_start3A_1292] : memref<147456x384xf32, #tpu.memory_space<hbm>> -> memref<147456x384xf32, #tpu.memory_space<hbm>>
        tpu.enqueue_indirect_dma source(%dma_start3A_1293 : memref<147456x384xf32, #tpu.memory_space<hbm>>) target(%arg9 : memref<64x384xf32, #tpu.memory_space<vmem>>) offsets(%dma_start3A_1290 : memref<64xi32, #tpu.memory_space<vmem>>) semaphore(%arg17 : memref<!tpu.dma_semaphore, #tpu.memory_space<semaphore_mem>>)
      } else {
      }
    }
    %scan3A_21 = arith.constant 144 : i32
    %dma_wait3A = arith.constant 0 : i32
    %dma_wait3A_22 = arith.constant 0 : i32
    %dma_wait3A_23 = tpu.memref_slice %arg5[%dma_wait3A, %dma_wait3A_22] : memref<147456x384xf32, #tpu.memory_space<hbm>> -> memref<16x384xf32, #tpu.memory_space<hbm>>
    %dma_wait3A_24 = arith.constant 0 : i32
    %dma_wait3A_25 = arith.constant 0 : i32
    %dma_wait3A_26 = tpu.memref_slice %arg5[%dma_wait3A_24, %dma_wait3A_25] : memref<147456x384xf32, #tpu.memory_space<hbm>> -> memref<16x384xf32, #tpu.memory_space<hbm>>
    tpu.wait_dma2 semaphore(%arg18 : memref<!tpu.dma_semaphore, #tpu.memory_space<semaphore_mem>>) src(%dma_wait3A_26 : memref<16x384xf32, #tpu.memory_space<hbm>>) dst(%arg10 : memref<16x384xf32, #tpu.memory_space<vmem>>)
    %dma_wait3A_27 = arith.constant 0 : i32
    %dma_wait3A_28 = arith.constant 0 : i32
    %dma_wait3A_29 = tpu.memref_slice %arg5[%dma_wait3A_27, %dma_wait3A_28] : memref<147456x384xf32, #tpu.memory_space<hbm>> -> memref<16x384xf32, #tpu.memory_space<hbm>>
    %dma_wait3A_30 = arith.constant 0 : i32
    %dma_wait3A_31 = arith.constant 0 : i32
    %dma_wait3A_32 = tpu.memref_slice %arg5[%dma_wait3A_30, %dma_wait3A_31] : memref<147456x384xf32, #tpu.memory_space<hbm>> -> memref<16x384xf32, #tpu.memory_space<hbm>>
    tpu.wait_dma2 semaphore(%arg19 : memref<!tpu.dma_semaphore, #tpu.memory_space<semaphore_mem>>) src(%dma_wait3A_32 : memref<16x384xf32, #tpu.memory_space<hbm>>) dst(%arg11 : memref<16x384xf32, #tpu.memory_space<vmem>>)
    return
  }
}

module attributes {stable_mosaic.version = 14 : i64} {
  func.func @_prep_body(%arg0: memref<384x384xf32, #tpu.memory_space<vmem>>, %arg1: memref<384x384xf32, #tpu.memory_space<vmem>>, %arg2: memref<384x384xi32, #tpu.memory_space<vmem>>, %arg3: memref<384x384xi32, #tpu.memory_space<vmem>>, %arg4: memref<384x384xi32, #tpu.memory_space<vmem>>, %arg5: memref<384x384xi32, #tpu.memory_space<vmem>>, %arg6: memref<384x384xf32, #tpu.memory_space<vmem>>, %arg7: memref<384x384xf32, #tpu.memory_space<vmem>>, %arg8: memref<384x384xf32, #tpu.memory_space<vmem>>, %arg9: memref<384x384xf32, #tpu.memory_space<vmem>>) attributes {dimension_semantics = [], scalar_prefetch = 0 : i64, scratch_operands = 0 : i64, tpu.core_type = #tpu.core_type<tc>} {
    %get3A = arith.constant 0 : index
    %get3A_0 = arith.constant 0 : index
    %get3A_1 = vector.load %arg0[%get3A, %get3A_0] : memref<384x384xf32, #tpu.memory_space<vmem>>, vector<384x384xf32>
    %get3A_2 = arith.constant 0 : index
    %get3A_3 = arith.constant 0 : index
    %get3A_4 = vector.load %arg1[%get3A_2, %get3A_3] : memref<384x384xf32, #tpu.memory_space<vmem>>, vector<384x384xf32>
    %mul3A = arith.constant 2.000000e+00 : f32
    %mul3A_5 = vector.broadcast %mul3A : f32 to vector<384x384xf32>
    %mul3A_6 = arith.mulf %get3A_1, %mul3A_5 : vector<384x384xf32>
    %sub3A = arith.constant 1.000000e+00 : f32
    %sub3A_7 = vector.broadcast %sub3A : f32 to vector<384x384xf32>
    %sub3A_8 = arith.subf %mul3A_6, %sub3A_7 : vector<384x384xf32>
    %mul3A_9 = arith.constant 2.000000e+00 : f32
    %mul3A_10 = vector.broadcast %mul3A_9 : f32 to vector<384x384xf32>
    %mul3A_11 = arith.mulf %get3A_4, %mul3A_10 : vector<384x384xf32>
    %sub3A_12 = arith.constant 1.000000e+00 : f32
    %sub3A_13 = vector.broadcast %sub3A_12 : f32 to vector<384x384xf32>
    %sub3A_14 = arith.subf %mul3A_11, %sub3A_13 : vector<384x384xf32>
    %neg3A = arith.constant 0.000000e+00 : f32
    %neg3A_15 = vector.broadcast %neg3A : f32 to vector<384x384xf32>
    %neg3A_16 = arith.subf %neg3A_15, %sub3A_14 : vector<384x384xf32>
    %add3A = arith.constant 1.000000e+00 : f32
    %add3A_17 = vector.broadcast %add3A : f32 to vector<384x384xf32>
    %add3A_18 = arith.addf %sub3A_8, %add3A_17 : vector<384x384xf32>
    %mul3A_19 = arith.constant 3.840000e+02 : f32
    %mul3A_20 = vector.broadcast %mul3A_19 : f32 to vector<384x384xf32>
    %mul3A_21 = arith.mulf %add3A_18, %mul3A_20 : vector<384x384xf32>
    %sub3A_22 = arith.constant 1.000000e+00 : f32
    %sub3A_23 = vector.broadcast %sub3A_22 : f32 to vector<384x384xf32>
    %sub3A_24 = arith.subf %mul3A_21, %sub3A_23 : vector<384x384xf32>
    %mul3A_25 = arith.constant 5.000000e-01 : f32
    %mul3A_26 = vector.broadcast %mul3A_25 : f32 to vector<384x384xf32>
    %mul3A_27 = arith.mulf %sub3A_24, %mul3A_26 : vector<384x384xf32>
    %add3A_28 = arith.constant 1.000000e+00 : f32
    %add3A_29 = vector.broadcast %add3A_28 : f32 to vector<384x384xf32>
    %add3A_30 = arith.addf %neg3A_16, %add3A_29 : vector<384x384xf32>
    %mul3A_31 = arith.constant 3.840000e+02 : f32
    %mul3A_32 = vector.broadcast %mul3A_31 : f32 to vector<384x384xf32>
    %mul3A_33 = arith.mulf %add3A_30, %mul3A_32 : vector<384x384xf32>
    %sub3A_34 = arith.constant 1.000000e+00 : f32
    %sub3A_35 = vector.broadcast %sub3A_34 : f32 to vector<384x384xf32>
    %sub3A_36 = arith.subf %mul3A_33, %sub3A_35 : vector<384x384xf32>
    %mul3A_37 = arith.constant 5.000000e-01 : f32
    %mul3A_38 = vector.broadcast %mul3A_37 : f32 to vector<384x384xf32>
    %mul3A_39 = arith.mulf %sub3A_36, %mul3A_38 : vector<384x384xf32>
    %floor3A = math.floor %mul3A_27 : vector<384x384xf32>
    %floor3A_40 = math.floor %mul3A_39 : vector<384x384xf32>
    %add3A_41 = arith.constant 1.000000e+00 : f32
    %add3A_42 = vector.broadcast %add3A_41 : f32 to vector<384x384xf32>
    %add3A_43 = arith.addf %floor3A, %add3A_42 : vector<384x384xf32>
    %add3A_44 = arith.constant 1.000000e+00 : f32
    %add3A_45 = vector.broadcast %add3A_44 : f32 to vector<384x384xf32>
    %add3A_46 = arith.addf %floor3A_40, %add3A_45 : vector<384x384xf32>
    %sub3A_47 = arith.subf %mul3A_27, %floor3A : vector<384x384xf32>
    %sub3A_48 = arith.constant 1.000000e+00 : f32
    %sub3A_49 = vector.broadcast %sub3A_48 : f32 to vector<384x384xf32>
    %sub3A_50 = arith.subf %sub3A_49, %sub3A_47 : vector<384x384xf32>
    %sub3A_51 = arith.subf %mul3A_39, %floor3A_40 : vector<384x384xf32>
    %sub3A_52 = arith.constant 1.000000e+00 : f32
    %sub3A_53 = vector.broadcast %sub3A_52 : f32 to vector<384x384xf32>
    %sub3A_54 = arith.subf %sub3A_53, %sub3A_51 : vector<384x384xf32>
    %ge3A = arith.constant 0.000000e+00 : f32
    %ge3A_55 = vector.broadcast %ge3A : f32 to vector<384x384xf32>
    %ge3A_56 = arith.cmpf oge, %floor3A, %ge3A_55 : vector<384x384xf32>
    %le3A = arith.constant 3.830000e+02 : f32
    %le3A_57 = vector.broadcast %le3A : f32 to vector<384x384xf32>
    %le3A_58 = arith.cmpf ole, %floor3A, %le3A_57 : vector<384x384xf32>
    %and3A = arith.andi %ge3A_56, %le3A_58 : vector<384x384xi1>
    %ge3A_59 = arith.constant 0.000000e+00 : f32
    %ge3A_60 = vector.broadcast %ge3A_59 : f32 to vector<384x384xf32>
    %ge3A_61 = arith.cmpf oge, %add3A_43, %ge3A_60 : vector<384x384xf32>
    %le3A_62 = arith.constant 3.830000e+02 : f32
    %le3A_63 = vector.broadcast %le3A_62 : f32 to vector<384x384xf32>
    %le3A_64 = arith.cmpf ole, %add3A_43, %le3A_63 : vector<384x384xf32>
    %and3A_65 = arith.andi %ge3A_61, %le3A_64 : vector<384x384xi1>
    %ge3A_66 = arith.constant 0.000000e+00 : f32
    %ge3A_67 = vector.broadcast %ge3A_66 : f32 to vector<384x384xf32>
    %ge3A_68 = arith.cmpf oge, %floor3A_40, %ge3A_67 : vector<384x384xf32>
    %le3A_69 = arith.constant 3.830000e+02 : f32
    %le3A_70 = vector.broadcast %le3A_69 : f32 to vector<384x384xf32>
    %le3A_71 = arith.cmpf ole, %floor3A_40, %le3A_70 : vector<384x384xf32>
    %and3A_72 = arith.andi %ge3A_68, %le3A_71 : vector<384x384xi1>
    %ge3A_73 = arith.constant 0.000000e+00 : f32
    %ge3A_74 = vector.broadcast %ge3A_73 : f32 to vector<384x384xf32>
    %ge3A_75 = arith.cmpf oge, %add3A_46, %ge3A_74 : vector<384x384xf32>
    %le3A_76 = arith.constant 3.830000e+02 : f32
    %le3A_77 = vector.broadcast %le3A_76 : f32 to vector<384x384xf32>
    %le3A_78 = arith.cmpf ole, %add3A_46, %le3A_77 : vector<384x384xf32>
    %and3A_79 = arith.andi %ge3A_75, %le3A_78 : vector<384x384xi1>
    %jit3A = arith.constant 0 : i32
    %jit3A_80 = arith.constant 383 : i32
    %convert_element_type3A = arith.sitofp %jit3A : i32 to f32
    %max3A = vector.broadcast %convert_element_type3A : f32 to vector<384x384xf32>
    %max3A_81 = arith.maximumf %max3A, %floor3A : vector<384x384xf32>
    %convert_element_type3A_82 = arith.sitofp %jit3A_80 : i32 to f32
    %min3A = vector.broadcast %convert_element_type3A_82 : f32 to vector<384x384xf32>
    %min3A_83 = arith.minimumf %min3A, %max3A_81 : vector<384x384xf32>
    %convert_element_type3A_84 = arith.fptosi %min3A_83 : vector<384x384xf32> to vector<384x384xi32>
    %jit3A_85 = arith.constant 0 : i32
    %jit3A_86 = arith.constant 383 : i32
    %convert_element_type3A_87 = arith.sitofp %jit3A_85 : i32 to f32
    %max3A_88 = vector.broadcast %convert_element_type3A_87 : f32 to vector<384x384xf32>
    %max3A_89 = arith.maximumf %max3A_88, %add3A_43 : vector<384x384xf32>
    %convert_element_type3A_90 = arith.sitofp %jit3A_86 : i32 to f32
    %min3A_91 = vector.broadcast %convert_element_type3A_90 : f32 to vector<384x384xf32>
    %min3A_92 = arith.minimumf %min3A_91, %max3A_89 : vector<384x384xf32>
    %convert_element_type3A_93 = arith.fptosi %min3A_92 : vector<384x384xf32> to vector<384x384xi32>
    %jit3A_94 = arith.constant 0 : i32
    %jit3A_95 = arith.constant 383 : i32
    %convert_element_type3A_96 = arith.sitofp %jit3A_94 : i32 to f32
    %max3A_97 = vector.broadcast %convert_element_type3A_96 : f32 to vector<384x384xf32>
    %max3A_98 = arith.maximumf %max3A_97, %floor3A_40 : vector<384x384xf32>
    %convert_element_type3A_99 = arith.sitofp %jit3A_95 : i32 to f32
    %min3A_100 = vector.broadcast %convert_element_type3A_99 : f32 to vector<384x384xf32>
    %min3A_101 = arith.minimumf %min3A_100, %max3A_98 : vector<384x384xf32>
    %convert_element_type3A_102 = arith.fptosi %min3A_101 : vector<384x384xf32> to vector<384x384xi32>
    %jit3A_103 = arith.constant 0 : i32
    %jit3A_104 = arith.constant 383 : i32
    %convert_element_type3A_105 = arith.sitofp %jit3A_103 : i32 to f32
    %max3A_106 = vector.broadcast %convert_element_type3A_105 : f32 to vector<384x384xf32>
    %max3A_107 = arith.maximumf %max3A_106, %add3A_46 : vector<384x384xf32>
    %convert_element_type3A_108 = arith.sitofp %jit3A_104 : i32 to f32
    %min3A_109 = vector.broadcast %convert_element_type3A_108 : f32 to vector<384x384xf32>
    %min3A_110 = arith.minimumf %min3A_109, %max3A_107 : vector<384x384xf32>
    %convert_element_type3A_111 = arith.fptosi %min3A_110 : vector<384x384xf32> to vector<384x384xi32>
    %ne3A = arith.constant 0.000000e+00 : f32
    %ne3A_112 = vector.broadcast %ne3A : f32 to vector<384x384xf32>
    %ne3A_113 = arith.cmpf one, %get3A_1, %ne3A_112 : vector<384x384xf32>
    %broadcast_in_dim3A = arith.constant 0.000000e+00 : f32
    %broadcast_in_dim3A_114 = vector.broadcast %broadcast_in_dim3A : f32 to vector<384x384xf32>
    %mul3A_115 = arith.constant 384 : i32
    %mul3A_116 = vector.broadcast %mul3A_115 : i32 to vector<384x384xi32>
    %mul3A_117 = arith.muli %convert_element_type3A_102, %mul3A_116 : vector<384x384xi32>
    %add3A_118 = arith.addi %mul3A_117, %convert_element_type3A_84 : vector<384x384xi32>
    %swap3A = arith.constant 0 : index
    %swap3A_119 = arith.constant 0 : index
    %swap3A_120 = vector.load %arg2[%swap3A, %swap3A_119] : memref<384x384xi32, #tpu.memory_space<vmem>>, vector<384x384xi32>
    tpu.vector_store %arg2[%swap3A, %swap3A_119], %add3A_118 {strides = array<i32>} : memref<384x384xi32, #tpu.memory_space<vmem>>, vector<384x384xi32>,
    %mul3A_121 = arith.constant 384 : i32
    %mul3A_122 = vector.broadcast %mul3A_121 : i32 to vector<384x384xi32>
    %mul3A_123 = arith.muli %convert_element_type3A_102, %mul3A_122 : vector<384x384xi32>
    %add3A_124 = arith.addi %mul3A_123, %convert_element_type3A_93 : vector<384x384xi32>
    %swap3A_125 = arith.constant 0 : index
    %swap3A_126 = arith.constant 0 : index
    %swap3A_127 = vector.load %arg3[%swap3A_125, %swap3A_126] : memref<384x384xi32, #tpu.memory_space<vmem>>, vector<384x384xi32>
    tpu.vector_store %arg3[%swap3A_125, %swap3A_126], %add3A_124 {strides = array<i32>} : memref<384x384xi32, #tpu.memory_space<vmem>>, vector<384x384xi32>,
    %mul3A_128 = arith.constant 384 : i32
    %mul3A_129 = vector.broadcast %mul3A_128 : i32 to vector<384x384xi32>
    %mul3A_130 = arith.muli %convert_element_type3A_111, %mul3A_129 : vector<384x384xi32>
    %add3A_131 = arith.addi %mul3A_130, %convert_element_type3A_84 : vector<384x384xi32>
    %swap3A_132 = arith.constant 0 : index
    %swap3A_133 = arith.constant 0 : index
    %swap3A_134 = vector.load %arg4[%swap3A_132, %swap3A_133] : memref<384x384xi32, #tpu.memory_space<vmem>>, vector<384x384xi32>
    tpu.vector_store %arg4[%swap3A_132, %swap3A_133], %add3A_131 {strides = array<i32>} : memref<384x384xi32, #tpu.memory_space<vmem>>, vector<384x384xi32>,
    %mul3A_135 = arith.constant 384 : i32
    %mul3A_136 = vector.broadcast %mul3A_135 : i32 to vector<384x384xi32>
    %mul3A_137 = arith.muli %convert_element_type3A_111, %mul3A_136 : vector<384x384xi32>
    %add3A_138 = arith.addi %mul3A_137, %convert_element_type3A_93 : vector<384x384xi32>
    %swap3A_139 = arith.constant 0 : index
    %swap3A_140 = arith.constant 0 : index
    %swap3A_141 = vector.load %arg5[%swap3A_139, %swap3A_140] : memref<384x384xi32, #tpu.memory_space<vmem>>, vector<384x384xi32>
    tpu.vector_store %arg5[%swap3A_139, %swap3A_140], %add3A_138 {strides = array<i32>} : memref<384x384xi32, #tpu.memory_space<vmem>>, vector<384x384xi32>,
    %and3A_142 = arith.andi %and3A, %and3A_72 : vector<384x384xi1>
    %and3A_143 = arith.andi %and3A_142, %ne3A_113 : vector<384x384xi1>
    %mul3A_144 = arith.mulf %sub3A_50, %sub3A_54 : vector<384x384xf32>
    %select_n3A = arith.select %and3A_143, %mul3A_144, %broadcast_in_dim3A_114 : vector<384x384xi1>, vector<384x384xf32>
    %swap3A_145 = arith.constant 0 : index
    %swap3A_146 = arith.constant 0 : index
    %swap3A_147 = vector.load %arg6[%swap3A_145, %swap3A_146] : memref<384x384xf32, #tpu.memory_space<vmem>>, vector<384x384xf32>
    tpu.vector_store %arg6[%swap3A_145, %swap3A_146], %select_n3A {strides = array<i32>} : memref<384x384xf32, #tpu.memory_space<vmem>>, vector<384x384xf32>,
    %and3A_148 = arith.andi %and3A_65, %and3A_72 : vector<384x384xi1>
    %and3A_149 = arith.andi %and3A_148, %ne3A_113 : vector<384x384xi1>
    %mul3A_150 = arith.mulf %sub3A_47, %sub3A_54 : vector<384x384xf32>
    %select_n3A_151 = arith.select %and3A_149, %mul3A_150, %broadcast_in_dim3A_114 : vector<384x384xi1>, vector<384x384xf32>
    %swap3A_152 = arith.constant 0 : index
    %swap3A_153 = arith.constant 0 : index
    %swap3A_154 = vector.load %arg7[%swap3A_152, %swap3A_153] : memref<384x384xf32, #tpu.memory_space<vmem>>, vector<384x384xf32>
    tpu.vector_store %arg7[%swap3A_152, %swap3A_153], %select_n3A_151 {strides = array<i32>} : memref<384x384xf32, #tpu.memory_space<vmem>>, vector<384x384xf32>,
    %and3A_155 = arith.andi %and3A, %and3A_79 : vector<384x384xi1>
    %and3A_156 = arith.andi %and3A_155, %ne3A_113 : vector<384x384xi1>
    %mul3A_157 = arith.mulf %sub3A_50, %sub3A_51 : vector<384x384xf32>
    %select_n3A_158 = arith.select %and3A_156, %mul3A_157, %broadcast_in_dim3A_114 : vector<384x384xi1>, vector<384x384xf32>
    %swap3A_159 = arith.constant 0 : index
    %swap3A_160 = arith.constant 0 : index
    %swap3A_161 = vector.load %arg8[%swap3A_159, %swap3A_160] : memref<384x384xf32, #tpu.memory_space<vmem>>, vector<384x384xf32>
    tpu.vector_store %arg8[%swap3A_159, %swap3A_160], %select_n3A_158 {strides = array<i32>} : memref<384x384xf32, #tpu.memory_space<vmem>>, vector<384x384xf32>,
    %and3A_162 = arith.andi %and3A_65, %and3A_79 : vector<384x384xi1>
    %and3A_163 = arith.andi %and3A_162, %ne3A_113 : vector<384x384xi1>
    %mul3A_164 = arith.mulf %sub3A_47, %sub3A_51 : vector<384x384xf32>
    %select_n3A_165 = arith.select %and3A_163, %mul3A_164, %broadcast_in_dim3A_114 : vector<384x384xi1>, vector<384x384xf32>
    %swap3A_166 = arith.constant 0 : index
    %swap3A_167 = arith.constant 0 : index
    %swap3A_168 = vector.load %arg9[%swap3A_166, %swap3A_167] : memref<384x384xf32, #tpu.memory_space<vmem>>, vector<384x384xf32>
    tpu.vector_store %arg9[%swap3A_166, %swap3A_167], %select_n3A_165 {strides = array<i32>} : memref<384x384xf32, #tpu.memory_space<vmem>>, vector<384x384xf32>,
    return
  }
}

</mosaic_0001>

<sc_bundles>
// kernel: kernel.4.cloned.1.call-start
scs
__scs_entry_jumppad:
0x0: {  	(pc) =	sbr.rel $0x88, $3  }
0x1: {  	(tag) =	ssettag $0x0;
	lr =	simm.s32 $0x1  }
0x2: {  	[smem:$0x3F9F] =	sst lr;
	_ =	strace $0xD0000000  }
0x3: {  	_ = 	snop  }
0x4: {  	_ = 	snop  }
0x5: {  	_ = 	snop  }
0x6: {  	_ = 	snop  }
0x7: {  	_ = 	snop  }
__scs_overlays_trampoline_lowered:
0x8: {  	[smem:$0x3FAE] =	sst s0  }
0x9: {  	[smem:$0x3FAF] =	sst s1  }
0xa: {  	[smem:$0x3FB0] =	sst s2  }
0xb: {  	[smem:$0x3FB1] =	sst s3  }
0xc: {  	[smem:$0x3FB2] =	sst s4  }
0xd: {  	[smem:$0x3FB3] =	sst s5  }
0xe: {  	[smem:$0x3FB4] =	sst s6  }
0xf: {  	[smem:$0x3FB5] =	sst s7  }
0x10: {  	[smem:$0x3FB6] =	sst s8  }
0x11: {  	[smem:$0x3FB7] =	sst s9;
	s0 =	simm.s32 @!p0 $0x0  }
0x12: {  	s1 =	sld [smem:$0x3F9D];
	s0 =	simm.s32 @p0 $0x1  }
0x13: {  	[smem:$0x3FB8] =	sst s0;
	s0 =	simm.s32 @!p1 $0x0  }
0x14: {  	s2 =	sld [smem:$0x3F9C];
	s0 =	simm.s32 @p1 $0x1  }
0x15: {  	[smem:$0x3FB9] =	sst s0;
	s0 =	simm.s32 @!p2 $0x0  }
0x16: {  	s3 =	sld [smem:$0x3FDB];
	s0 =	simm.s32 @p2 $0x1  }
0x17: {  	s4 =	simm.s32 $0x1BF5;
	[smem:$0x3FBB] =	sst s0  }
0x18: {  	s0 =	sld [smem:$0x3F9E];
	_ =	swait.ge [sflag:s4], $0x0  }
0x19: {  	s7 =	sld [smem:$0x3F9F]  }
0x1a: {  	s8 =	sadd.s32 $0xFFFFE003, lr  }
0x1b: {  	s9 =	sadd.s32 $0xFFFFFEF7, lr;
	s5 =	simm.s32 $0xFFFFFFFF;
	p2 =	slt.u32 s8, $0xFFFFF086  }
0x1c: {  	p1 =	slt.u32 s9, $0xF7A;
	s5 =	simm.s32 @!p2 $0x0  }
0x1d: {  	s5 =	simm.s32 @p1 $0x1;
	p0 =	seq.s32 s7, s2  }
0x1e: {  	s7 =	smul.u32 @!p0 $0xF7A, s2;
	p2 =	seq.s32 @!p0 s5, $0x0  }
0x1f: {  	s9 =	smul.u32 $0xF7A, s1;
	s8 =	simm.s32 @!p0 $0x1BF5;
	p2 =	por !p2, p0  }
0x20: {  	[sflag:s8] =	ssyncset.s32 @!p0 $0xFFFFF086;
	s6 =	sadd.s32 @!p0 s3, s7;
	s7 =	simm.s32 @!p0 $0x108  }
0x21: {  	s3 =	sadd.s32 s3, s9;
	s6 =	sadd.s32 @!p0 $0x88, s6;
	s7 =	simm.s32 @p2 $0x1082  }
0x22: {  	[simem:s7], [sflag:s8] =	dma.local @!p0 [hbm:s6], $0xF7A  }
0x23: {  	s9 =	sor.u32 $0xD0000000, s2;
	s6 =	simm.s32 $0x108;
	_ =	swait.ge @!p0 [sflag:s8], $0x0  }
0x24: {  	s3 =	sadd.s32 $0x88, s3;
	s6 =	simm.s32 @!p1 $0x1082;
	[sflag:s4] =	ssyncset.s32 $0xFFFFF086  }
0x25: {  	[simem:s6], [sflag:s4] =	dma.local [hbm:s3], $0xF7A  }
0x26: {  	[smem:$0x3F9F] =	sst s1;
	(tag) =	ssettag s2;
	_ =	strace s9  }
0x27: {  	s1 =	sld [smem:$0x3FAF]  }
0x28: {  	s2 =	sld [smem:$0x3FB0]  }
0x29: {  	s4 =	sld [smem:$0x3FB2]  }
0x2a: {  	p0 =	seq.s32 s5, $0x0;
	s5 =	sld [smem:$0x3FB3]  }
0x2b: {  	s6 =	sld [smem:$0x3FB4]  }
0x2c: {  	s7 =	sld [smem:$0x3FB5]  }
0x2d: {  	s3 =	simm.s32 $0x108;
	s8 =	sld [smem:$0x3FB6]  }
0x2e: {  	s3 =	simm.s32 @!p0 $0x1082;
	s9 =	sld [smem:$0x3FB7]  }
0x2f: {  	lr =	sadd.s32 s0, s3;
	s0 =	sld [smem:$0x3FAE]  }
0x30: {  	s3 =	sld [smem:$0x3FB1]  }
0x31: {  	[smem:$0x3FBA] =	sst s10  }
0x32: {  	s10 =	sld [smem:$0x3FB8];
	_ =	sdelay $0x3  }
0x33: {  	p0 =	seq.s32 s10, $0x1;
	s10 =	sld [smem:$0x3FBA];
	_ =	sdelay $0x3  }
0x34: {  	[smem:$0x3FBA] =	sst s10  }
0x35: {  	s10 =	sld [smem:$0x3FB9];
	_ =	sdelay $0x3  }
0x36: {  	p1 =	seq.s32 s10, $0x1;
	s10 =	sld [smem:$0x3FBA];
	_ =	sdelay $0x3  }
0x37: {  	[smem:$0x3FBA] =	sst s10  }
0x38: {  	s10 =	sld [smem:$0x3FBB]  }
0x39: {  	_ = 	snop;
	(pc) =	sbr.ind lr, $3  }
0x3a: {  	_ = 	snop  }
0x3b: {  	_ = 	snop  }
0x3c: {  	p2 =	seq.s32 s10, $0x1;
	s10 =	sld [smem:$0x3FBA]  }
0x3d: {  	_ =	shalt  }
0x3e: {  	_ =	shalt  }
0x3f: {  	_ =	shalt  }
0x40: {  	_ =	shalt  }
0x41: {  	_ =	shalt  }
0x42: {  	_ =	shalt  }
0x43: {  	_ =	shalt  }
0x44: {  	_ =	shalt  }
0x45: {  	_ =	shalt  }
0x46: {  	_ =	shalt  }
0x47: {  	_ =	shalt  }
0x48: {  	_ =	shalt  }
0x49: {  	_ =	shalt  }
0x4a: {  	_ =	shalt  }
0x4b: {  	_ =	shalt  }
0x4c: {  	_ =	shalt  }
0x4d: {  	_ =	shalt  }
0x4e: {  	_ =	shalt  }
0x4f: {  	_ =	shalt  }
0x50: {  	_ =	shalt  }
0x51: {  	_ =	shalt  }
0x52: {  	_ =	shalt  }
0x53: {  	_ =	shalt  }
0x54: {  	_ =	shalt  }
0x55: {  	_ =	shalt  }
0x56: {  	_ =	shalt  }
0x57: {  	_ =	shalt  }
0x58: {  	_ =	shalt  }
0x59: {  	_ =	shalt  }
0x5a: {  	_ =	shalt  }
0x5b: {  	_ =	shalt  }
0x5c: {  	_ =	shalt  }
0x5d: {  	_ =	shalt  }
0x5e: {  	_ =	shalt  }
0x5f: {  	_ =	shalt  }
0x60: {  	_ =	shalt  }
0x61: {  	_ =	shalt  }
0x62: {  	_ =	shalt  }
0x63: {  	_ =	shalt  }
0x64: {  	_ =	shalt  }
0x65: {  	_ =	shalt  }
0x66: {  	_ =	shalt  }
0x67: {  	_ =	shalt  }
0x68: {  	_ =	shalt  }
0x69: {  	_ =	shalt  }
0x6a: {  	_ =	shalt  }
0x6b: {  	_ =	shalt  }
0x6c: {  	_ =	shalt  }
0x6d: {  	_ =	shalt  }
0x6e: {  	_ =	shalt  }
0x6f: {  	_ =	shalt  }
0x70: {  	_ =	shalt  }
0x71: {  	_ =	shalt  }
0x72: {  	_ =	shalt  }
0x73: {  	_ =	shalt  }
0x74: {  	_ =	shalt  }
0x75: {  	_ =	shalt  }
0x76: {  	_ =	shalt  }
0x77: {  	_ =	shalt  }
0x78: {  	_ =	shalt  }
0x79: {  	_ =	shalt  }
0x7a: {  	_ =	shalt  }
0x7b: {  	_ =	shalt  }
0x7c: {  	_ =	shalt  }
0x7d: {  	_ =	shalt  }
0x7e: {  	_ =	shalt  }
0x7f: {  	_ =	shalt  }
0x80: {  	_ =	shalt  }
0x81: {  	_ =	shalt  }
0x82: {  	_ =	shalt  }
0x83: {  	_ =	shalt  }
0x84: {  	_ =	shalt  }
0x85: {  	_ =	shalt  }
0x86: {  	_ =	shalt  }
0x87: {  	_ =	shalt  }
.Lfunc_end0:
.L_simem_size_0:
called_computation.1_lowered:
.L_overlay_start_0:
0x88: {  	s2 =	sld [smem:$0x3FD9]  }
0x89: {  	s3 =	sld [smem:$0x3FFE];
	_ =	sdelay $0x1  }
0x8a: {  	s1 =	srdreg.scid  }
0x8b: {  	s0 =	sand.u32 $0x1, s1  }
0x8c: {  	s17 =	sshll.u32 s0, $0xA;
	s2 =	sadd.s32 s3, s2  }
0x8d: {  	s2 =	sadd.s32 s2, s17  }
0x8e: {  	[smem:$0x3FC6] =	sst s2  }
0x8f: {  	_ = 	snop  }
0x90: {  	s2 =	sld [smem:$0x3FD0];
	(tm) =	ssettm $0x1  }
0x91: {  	s18 =	sld [smem:$0x3FFB];
	_ =	sdelay $0x3  }
0x92: {  	_ =	strace s18  }
0x93: {  	s3 =	sld [smem:$0x3FFC];
	_ =	sdelay $0x3  }
0x94: {  	_ =	strace s3  }
0x95: {  	s3 =	sld [smem:$0x3FFD];
	_ =	sdelay $0x3  }
0x96: {  	_ =	strace s3  }
0x97: {  	_ =	strace $0x8FFFFFFF  }
0x98: {  	s19 =	sld [smem:$0x3FDB];
	_ =	sdelay $0x1  }
0x99: {  	s4 =	simm.s32 $_scs_section_size  }
0x9a: {  	s5 =	simm.s32 $_size__tile_overlayer_lowered;
	s6 =	simm.s32 $_tile_overlayer_lowered  }
0x9b: {  	s22 =	simm.s32 $0x1BFF;
	s21 =	sshll.u32 s6, $0x1;
	s3 =	sadd.s32 s4, s19  }
0x9c: {  	s7 =	simm.s32 $0x0;
	s20 =	sshll.u32 s5, $0x1;
	s5 =	sadd.s32 s21, s3  }
0x9d: {  	[timem:s7], [sflag:s22] =	dma.local [hbm:s5], s20  }
0x9e: {  	_ =	swait.ge [sflag:s22], s20  }
0x9f: {  	s4 =	ssub.s32 $0x0, s20;
	[sflag:s22] =	ssyncset.done $0x0  }
0xa0: {  	[sflag:s22] =	ssyncadd.s32 s4;
	_ =	sdelay $0x1  }
0xa1: {  	s23 =	simm.s32 $0x1B8B  }
0xa2: {  	_ =	swait.ge [sflag:s23], $0x1  }
0xa3: {  	[sflag:s23] =	ssyncset.done $0x0  }
0xa4: {  	s25 =	simm.s32 $0x1B8E;
	s24 =	sld [smem:$0x3FFE];
	[sflag:s23] =	ssyncadd.s32 $0xFFFFFFFF  }
0xa5: {  	s26 =	simm.s32 $execute0_lowered;
	[smem:$0x3FD2] =	sst s25  }
0xa6: {  	s5 =	sshll.u32 s26, $0x1;
	_ =	strace $0x80000046;
	[dreg:$0x1] =	wrdreg $0xFFFFFFFF  }
0xa7: {  	s28 =	simm.s32 $_size_execute0_lowered;
	s3 =	sadd.s32 s3, s5;
	[dreg:$0x0] =	wrdreg $0x0  }
0xa8: {  	s5 =	sshll.u32 s28, $0x1;
	[dreg:$0x2] =	wrdreg s3  }
0xa9: {  	[dreg:$0x3] =	wrdreg s5  }
0xaa: {  	[dreg:$0x4] =	wrdreg $0xC0  }
0xab: {  	_ =	task [dreg:s7], $0x5FFFF  }
0xac: {  	[dreg:$0x1] =	wrdreg $0xFFFFFFFF  }
0xad: {  	[dreg:$0x0] =	wrdreg $0x60  }
0xae: {  	[dreg:$0x2] =	wrdreg s2  }
0xaf: {  	[dreg:$0x3] =	wrdreg s24  }
0xb0: {  	[dreg:$0x4] =	wrdreg $0x9  }
0xb1: {  	_ =	task.clear_ibuf [dreg:s7], $0x5FFFF;
	_ =	strace $0x90000046  }
0xb2: {  	s29 =	simm.s32 $0x9;
	_ =	strace $0x80000048  }
0xb3: {  	_ =	swait.ge [sflag:s29], $0x1  }
0xb4: {  	[sflag:s29] =	ssyncadd.s32 $0xFFFFFFFF  }
0xb5: {  	_ =	strace $0x90000048  }
0xb6: {  	_ =	sfence  }
0xb7: {  	s30 =	sld [smem:$0x0];
	_ =	sdelay $0x2  }
0xb8: {  	s31 =	sshll.u32 s1, $0xD;
	s1 =	sshrl.u32 s1, $0x2  }
0xb9: {  	s3 =	sand.u32 $0x4000, s31;
	s1 =	sadd.s32 s1, s30  }
0xba: {  	s0 =	sor.u32 s3, s0;
	s1 =	sshll.u32 s1, $0x11  }
0xbb: {  	s0 =	sor.u32 s1, s0  }
0xbc: {  	s0 =	sadd.s32 $0x8F2B, s0  }
0xbd: {  	[sflag:s0] =	ssyncadd.remote.s32 $0x1  }
0xbe: {  	_ =	sfence.sel $0xFFFF  }
0xbf: {  	[dreg:$0x0] =	wrdreg $0xFFFFFFFF;
	(pc) =	sbr.abs _section_cstart, $3  }
0xc0: {  	[dreg:$0x1] =	wrdreg $0xFFFFFFFF  }
0xc1: {  	_ =	task.clear_ibuf [dreg:s7], $0x2FFFF;
	_ =	strace $0x9FFFFFFF  }
0xc2: {  	(tm) =	ssettm $0x7FFFFFFF  }
0xc3: {  	_ =	shalt  }
tec
execute0_lowered:
.L_overlay_start_1:
0x0: {  	(tag) =	ssettag $0x1  }
0x1: {  	s0 =	srdreg.scid  }
0x2: {  	s1 =	stileid.u32;
	s2 =	rddreg [dreg:$0x0]  }
0x3: {  	s4 =	rddreg [dreg:$0x1];
	s3 =	simm.s32 $0x0;
	s12 =	simm.s32 $0x12C00  }
0x4: {  	s13 =	simm.s32 $0x13400;
	s14 =	simm.s32 $0x13800;
	s15 =	simm.s32 $0x14000  }
0x5: {  	s16 =	simm.s32 $0x14400;
	s17 =	simm.s32 $0x14C00;
	s18 =	simm.s32 $0x1  }
0x6: {  	s19 =	simm.s32 $0x15000;
	s0 =	sand.u32 $0x1, s0;
	s1 =	sshll.u32 s1, $0x1  }
0x7: {  	s20 =	simm.s32 $0x2;
	s1 =	sor.u32 s0, s1;
	s0 =	ssub.s32 $0x2, s0  }
0x8: {  	s21 =	simm.s32 $0x16800;
	s5 =	smul.u32 $0x900, s1;
	s29 =	sshrl.u32 s0, $0x1  }
.Ltmp0:
0x9: {  	[smem:$0x7FF] =	sst s3;
	s0 =	ssub.s32 s0, s29;
	(pc) =	sbr.rel .LBB2_1-.Ltmp0, $4  }
0xa: {  	s8 =	sadd.s32 $0x100, s2;
	s6 =	sadd.s32 s5, s4;
	s0 =	smax.u32 s0, $0x1  }
0xb: {  	v2 =	vlaneseq.u32;
	_ =	strace $0x80000047;
	s30 =	sadd.s32 $0x12E00, s6;
	[dreg:$0x5] =	wrdreg s0  }
0xc: {  	vm0 =	vmmov $0xffff;
	vm1 =	vmmov $0xff;
	v1 =	vshrl.u32 v2, $0x3;
	s4 =	sadd.s32 $0x24E00, s4;
	s31 =	sadd.s32 $0xE00, s6;
	[dreg:$0x3] =	wrdreg s30  }
0xd: {  	v0 =	vand.u32 $0x7, v2;
	v2 =	vor.u32 $0x8, v2;
	v1 =	vmul.u32 $0x8, v1;
	s5 =	smul.u32 $0x1200, s1;
	s6 =	simm.s32 $0x0;
	[dreg:$0x4] =	wrdreg s31  }
.LBB2_10:
0xe: {  	s0 =	simm.s32 $0x3  }
0xf: {  	_ =	swait.ge [sflag:s0], $0x1800  }
0x10: {  	[sflag:s0] =	ssyncset.done $0x0  }
0x11: {  	s1 =	simm.s32 $0x4;
	[sflag:s0] =	ssyncadd.s32 $0xFFFFE800  }
0x12: {  	_ =	swait.ge [sflag:s1], $0x1800  }
0x13: {  	s6 =	rddreg [dreg:$0x6]  }
0x14: {  	s31 =	rddreg [dreg:$0x5];
	s6 =	sadd.s32 $0x1, s6  }
0x15: {  	p0 =	sne.s32 s6, s31  }
.Ltmp1:
0x16: {  	_ = 	snop;
	(pc) =	sbr.rel @!p0 .LBB2_11-.Ltmp1, $3  }
0x17: {  	_ =	sdelay $0x1  }
0x18: {  	[sflag:s1] =	ssyncset.done $0x0  }
0x19: {  	[sflag:s1] =	ssyncadd.s32 $0xFFFFE800  }
.LBB2_1:
0x1a: {  	[dreg:$0x6] =	wrdreg s6  }
0x1b: {  	s0 =	rddreg [dreg:$0x3];
	s1 =	simm.s32 $0x5  }
0x1c: {  	[tilespmem:s3], [sflag:$0x5] =	stream.linear.gather [hbm4b:s0+s3], $0x4800, $0x38;
	[tilespmem:$0x1A000] =	vst v63  }
0x1d: {  	_ =	swait.ge [sflag:s1], $0x4800  }
0x1e: {  	[sflag:s1] =	ssyncset.done $0x0  }
0x1f: {  	s9 =	simm.s32 $0x4800;
	s7 =	rddreg [dreg:$0x4];
	[sflag:s1] =	ssyncadd.s32 $0xFFFFB800  }
0x20: {  	[tilespmem:s9], [sflag:$0x5] =	stream.linear.gather [hbm4b:s7+s3], $0x4800, $0x38;
	[tilespmem:$0x1A000] =	vst v63  }
0x21: {  	_ =	swait.ge [sflag:s1], $0x4800  }
0x22: {  	[sflag:s1] =	ssyncset.done $0x0  }
0x23: {  	[sflag:s1] =	ssyncadd.s32 $0xFFFFB800  }
0x24: {  	v3 =	vld [tilespmem:$0x0];
	_ =	sdelay $0x4  }
0x25: {  	v4 =	vshrl.u32 v3, $0x3  }
0x26: {  	v4 =	vmul.u32 $0x18, v4  }
0x27: {  	v3 =	vand.u32 $0x7, v3  }
0x28: {  	v3 =	vor.u32 v3, v4  }
0x29: {  	v4 =	vperm.xlane v3, v0;
	_ =	sdelay $0x1  }
0x2a: {  	v4 =	vadd.s32 v1, v4;
	_ =	sdelay $0x1  }
0x2b: {  	v3 =	vperm.xlane v3, v2;
	_ =	sdelay $0x1  }
0x2c: {  	s10 =	simm.s32 $0x9000;
	v3 =	vadd.s32 v1, v3  }
0x2d: {  	[tilespmem:s10], [sflag:$0x1] =	stream.indirect_vreg.gather [hbm4b:s2+s3], $0x80, v4, vm0, $0xb8;
	[tilespmem:$0x1A000] =	vst v63  }
0x2e: {  	s11 =	simm.s32 $0x9800  }
0x2f: {  	[tilespmem:s11], [sflag:$0x1] =	stream.indirect_vreg.gather [hbm4b:s8+s3], $0x80, v4, vm1, $0xb8;
	[tilespmem:$0x1A000] =	vst v63  }
0x30: {  	s22 =	simm.s32 $0x9C00  }
0x31: {  	[tilespmem:s22], [sflag:$0x1] =	stream.indirect_vreg.gather [hbm4b:s2+s3], $0x80, v3, vm0, $0xb8;
	[tilespmem:$0x1A000] =	vst v63  }
0x32: {  	s23 =	simm.s32 $0xA400  }
0x33: {  	[tilespmem:s23], [sflag:$0x1] =	stream.indirect_vreg.gather [hbm4b:s8+s3], $0x80, v3, vm1, $0xb8;
	[tilespmem:$0x1A000] =	vst v63  }
0x34: {  	v3 =	vld [tilespmem:$0x10];
	_ =	sdelay $0x4  }
0x35: {  	v57 =	vshrl.u32 v3, $0x3  }
0x36: {  	v4 =	vmul.u32 $0x18, v57  }
0x37: {  	v3 =	vand.u32 $0x7, v3  }
0x38: {  	v3 =	vor.u32 v3, v4  }
0x39: {  	v4 =	vperm.xlane v3, v0;
	_ =	sdelay $0x1  }
0x3a: {  	v4 =	vadd.s32 v1, v4;
	_ =	sdelay $0x1  }
0x3b: {  	v3 =	vperm.xlane v3, v2;
	_ =	sdelay $0x1  }
0x3c: {  	s24 =	simm.s32 $0xA800;
	v3 =	vadd.s32 v1, v3  }
0x3d: {  	[tilespmem:s24], [sflag:$0x1] =	stream.indirect_vreg.gather [hbm4b:s2+s3], $0x80, v4, vm0, $0xb8;
	[tilespmem:$0x1A000] =	vst v63  }
0x3e: {  	s25 =	simm.s32 $0xB000  }
0x3f: {  	[tilespmem:s25], [sflag:$0x1] =	stream.indirect_vreg.gather [hbm4b:s8+s3], $0x80, v4, vm1, $0xb8;
	[tilespmem:$0x1A000] =	vst v63  }
0x40: {  	s26 =	simm.s32 $0xB400  }
0x41: {  	[tilespmem:s26], [sflag:$0x1] =	stream.indirect_vreg.gather [hbm4b:s2+s3], $0x80, v3, vm0, $0xb8;
	[tilespmem:$0x1A000] =	vst v63  }
0x42: {  	s28 =	simm.s32 $0xBC00  }
0x43: {  	[tilespmem:s28], [sflag:$0x1] =	stream.indirect_vreg.gather [hbm4b:s8+s3], $0x80, v3, vm1, $0xb8;
	[tilespmem:$0x1A000] =	vst v63  }
0x44: {  	v3 =	vld [tilespmem:$0x20];
	_ =	sdelay $0x4  }
0x45: {  	v58 =	vshrl.u32 v3, $0x3  }
0x46: {  	v4 =	vmul.u32 $0x18, v58  }
0x47: {  	v3 =	vand.u32 $0x7, v3  }
0x48: {  	v3 =	vor.u32 v3, v4  }
0x49: {  	v4 =	vperm.xlane v3, v0;
	_ =	sdelay $0x1  }
0x4a: {  	v4 =	vadd.s32 v1, v4;
	_ =	sdelay $0x1  }
0x4b: {  	v3 =	vperm.xlane v3, v2;
	_ =	sdelay $0x1  }
0x4c: {  	s29 =	simm.s32 $0xC000;
	v3 =	vadd.s32 v1, v3  }
0x4d: {  	[tilespmem:s29], [sflag:$0x1] =	stream.indirect_vreg.gather [hbm4b:s2+s3], $0x80, v4, vm0, $0xb8;
	[tilespmem:$0x1A000] =	vst v63  }
0x4e: {  	s30 =	simm.s32 $0xC800  }
0x4f: {  	[tilespmem:s30], [sflag:$0x1] =	stream.indirect_vreg.gather [hbm4b:s8+s3], $0x80, v4, vm1, $0xb8;
	[tilespmem:$0x1A000] =	vst v63  }
0x50: {  	s31 =	simm.s32 $0xCC00  }
0x51: {  	[tilespmem:s31], [sflag:$0x1] =	stream.indirect_vreg.gather [hbm4b:s2+s3], $0x80, v3, vm0, $0xb8;
	[tilespmem:$0x1A000] =	vst v63  }
0x52: {  	s1 =	simm.s32 $0xD400  }
0x53: {  	[tilespmem:s1], [sflag:$0x1] =	stream.indirect_vreg.gather [hbm4b:s8+s3], $0x80, v3, vm1, $0xb8;
	[tilespmem:$0x1A000] =	vst v63  }
0x54: {  	v3 =	vld [tilespmem:$0x30];
	_ =	sdelay $0x4  }
0x55: {  	v59 =	vshrl.u32 v3, $0x3  }
0x56: {  	v4 =	vmul.u32 $0x18, v59  }
0x57: {  	v3 =	vand.u32 $0x7, v3  }
0x58: {  	v3 =	vor.u32 v3, v4  }
0x59: {  	v4 =	vperm.xlane v3, v0;
	_ =	sdelay $0x1  }
0x5a: {  	v4 =	vadd.s32 v1, v4;
	_ =	sdelay $0x1  }
0x5b: {  	v3 =	vperm.xlane v3, v2;
	_ =	sdelay $0x1  }
0x5c: {  	s6 =	simm.s32 $0xD800;
	v3 =	vadd.s32 v1, v3  }
0x5d: {  	[tilespmem:s6], [sflag:$0x1] =	stream.indirect_vreg.gather [hbm4b:s2+s3], $0x80, v4, vm0, $0xb8;
	[tilespmem:$0x1A000] =	vst v63  }
0x5e: {  	s7 =	simm.s32 $0xE000  }
0x5f: {  	[tilespmem:s7], [sflag:$0x1] =	stream.indirect_vreg.gather [hbm4b:s8+s3], $0x80, v4, vm1, $0xb8;
	[tilespmem:$0x1A000] =	vst v63  }
0x60: {  	s9 =	simm.s32 $0xE400  }
0x61: {  	[tilespmem:s9], [sflag:$0x1] =	stream.indirect_vreg.gather [hbm4b:s2+s3], $0x80, v3, vm0, $0xb8;
	[tilespmem:$0x1A000] =	vst v63  }
0x62: {  	s10 =	simm.s32 $0xEC00  }
0x63: {  	[tilespmem:s10], [sflag:$0x1] =	stream.indirect_vreg.gather [hbm4b:s8+s3], $0x80, v3, vm1, $0xb8;
	[tilespmem:$0x1A000] =	vst v63  }
0x64: {  	v3 =	vld [tilespmem:$0x40];
	_ =	sdelay $0x4  }
0x65: {  	v60 =	vshrl.u32 v3, $0x3  }
0x66: {  	v4 =	vmul.u32 $0x18, v60  }
0x67: {  	v3 =	vand.u32 $0x7, v3  }
0x68: {  	v3 =	vor.u32 v3, v4  }
0x69: {  	v4 =	vperm.xlane v3, v0;
	_ =	sdelay $0x1  }
0x6a: {  	v4 =	vadd.s32 v1, v4;
	_ =	sdelay $0x1  }
0x6b: {  	v3 =	vperm.xlane v3, v2;
	_ =	sdelay $0x1  }
0x6c: {  	s11 =	simm.s32 $0xF000;
	v3 =	vadd.s32 v1, v3  }
0x6d: {  	[tilespmem:s11], [sflag:$0x2] =	stream.indirect_vreg.gather [hbm4b:s2+s3], $0x80, v4, vm0, $0xb8;
	[tilespmem:$0x1A000] =	vst v63  }
0x6e: {  	s22 =	simm.s32 $0xF800  }
0x6f: {  	[tilespmem:s22], [sflag:$0x2] =	stream.indirect_vreg.gather [hbm4b:s8+s3], $0x80, v4, vm1, $0xb8;
	[tilespmem:$0x1A000] =	vst v63  }
0x70: {  	s23 =	simm.s32 $0xFC00  }
0x71: {  	[tilespmem:s23], [sflag:$0x2] =	stream.indirect_vreg.gather [hbm4b:s2+s3], $0x80, v3, vm0, $0xb8;
	[tilespmem:$0x1A000] =	vst v63  }
0x72: {  	s24 =	simm.s32 $0x10400  }
0x73: {  	[tilespmem:s24], [sflag:$0x2] =	stream.indirect_vreg.gather [hbm4b:s8+s3], $0x80, v3, vm1, $0xb8;
	[tilespmem:$0x1A000] =	vst v63  }
0x74: {  	v3 =	vld [tilespmem:$0x50];
	_ =	sdelay $0x4  }
0x75: {  	v61 =	vshrl.u32 v3, $0x3  }
0x76: {  	v4 =	vmul.u32 $0x18, v61  }
0x77: {  	v3 =	vand.u32 $0x7, v3  }
0x78: {  	v3 =	vor.u32 v3, v4  }
0x79: {  	v4 =	vperm.xlane v3, v0;
	_ =	sdelay $0x1  }
0x7a: {  	v4 =	vadd.s32 v1, v4;
	_ =	sdelay $0x1  }
0x7b: {  	v3 =	vperm.xlane v3, v2;
	_ =	sdelay $0x1  }
0x7c: {  	s25 =	simm.s32 $0x10800;
	v3 =	vadd.s32 v1, v3  }
0x7d: {  	[tilespmem:s25], [sflag:$0x2] =	stream.indirect_vreg.gather [hbm4b:s2+s3], $0x80, v4, vm0, $0xb8;
	[tilespmem:$0x1A000] =	vst v63  }
0x7e: {  	s26 =	simm.s32 $0x11000  }
0x7f: {  	[tilespmem:s26], [sflag:$0x2] =	stream.indirect_vreg.gather [hbm4b:s8+s3], $0x80, v4, vm1, $0xb8;
	[tilespmem:$0x1A000] =	vst v63  }
0x80: {  	s28 =	simm.s32 $0x11400  }
0x81: {  	[tilespmem:s28], [sflag:$0x2] =	stream.indirect_vreg.gather [hbm4b:s2+s3], $0x80, v3, vm0, $0xb8;
	[tilespmem:$0x1A000] =	vst v63  }
0x82: {  	s29 =	simm.s32 $0x11C00  }
0x83: {  	[tilespmem:s29], [sflag:$0x2] =	stream.indirect_vreg.gather [hbm4b:s8+s3], $0x80, v3, vm1, $0xb8;
	[tilespmem:$0x1A000] =	vst v63  }
0x84: {  	v3 =	vld [tilespmem:$0x60];
	_ =	sdelay $0x4  }
0x85: {  	v62 =	vshrl.u32 v3, $0x3  }
0x86: {  	v4 =	vmul.u32 $0x18, v62  }
0x87: {  	v3 =	vand.u32 $0x7, v3  }
0x88: {  	v3 =	vor.u32 v3, v4  }
0x89: {  	v4 =	vperm.xlane v3, v0;
	_ =	sdelay $0x1  }
0x8a: {  	v4 =	vadd.s32 v1, v4;
	_ =	sdelay $0x1  }
0x8b: {  	v3 =	vperm.xlane v3, v2;
	_ =	sdelay $0x1  }
0x8c: {  	s30 =	simm.s32 $0x12000;
	v3 =	vadd.s32 v1, v3  }
0x8d: {  	[tilespmem:s30], [sflag:$0x2] =	stream.indirect_vreg.gather [hbm4b:s2+s3], $0x80, v4, vm0, $0xb8;
	[tilespmem:$0x1A000] =	vst v63  }
0x8e: {  	s31 =	simm.s32 $0x12800  }
0x8f: {  	[tilespmem:s31], [sflag:$0x2] =	stream.indirect_vreg.gather [hbm4b:s8+s3], $0x80, v4, vm1, $0xb8;
	[tilespmem:$0x1A000] =	vst v63  }
0x90: {  	_ = 	snop  }
0x91: {  	[tilespmem:s12], [sflag:$0x2] =	stream.indirect_vreg.gather [hbm4b:s2+s3], $0x80, v3, vm0, $0xb8;
	[tilespmem:$0x1A000] =	vst v63  }
0x92: {  	_ = 	snop  }
0x93: {  	[tilespmem:s13], [sflag:$0x2] =	stream.indirect_vreg.gather [hbm4b:s8+s3], $0x80, v3, vm1, $0xb8;
	[tilespmem:$0x1A000] =	vst v63  }
0x94: {  	v3 =	vld [tilespmem:$0x70];
	_ =	sdelay $0x4  }
0x95: {  	v63 =	vshrl.u32 v3, $0x3  }
0x96: {  	v4 =	vmul.u32 $0x18, v63  }
0x97: {  	v3 =	vand.u32 $0x7, v3  }
0x98: {  	v3 =	vor.u32 v3, v4  }
0x99: {  	v4 =	vperm.xlane v3, v0;
	_ =	sdelay $0x1  }
0x9a: {  	v4 =	vadd.s32 v1, v4;
	_ =	sdelay $0x1  }
0x9b: {  	v3 =	vperm.xlane v3, v2;
	_ =	sdelay $0x1  }
0x9c: {  	v3 =	vadd.s32 v1, v3  }
0x9d: {  	[tilespmem:s14], [sflag:$0x2] =	stream.indirect_vreg.gather [hbm4b:s2+s3], $0x80, v4, vm0, $0xb8;
	[tilespmem:$0x1A000] =	vst v63  }
0x9e: {  	_ = 	snop  }
0x9f: {  	[tilespmem:s15], [sflag:$0x2] =	stream.indirect_vreg.gather [hbm4b:s8+s3], $0x80, v4, vm1, $0xb8;
	[tilespmem:$0x1A000] =	vst v63  }
0xa0: {  	_ = 	snop  }
0xa1: {  	[tilespmem:s16], [sflag:$0x2] =	stream.indirect_vreg.gather [hbm4b:s2+s3], $0x80, v3, vm0, $0xb8;
	[tilespmem:$0x1A000] =	vst v63  }
0xa2: {  	s22 =	simm.s32 $0x0  }
0xa3: {  	[tilespmem:s17], [sflag:$0x2] =	stream.indirect_vreg.gather [hbm4b:s8+s3], $0x80, v3, vm1, $0xb8;
	[tilespmem:$0x1A000] =	vst v63  }
.LBB2_2:
0xa4: {  	s0 =	sshll.u32 s22, $0x9  }
0xa5: {  	s23 =	sshrl.u32 s0, $0x2  }
0xa6: {  	v3 =	vld [tilespmem:s23+$0x4800]  }
0xa7: {  	v4 =	vld [tilespmem:s23+$0x4810]  }
0xa8: {  	v5 =	vld [tilespmem:s23+$0x4820]  }
0xa9: {  	v6 =	vld [tilespmem:s23+$0x4830];
	_ =	sdelay $0x1  }
0xaa: {  	v7 =	vbroadcast v3, $0x0  }
0xab: {  	v8 =	vbroadcast v4, $0x0  }
0xac: {  	v57 =	vbroadcast v5, $0x0;
	[tilespmem:$0x18000] =	vst v7  }
0xad: {  	v58 =	vbroadcast v6, $0x0;
	[tilespmem:$0x18800] =	vst v8  }
0xae: {  	v59 =	vbroadcast v3, $0x1;
	[tilespmem:$0x19000] =	vst v57  }
0xaf: {  	v60 =	vbroadcast v4, $0x1;
	[tilespmem:$0x19800] =	vst v58  }
0xb0: {  	v61 =	vbroadcast v5, $0x1;
	[tilespmem:$0x18080] =	vst v59  }
0xb1: {  	v62 =	vbroadcast v6, $0x1;
	[tilespmem:$0x18880] =	vst v60  }
0xb2: {  	v63 =	vbroadcast v3, $0x2;
	[tilespmem:$0x19080] =	vst v61  }
0xb3: {  	v12 =	vbroadcast v4, $0x2;
	[tilespmem:$0x19880] =	vst v62  }
0xb4: {  	v13 =	vbroadcast v5, $0x2;
	[tilespmem:$0x18100] =	vst v63  }
0xb5: {  	v14 =	vbroadcast v6, $0x2;
	[tilespmem:$0x18900] =	vst v12  }
0xb6: {  	v15 =	vbroadcast v3, $0x3;
	[tilespmem:$0x19100] =	vst v13  }
0xb7: {  	v16 =	vbroadcast v4, $0x3;
	[tilespmem:$0x19900] =	vst v14  }
0xb8: {  	v17 =	vbroadcast v5, $0x3;
	[tilespmem:$0x18180] =	vst v15  }
0xb9: {  	v18 =	vbroadcast v6, $0x3;
	[tilespmem:$0x18980] =	vst v16  }
0xba: {  	v19 =	vbroadcast v3, $0x4;
	[tilespmem:$0x19180] =	vst v17  }
0xbb: {  	v20 =	vbroadcast v4, $0x4;
	[tilespmem:$0x19980] =	vst v18  }
0xbc: {  	v21 =	vbroadcast v5, $0x4;
	[tilespmem:$0x18200] =	vst v19  }
0xbd: {  	v22 =	vbroadcast v6, $0x4;
	[tilespmem:$0x18A00] =	vst v20  }
0xbe: {  	v23 =	vbroadcast v3, $0x5;
	[tilespmem:$0x19200] =	vst v21  }
0xbf: {  	v24 =	vbroadcast v4, $0x5;
	[tilespmem:$0x19A00] =	vst v22  }
0xc0: {  	v25 =	vbroadcast v5, $0x5;
	[tilespmem:$0x18280] =	vst v23  }
0xc1: {  	v26 =	vbroadcast v6, $0x5;
	[tilespmem:$0x18A80] =	vst v24  }
0xc2: {  	v27 =	vbroadcast v3, $0x6;
	[tilespmem:$0x19280] =	vst v25  }
0xc3: {  	v28 =	vbroadcast v4, $0x6;
	[tilespmem:$0x19A80] =	vst v26  }
0xc4: {  	v29 =	vbroadcast v5, $0x6;
	[tilespmem:$0x18300] =	vst v27  }
0xc5: {  	v30 =	vbroadcast v6, $0x6;
	[tilespmem:$0x18B00] =	vst v28  }
0xc6: {  	v31 =	vbroadcast v3, $0x7;
	[tilespmem:$0x19300] =	vst v29  }
0xc7: {  	v32 =	vbroadcast v4, $0x7;
	[tilespmem:$0x19B00] =	vst v30  }
0xc8: {  	v33 =	vbroadcast v5, $0x7;
	[tilespmem:$0x18380] =	vst v31  }
0xc9: {  	v34 =	vbroadcast v6, $0x7;
	[tilespmem:$0x18B80] =	vst v32  }
0xca: {  	v35 =	vbroadcast v3, $0x8;
	[tilespmem:$0x19380] =	vst v33  }
0xcb: {  	v36 =	vbroadcast v4, $0x8;
	[tilespmem:$0x19B80] =	vst v34  }
0xcc: {  	v37 =	vbroadcast v5, $0x8;
	[tilespmem:$0x18400] =	vst v35  }
0xcd: {  	v38 =	vbroadcast v6, $0x8;
	[tilespmem:$0x18C00] =	vst v36  }
0xce: {  	v39 =	vbroadcast v3, $0x9;
	[tilespmem:$0x19400] =	vst v37  }
0xcf: {  	v40 =	vbroadcast v4, $0x9;
	[tilespmem:$0x19C00] =	vst v38  }
0xd0: {  	v41 =	vbroadcast v5, $0x9;
	[tilespmem:$0x18480] =	vst v39  }
0xd1: {  	v42 =	vbroadcast v6, $0x9;
	[tilespmem:$0x18C80] =	vst v40  }
0xd2: {  	v43 =	vbroadcast v3, $0xA;
	[tilespmem:$0x19480] =	vst v41  }
0xd3: {  	v44 =	vbroadcast v4, $0xA;
	[tilespmem:$0x19C80] =	vst v42  }
0xd4: {  	v45 =	vbroadcast v5, $0xA;
	[tilespmem:$0x18500] =	vst v43  }
0xd5: {  	v46 =	vbroadcast v6, $0xA;
	[tilespmem:$0x18D00] =	vst v44  }
0xd6: {  	v47 =	vbroadcast v3, $0xB;
	[tilespmem:$0x19500] =	vst v45  }
0xd7: {  	v48 =	vbroadcast v4, $0xB;
	[tilespmem:$0x19D00] =	vst v46  }
0xd8: {  	v49 =	vbroadcast v5, $0xB;
	[tilespmem:$0x18580] =	vst v47  }
0xd9: {  	v50 =	vbroadcast v6, $0xB;
	[tilespmem:$0x18D80] =	vst v48  }
0xda: {  	v51 =	vbroadcast v3, $0xC;
	[tilespmem:$0x19580] =	vst v49  }
0xdb: {  	v52 =	vbroadcast v4, $0xC;
	[tilespmem:$0x19D80] =	vst v50  }
0xdc: {  	v53 =	vbroadcast v5, $0xC;
	[tilespmem:$0x18600] =	vst v51  }
0xdd: {  	v54 =	vbroadcast v6, $0xC;
	[tilespmem:$0x18E00] =	vst v52  }
0xde: {  	v55 =	vbroadcast v3, $0xD;
	[tilespmem:$0x19600] =	vst v53  }
0xdf: {  	v56 =	vbroadcast v4, $0xD;
	[tilespmem:$0x19E00] =	vst v54  }
0xe0: {  	[tilespmem:$0x18680] =	vst v55;
	v57 =	vbroadcast v5, $0xD  }
0xe1: {  	[tilespmem:$0x18E80] =	vst v56;
	v58 =	vbroadcast v6, $0xD  }
0xe2: {  	v59 =	vbroadcast v3, $0xE;
	[tilespmem:$0x19680] =	vst v57  }
0xe3: {  	v60 =	vbroadcast v4, $0xE;
	[tilespmem:$0x19E80] =	vst v58  }
0xe4: {  	v61 =	vbroadcast v5, $0xE;
	[tilespmem:$0x18700] =	vst v59  }
0xe5: {  	v62 =	vbroadcast v6, $0xE;
	[tilespmem:$0x18F00] =	vst v60  }
0xe6: {  	v3 =	vbroadcast v3, $0xF;
	[tilespmem:$0x19700] =	vst v61  }
0xe7: {  	v4 =	vbroadcast v4, $0xF;
	[tilespmem:$0x19F00] =	vst v62  }
0xe8: {  	v63 =	vbroadcast v6, $0xF;
	[tilespmem:$0x18780] =	vst v3  }
0xe9: {  	v3 =	vbroadcast v5, $0xF;
	[tilespmem:$0x18F80] =	vst v4  }
0xea: {  	[tilespmem:$0x19F80] =	vst v63  }
0xeb: {  	[tilespmem:$0x19780] =	vst v3  }
0xec: {  	_ =	swait.ge [sflag:s18], $0x6000  }
0xed: {  	p1 =	seq.s32 s22, $0x0;
	[sflag:s18] =	ssyncset.done $0x0  }
0xee: {  	s11 =	simm.s32 $0x18000;
	s1 =	simm.s32 @!p1 $0x3;
	[sflag:s18] =	ssyncadd.s32 $0xFFFFA000  }
0xef: {  	s24 =	simm.s32 $0x18800;
	s25 =	simm.s32 $0x19000;
	_ =	swait.ge @!p1 [sflag:s1], $0x1800  }
0xf0: {  	s26 =	simm.s32 $0x19800;
	s28 =	simm.s32 $0x0;
	[sflag:s1] =	ssyncset.done @!p1 $0x0  }
0xf1: {  	s0 =	sshll.u32 s22, $0x1;
	[sflag:s1] =	ssyncadd.s32 @!p1 $0xFFFFE800;
	s1 =	simm.s32 $0x0  }
.LBB2_3:
0xf2: {  	v5 =	vld [tilespmem:s11+$0x0];
	s6 =	sshrl.u32 s28, $0x3  }
0xf3: {  	v6 =	vld [tilespmem:s24+$0x0];
	s6 =	smul.u32 $0xC00, s6  }
0xf4: {  	v4 =	vld [tilespmem:s25+$0x0];
	s7 =	sand.u32 $0x380, s1  }
0xf5: {  	v3 =	vld [tilespmem:s26+$0x0];
	s29 =	sor.u32 s7, s6  }
0xf6: {  	v7 =	vld [tilespmem:s29+$0x9000]  }
0xf7: {  	v8 =	vld [tilespmem:s29+$0xA800]  }
0xf8: {  	v9 =	vld [tilespmem:s29+$0xC000]  }
0xf9: {  	v10 =	vld [tilespmem:s29+$0xD800]  }
0xfa: {  	v11 =	vld [tilespmem:s29+$0x9010]  }
0xfb: {  	v12 =	vld [tilespmem:s29+$0xA810]  }
0xfc: {  	v13 =	vld [tilespmem:s29+$0xC010]  }
0xfd: {  	v14 =	vld [tilespmem:s29+$0xD810]  }
0xfe: {  	v15 =	vld [tilespmem:s29+$0x9020]  }
0xff: {  	v16 =	vld [tilespmem:s29+$0xA820]  }
0x100: {  	v17 =	vld [tilespmem:s29+$0xC020]  }
0x101: {  	v18 =	vld [tilespmem:s29+$0xD820]  }
0x102: {  	v19 =	vld [tilespmem:s29+$0x9030]  }
0x103: {  	v20 =	vld [tilespmem:s29+$0xA830]  }
0x104: {  	v21 =	vld [tilespmem:s29+$0xC030]  }
0x105: {  	v22 =	vld [tilespmem:s29+$0xD830]  }
0x106: {  	v23 =	vld [tilespmem:s29+$0x9040]  }
0x107: {  	v24 =	vld [tilespmem:s29+$0xA840]  }
0x108: {  	v25 =	vld [tilespmem:s29+$0xC040]  }
0x109: {  	v26 =	vld [tilespmem:s29+$0xD840]  }
0x10a: {  	v27 =	vld [tilespmem:s29+$0x9050]  }
0x10b: {  	v28 =	vld [tilespmem:s29+$0xA850]  }
0x10c: {  	v29 =	vld [tilespmem:s29+$0xC050]  }
0x10d: {  	v30 =	vld [tilespmem:s29+$0xD850]  }
0x10e: {  	v31 =	vld [tilespmem:s29+$0x9060]  }
0x10f: {  	v32 =	vld [tilespmem:s29+$0xA860]  }
0x110: {  	v33 =	vld [tilespmem:s29+$0xC060]  }
0x111: {  	v34 =	vld [tilespmem:s29+$0xD860]  }
0x112: {  	v35 =	vld [tilespmem:s29+$0x9070]  }
0x113: {  	v36 =	vld [tilespmem:s29+$0xA870]  }
0x114: {  	v37 =	vld [tilespmem:s29+$0xC070]  }
0x115: {  	v38 =	vld [tilespmem:s29+$0xD870]  }
0x116: {  	v39 =	vld [tilespmem:s29+$0x9400]  }
0x117: {  	v40 =	vld [tilespmem:s29+$0xAC00]  }
0x118: {  	v41 =	vld [tilespmem:s29+$0xC400]  }
0x119: {  	v42 =	vld [tilespmem:s29+$0xDC00]  }
0x11a: {  	v43 =	vld [tilespmem:s29+$0x9410]  }
0x11b: {  	v44 =	vld [tilespmem:s29+$0xAC10]  }
0x11c: {  	v45 =	vld [tilespmem:s29+$0xC410]  }
0x11d: {  	v46 =	vld [tilespmem:s29+$0xDC10]  }
0x11e: {  	v47 =	vld [tilespmem:s29+$0x9420]  }
0x11f: {  	v48 =	vld [tilespmem:s29+$0xAC20]  }
0x120: {  	v49 =	vld [tilespmem:s29+$0xC420];
	v7 =	vmul.f32 v7, v5;
	v8 =	vmul.f32 v8, v6  }
0x121: {  	v50 =	vld [tilespmem:s29+$0xDC20];
	v11 =	vmul.f32 v11, v5;
	v12 =	vmul.f32 v12, v6  }
0x122: {  	v51 =	vld [tilespmem:s29+$0x9430];
	v58 =	vmul.f32 v9, v4;
	v59 =	vmul.f32 v10, v3  }
0x123: {  	v52 =	vld [tilespmem:s29+$0xAC30];
	v60 =	vmul.f32 v13, v4;
	v61 =	vmul.f32 v14, v3  }
0x124: {  	v53 =	vld [tilespmem:s29+$0xC430];
	v62 =	vmul.f32 v15, v5;
	v63 =	vmul.f32 v16, v6  }
0x125: {  	v10 =	vld [tilespmem:s29+$0xDC30];
	v54 =	vmul.f32 v19, v5;
	v55 =	vmul.f32 v20, v6  }
0x126: {  	v14 =	vld [tilespmem:s29+$0x9440];
	v56 =	vmul.f32 v17, v4;
	v57 =	vmul.f32 v21, v4  }
0x127: {  	v16 =	vld [tilespmem:s29+$0xAC40];
	v18 =	vmul.f32 v18, v3;
	v22 =	vmul.f32 v22, v3  }
0x128: {  	v20 =	vld [tilespmem:s29+$0xC440];
	v42 =	vmul.f32 v42, v3;
	v7 =	vadd.f32 v8, v7;
	v11 =	vadd.f32 v12, v11  }
0x129: {  	v15 =	vld [tilespmem:s29+$0xDC40];
	v8 =	vadd.f32 v63, v62;
	v62 =	vmul.f32 v25, v4;
	v63 =	vmul.f32 v29, v4  }
0x12a: {  	v17 =	vld [tilespmem:s29+$0x9450];
	v12 =	vadd.f32 v55, v54;
	v29 =	vmul.f32 v26, v3;
	v54 =	vmul.f32 v30, v3  }
0x12b: {  	v21 =	vld [tilespmem:s29+$0xAC50];
	v55 =	vmul.f32 v31, v5;
	v7 =	vadd.f32 v58, v7;
	v11 =	vadd.f32 v60, v11  }
0x12c: {  	v19 =	vld [tilespmem:s29+$0xAC60];
	v8 =	vadd.f32 v56, v8;
	v58 =	vmul.f32 v23, v5;
	v60 =	vmul.f32 v27, v5  }
0x12d: {  	v25 =	vld [tilespmem:s29+$0xDC50];
	v12 =	vadd.f32 v57, v12;
	v56 =	vmul.f32 v32, v6;
	v57 =	vmul.f32 v35, v5  }
0x12e: {  	v30 =	vld [tilespmem:s29+$0x9470];
	v10 =	vmul.f32 v10, v3;
	v14 =	vmul.f32 v14, v5  }
0x12f: {  	v27 =	vld [tilespmem:s29+$0x9460];
	v16 =	vmul.f32 v16, v6;
	v17 =	vmul.f32 v17, v5  }
0x130: {  	v23 =	vld [tilespmem:s29+$0xC460];
	v21 =	vmul.f32 v21, v6;
	v15 =	vmul.f32 v15, v3  }
0x131: {  	v32 =	vld [tilespmem:s29+$0xAC70];
	v19 =	vmul.f32 v19, v6;
	v7 =	vadd.f32 v59, v7;
	v11 =	vadd.f32 v61, v11  }
0x132: {  	v35 =	vld [tilespmem:s29+$0xB000];
	v59 =	vmul.f32 v24, v6;
	v61 =	vmul.f32 v28, v6;
	v8 =	vadd.f32 v18, v8  }
0x133: {  	v24 =	vld [tilespmem:s29+$0xC450];
	v12 =	vadd.f32 v22, v12;
	v18 =	vadd.f32 v56, v55;
	v55 =	vmul.f32 v43, v5  }
0x134: {  	v28 =	vld [tilespmem:s29+$0xDC60];
	v56 =	vmul.f32 v44, v6;
	v14 =	vadd.f32 v16, v14;
	v9 =	vadd.f32 v59, v58  }
0x135: {  	v43 =	vld [tilespmem:s29+$0x9810];
	v13 =	vadd.f32 v61, v60;
	v58 =	vmul.f32 v36, v6;
	v59 =	vmul.f32 v33, v4  }
0x136: {  	v17 =	vadd.f32 v21, v17;
	v60 =	vmul.f32 v34, v3;
	v61 =	vmul.f32 v37, v4;
	v34 =	vld [tilespmem:s29+$0xC470]  }
0x137: {  	v36 =	vld [tilespmem:s29+$0xDC70];
	v9 =	vadd.f32 v62, v9;
	v13 =	vadd.f32 v63, v13;
	v62 =	vmul.f32 v38, v3  }
0x138: {  	v37 =	vld [tilespmem:s29+$0xC800];
	v22 =	vadd.f32 v58, v57;
	v63 =	vmul.f32 v39, v5;
	v57 =	vmul.f32 v41, v4  }
0x139: {  	v18 =	vadd.f32 v59, v18;
	v38 =	vld [tilespmem:s29+$0x9800];
	v58 =	vmul.f32 v45, v4;
	v59 =	vmul.f32 v47, v5  }
0x13a: {  	v41 =	vld [tilespmem:s29+$0x9820];
	v47 =	vmul.f32 v43, v5;
	v9 =	vadd.f32 v29, v9;
	v13 =	vadd.f32 v54, v13  }
0x13b: {  	v39 =	vld [tilespmem:s29+$0xB020];
	v54 =	vmul.f32 v40, v6;
	v18 =	vadd.f32 v60, v18;
	v60 =	vmul.f32 v48, v6  }
0x13c: {  	v22 =	vadd.f32 v61, v22;
	v40 =	vld [tilespmem:s29+$0xE000];
	v61 =	vmul.f32 v51, v5;
	v51 =	vmul.f32 v53, v4  }
0x13d: {  	v29 =	vadd.f32 v56, v55;
	v48 =	vld [tilespmem:s29+$0xB010];
	v53 =	vmul.f32 v20, v4;
	v55 =	vmul.f32 v25, v3  }
0x13e: {  	v20 =	vld [tilespmem:s29+$0xE020];
	v56 =	vmul.f32 v27, v5;
	v26 =	vadd.f32 v54, v63;
	v22 =	vadd.f32 v62, v22  }
0x13f: {  	v25 =	vld [tilespmem:s29+$0x9830];
	v29 =	vadd.f32 v58, v29;
	v62 =	vmul.f32 v52, v6;
	v63 =	vmul.f32 v49, v4  }
0x140: {  	v27 =	vld [tilespmem:s29+$0xB030];
	v31 =	vadd.f32 v60, v59;
	v49 =	vmul.f32 v46, v3;
	v52 =	vmul.f32 v50, v3  }
0x141: {  	v46 =	vld [tilespmem:s29+$0xC810];
	v54 =	vmul.f32 v24, v4;
	v14 =	vadd.f32 v53, v14;
	v58 =	vmul.f32 v32, v6  }
0x142: {  	v32 =	vld [tilespmem:s29+$0xC830];
	v59 =	vadd.f32 v19, v56;
	v60 =	vmul.f32 v23, v4;
	v26 =	vadd.f32 v57, v26  }
0x143: {  	v19 =	vld [tilespmem:s29+$0xE030];
	v50 =	vmul.f32 v37, v4;
	v33 =	vadd.f32 v62, v61;
	v31 =	vadd.f32 v63, v31  }
0x144: {  	v24 =	vld [tilespmem:s29+$0x9840];
	v29 =	vadd.f32 v49, v29;
	v17 =	vadd.f32 v54, v17;
	v57 =	vmul.f32 v30, v5  }
0x145: {  	v53 =	vld [tilespmem:s29+$0x9850];
	v14 =	vadd.f32 v15, v14;
	v61 =	vmul.f32 v34, v4;
	v63 =	vmul.f32 v38, v5  }
0x146: {  	v56 =	vld [tilespmem:s29+$0xB050];
	v62 =	vadd.f32 v60, v59;
	v38 =	vmul.f32 v35, v6;
	v49 =	vmul.f32 v28, v3  }
0x147: {  	[tilespmem:s29+$0x15000] =	vst v7;
	v37 =	vld [tilespmem:s29+$0x9860];
	v60 =	vmul.f32 v41, v5;
	v48 =	vmul.f32 v48, v6;
	v26 =	vadd.f32 v42, v26  }
0x148: {  	[tilespmem:s29+$0x15010] =	vst v11;
	v30 =	vld [tilespmem:s29+$0xB040];
	v20 =	vmul.f32 v20, v3;
	v33 =	vadd.f32 v51, v33;
	v31 =	vadd.f32 v52, v31  }
0x149: {  	[tilespmem:s29+$0x15020] =	vst v8;
	v34 =	vld [tilespmem:s29+$0xC840];
	v17 =	vadd.f32 v55, v17;
	v21 =	vadd.f32 v58, v57;
	v51 =	vmul.f32 v36, v3  }
0x14a: {  	[tilespmem:s29+$0x15030] =	vst v12;
	v28 =	vld [tilespmem:s29+$0xE040];
	v15 =	vadd.f32 v38, v63;
	v55 =	vmul.f32 v40, v3;
	v63 =	vmul.f32 v25, v5  }
0x14b: {  	[tilespmem:s29+$0x15040] =	vst v9;
	v59 =	vld [tilespmem:s29+$0xC850];
	v7 =	vadd.f32 v49, v62;
	v36 =	vmul.f32 v27, v6;
	v52 =	vmul.f32 v46, v4  }
0x14c: {  	[tilespmem:s29+$0x15050] =	vst v13;
	v41 =	vld [tilespmem:s29+$0x9870];
	v40 =	vmul.f32 v32, v4;
	v19 =	vmul.f32 v19, v3;
	v10 =	vadd.f32 v10, v33  }
0x14d: {  	[tilespmem:s29+$0x15060] =	vst v18;
	v42 =	vld [tilespmem:s29+$0xE010];
	v46 =	vmul.f32 v53, v5;
	v45 =	vadd.f32 v61, v21;
	v21 =	vadd.f32 v48, v47  }
0x14e: {  	[tilespmem:s29+$0x15070] =	vst v22;
	v62 =	vld [tilespmem:s29+$0xE050];
	v54 =	vadd.f32 v50, v15;
	v61 =	vmul.f32 v39, v6;
	v13 =	vadd.f32 v36, v63  }
0x14f: {  	[tilespmem:s29+$0x15410] =	vst v29;
	v33 =	vld [tilespmem:s29+$0xC820];
	v15 =	vmul.f32 v56, v6;
	v43 =	vmul.f32 v30, v6;
	v11 =	vadd.f32 v51, v45  }
0x150: {  	[tilespmem:s29+$0x15440] =	vst v14;
	v39 =	vld [tilespmem:s29+$0xB060];
	v49 =	vmul.f32 v34, v4;
	v57 =	vadd.f32 v52, v21;
	v8 =	vadd.f32 v55, v54  }
0x151: {  	v44 =	vld [tilespmem:s29+$0xB070];
	[tilespmem:s29+$0x15400] =	vst v26;
	v9 =	vadd.f32 v61, v60;
	v51 =	vmul.f32 v59, v4;
	v54 =	vmul.f32 v37, v5  }
0x152: {  	[tilespmem:s29+$0x15420] =	vst v31;
	v47 =	vld [tilespmem:s29+$0xC860];
	v45 =	vadd.f32 v40, v13;
	v59 =	vmul.f32 v28, v3;
	v58 =	vmul.f32 v42, v3  }
0x153: {  	v50 =	vld [tilespmem:s29+$0xC870];
	[tilespmem:s29+$0x15450] =	vst v17;
	v13 =	vadd.f32 v15, v46;
	v42 =	vmul.f32 v24, v5;
	v5 =	vmul.f32 v41, v5  }
0x154: {  	[tilespmem:s29+$0x15430] =	vst v10;
	v52 =	vld [tilespmem:s29+$0xE060];
	v61 =	vmul.f32 v62, v3;
	v10 =	vadd.f32 v19, v45;
	v38 =	vmul.f32 v33, v4  }
0x155: {  	[tilespmem:s29+$0x15460] =	vst v7;
	v56 =	vld [tilespmem:s29+$0xE070];
	v12 =	vadd.f32 v58, v57;
	v48 =	vadd.f32 v43, v42;
	v55 =	vmul.f32 v39, v6  }
0x156: {  	[tilespmem:s29+$0x15470] =	vst v11;
	v57 =	vadd.f32 v51, v13;
	v6 =	vmul.f32 v44, v6;
	v9 =	vadd.f32 v38, v9  }
0x157: {  	[tilespmem:s29+$0x15800] =	vst v8;
	v60 =	vmul.f32 v47, v4;
	v53 =	vadd.f32 v49, v48;
	v58 =	vadd.f32 v55, v54  }
0x158: {  	v4 =	vmul.f32 v50, v4;
	[tilespmem:s29+$0x15830] =	vst v10;
	v5 =	vadd.f32 v6, v5;
	v6 =	vadd.f32 v61, v57  }
0x159: {  	p0 =	sne.s32 s28, $0xF;
	[tilespmem:s29+$0x15810] =	vst v12;
	v62 =	vmul.f32 v52, v3;
	v9 =	vadd.f32 v20, v9;
	v8 =	vadd.f32 v60, v58  }
.Ltmp2:
0x15a: {  	v3 =	vmul.f32 v56, v3;
	v7 =	vadd.f32 v59, v53;
	v4 =	vadd.f32 v4, v5;
	[tilespmem:s29+$0x15850] =	vst v6;
	(pc) =	sbr.rel @p0 .LBB2_3-.Ltmp2, $4  }
0x15b: {  	[tilespmem:s29+$0x15820] =	vst v9;
	v63 =	vadd.f32 v62, v8  }
0x15c: {  	[tilespmem:s29+$0x15840] =	vst v7;
	v3 =	vadd.f32 v3, v4  }
0x15d: {  	s1 =	sadd.s32 $0x80, s1;
	s11 =	sadd.s32 $0x80, s11;
	s24 =	sadd.s32 $0x80, s24;
	[tilespmem:s29+$0x15860] =	vst v63  }
0x15e: {  	s25 =	sadd.s32 $0x80, s25;
	s26 =	sadd.s32 $0x80, s26;
	s28 =	sadd.s32 $0x1, s28;
	[tilespmem:s29+$0x15870] =	vst v3  }
0x15f: {  	s1 =	sshll.u32 s22, $0x5  }
0x160: {  	p0 =	seq.s32 s22, $0x8F;
	s1 =	sadd.s32 s5, s1  }
.Ltmp3:
0x161: {  	s1 =	sshrl.u32 s1, $0x3;
	(pc) =	sbr.rel @p0 .LBB2_6-.Ltmp3, $3  }
0x162: {  	s1 =	smul.u32 $0x180, s1;
	_ =	sdelay $0x1  }
0x163: {  	s1 =	sadd.s32 s4, s1  }
0x164: {  	[hbm4b:s1+s3] =	stream.linear.scatter [tilespmem:s19], [sflag:$0x3], $0x1800, $0x38;
	[tilespmem:$0x1A000] =	vst v63  }
0x165: {  	v3 =	vld [tilespmem:s23+$0x80];
	_ =	sdelay $0x4  }
0x166: {  	v4 =	vshrl.u32 v3, $0x3  }
0x167: {  	v4 =	vmul.u32 $0x18, v4  }
0x168: {  	v3 =	vand.u32 $0x7, v3  }
0x169: {  	v3 =	vor.u32 v3, v4  }
0x16a: {  	v4 =	vperm.xlane v3, v0;
	_ =	sdelay $0x1  }
0x16b: {  	v4 =	vadd.s32 v1, v4;
	_ =	sdelay $0x1  }
0x16c: {  	v3 =	vperm.xlane v3, v2;
	_ =	sdelay $0x1  }
0x16d: {  	s1 =	simm.s32 $0x9000;
	v3 =	vadd.s32 v1, v3  }
0x16e: {  	[tilespmem:s1], [sflag:$0x1] =	stream.indirect_vreg.gather [hbm4b:s2+s3], $0x80, v4, vm0, $0xb8;
	[tilespmem:$0x1A000] =	vst v63  }
0x16f: {  	s29 =	simm.s32 $0x9800  }
0x170: {  	[tilespmem:s29], [sflag:$0x1] =	stream.indirect_vreg.gather [hbm4b:s8+s3], $0x80, v4, vm1, $0xb8;
	[tilespmem:$0x1A000] =	vst v63  }
0x171: {  	s30 =	simm.s32 $0x9C00  }
0x172: {  	[tilespmem:s30], [sflag:$0x1] =	stream.indirect_vreg.gather [hbm4b:s2+s3], $0x80, v3, vm0, $0xb8;
	[tilespmem:$0x1A000] =	vst v63  }
0x173: {  	s31 =	simm.s32 $0xA400  }
0x174: {  	[tilespmem:s31], [sflag:$0x1] =	stream.indirect_vreg.gather [hbm4b:s8+s3], $0x80, v3, vm1, $0xb8;
	[tilespmem:$0x1A000] =	vst v63  }
0x175: {  	v3 =	vld [tilespmem:s23+$0x90];
	_ =	sdelay $0x4  }
0x176: {  	v61 =	vshrl.u32 v3, $0x3  }
0x177: {  	v4 =	vmul.u32 $0x18, v61  }
0x178: {  	v3 =	vand.u32 $0x7, v3  }
0x179: {  	v3 =	vor.u32 v3, v4  }
0x17a: {  	v4 =	vperm.xlane v3, v0;
	_ =	sdelay $0x1  }
0x17b: {  	v4 =	vadd.s32 v1, v4;
	_ =	sdelay $0x1  }
0x17c: {  	v3 =	vperm.xlane v3, v2;
	_ =	sdelay $0x1  }
0x17d: {  	s6 =	simm.s32 $0xA800;
	v3 =	vadd.s32 v1, v3  }
0x17e: {  	[tilespmem:s6], [sflag:$0x1] =	stream.indirect_vreg.gather [hbm4b:s2+s3], $0x80, v4, vm0, $0xb8;
	[tilespmem:$0x1A000] =	vst v63  }
0x17f: {  	s7 =	simm.s32 $0xB000  }
0x180: {  	[tilespmem:s7], [sflag:$0x1] =	stream.indirect_vreg.gather [hbm4b:s8+s3], $0x80, v4, vm1, $0xb8;
	[tilespmem:$0x1A000] =	vst v63  }
0x181: {  	s9 =	simm.s32 $0xB400  }
0x182: {  	[tilespmem:s9], [sflag:$0x1] =	stream.indirect_vreg.gather [hbm4b:s2+s3], $0x80, v3, vm0, $0xb8;
	[tilespmem:$0x1A000] =	vst v63  }
0x183: {  	s10 =	simm.s32 $0xBC00  }
0x184: {  	[tilespmem:s10], [sflag:$0x1] =	stream.indirect_vreg.gather [hbm4b:s8+s3], $0x80, v3, vm1, $0xb8;
	[tilespmem:$0x1A000] =	vst v63  }
0x185: {  	v3 =	vld [tilespmem:s23+$0xA0];
	_ =	sdelay $0x4  }
0x186: {  	v62 =	vshrl.u32 v3, $0x3  }
0x187: {  	v4 =	vmul.u32 $0x18, v62  }
0x188: {  	v3 =	vand.u32 $0x7, v3  }
0x189: {  	v3 =	vor.u32 v3, v4  }
0x18a: {  	v4 =	vperm.xlane v3, v0;
	_ =	sdelay $0x1  }
0x18b: {  	v4 =	vadd.s32 v1, v4;
	_ =	sdelay $0x1  }
0x18c: {  	v3 =	vperm.xlane v3, v2;
	_ =	sdelay $0x1  }
0x18d: {  	s11 =	simm.s32 $0xC000;
	v3 =	vadd.s32 v1, v3  }
0x18e: {  	[tilespmem:s11], [sflag:$0x1] =	stream.indirect_vreg.gather [hbm4b:s2+s3], $0x80, v4, vm0, $0xb8;
	[tilespmem:$0x1A000] =	vst v63  }
0x18f: {  	s24 =	simm.s32 $0xC800  }
0x190: {  	[tilespmem:s24], [sflag:$0x1] =	stream.indirect_vreg.gather [hbm4b:s8+s3], $0x80, v4, vm1, $0xb8;
	[tilespmem:$0x1A000] =	vst v63  }
0x191: {  	s25 =	simm.s32 $0xCC00  }
0x192: {  	[tilespmem:s25], [sflag:$0x1] =	stream.indirect_vreg.gather [hbm4b:s2+s3], $0x80, v3, vm0, $0xb8;
	[tilespmem:$0x1A000] =	vst v63  }
0x193: {  	s26 =	simm.s32 $0xD400  }
0x194: {  	[tilespmem:s26], [sflag:$0x1] =	stream.indirect_vreg.gather [hbm4b:s8+s3], $0x80, v3, vm1, $0xb8;
	[tilespmem:$0x1A000] =	vst v63  }
0x195: {  	v3 =	vld [tilespmem:s23+$0xB0];
	_ =	sdelay $0x4  }
0x196: {  	v63 =	vshrl.u32 v3, $0x3  }
0x197: {  	v4 =	vmul.u32 $0x18, v63  }
0x198: {  	v3 =	vand.u32 $0x7, v3  }
0x199: {  	v3 =	vor.u32 v3, v4  }
0x19a: {  	v4 =	vperm.xlane v3, v0;
	_ =	sdelay $0x1  }
0x19b: {  	v4 =	vadd.s32 v1, v4;
	_ =	sdelay $0x1  }
0x19c: {  	v3 =	vperm.xlane v3, v2;
	_ =	sdelay $0x1  }
0x19d: {  	s28 =	simm.s32 $0xD800;
	v3 =	vadd.s32 v1, v3  }
0x19e: {  	[tilespmem:s28], [sflag:$0x1] =	stream.indirect_vreg.gather [hbm4b:s2+s3], $0x80, v4, vm0, $0xb8;
	[tilespmem:$0x1A000] =	vst v63  }
0x19f: {  	s29 =	simm.s32 $0xE000  }
0x1a0: {  	[tilespmem:s29], [sflag:$0x1] =	stream.indirect_vreg.gather [hbm4b:s8+s3], $0x80, v4, vm1, $0xb8;
	[tilespmem:$0x1A000] =	vst v63  }
0x1a1: {  	s30 =	simm.s32 $0xE400  }
0x1a2: {  	[tilespmem:s30], [sflag:$0x1] =	stream.indirect_vreg.gather [hbm4b:s2+s3], $0x80, v3, vm0, $0xb8;
	[tilespmem:$0x1A000] =	vst v63  }
0x1a3: {  	s31 =	simm.s32 $0xEC00  }
0x1a4: {  	[tilespmem:s31], [sflag:$0x1] =	stream.indirect_vreg.gather [hbm4b:s8+s3], $0x80, v3, vm1, $0xb8;
	[tilespmem:$0x1A000] =	vst v63  }
.LBB2_6:
0x1a5: {  	s24 =	sor.u32 $0x1, s0  }
0x1a6: {  	s0 =	sshll.u32 s24, $0x6  }
0x1a7: {  	v3 =	vld [tilespmem:s0+$0x4800];
	s1 =	sor.u32 $0x50, s0  }
0x1a8: {  	s7 =	sor.u32 $0x60, s0;
	v4 =	vld [tilespmem:s1+$0x4800]  }
0x1a9: {  	s0 =	sor.u32 $0x70, s0;
	v5 =	vld [tilespmem:s7+$0x4800]  }
0x1aa: {  	v6 =	vld [tilespmem:s0+$0x4800];
	_ =	sdelay $0x1  }
0x1ab: {  	v7 =	vbroadcast v3, $0x0  }
0x1ac: {  	v8 =	vbroadcast v4, $0x0  }
0x1ad: {  	[tilespmem:$0x18000] =	vst v7;
	v7 =	vbroadcast v5, $0x0  }
0x1ae: {  	[tilespmem:$0x18800] =	vst v8;
	v8 =	vbroadcast v6, $0x0  }
0x1af: {  	[tilespmem:$0x19000] =	vst v7;
	v7 =	vbroadcast v3, $0x1  }
0x1b0: {  	[tilespmem:$0x19800] =	vst v8;
	v8 =	vbroadcast v4, $0x1  }
0x1b1: {  	[tilespmem:$0x18080] =	vst v7;
	v7 =	vbroadcast v5, $0x1  }
0x1b2: {  	[tilespmem:$0x18880] =	vst v8;
	v8 =	vbroadcast v6, $0x1  }
0x1b3: {  	[tilespmem:$0x19080] =	vst v7;
	v7 =	vbroadcast v3, $0x2  }
0x1b4: {  	[tilespmem:$0x19880] =	vst v8;
	v8 =	vbroadcast v4, $0x2  }
0x1b5: {  	[tilespmem:$0x18100] =	vst v7;
	v7 =	vbroadcast v5, $0x2  }
0x1b6: {  	[tilespmem:$0x18900] =	vst v8;
	v8 =	vbroadcast v6, $0x2  }
0x1b7: {  	[tilespmem:$0x19100] =	vst v7;
	v7 =	vbroadcast v3, $0x3  }
0x1b8: {  	[tilespmem:$0x19900] =	vst v8;
	v8 =	vbroadcast v4, $0x3  }
0x1b9: {  	[tilespmem:$0x18180] =	vst v7;
	v7 =	vbroadcast v5, $0x3  }
0x1ba: {  	[tilespmem:$0x18980] =	vst v8;
	v8 =	vbroadcast v6, $0x3  }
0x1bb: {  	[tilespmem:$0x19180] =	vst v7;
	v7 =	vbroadcast v3, $0x4  }
0x1bc: {  	[tilespmem:$0x19980] =	vst v8;
	v8 =	vbroadcast v4, $0x4  }
0x1bd: {  	[tilespmem:$0x18200] =	vst v7;
	v7 =	vbroadcast v5, $0x4  }
0x1be: {  	[tilespmem:$0x18A00] =	vst v8;
	v8 =	vbroadcast v6, $0x4  }
0x1bf: {  	[tilespmem:$0x19200] =	vst v7;
	v7 =	vbroadcast v3, $0x5  }
0x1c0: {  	[tilespmem:$0x19A00] =	vst v8;
	v8 =	vbroadcast v4, $0x5  }
0x1c1: {  	[tilespmem:$0x18280] =	vst v7;
	v7 =	vbroadcast v5, $0x5  }
0x1c2: {  	[tilespmem:$0x18A80] =	vst v8;
	v8 =	vbroadcast v6, $0x5  }
0x1c3: {  	[tilespmem:$0x19280] =	vst v7;
	v7 =	vbroadcast v3, $0x6  }
0x1c4: {  	[tilespmem:$0x19A80] =	vst v8;
	v8 =	vbroadcast v4, $0x6  }
0x1c5: {  	[tilespmem:$0x18300] =	vst v7;
	v7 =	vbroadcast v5, $0x6  }
0x1c6: {  	[tilespmem:$0x18B00] =	vst v8;
	v8 =	vbroadcast v6, $0x6  }
0x1c7: {  	[tilespmem:$0x19300] =	vst v7;
	v7 =	vbroadcast v3, $0x7  }
0x1c8: {  	[tilespmem:$0x19B00] =	vst v8;
	v8 =	vbroadcast v4, $0x7  }
0x1c9: {  	[tilespmem:$0x18380] =	vst v7;
	v7 =	vbroadcast v5, $0x7  }
0x1ca: {  	[tilespmem:$0x18B80] =	vst v8;
	v8 =	vbroadcast v6, $0x7  }
0x1cb: {  	[tilespmem:$0x19380] =	vst v7;
	v7 =	vbroadcast v3, $0x8  }
0x1cc: {  	[tilespmem:$0x19B80] =	vst v8;
	v8 =	vbroadcast v4, $0x8  }
0x1cd: {  	[tilespmem:$0x18400] =	vst v7;
	v7 =	vbroadcast v5, $0x8  }
0x1ce: {  	[tilespmem:$0x18C00] =	vst v8;
	v8 =	vbroadcast v6, $0x8  }
0x1cf: {  	[tilespmem:$0x19400] =	vst v7;
	v7 =	vbroadcast v3, $0x9  }
0x1d0: {  	[tilespmem:$0x19C00] =	vst v8;
	v8 =	vbroadcast v4, $0x9  }
0x1d1: {  	[tilespmem:$0x18480] =	vst v7;
	v7 =	vbroadcast v5, $0x9  }
0x1d2: {  	[tilespmem:$0x18C80] =	vst v8;
	v8 =	vbroadcast v6, $0x9  }
0x1d3: {  	[tilespmem:$0x19480] =	vst v7;
	v7 =	vbroadcast v3, $0xA  }
0x1d4: {  	[tilespmem:$0x19C80] =	vst v8;
	v8 =	vbroadcast v4, $0xA  }
0x1d5: {  	[tilespmem:$0x18500] =	vst v7;
	v7 =	vbroadcast v5, $0xA  }
0x1d6: {  	[tilespmem:$0x18D00] =	vst v8;
	v8 =	vbroadcast v6, $0xA  }
0x1d7: {  	[tilespmem:$0x19500] =	vst v7;
	v7 =	vbroadcast v3, $0xB  }
0x1d8: {  	[tilespmem:$0x19D00] =	vst v8;
	v8 =	vbroadcast v4, $0xB  }
0x1d9: {  	[tilespmem:$0x18580] =	vst v7;
	v7 =	vbroadcast v5, $0xB  }
0x1da: {  	[tilespmem:$0x18D80] =	vst v8;
	v8 =	vbroadcast v6, $0xB  }
0x1db: {  	[tilespmem:$0x19580] =	vst v7;
	v7 =	vbroadcast v3, $0xC  }
0x1dc: {  	[tilespmem:$0x19D80] =	vst v8;
	v8 =	vbroadcast v4, $0xC  }
0x1dd: {  	[tilespmem:$0x18600] =	vst v7;
	v7 =	vbroadcast v5, $0xC  }
0x1de: {  	[tilespmem:$0x18E00] =	vst v8;
	v8 =	vbroadcast v6, $0xC  }
0x1df: {  	[tilespmem:$0x19600] =	vst v7;
	v7 =	vbroadcast v3, $0xD  }
0x1e0: {  	[tilespmem:$0x19E00] =	vst v8;
	v8 =	vbroadcast v4, $0xD  }
0x1e1: {  	[tilespmem:$0x18680] =	vst v7;
	v7 =	vbroadcast v5, $0xD  }
0x1e2: {  	[tilespmem:$0x18E80] =	vst v8;
	v8 =	vbroadcast v6, $0xD  }
0x1e3: {  	[tilespmem:$0x19680] =	vst v7;
	v7 =	vbroadcast v3, $0xE  }
0x1e4: {  	v3 =	vbroadcast v3, $0xF;
	[tilespmem:$0x19E80] =	vst v8  }
0x1e5: {  	v8 =	vbroadcast v4, $0xE;
	[tilespmem:$0x18700] =	vst v7  }
0x1e6: {  	v4 =	vbroadcast v4, $0xF;
	[tilespmem:$0x18780] =	vst v3  }
0x1e7: {  	v7 =	vbroadcast v5, $0xE;
	[tilespmem:$0x18F00] =	vst v8  }
0x1e8: {  	v3 =	vbroadcast v5, $0xF;
	[tilespmem:$0x18F80] =	vst v4  }
0x1e9: {  	v8 =	vbroadcast v6, $0xE;
	[tilespmem:$0x19700] =	vst v7  }
0x1ea: {  	v4 =	vbroadcast v6, $0xF;
	[tilespmem:$0x19780] =	vst v3  }
0x1eb: {  	[tilespmem:$0x19F00] =	vst v8  }
0x1ec: {  	[tilespmem:$0x19F80] =	vst v4  }
0x1ed: {  	_ =	swait.ge [sflag:s20], $0x6000  }
0x1ee: {  	[sflag:s20] =	ssyncset.done $0x0  }
0x1ef: {  	s9 =	simm.s32 $0x0;
	s0 =	simm.s32 @!p1 $0x4;
	[sflag:s20] =	ssyncadd.s32 $0xFFFFA000  }
0x1f0: {  	s6 =	simm.s32 $0x0;
	s1 =	smul.u32 $0xC00, s9;
	_ =	swait.ge @!p1 [sflag:s0], $0x1800  }
0x1f1: {  	s6 =	sand.u32 $0x380, s6;
	[sflag:s0] =	ssyncset.done @!p1 $0x0  }
0x1f2: {  	s25 =	sor.u32 s6, s1;
	[sflag:s0] =	ssyncadd.s32 @!p1 $0xFFFFE800  }
0x1f3: {  	v7 =	vld [tilespmem:s25+$0xF000]  }
0x1f4: {  	s26 =	simm.s32 $0x18000;
	v8 =	vld [tilespmem:s25+$0x10800]  }
0x1f5: {  	s10 =	simm.s32 $0x18800;
	v5 =	vld [tilespmem:s26+$0x0]  }
0x1f6: {  	v6 =	vld [tilespmem:s10+$0x0]  }
0x1f7: {  	s11 =	simm.s32 $0x19000;
	v10 =	vld [tilespmem:s25+$0x12000]  }
0x1f8: {  	v3 =	vld [tilespmem:s11+$0x0]  }
0x1f9: {  	s1 =	simm.s32 $0x19800;
	v11 =	vld [tilespmem:s25+$0x13800]  }
0x1fa: {  	v4 =	vld [tilespmem:s1+$0x0]  }
0x1fb: {  	v13 =	vmul.f32 v7, v5;
	v8 =	vmul.f32 v8, v6;
	_ =	sdelay $0x1  }
0x1fc: {  	v10 =	vmul.f32 v10, v3;
	v8 =	vadd.f32 v8, v13;
	_ =	sdelay $0x1  }
0x1fd: {  	v17 =	vmul.f32 v11, v4;
	v8 =	vadd.f32 v10, v8;
	_ =	sdelay $0x1  }
0x1fe: {  	v17 =	vadd.f32 v17, v8;
	_ =	sdelay $0x1  }
0x1ff: {  	s1 =	sadd.s32 $0x10800, s25;
	v29 =	vld [tilespmem:s25+$0xF010];
	[tilespmem:s25+$0x16800] =	vst v17  }
0x200: {  	v18 =	vld [tilespmem:s1+$0x10];
	_ =	sdelay $0x1  }
0x201: {  	v19 =	vld [tilespmem:s25+$0x12010]  }
0x202: {  	s6 =	sadd.s32 $0x13800, s25  }
0x203: {  	v20 =	vld [tilespmem:s6+$0x10]  }
0x204: {  	v17 =	vmul.f32 v29, v5;
	v18 =	vmul.f32 v18, v6;
	_ =	sdelay $0x1  }
0x205: {  	v19 =	vmul.f32 v19, v3;
	v17 =	vadd.f32 v18, v17;
	_ =	sdelay $0x1  }
0x206: {  	v30 =	vmul.f32 v20, v4;
	v17 =	vadd.f32 v19, v17;
	_ =	sdelay $0x1  }
0x207: {  	v17 =	vadd.f32 v30, v17;
	_ =	sdelay $0x1  }
0x208: {  	v31 =	vld [tilespmem:s25+$0xF020];
	[tilespmem:s25+$0x16810] =	vst v17  }
0x209: {  	v32 =	vld [tilespmem:s1+$0x20];
	_ =	sdelay $0x1  }
0x20a: {  	v33 =	vld [tilespmem:s25+$0x12020];
	_ =	sdelay $0x1  }
0x20b: {  	v34 =	vld [tilespmem:s6+$0x20]  }
0x20c: {  	v17 =	vmul.f32 v31, v5;
	v18 =	vmul.f32 v32, v6;
	_ =	sdelay $0x1  }
0x20d: {  	v19 =	vmul.f32 v33, v3;
	v17 =	vadd.f32 v18, v17;
	_ =	sdelay $0x1  }
0x20e: {  	v35 =	vmul.f32 v34, v4;
	v17 =	vadd.f32 v19, v17;
	_ =	sdelay $0x1  }
0x20f: {  	v17 =	vadd.f32 v35, v17;
	_ =	sdelay $0x1  }
0x210: {  	v36 =	vld [tilespmem:s25+$0xF030];
	[tilespmem:s25+$0x16820] =	vst v17  }
0x211: {  	v37 =	vld [tilespmem:s1+$0x30];
	_ =	sdelay $0x1  }
0x212: {  	v38 =	vld [tilespmem:s25+$0x12030];
	_ =	sdelay $0x1  }
0x213: {  	v39 =	vld [tilespmem:s6+$0x30]  }
0x214: {  	v17 =	vmul.f32 v36, v5;
	v18 =	vmul.f32 v37, v6;
	_ =	sdelay $0x1  }
0x215: {  	v19 =	vmul.f32 v38, v3;
	v17 =	vadd.f32 v18, v17;
	_ =	sdelay $0x1  }
0x216: {  	v40 =	vmul.f32 v39, v4;
	v17 =	vadd.f32 v19, v17;
	_ =	sdelay $0x1  }
0x217: {  	v17 =	vadd.f32 v40, v17;
	_ =	sdelay $0x1  }
0x218: {  	v41 =	vld [tilespmem:s25+$0xF040];
	[tilespmem:s25+$0x16830] =	vst v17  }
0x219: {  	v42 =	vld [tilespmem:s1+$0x40];
	_ =	sdelay $0x1  }
0x21a: {  	v43 =	vld [tilespmem:s25+$0x12040];
	_ =	sdelay $0x1  }
0x21b: {  	v44 =	vld [tilespmem:s6+$0x40]  }
0x21c: {  	v17 =	vmul.f32 v41, v5;
	v18 =	vmul.f32 v42, v6;
	_ =	sdelay $0x1  }
0x21d: {  	v19 =	vmul.f32 v43, v3;
	v17 =	vadd.f32 v18, v17;
	_ =	sdelay $0x1  }
0x21e: {  	v45 =	vmul.f32 v44, v4;
	v17 =	vadd.f32 v19, v17;
	_ =	sdelay $0x1  }
0x21f: {  	v17 =	vadd.f32 v45, v17;
	_ =	sdelay $0x1  }
0x220: {  	v46 =	vld [tilespmem:s25+$0xF050];
	[tilespmem:s25+$0x16840] =	vst v17  }
0x221: {  	v47 =	vld [tilespmem:s1+$0x50];
	_ =	sdelay $0x1  }
0x222: {  	v48 =	vld [tilespmem:s25+$0x12050];
	_ =	sdelay $0x1  }
0x223: {  	v49 =	vld [tilespmem:s6+$0x50]  }
0x224: {  	v17 =	vmul.f32 v46, v5;
	v18 =	vmul.f32 v47, v6;
	_ =	sdelay $0x1  }
0x225: {  	v19 =	vmul.f32 v48, v3;
	v17 =	vadd.f32 v18, v17;
	_ =	sdelay $0x1  }
0x226: {  	v50 =	vmul.f32 v49, v4;
	v17 =	vadd.f32 v19, v17;
	_ =	sdelay $0x1  }
0x227: {  	v17 =	vadd.f32 v50, v17;
	_ =	sdelay $0x1  }
0x228: {  	v51 =	vld [tilespmem:s25+$0xF060];
	[tilespmem:s25+$0x16850] =	vst v17  }
0x229: {  	v52 =	vld [tilespmem:s1+$0x60];
	_ =	sdelay $0x1  }
0x22a: {  	v53 =	vld [tilespmem:s25+$0x12060];
	_ =	sdelay $0x1  }
0x22b: {  	v54 =	vld [tilespmem:s6+$0x60]  }
0x22c: {  	v17 =	vmul.f32 v51, v5;
	v18 =	vmul.f32 v52, v6;
	_ =	sdelay $0x1  }
0x22d: {  	v19 =	vmul.f32 v53, v3;
	v17 =	vadd.f32 v18, v17;
	_ =	sdelay $0x1  }
0x22e: {  	v55 =	vmul.f32 v54, v4;
	v17 =	vadd.f32 v19, v17;
	_ =	sdelay $0x1  }
0x22f: {  	v15 =	vld [tilespmem:s25+$0xF400];
	v17 =	vadd.f32 v55, v17  }
0x230: {  	v16 =	vld [tilespmem:s25+$0x10C00]  }
0x231: {  	v56 =	vld [tilespmem:s25+$0xF070];
	[tilespmem:s25+$0x16860] =	vst v17  }
0x232: {  	v17 =	vld [tilespmem:s1+$0x70]  }
0x233: {  	v14 =	vld [tilespmem:s25+$0x12400]  }
0x234: {  	v57 =	vld [tilespmem:s25+$0x12070]  }
0x235: {  	v58 =	vld [tilespmem:s25+$0x13C00]  }
0x236: {  	v15 =	vmul.f32 v15, v5;
	v16 =	vmul.f32 v16, v6;
	v21 =	vld [tilespmem:s6+$0x70]  }
0x237: {  	v18 =	vmul.f32 v56, v5;
	v17 =	vmul.f32 v17, v6  }
0x238: {  	v14 =	vmul.f32 v14, v3;
	v15 =	vadd.f32 v16, v15  }
0x239: {  	v59 =	vmul.f32 v57, v3;
	v17 =	vadd.f32 v17, v18  }
0x23a: {  	v60 =	vmul.f32 v58, v4;
	v14 =	vadd.f32 v14, v15  }
0x23b: {  	v61 =	vmul.f32 v21, v4;
	v16 =	vadd.f32 v59, v17  }
0x23c: {  	v14 =	vadd.f32 v60, v14  }
0x23d: {  	v16 =	vadd.f32 v61, v16  }
0x23e: {  	[tilespmem:s25+$0x16C00] =	vst v14  }
0x23f: {  	s7 =	sadd.s32 $0x10C00, s25;
	v62 =	vld [tilespmem:s25+$0xF410];
	[tilespmem:s25+$0x16870] =	vst v16  }
0x240: {  	v14 =	vld [tilespmem:s7+$0x10]  }
0x241: {  	s6 =	sadd.s32 $0x12400, s25  }
0x242: {  	v16 =	vld [tilespmem:s6+$0x10]  }
0x243: {  	s9 =	sadd.s32 $0x13C00, s25  }
0x244: {  	v63 =	vld [tilespmem:s9+$0x10]  }
0x245: {  	v15 =	vmul.f32 v62, v5;
	v14 =	vmul.f32 v14, v6;
	_ =	sdelay $0x1  }
0x246: {  	v16 =	vmul.f32 v16, v3;
	v14 =	vadd.f32 v14, v15;
	_ =	sdelay $0x1  }
0x247: {  	v20 =	vmul.f32 v63, v4;
	v14 =	vadd.f32 v16, v14;
	_ =	sdelay $0x1  }
0x248: {  	v14 =	vadd.f32 v20, v14;
	_ =	sdelay $0x1  }
0x249: {  	v21 =	vld [tilespmem:s25+$0xF420];
	[tilespmem:s25+$0x16C10] =	vst v14  }
0x24a: {  	v14 =	vld [tilespmem:s7+$0x20];
	_ =	sdelay $0x1  }
0x24b: {  	v22 =	vld [tilespmem:s6+$0x20];
	_ =	sdelay $0x1  }
0x24c: {  	v23 =	vld [tilespmem:s9+$0x20]  }
0x24d: {  	v15 =	vmul.f32 v21, v5;
	v14 =	vmul.f32 v14, v6;
	_ =	sdelay $0x1  }
0x24e: {  	v16 =	vmul.f32 v22, v3;
	v14 =	vadd.f32 v14, v15;
	_ =	sdelay $0x1  }
0x24f: {  	v24 =	vmul.f32 v23, v4;
	v14 =	vadd.f32 v16, v14;
	_ =	sdelay $0x1  }
0x250: {  	v14 =	vadd.f32 v24, v14;
	_ =	sdelay $0x1  }
0x251: {  	v25 =	vld [tilespmem:s25+$0xF430];
	[tilespmem:s25+$0x16C20] =	vst v14  }
0x252: {  	v14 =	vld [tilespmem:s7+$0x30];
	_ =	sdelay $0x1  }
0x253: {  	v26 =	vld [tilespmem:s6+$0x30];
	_ =	sdelay $0x1  }
0x254: {  	v27 =	vld [tilespmem:s9+$0x30]  }
0x255: {  	v15 =	vmul.f32 v25, v5;
	v14 =	vmul.f32 v14, v6;
	_ =	sdelay $0x1  }
0x256: {  	v16 =	vmul.f32 v26, v3;
	v14 =	vadd.f32 v14, v15;
	_ =	sdelay $0x1  }
0x257: {  	v28 =	vmul.f32 v27, v4;
	v14 =	vadd.f32 v16, v14;
	_ =	sdelay $0x1  }
0x258: {  	v14 =	vadd.f32 v28, v14;
	_ =	sdelay $0x1  }
0x259: {  	v29 =	vld [tilespmem:s25+$0xF440];
	[tilespmem:s25+$0x16C30] =	vst v14  }
0x25a: {  	v14 =	vld [tilespmem:s7+$0x40];
	_ =	sdelay $0x1  }
0x25b: {  	v30 =	vld [tilespmem:s6+$0x40];
	_ =	sdelay $0x1  }
0x25c: {  	v31 =	vld [tilespmem:s9+$0x40]  }
0x25d: {  	v15 =	vmul.f32 v29, v5;
	v14 =	vmul.f32 v14, v6;
	_ =	sdelay $0x1  }
0x25e: {  	v16 =	vmul.f32 v30, v3;
	v14 =	vadd.f32 v14, v15;
	_ =	sdelay $0x1  }
0x25f: {  	v32 =	vmul.f32 v31, v4;
	v14 =	vadd.f32 v16, v14;
	_ =	sdelay $0x1  }
0x260: {  	v14 =	vadd.f32 v32, v14;
	_ =	sdelay $0x1  }
0x261: {  	v33 =	vld [tilespmem:s25+$0xF450];
	[tilespmem:s25+$0x16C40] =	vst v14  }
0x262: {  	v14 =	vld [tilespmem:s7+$0x50];
	_ =	sdelay $0x1  }
0x263: {  	v34 =	vld [tilespmem:s6+$0x50];
	_ =	sdelay $0x1  }
0x264: {  	v35 =	vld [tilespmem:s9+$0x50]  }
0x265: {  	v15 =	vmul.f32 v33, v5;
	v14 =	vmul.f32 v14, v6;
	_ =	sdelay $0x1  }
0x266: {  	v16 =	vmul.f32 v34, v3;
	v14 =	vadd.f32 v14, v15;
	_ =	sdelay $0x1  }
0x267: {  	v36 =	vmul.f32 v35, v4;
	v14 =	vadd.f32 v16, v14;
	_ =	sdelay $0x1  }
0x268: {  	v14 =	vadd.f32 v36, v14;
	_ =	sdelay $0x1  }
0x269: {  	v37 =	vld [tilespmem:s25+$0xF460];
	[tilespmem:s25+$0x16C50] =	vst v14  }
0x26a: {  	v14 =	vld [tilespmem:s7+$0x60];
	_ =	sdelay $0x1  }
0x26b: {  	v38 =	vld [tilespmem:s6+$0x60];
	_ =	sdelay $0x1  }
0x26c: {  	v39 =	vld [tilespmem:s9+$0x60]  }
0x26d: {  	v15 =	vmul.f32 v37, v5;
	v14 =	vmul.f32 v14, v6;
	_ =	sdelay $0x1  }
0x26e: {  	v16 =	vmul.f32 v38, v3;
	v14 =	vadd.f32 v14, v15;
	_ =	sdelay $0x1  }
0x26f: {  	v40 =	vmul.f32 v39, v4;
	v14 =	vadd.f32 v16, v14;
	_ =	sdelay $0x1  }
0x270: {  	v12 =	vld [tilespmem:s25+$0x11000];
	v14 =	vadd.f32 v40, v14  }
0x271: {  	v13 =	vld [tilespmem:s25+$0xF800]  }
0x272: {  	v43 =	vld [tilespmem:s25+$0xF470];
	[tilespmem:s25+$0x16C60] =	vst v14  }
0x273: {  	v14 =	vld [tilespmem:s7+$0x70]  }
0x274: {  	v42 =	vld [tilespmem:s25+$0x12800]  }
0x275: {  	v44 =	vld [tilespmem:s6+$0x70]  }
0x276: {  	v41 =	vld [tilespmem:s25+$0x14000]  }
0x277: {  	v12 =	vmul.f32 v12, v6;
	v13 =	vmul.f32 v13, v5;
	v46 =	vld [tilespmem:s9+$0x70]  }
0x278: {  	v15 =	vmul.f32 v43, v5;
	v14 =	vmul.f32 v14, v6  }
0x279: {  	v12 =	vadd.f32 v12, v13;
	v45 =	vmul.f32 v42, v3  }
0x27a: {  	v47 =	vmul.f32 v44, v3;
	v14 =	vadd.f32 v14, v15  }
0x27b: {  	v12 =	vadd.f32 v45, v12;
	v16 =	vmul.f32 v41, v4  }
0x27c: {  	v48 =	vmul.f32 v46, v4;
	v13 =	vadd.f32 v47, v14  }
0x27d: {  	v12 =	vadd.f32 v16, v12  }
0x27e: {  	v49 =	vld [tilespmem:s25+$0xF810];
	v13 =	vadd.f32 v48, v13  }
0x27f: {  	v50 =	vld [tilespmem:s25+$0x11010];
	[tilespmem:s25+$0x17000] =	vst v12  }
0x280: {  	s6 =	sadd.s32 $0x12800, s25;
	[tilespmem:s25+$0x16C70] =	vst v13  }
0x281: {  	v13 =	vld [tilespmem:s6+$0x10];
	_ =	sdelay $0x1  }
0x282: {  	v51 =	vld [tilespmem:s25+$0x14010]  }
0x283: {  	v12 =	vmul.f32 v49, v5;
	v14 =	vmul.f32 v50, v6;
	_ =	sdelay $0x1  }
0x284: {  	v12 =	vadd.f32 v14, v12;
	v13 =	vmul.f32 v13, v3;
	_ =	sdelay $0x1  }
0x285: {  	v52 =	vmul.f32 v51, v4;
	v12 =	vadd.f32 v13, v12;
	_ =	sdelay $0x1  }
0x286: {  	v53 =	vld [tilespmem:s25+$0xF820];
	v12 =	vadd.f32 v52, v12  }
0x287: {  	v54 =	vld [tilespmem:s25+$0x11020]  }
0x288: {  	[tilespmem:s25+$0x17010] =	vst v12  }
0x289: {  	v12 =	vld [tilespmem:s6+$0x20];
	_ =	sdelay $0x1  }
0x28a: {  	v55 =	vld [tilespmem:s25+$0x14020]  }
0x28b: {  	v14 =	vmul.f32 v54, v6;
	v13 =	vmul.f32 v53, v5;
	_ =	sdelay $0x1  }
0x28c: {  	v13 =	vadd.f32 v14, v13;
	v12 =	vmul.f32 v12, v3;
	_ =	sdelay $0x1  }
0x28d: {  	v56 =	vmul.f32 v55, v4;
	v12 =	vadd.f32 v12, v13;
	_ =	sdelay $0x1  }
0x28e: {  	v11 =	vld [tilespmem:s25+$0x11030];
	v12 =	vadd.f32 v56, v12  }
0x28f: {  	v57 =	vld [tilespmem:s25+$0xF830]  }
0x290: {  	[tilespmem:s25+$0x17020] =	vst v12  }
0x291: {  	v12 =	vld [tilespmem:s6+$0x30];
	_ =	sdelay $0x1  }
0x292: {  	v58 =	vld [tilespmem:s25+$0x14030]  }
0x293: {  	v11 =	vmul.f32 v11, v6;
	v13 =	vmul.f32 v57, v5;
	_ =	sdelay $0x1  }
0x294: {  	v11 =	vadd.f32 v11, v13;
	v12 =	vmul.f32 v12, v3;
	_ =	sdelay $0x1  }
0x295: {  	v59 =	vmul.f32 v58, v4;
	v11 =	vadd.f32 v12, v11;
	_ =	sdelay $0x1  }
0x296: {  	v10 =	vld [tilespmem:s25+$0x11040];
	v11 =	vadd.f32 v59, v11  }
0x297: {  	v60 =	vld [tilespmem:s25+$0xF840]  }
0x298: {  	[tilespmem:s25+$0x17030] =	vst v11  }
0x299: {  	v11 =	vld [tilespmem:s6+$0x40];
	_ =	sdelay $0x1  }
0x29a: {  	v61 =	vld [tilespmem:s25+$0x14040]  }
0x29b: {  	v10 =	vmul.f32 v10, v6;
	v12 =	vmul.f32 v60, v5;
	_ =	sdelay $0x1  }
0x29c: {  	v10 =	vadd.f32 v10, v12;
	v11 =	vmul.f32 v11, v3;
	_ =	sdelay $0x1  }
0x29d: {  	v62 =	vmul.f32 v61, v4;
	v10 =	vadd.f32 v11, v10;
	_ =	sdelay $0x1  }
0x29e: {  	v9 =	vld [tilespmem:s25+$0x11050];
	v10 =	vadd.f32 v62, v10  }
0x29f: {  	v11 =	vld [tilespmem:s25+$0xF850]  }
0x2a0: {  	[tilespmem:s25+$0x17040] =	vst v10  }
0x2a1: {  	v10 =	vld [tilespmem:s6+$0x50];
	_ =	sdelay $0x1  }
0x2a2: {  	v63 =	vld [tilespmem:s25+$0x14050]  }
0x2a3: {  	v9 =	vmul.f32 v9, v6;
	v11 =	vmul.f32 v11, v5;
	_ =	sdelay $0x1  }
0x2a4: {  	v9 =	vadd.f32 v9, v11;
	v10 =	vmul.f32 v10, v3;
	_ =	sdelay $0x1  }
0x2a5: {  	v11 =	vmul.f32 v63, v4;
	v9 =	vadd.f32 v10, v9  }
0x2a6: {  	v7 =	vld [tilespmem:s25+$0x11070]  }
0x2a7: {  	v8 =	vld [tilespmem:s25+$0x11060];
	v9 =	vadd.f32 v11, v9  }
0x2a8: {  	v10 =	vld [tilespmem:s25+$0xF860]  }
0x2a9: {  	v11 =	vld [tilespmem:s25+$0x14060];
	[tilespmem:s25+$0x17050] =	vst v9  }
0x2aa: {  	v9 =	vld [tilespmem:s6+$0x60];
	_ =	sdelay $0x2  }
0x2ab: {  	s29 =	simm.s32 $0x19080;
	s28 =	simm.s32 $0x19880;
	s10 =	simm.s32 $0x80;
	v8 =	vmul.f32 v8, v6;
	v10 =	vmul.f32 v10, v5  }
0x2ac: {  	s30 =	simm.s32 $0x18880;
	s11 =	simm.s32 $0x0;
	s31 =	sand.u32 $0x380, s10;
	v6 =	vmul.f32 v7, v6  }
0x2ad: {  	s1 =	simm.s32 $0x100;
	s9 =	simm.s32 $0x2;
	s7 =	smul.u32 $0xC00, s11;
	v7 =	vadd.f32 v8, v10;
	v8 =	vmul.f32 v11, v4;
	v9 =	vmul.f32 v9, v3  }
.LBB2_7:
0x2ae: {  	s10 =	sand.u32 $0x380, s1  }
0x2af: {  	v7 =	vadd.f32 v9, v7;
	s26 =	sadd.s32 $0x80, s26;
	s11 =	smov.u32 s9;
	s0 =	sadd.s32 $0x1, s9  }
0x2b0: {  	p1 =	sne.s32 s9, $0xF;
	s7 =	sor.u32 s31, s7;
	s31 =	smov.u32 s10  }
0x2b1: {  	v7 =	vadd.f32 v8, v7;
	v8 =	vld [tilespmem:s25+$0xF870];
	_ =	sdelay $0x1  }
0x2b2: {  	[tilespmem:s25+$0x17060] =	vst v7;
	v7 =	vld [tilespmem:s25+$0x14070]  }
0x2b3: {  	v9 =	vld [tilespmem:s6+$0x70]  }
0x2b4: {  	v11 =	vld [tilespmem:s7+$0x12400]  }
0x2b5: {  	v12 =	vld [tilespmem:s7+$0x11000];
	v5 =	vmul.f32 v8, v5  }
0x2b6: {  	v8 =	vld [tilespmem:s7+$0x12000]  }
0x2b7: {  	v13 =	vld [tilespmem:s7+$0xF400];
	v5 =	vadd.f32 v6, v5  }
0x2b8: {  	v6 =	vld [tilespmem:s7+$0xF000];
	v3 =	vmul.f32 v9, v3  }
0x2b9: {  	v4 =	vmul.f32 v7, v4;
	v9 =	vld [tilespmem:s7+$0x10800]  }
0x2ba: {  	v3 =	vadd.f32 v3, v5  }
0x2bb: {  	v14 =	vld [tilespmem:s7+$0x11070]  }
0x2bc: {  	v7 =	vld [tilespmem:s7+$0x11050];
	v3 =	vadd.f32 v4, v3  }
0x2bd: {  	v15 =	vld [tilespmem:s7+$0xF800]  }
0x2be: {  	v16 =	vld [tilespmem:s7+$0x10C00];
	[tilespmem:s25+$0x17070] =	vst v3;
	s25 =	smov.u32 s7  }
0x2bf: {  	v5 =	vld [tilespmem:s26+$0x0]  }
0x2c0: {  	s6 =	sadd.s32 $0x10800, s25;
	v10 =	vld [tilespmem:s30+$0x0]  }
0x2c1: {  	v3 =	vld [tilespmem:s29+$0x0]  }
0x2c2: {  	v17 =	vld [tilespmem:s25+$0x13800]  }
0x2c3: {  	v4 =	vld [tilespmem:s28+$0x0]  }
0x2c4: {  	s7 =	sadd.s32 $0x13800, s25;
	v6 =	vmul.f32 v6, v5;
	v13 =	vmul.f32 v13, v5;
	v18 =	vld [tilespmem:s25+$0x11030]  }
0x2c5: {  	v9 =	vmul.f32 v9, v10;
	v16 =	vmul.f32 v16, v10;
	v19 =	vld [tilespmem:s25+$0x11040]  }
0x2c6: {  	v8 =	vmul.f32 v8, v3;
	v11 =	vmul.f32 v11, v3;
	v20 =	vld [tilespmem:s25+$0x11060]  }
0x2c7: {  	v12 =	vmul.f32 v12, v10;
	v6 =	vadd.f32 v9, v6;
	v9 =	vadd.f32 v16, v13  }
0x2c8: {  	v15 =	vmul.f32 v15, v5;
	v16 =	vmul.f32 v17, v4  }
0x2c9: {  	v6 =	vadd.f32 v8, v6;
	v13 =	vadd.f32 v11, v9;
	v11 =	vmul.f32 v18, v10  }
0x2ca: {  	v12 =	vadd.f32 v12, v15;
	v8 =	vmul.f32 v7, v10;
	v9 =	vmul.f32 v19, v10  }
0x2cb: {  	v15 =	vadd.f32 v16, v6;
	v7 =	vmul.f32 v20, v10;
	v6 =	vmul.f32 v14, v10;
	_ =	sdelay $0x1  }
0x2cc: {  	[tilespmem:s25+$0x16800] =	vst v15;
	v14 =	vld [tilespmem:s25+$0xF010]  }
0x2cd: {  	v15 =	vld [tilespmem:s6+$0x10]  }
0x2ce: {  	v16 =	vld [tilespmem:s25+$0x12010];
	_ =	sdelay $0x1  }
0x2cf: {  	v17 =	vld [tilespmem:s7+$0x10]  }
0x2d0: {  	v14 =	vmul.f32 v14, v5  }
0x2d1: {  	v15 =	vmul.f32 v15, v10  }
0x2d2: {  	v16 =	vmul.f32 v16, v3  }
0x2d3: {  	v14 =	vadd.f32 v15, v14  }
0x2d4: {  	v15 =	vmul.f32 v17, v4  }
0x2d5: {  	v14 =	vadd.f32 v16, v14;
	_ =	sdelay $0x1  }
0x2d6: {  	v14 =	vadd.f32 v15, v14;
	_ =	sdelay $0x1  }
0x2d7: {  	[tilespmem:s25+$0x16810] =	vst v14;
	v14 =	vld [tilespmem:s25+$0xF020]  }
0x2d8: {  	v15 =	vld [tilespmem:s6+$0x20]  }
0x2d9: {  	v16 =	vld [tilespmem:s25+$0x12020];
	_ =	sdelay $0x1  }
0x2da: {  	v17 =	vld [tilespmem:s7+$0x20]  }
0x2db: {  	v14 =	vmul.f32 v14, v5  }
0x2dc: {  	v15 =	vmul.f32 v15, v10  }
0x2dd: {  	v16 =	vmul.f32 v16, v3  }
0x2de: {  	v14 =	vadd.f32 v15, v14  }
0x2df: {  	v15 =	vmul.f32 v17, v4  }
0x2e0: {  	v14 =	vadd.f32 v16, v14;
	_ =	sdelay $0x1  }
0x2e1: {  	v14 =	vadd.f32 v15, v14;
	_ =	sdelay $0x1  }
0x2e2: {  	[tilespmem:s25+$0x16820] =	vst v14;
	v14 =	vld [tilespmem:s25+$0xF030]  }
0x2e3: {  	v15 =	vld [tilespmem:s6+$0x30]  }
0x2e4: {  	v16 =	vld [tilespmem:s25+$0x12030];
	_ =	sdelay $0x1  }
0x2e5: {  	v17 =	vld [tilespmem:s7+$0x30]  }
0x2e6: {  	v14 =	vmul.f32 v14, v5  }
0x2e7: {  	v15 =	vmul.f32 v15, v10  }
0x2e8: {  	v16 =	vmul.f32 v16, v3  }
0x2e9: {  	v14 =	vadd.f32 v15, v14  }
0x2ea: {  	v15 =	vmul.f32 v17, v4  }
0x2eb: {  	v14 =	vadd.f32 v16, v14;
	_ =	sdelay $0x1  }
0x2ec: {  	v14 =	vadd.f32 v15, v14;
	_ =	sdelay $0x1  }
0x2ed: {  	[tilespmem:s25+$0x16830] =	vst v14;
	v14 =	vld [tilespmem:s25+$0xF040]  }
0x2ee: {  	v15 =	vld [tilespmem:s6+$0x40]  }
0x2ef: {  	v16 =	vld [tilespmem:s25+$0x12040];
	_ =	sdelay $0x1  }
0x2f0: {  	v17 =	vld [tilespmem:s7+$0x40]  }
0x2f1: {  	v14 =	vmul.f32 v14, v5  }
0x2f2: {  	v15 =	vmul.f32 v15, v10  }
0x2f3: {  	v16 =	vmul.f32 v16, v3  }
0x2f4: {  	v14 =	vadd.f32 v15, v14  }
0x2f5: {  	v15 =	vmul.f32 v17, v4  }
0x2f6: {  	v14 =	vadd.f32 v16, v14;
	_ =	sdelay $0x1  }
0x2f7: {  	v14 =	vadd.f32 v15, v14;
	_ =	sdelay $0x1  }
0x2f8: {  	[tilespmem:s25+$0x16840] =	vst v14;
	v14 =	vld [tilespmem:s25+$0xF050]  }
0x2f9: {  	v15 =	vld [tilespmem:s6+$0x50]  }
0x2fa: {  	v16 =	vld [tilespmem:s25+$0x12050];
	_ =	sdelay $0x1  }
0x2fb: {  	v17 =	vld [tilespmem:s7+$0x50]  }
0x2fc: {  	v14 =	vmul.f32 v14, v5  }
0x2fd: {  	v15 =	vmul.f32 v15, v10  }
0x2fe: {  	v16 =	vmul.f32 v16, v3  }
0x2ff: {  	v14 =	vadd.f32 v15, v14  }
0x300: {  	v15 =	vmul.f32 v17, v4  }
0x301: {  	v14 =	vadd.f32 v16, v14;
	_ =	sdelay $0x1  }
0x302: {  	v14 =	vadd.f32 v15, v14;
	_ =	sdelay $0x1  }
0x303: {  	[tilespmem:s25+$0x16850] =	vst v14;
	v14 =	vld [tilespmem:s25+$0xF060]  }
0x304: {  	v15 =	vld [tilespmem:s6+$0x60]  }
0x305: {  	v16 =	vld [tilespmem:s25+$0x12060];
	_ =	sdelay $0x1  }
0x306: {  	v17 =	vld [tilespmem:s7+$0x60]  }
0x307: {  	v14 =	vmul.f32 v14, v5;
	v18 =	vld [tilespmem:s25+$0xF070]  }
0x308: {  	v15 =	vmul.f32 v15, v10  }
0x309: {  	v16 =	vmul.f32 v16, v3  }
0x30a: {  	v14 =	vadd.f32 v15, v14  }
0x30b: {  	v15 =	vmul.f32 v17, v4  }
0x30c: {  	v14 =	vadd.f32 v16, v14;
	v16 =	vmul.f32 v18, v5;
	_ =	sdelay $0x1  }
0x30d: {  	v14 =	vadd.f32 v15, v14;
	_ =	sdelay $0x1  }
0x30e: {  	[tilespmem:s25+$0x16860] =	vst v14  }
0x30f: {  	v14 =	vld [tilespmem:s6+$0x70]  }
0x310: {  	v15 =	vld [tilespmem:s25+$0x12070]  }
0x311: {  	v17 =	vld [tilespmem:s25+$0x13C00]  }
0x312: {  	s6 =	sadd.s32 $0x10C00, s25;
	v18 =	vld [tilespmem:s7+$0x70]  }
0x313: {  	v19 =	vld [tilespmem:s25+$0xF410]  }
0x314: {  	s7 =	sadd.s32 $0x12400, s25;
	v14 =	vmul.f32 v14, v10  }
0x315: {  	v15 =	vmul.f32 v15, v3  }
0x316: {  	s9 =	sadd.s32 $0x13C00, s25;
	v14 =	vadd.f32 v14, v16  }
0x317: {  	v17 =	vmul.f32 v17, v4;
	v16 =	vmul.f32 v18, v4  }
0x318: {  	v14 =	vadd.f32 v15, v14;
	v15 =	vmul.f32 v19, v5  }
0x319: {  	v13 =	vadd.f32 v17, v13  }
0x31a: {  	v14 =	vadd.f32 v16, v14  }
0x31b: {  	[tilespmem:s25+$0x16C00] =	vst v13  }
0x31c: {  	[tilespmem:s25+$0x16870] =	vst v14  }
0x31d: {  	v13 =	vld [tilespmem:s6+$0x10]  }
0x31e: {  	v14 =	vld [tilespmem:s7+$0x10];
	_ =	sdelay $0x1  }
0x31f: {  	v16 =	vld [tilespmem:s9+$0x10]  }
0x320: {  	v17 =	vld [tilespmem:s25+$0xF420]  }
0x321: {  	v13 =	vmul.f32 v13, v10  }
0x322: {  	v14 =	vmul.f32 v14, v3  }
0x323: {  	v13 =	vadd.f32 v13, v15  }
0x324: {  	v15 =	vmul.f32 v16, v4  }
0x325: {  	v13 =	vadd.f32 v14, v13;
	v14 =	vmul.f32 v17, v5;
	_ =	sdelay $0x1  }
0x326: {  	v13 =	vadd.f32 v15, v13;
	_ =	sdelay $0x1  }
0x327: {  	[tilespmem:s25+$0x16C10] =	vst v13  }
0x328: {  	v13 =	vld [tilespmem:s6+$0x20]  }
0x329: {  	v15 =	vld [tilespmem:s7+$0x20];
	_ =	sdelay $0x1  }
0x32a: {  	v16 =	vld [tilespmem:s9+$0x20]  }
0x32b: {  	v17 =	vld [tilespmem:s25+$0xF430]  }
0x32c: {  	v13 =	vmul.f32 v13, v10  }
0x32d: {  	v15 =	vmul.f32 v15, v3  }
0x32e: {  	v13 =	vadd.f32 v13, v14  }
0x32f: {  	v14 =	vmul.f32 v16, v4  }
0x330: {  	v13 =	vadd.f32 v15, v13;
	v15 =	vmul.f32 v17, v5;
	_ =	sdelay $0x1  }
0x331: {  	v13 =	vadd.f32 v14, v13;
	_ =	sdelay $0x1  }
0x332: {  	[tilespmem:s25+$0x16C20] =	vst v13  }
0x333: {  	v13 =	vld [tilespmem:s6+$0x30]  }
0x334: {  	v14 =	vld [tilespmem:s7+$0x30];
	_ =	sdelay $0x1  }
0x335: {  	v16 =	vld [tilespmem:s9+$0x30]  }
0x336: {  	v17 =	vld [tilespmem:s25+$0xF440]  }
0x337: {  	v13 =	vmul.f32 v13, v10  }
0x338: {  	v14 =	vmul.f32 v14, v3  }
0x339: {  	v13 =	vadd.f32 v13, v15  }
0x33a: {  	v15 =	vmul.f32 v16, v4  }
0x33b: {  	v13 =	vadd.f32 v14, v13;
	v14 =	vmul.f32 v17, v5;
	_ =	sdelay $0x1  }
0x33c: {  	v13 =	vadd.f32 v15, v13;
	_ =	sdelay $0x1  }
0x33d: {  	[tilespmem:s25+$0x16C30] =	vst v13  }
0x33e: {  	v13 =	vld [tilespmem:s6+$0x40]  }
0x33f: {  	v15 =	vld [tilespmem:s7+$0x40]  }
0x340: {  	v16 =	vld [tilespmem:s9+$0x40];
	_ =	sdelay $0x1  }
0x341: {  	v17 =	vld [tilespmem:s25+$0xF450]  }
0x342: {  	v13 =	vmul.f32 v13, v10  }
0x343: {  	v15 =	vmul.f32 v15, v3  }
0x344: {  	v13 =	vadd.f32 v13, v14  }
0x345: {  	v14 =	vmul.f32 v16, v4  }
0x346: {  	v13 =	vadd.f32 v15, v13;
	v15 =	vmul.f32 v17, v5;
	_ =	sdelay $0x1  }
0x347: {  	v13 =	vadd.f32 v14, v13;
	_ =	sdelay $0x1  }
0x348: {  	[tilespmem:s25+$0x16C40] =	vst v13  }
0x349: {  	v13 =	vld [tilespmem:s6+$0x50]  }
0x34a: {  	v14 =	vld [tilespmem:s7+$0x50]  }
0x34b: {  	v16 =	vld [tilespmem:s9+$0x50];
	_ =	sdelay $0x2  }
0x34c: {  	v13 =	vmul.f32 v13, v10  }
0x34d: {  	v14 =	vmul.f32 v14, v3  }
0x34e: {  	v13 =	vadd.f32 v13, v15;
	v15 =	vld [tilespmem:s25+$0xF460]  }
0x34f: {  	v16 =	vmul.f32 v16, v4  }
0x350: {  	v13 =	vadd.f32 v14, v13;
	_ =	sdelay $0x1  }
0x351: {  	v13 =	vadd.f32 v16, v13  }
0x352: {  	v14 =	vmul.f32 v15, v5  }
0x353: {  	[tilespmem:s25+$0x16C50] =	vst v13  }
0x354: {  	v13 =	vld [tilespmem:s6+$0x60]  }
0x355: {  	v15 =	vld [tilespmem:s7+$0x60]  }
0x356: {  	v16 =	vld [tilespmem:s25+$0x14000]  }
0x357: {  	v17 =	vld [tilespmem:s9+$0x60];
	_ =	sdelay $0x1  }
0x358: {  	v13 =	vmul.f32 v13, v10  }
0x359: {  	v15 =	vmul.f32 v15, v3;
	v18 =	vld [tilespmem:s25+$0x12800]  }
0x35a: {  	v13 =	vadd.f32 v13, v14;
	v14 =	vld [tilespmem:s25+$0xF470];
	v16 =	vmul.f32 v16, v4  }
0x35b: {  	v17 =	vmul.f32 v17, v4  }
0x35c: {  	v13 =	vadd.f32 v15, v13;
	_ =	sdelay $0x1  }
0x35d: {  	v13 =	vadd.f32 v17, v13;
	v15 =	vmul.f32 v18, v3  }
0x35e: {  	v14 =	vmul.f32 v14, v5  }
0x35f: {  	[tilespmem:s25+$0x16C60] =	vst v13;
	v12 =	vadd.f32 v15, v12  }
0x360: {  	v13 =	vld [tilespmem:s6+$0x70]  }
0x361: {  	v15 =	vld [tilespmem:s7+$0x70];
	v12 =	vadd.f32 v16, v12  }
0x362: {  	v16 =	vld [tilespmem:s9+$0x70]  }
0x363: {  	[tilespmem:s25+$0x17000] =	vst v12;
	_ =	sdelay $0x1  }
0x364: {  	v12 =	vmul.f32 v13, v10;
	v13 =	vld [tilespmem:s25+$0xF810]  }
0x365: {  	s6 =	sadd.s32 $0x12800, s25;
	v15 =	vmul.f32 v15, v3  }
0x366: {  	v12 =	vadd.f32 v12, v14  }
0x367: {  	v14 =	vmul.f32 v16, v4  }
0x368: {  	v12 =	vadd.f32 v15, v12  }
0x369: {  	v13 =	vmul.f32 v13, v5  }
0x36a: {  	v12 =	vadd.f32 v14, v12;
	v14 =	vld [tilespmem:s25+$0x11010];
	_ =	sdelay $0x1  }
0x36b: {  	[tilespmem:s25+$0x16C70] =	vst v12  }
0x36c: {  	v12 =	vld [tilespmem:s6+$0x10]  }
0x36d: {  	v15 =	vld [tilespmem:s25+$0x14010]  }
0x36e: {  	v14 =	vmul.f32 v14, v10  }
0x36f: {  	v16 =	vld [tilespmem:s25+$0xF820]  }
0x370: {  	v13 =	vadd.f32 v14, v13  }
0x371: {  	v12 =	vmul.f32 v12, v3  }
0x372: {  	v14 =	vmul.f32 v15, v4  }
0x373: {  	v12 =	vadd.f32 v12, v13  }
0x374: {  	v13 =	vmul.f32 v16, v5  }
0x375: {  	v12 =	vadd.f32 v14, v12;
	v14 =	vld [tilespmem:s25+$0x11020];
	_ =	sdelay $0x1  }
0x376: {  	[tilespmem:s25+$0x17010] =	vst v12  }
0x377: {  	v12 =	vld [tilespmem:s6+$0x20]  }
0x378: {  	v15 =	vld [tilespmem:s25+$0x14020]  }
0x379: {  	v10 =	vmul.f32 v14, v10;
	_ =	sdelay $0x1  }
0x37a: {  	v10 =	vadd.f32 v10, v13  }
0x37b: {  	v12 =	vmul.f32 v12, v3  }
0x37c: {  	v13 =	vmul.f32 v15, v4  }
0x37d: {  	v10 =	vadd.f32 v12, v10;
	_ =	sdelay $0x1  }
0x37e: {  	v10 =	vadd.f32 v13, v10;
	v12 =	vld [tilespmem:s25+$0xF830];
	_ =	sdelay $0x1  }
0x37f: {  	[tilespmem:s25+$0x17020] =	vst v10  }
0x380: {  	v10 =	vld [tilespmem:s6+$0x30]  }
0x381: {  	v13 =	vld [tilespmem:s25+$0x14030]  }
0x382: {  	v12 =	vmul.f32 v12, v5;
	_ =	sdelay $0x1  }
0x383: {  	v11 =	vadd.f32 v11, v12  }
0x384: {  	v10 =	vmul.f32 v10, v3  }
0x385: {  	v12 =	vmul.f32 v13, v4  }
0x386: {  	v10 =	vadd.f32 v10, v11;
	_ =	sdelay $0x1  }
0x387: {  	v10 =	vadd.f32 v12, v10;
	v11 =	vld [tilespmem:s25+$0xF840];
	_ =	sdelay $0x1  }
0x388: {  	[tilespmem:s25+$0x17030] =	vst v10  }
0x389: {  	v10 =	vld [tilespmem:s6+$0x40]  }
0x38a: {  	v12 =	vld [tilespmem:s25+$0x14040]  }
0x38b: {  	v11 =	vmul.f32 v11, v5;
	_ =	sdelay $0x1  }
0x38c: {  	v9 =	vadd.f32 v9, v11  }
0x38d: {  	v10 =	vmul.f32 v10, v3  }
0x38e: {  	v11 =	vmul.f32 v12, v4  }
0x38f: {  	v9 =	vadd.f32 v10, v9;
	_ =	sdelay $0x1  }
0x390: {  	v9 =	vadd.f32 v11, v9;
	v10 =	vld [tilespmem:s25+$0xF850];
	_ =	sdelay $0x1  }
0x391: {  	[tilespmem:s25+$0x17040] =	vst v9  }
0x392: {  	v9 =	vld [tilespmem:s6+$0x50]  }
0x393: {  	v11 =	vld [tilespmem:s25+$0x14050]  }
0x394: {  	v10 =	vmul.f32 v10, v5;
	_ =	sdelay $0x1  }
0x395: {  	v8 =	vadd.f32 v8, v10  }
0x396: {  	v9 =	vmul.f32 v9, v3  }
0x397: {  	v10 =	vmul.f32 v11, v4  }
0x398: {  	v8 =	vadd.f32 v9, v8;
	_ =	sdelay $0x1  }
0x399: {  	v8 =	vadd.f32 v10, v8;
	v9 =	vld [tilespmem:s25+$0xF860];
	_ =	sdelay $0x1  }
0x39a: {  	[tilespmem:s25+$0x17050] =	vst v8  }
0x39b: {  	v8 =	vld [tilespmem:s6+$0x60]  }
0x39c: {  	v10 =	vld [tilespmem:s25+$0x14060]  }
.Ltmp4:
0x39d: {  	v9 =	vmul.f32 v9, v5;
	(pc) =	sbr.rel @p1 .LBB2_7-.Ltmp4, $4  }
0x39e: {  	_ = 	snop  }
0x39f: {  	s1 =	sadd.s32 $0x80, s1;
	v7 =	vadd.f32 v7, v9  }
0x3a0: {  	s29 =	sadd.s32 $0x80, s29;
	s28 =	sadd.s32 $0x80, s28;
	s7 =	sshrl.u32 s11, $0x3;
	v9 =	vmul.f32 v8, v3  }
0x3a1: {  	s30 =	sadd.s32 $0x80, s30;
	s7 =	smul.u32 $0xC00, s7;
	s9 =	smov.u32 s0;
	v8 =	vmul.f32 v10, v4  }
0x3a2: {  	v7 =	vadd.f32 v9, v7;
	_ =	sdelay $0x1  }
0x3a3: {  	v7 =	vadd.f32 v8, v7  }
0x3a4: {  	v59 =	vld [tilespmem:s25+$0xF870]  }
0x3a5: {  	[tilespmem:s25+$0x17060] =	vst v7  }
0x3a6: {  	v10 =	vld [tilespmem:s6+$0x70]  }
0x3a7: {  	v60 =	vld [tilespmem:s25+$0x14070];
	s0 =	sor.u32 s31, s7  }
0x3a8: {  	v11 =	vld [tilespmem:s0+$0x12400]  }
0x3a9: {  	v9 =	vld [tilespmem:s0+$0x11000];
	v5 =	vmul.f32 v59, v5  }
0x3aa: {  	v12 =	vld [tilespmem:s0+$0x12000]  }
0x3ab: {  	v13 =	vld [tilespmem:s0+$0xF400];
	v5 =	vadd.f32 v6, v5;
	v3 =	vmul.f32 v10, v3  }
0x3ac: {  	v14 =	vld [tilespmem:s0+$0xF000]  }
0x3ad: {  	v15 =	vld [tilespmem:s0+$0x10800];
	v4 =	vmul.f32 v60, v4;
	v5 =	vadd.f32 v3, v5  }
0x3ae: {  	v8 =	vld [tilespmem:s0+$0x11050]  }
0x3af: {  	v16 =	vld [tilespmem:s0+$0x10C00];
	v4 =	vadd.f32 v4, v5  }
0x3b0: {  	v10 =	vld [tilespmem:s0+$0xF800]  }
0x3b1: {  	s1 =	sadd.s32 $0x80, s26;
	v3 =	vld [tilespmem:s0+$0x11070];
	[tilespmem:s25+$0x17070] =	vst v4  }
0x3b2: {  	v4 =	vld [tilespmem:s1+$0x0]  }
0x3b3: {  	v7 =	vld [tilespmem:s30+$0x0];
	_ =	sdelay $0x1  }
0x3b4: {  	v5 =	vld [tilespmem:s29+$0x0]  }
0x3b5: {  	v17 =	vld [tilespmem:s0+$0x13800]  }
0x3b6: {  	v6 =	vld [tilespmem:s28+$0x0]  }
0x3b7: {  	v14 =	vmul.f32 v14, v4;
	v15 =	vmul.f32 v15, v7;
	_ =	sdelay $0x1  }
0x3b8: {  	v12 =	vmul.f32 v12, v5;
	v14 =	vadd.f32 v15, v14;
	_ =	sdelay $0x1  }
0x3b9: {  	v61 =	vmul.f32 v17, v6;
	v12 =	vadd.f32 v12, v14;
	_ =	sdelay $0x1  }
0x3ba: {  	v12 =	vadd.f32 v61, v12;
	_ =	sdelay $0x1  }
0x3bb: {  	s11 =	sadd.s32 $0x10800, s0;
	v62 =	vld [tilespmem:s0+$0xF010];
	[tilespmem:s0+$0x16800] =	vst v12  }
0x3bc: {  	v63 =	vld [tilespmem:s11+$0x10];
	_ =	sdelay $0x1  }
0x3bd: {  	v20 =	vld [tilespmem:s0+$0x12010]  }
0x3be: {  	s25 =	sadd.s32 $0x13800, s0  }
0x3bf: {  	v21 =	vld [tilespmem:s25+$0x10]  }
0x3c0: {  	v12 =	vmul.f32 v62, v4;
	v14 =	vmul.f32 v63, v7;
	_ =	sdelay $0x1  }
0x3c1: {  	v15 =	vmul.f32 v20, v5;
	v12 =	vadd.f32 v14, v12;
	_ =	sdelay $0x1  }
0x3c2: {  	v22 =	vmul.f32 v21, v6;
	v12 =	vadd.f32 v15, v12;
	_ =	sdelay $0x1  }
0x3c3: {  	v12 =	vadd.f32 v22, v12;
	_ =	sdelay $0x1  }
0x3c4: {  	v23 =	vld [tilespmem:s0+$0xF020];
	[tilespmem:s0+$0x16810] =	vst v12  }
0x3c5: {  	v24 =	vld [tilespmem:s11+$0x20];
	_ =	sdelay $0x1  }
0x3c6: {  	v25 =	vld [tilespmem:s0+$0x12020];
	_ =	sdelay $0x1  }
0x3c7: {  	v26 =	vld [tilespmem:s25+$0x20]  }
0x3c8: {  	v12 =	vmul.f32 v23, v4;
	v14 =	vmul.f32 v24, v7;
	_ =	sdelay $0x1  }
0x3c9: {  	v15 =	vmul.f32 v25, v5;
	v12 =	vadd.f32 v14, v12;
	_ =	sdelay $0x1  }
0x3ca: {  	v27 =	vmul.f32 v26, v6;
	v12 =	vadd.f32 v15, v12;
	_ =	sdelay $0x1  }
0x3cb: {  	v12 =	vadd.f32 v27, v12;
	_ =	sdelay $0x1  }
0x3cc: {  	v28 =	vld [tilespmem:s0+$0xF030];
	[tilespmem:s0+$0x16820] =	vst v12  }
0x3cd: {  	v29 =	vld [tilespmem:s11+$0x30];
	_ =	sdelay $0x1  }
0x3ce: {  	v30 =	vld [tilespmem:s0+$0x12030];
	_ =	sdelay $0x1  }
0x3cf: {  	v31 =	vld [tilespmem:s25+$0x30]  }
0x3d0: {  	v12 =	vmul.f32 v28, v4;
	v14 =	vmul.f32 v29, v7;
	_ =	sdelay $0x1  }
0x3d1: {  	v15 =	vmul.f32 v30, v5;
	v12 =	vadd.f32 v14, v12;
	_ =	sdelay $0x1  }
0x3d2: {  	v32 =	vmul.f32 v31, v6;
	v12 =	vadd.f32 v15, v12;
	_ =	sdelay $0x1  }
0x3d3: {  	v12 =	vadd.f32 v32, v12;
	_ =	sdelay $0x1  }
0x3d4: {  	v33 =	vld [tilespmem:s0+$0xF040];
	[tilespmem:s0+$0x16830] =	vst v12  }
0x3d5: {  	v34 =	vld [tilespmem:s11+$0x40];
	_ =	sdelay $0x1  }
0x3d6: {  	v35 =	vld [tilespmem:s0+$0x12040];
	_ =	sdelay $0x1  }
0x3d7: {  	v36 =	vld [tilespmem:s25+$0x40]  }
0x3d8: {  	v12 =	vmul.f32 v33, v4;
	v14 =	vmul.f32 v34, v7;
	_ =	sdelay $0x1  }
0x3d9: {  	v15 =	vmul.f32 v35, v5;
	v12 =	vadd.f32 v14, v12;
	_ =	sdelay $0x1  }
0x3da: {  	v37 =	vmul.f32 v36, v6;
	v12 =	vadd.f32 v15, v12;
	_ =	sdelay $0x1  }
0x3db: {  	v12 =	vadd.f32 v37, v12;
	_ =	sdelay $0x1  }
0x3dc: {  	v38 =	vld [tilespmem:s0+$0xF050];
	[tilespmem:s0+$0x16840] =	vst v12  }
0x3dd: {  	v39 =	vld [tilespmem:s11+$0x50];
	_ =	sdelay $0x1  }
0x3de: {  	v40 =	vld [tilespmem:s0+$0x12050];
	_ =	sdelay $0x1  }
0x3df: {  	v41 =	vld [tilespmem:s25+$0x50]  }
0x3e0: {  	v12 =	vmul.f32 v38, v4;
	v14 =	vmul.f32 v39, v7;
	_ =	sdelay $0x1  }
0x3e1: {  	v15 =	vmul.f32 v40, v5;
	v12 =	vadd.f32 v14, v12;
	_ =	sdelay $0x1  }
0x3e2: {  	v42 =	vmul.f32 v41, v6;
	v12 =	vadd.f32 v15, v12;
	_ =	sdelay $0x1  }
0x3e3: {  	v12 =	vadd.f32 v42, v12;
	_ =	sdelay $0x1  }
0x3e4: {  	v43 =	vld [tilespmem:s0+$0xF060];
	[tilespmem:s0+$0x16850] =	vst v12  }
0x3e5: {  	v44 =	vld [tilespmem:s11+$0x60];
	_ =	sdelay $0x1  }
0x3e6: {  	v45 =	vld [tilespmem:s0+$0x12060];
	_ =	sdelay $0x1  }
0x3e7: {  	v46 =	vld [tilespmem:s25+$0x60]  }
0x3e8: {  	v12 =	vmul.f32 v43, v4;
	v14 =	vmul.f32 v44, v7;
	_ =	sdelay $0x1  }
0x3e9: {  	v15 =	vmul.f32 v45, v5;
	v12 =	vadd.f32 v14, v12;
	_ =	sdelay $0x1  }
0x3ea: {  	v47 =	vmul.f32 v46, v6;
	v12 =	vadd.f32 v15, v12;
	_ =	sdelay $0x1  }
0x3eb: {  	v12 =	vadd.f32 v47, v12;
	_ =	sdelay $0x1  }
0x3ec: {  	v48 =	vld [tilespmem:s0+$0xF070];
	[tilespmem:s0+$0x16860] =	vst v12  }
0x3ed: {  	v12 =	vld [tilespmem:s11+$0x70];
	_ =	sdelay $0x1  }
0x3ee: {  	v49 =	vld [tilespmem:s0+$0x12070]  }
0x3ef: {  	v50 =	vld [tilespmem:s0+$0x13C00]  }
0x3f0: {  	v13 =	vmul.f32 v13, v4;
	v16 =	vmul.f32 v16, v7;
	v18 =	vld [tilespmem:s25+$0x70]  }
0x3f1: {  	v14 =	vmul.f32 v48, v4;
	v12 =	vmul.f32 v12, v7  }
0x3f2: {  	v11 =	vmul.f32 v11, v5;
	v13 =	vadd.f32 v16, v13  }
0x3f3: {  	v15 =	vmul.f32 v49, v5;
	v12 =	vadd.f32 v12, v14  }
0x3f4: {  	v51 =	vmul.f32 v50, v6;
	v11 =	vadd.f32 v11, v13  }
0x3f5: {  	v52 =	vmul.f32 v18, v6;
	v12 =	vadd.f32 v15, v12  }
0x3f6: {  	v11 =	vadd.f32 v51, v11  }
0x3f7: {  	v12 =	vadd.f32 v52, v12  }
0x3f8: {  	[tilespmem:s0+$0x16C00] =	vst v11  }
0x3f9: {  	s26 =	sadd.s32 $0x10C00, s0;
	v53 =	vld [tilespmem:s0+$0xF410];
	[tilespmem:s0+$0x16870] =	vst v12  }
0x3fa: {  	v12 =	vld [tilespmem:s26+$0x10]  }
0x3fb: {  	s7 =	sadd.s32 $0x12400, s0  }
0x3fc: {  	v54 =	vld [tilespmem:s7+$0x10]  }
0x3fd: {  	s28 =	sadd.s32 $0x13C00, s0  }
0x3fe: {  	v55 =	vld [tilespmem:s28+$0x10]  }
0x3ff: {  	v11 =	vmul.f32 v53, v4;
	v12 =	vmul.f32 v12, v7;
	_ =	sdelay $0x1  }
0x400: {  	v13 =	vmul.f32 v54, v5;
	v11 =	vadd.f32 v12, v11;
	_ =	sdelay $0x1  }
0x401: {  	v56 =	vmul.f32 v55, v6;
	v11 =	vadd.f32 v13, v11;
	_ =	sdelay $0x1  }
0x402: {  	v11 =	vadd.f32 v56, v11;
	_ =	sdelay $0x1  }
0x403: {  	v57 =	vld [tilespmem:s0+$0xF420];
	[tilespmem:s0+$0x16C10] =	vst v11  }
0x404: {  	v11 =	vld [tilespmem:s26+$0x20];
	_ =	sdelay $0x1  }
0x405: {  	v58 =	vld [tilespmem:s7+$0x20];
	_ =	sdelay $0x1  }
0x406: {  	v59 =	vld [tilespmem:s28+$0x20]  }
0x407: {  	v12 =	vmul.f32 v57, v4;
	v11 =	vmul.f32 v11, v7;
	_ =	sdelay $0x1  }
0x408: {  	v13 =	vmul.f32 v58, v5;
	v11 =	vadd.f32 v11, v12;
	_ =	sdelay $0x1  }
0x409: {  	v60 =	vmul.f32 v59, v6;
	v11 =	vadd.f32 v13, v11;
	_ =	sdelay $0x1  }
0x40a: {  	v11 =	vadd.f32 v60, v11;
	_ =	sdelay $0x1  }
0x40b: {  	v61 =	vld [tilespmem:s0+$0xF430];
	[tilespmem:s0+$0x16C20] =	vst v11  }
0x40c: {  	v11 =	vld [tilespmem:s26+$0x30];
	_ =	sdelay $0x1  }
0x40d: {  	v62 =	vld [tilespmem:s7+$0x30];
	_ =	sdelay $0x1  }
0x40e: {  	v63 =	vld [tilespmem:s28+$0x30]  }
0x40f: {  	v12 =	vmul.f32 v61, v4;
	v11 =	vmul.f32 v11, v7;
	_ =	sdelay $0x1  }
0x410: {  	v13 =	vmul.f32 v62, v5;
	v11 =	vadd.f32 v11, v12;
	_ =	sdelay $0x1  }
0x411: {  	v16 =	vmul.f32 v63, v6;
	v11 =	vadd.f32 v13, v11;
	_ =	sdelay $0x1  }
0x412: {  	v11 =	vadd.f32 v16, v11;
	_ =	sdelay $0x1  }
0x413: {  	v17 =	vld [tilespmem:s0+$0xF440];
	[tilespmem:s0+$0x16C30] =	vst v11  }
0x414: {  	v11 =	vld [tilespmem:s26+$0x40];
	_ =	sdelay $0x1  }
0x415: {  	v18 =	vld [tilespmem:s7+$0x40];
	_ =	sdelay $0x1  }
0x416: {  	v19 =	vld [tilespmem:s28+$0x40]  }
0x417: {  	v12 =	vmul.f32 v17, v4;
	v11 =	vmul.f32 v11, v7;
	_ =	sdelay $0x1  }
0x418: {  	v13 =	vmul.f32 v18, v5;
	v11 =	vadd.f32 v11, v12;
	_ =	sdelay $0x1  }
0x419: {  	v20 =	vmul.f32 v19, v6;
	v11 =	vadd.f32 v13, v11;
	_ =	sdelay $0x1  }
0x41a: {  	v11 =	vadd.f32 v20, v11;
	_ =	sdelay $0x1  }
0x41b: {  	v21 =	vld [tilespmem:s0+$0xF450];
	[tilespmem:s0+$0x16C40] =	vst v11  }
0x41c: {  	v11 =	vld [tilespmem:s26+$0x50];
	_ =	sdelay $0x1  }
0x41d: {  	v22 =	vld [tilespmem:s7+$0x50];
	_ =	sdelay $0x1  }
0x41e: {  	v23 =	vld [tilespmem:s28+$0x50]  }
0x41f: {  	v12 =	vmul.f32 v21, v4;
	v11 =	vmul.f32 v11, v7;
	_ =	sdelay $0x1  }
0x420: {  	v13 =	vmul.f32 v22, v5;
	v11 =	vadd.f32 v11, v12;
	_ =	sdelay $0x1  }
0x421: {  	v24 =	vmul.f32 v23, v6;
	v11 =	vadd.f32 v13, v11;
	_ =	sdelay $0x1  }
0x422: {  	v11 =	vadd.f32 v24, v11;
	_ =	sdelay $0x1  }
0x423: {  	v25 =	vld [tilespmem:s0+$0xF460];
	[tilespmem:s0+$0x16C50] =	vst v11  }
0x424: {  	v11 =	vld [tilespmem:s26+$0x60];
	_ =	sdelay $0x1  }
0x425: {  	v26 =	vld [tilespmem:s7+$0x60];
	_ =	sdelay $0x1  }
0x426: {  	v27 =	vld [tilespmem:s28+$0x60]  }
0x427: {  	v12 =	vmul.f32 v25, v4;
	v11 =	vmul.f32 v11, v7;
	_ =	sdelay $0x1  }
0x428: {  	v13 =	vmul.f32 v26, v5;
	v11 =	vadd.f32 v11, v12;
	_ =	sdelay $0x1  }
0x429: {  	v28 =	vmul.f32 v27, v6;
	v11 =	vadd.f32 v13, v11;
	_ =	sdelay $0x1  }
0x42a: {  	v11 =	vadd.f32 v28, v11;
	_ =	sdelay $0x1  }
0x42b: {  	v29 =	vld [tilespmem:s0+$0xF470];
	[tilespmem:s0+$0x16C60] =	vst v11  }
0x42c: {  	v11 =	vld [tilespmem:s26+$0x70]  }
0x42d: {  	v30 =	vld [tilespmem:s0+$0x12800]  }
0x42e: {  	v31 =	vld [tilespmem:s7+$0x70]  }
0x42f: {  	v32 =	vld [tilespmem:s0+$0x14000]  }
0x430: {  	v9 =	vmul.f32 v9, v7;
	v10 =	vmul.f32 v10, v4;
	v33 =	vld [tilespmem:s28+$0x70]  }
0x431: {  	v12 =	vmul.f32 v29, v4;
	v11 =	vmul.f32 v11, v7  }
0x432: {  	v9 =	vadd.f32 v9, v10;
	v34 =	vmul.f32 v30, v5  }
0x433: {  	v35 =	vmul.f32 v31, v5;
	v11 =	vadd.f32 v11, v12  }
0x434: {  	v36 =	vmul.f32 v32, v6;
	v9 =	vadd.f32 v34, v9  }
0x435: {  	v37 =	vmul.f32 v33, v6;
	v11 =	vadd.f32 v35, v11  }
0x436: {  	v9 =	vadd.f32 v36, v9  }
0x437: {  	v38 =	vld [tilespmem:s0+$0xF810];
	v10 =	vadd.f32 v37, v11  }
0x438: {  	v39 =	vld [tilespmem:s0+$0x11010];
	[tilespmem:s0+$0x17000] =	vst v9  }
0x439: {  	s29 =	sadd.s32 $0x12800, s0;
	[tilespmem:s0+$0x16C70] =	vst v10  }
0x43a: {  	v10 =	vld [tilespmem:s29+$0x10];
	_ =	sdelay $0x1  }
0x43b: {  	v40 =	vld [tilespmem:s0+$0x14010]  }
0x43c: {  	v9 =	vmul.f32 v39, v7;
	v12 =	vmul.f32 v38, v4;
	_ =	sdelay $0x1  }
0x43d: {  	v9 =	vadd.f32 v9, v12;
	v10 =	vmul.f32 v10, v5;
	_ =	sdelay $0x1  }
0x43e: {  	v11 =	vmul.f32 v40, v6;
	v9 =	vadd.f32 v10, v9;
	_ =	sdelay $0x1  }
0x43f: {  	v41 =	vld [tilespmem:s0+$0xF820];
	v9 =	vadd.f32 v11, v9  }
0x440: {  	v42 =	vld [tilespmem:s0+$0x11020]  }
0x441: {  	[tilespmem:s0+$0x17010] =	vst v9  }
0x442: {  	v9 =	vld [tilespmem:s29+$0x20];
	_ =	sdelay $0x1  }
0x443: {  	v43 =	vld [tilespmem:s0+$0x14020]  }
0x444: {  	v10 =	vmul.f32 v41, v4;
	v11 =	vmul.f32 v42, v7;
	_ =	sdelay $0x1  }
0x445: {  	v10 =	vadd.f32 v11, v10;
	v9 =	vmul.f32 v9, v5;
	_ =	sdelay $0x1  }
0x446: {  	v44 =	vmul.f32 v43, v6;
	v9 =	vadd.f32 v9, v10;
	_ =	sdelay $0x1  }
0x447: {  	v45 =	vld [tilespmem:s0+$0x11030];
	v9 =	vadd.f32 v44, v9  }
0x448: {  	v46 =	vld [tilespmem:s0+$0xF830]  }
0x449: {  	[tilespmem:s0+$0x17020] =	vst v9  }
0x44a: {  	v9 =	vld [tilespmem:s29+$0x30];
	_ =	sdelay $0x1  }
0x44b: {  	v47 =	vld [tilespmem:s0+$0x14030]  }
0x44c: {  	v11 =	vmul.f32 v46, v4;
	v10 =	vmul.f32 v45, v7;
	_ =	sdelay $0x1  }
0x44d: {  	v10 =	vadd.f32 v10, v11;
	v9 =	vmul.f32 v9, v5;
	_ =	sdelay $0x1  }
0x44e: {  	v48 =	vmul.f32 v47, v6;
	v9 =	vadd.f32 v9, v10;
	_ =	sdelay $0x1  }
0x44f: {  	v50 =	vld [tilespmem:s0+$0xF840];
	v9 =	vadd.f32 v48, v9  }
0x450: {  	v49 =	vld [tilespmem:s0+$0x11040]  }
0x451: {  	[tilespmem:s0+$0x17030] =	vst v9  }
0x452: {  	v9 =	vld [tilespmem:s29+$0x40];
	_ =	sdelay $0x1  }
0x453: {  	v51 =	vld [tilespmem:s0+$0x14040]  }
0x454: {  	v11 =	vmul.f32 v50, v4;
	v10 =	vmul.f32 v49, v7;
	_ =	sdelay $0x1  }
0x455: {  	v10 =	vadd.f32 v10, v11;
	v9 =	vmul.f32 v9, v5;
	_ =	sdelay $0x1  }
0x456: {  	v52 =	vmul.f32 v51, v6;
	v9 =	vadd.f32 v9, v10;
	_ =	sdelay $0x1  }
0x457: {  	v9 =	vadd.f32 v52, v9  }
0x458: {  	v53 =	vld [tilespmem:s0+$0xF850]  }
0x459: {  	[tilespmem:s0+$0x17040] =	vst v9  }
0x45a: {  	v9 =	vld [tilespmem:s29+$0x50];
	_ =	sdelay $0x1  }
0x45b: {  	v54 =	vld [tilespmem:s0+$0x14050]  }
0x45c: {  	v8 =	vmul.f32 v8, v7;
	v10 =	vmul.f32 v53, v4;
	_ =	sdelay $0x1  }
0x45d: {  	v8 =	vadd.f32 v8, v10;
	v9 =	vmul.f32 v9, v5;
	_ =	sdelay $0x1  }
0x45e: {  	v55 =	vmul.f32 v54, v6;
	v8 =	vadd.f32 v9, v8;
	_ =	sdelay $0x1  }
0x45f: {  	v57 =	vld [tilespmem:s0+$0xF860];
	v8 =	vadd.f32 v55, v8  }
0x460: {  	v56 =	vld [tilespmem:s0+$0x11060]  }
0x461: {  	[tilespmem:s0+$0x17050] =	vst v8  }
0x462: {  	v8 =	vld [tilespmem:s29+$0x60];
	_ =	sdelay $0x1  }
0x463: {  	v58 =	vld [tilespmem:s0+$0x14060]  }
0x464: {  	v10 =	vmul.f32 v57, v4;
	v9 =	vmul.f32 v56, v7;
	_ =	sdelay $0x1  }
0x465: {  	v9 =	vadd.f32 v9, v10;
	v8 =	vmul.f32 v8, v5;
	_ =	sdelay $0x1  }
0x466: {  	v59 =	vmul.f32 v58, v6;
	v8 =	vadd.f32 v8, v9;
	_ =	sdelay $0x1  }
0x467: {  	v8 =	vadd.f32 v59, v8  }
0x468: {  	v60 =	vld [tilespmem:s0+$0xF870]  }
0x469: {  	[tilespmem:s0+$0x17060] =	vst v8  }
0x46a: {  	v8 =	vld [tilespmem:s29+$0x70];
	_ =	sdelay $0x1  }
0x46b: {  	v61 =	vld [tilespmem:s0+$0x14070]  }
0x46c: {  	v3 =	vmul.f32 v3, v7;
	v4 =	vmul.f32 v60, v4;
	_ =	sdelay $0x1  }
0x46d: {  	v3 =	vadd.f32 v3, v4;
	v62 =	vmul.f32 v8, v5  }
0x46e: {  	s30 =	sshll.u32 s24, $0x4  }
0x46f: {  	s1 =	sadd.s32 s5, s30;
	v63 =	vmul.f32 v61, v6;
	v3 =	vadd.f32 v62, v3  }
.Ltmp5:
0x470: {  	s1 =	sshrl.u32 s1, $0x3;
	(pc) =	sbr.rel @p0 .LBB2_10-.Ltmp5, $3  }
0x471: {  	s1 =	smul.u32 $0x180, s1;
	v3 =	vadd.f32 v63, v3;
	_ =	sdelay $0x1  }
0x472: {  	s31 =	sadd.s32 s4, s1;
	[tilespmem:s0+$0x17070] =	vst v3  }
0x473: {  	[hbm4b:s31+s3] =	stream.linear.scatter [tilespmem:s21], [sflag:$0x4], $0x1800, $0x38;
	[tilespmem:$0x1A000] =	vst v63  }
0x474: {  	v3 =	vld [tilespmem:s23+$0xC0];
	_ =	sdelay $0x4  }
0x475: {  	v4 =	vshrl.u32 v3, $0x3  }
0x476: {  	v4 =	vmul.u32 $0x18, v4  }
0x477: {  	v3 =	vand.u32 $0x7, v3  }
0x478: {  	v3 =	vor.u32 v3, v4  }
0x479: {  	v4 =	vperm.xlane v3, v0;
	_ =	sdelay $0x1  }
0x47a: {  	v4 =	vadd.s32 v1, v4;
	_ =	sdelay $0x1  }
0x47b: {  	v3 =	vperm.xlane v3, v2;
	_ =	sdelay $0x1  }
0x47c: {  	s0 =	simm.s32 $0xF000;
	v3 =	vadd.s32 v1, v3  }
0x47d: {  	[tilespmem:s0], [sflag:$0x2] =	stream.indirect_vreg.gather [hbm4b:s2+s3], $0x80, v4, vm0, $0xb8;
	[tilespmem:$0x1A000] =	vst v63  }
0x47e: {  	s10 =	simm.s32 $0xF800  }
0x47f: {  	[tilespmem:s10], [sflag:$0x2] =	stream.indirect_vreg.gather [hbm4b:s8+s3], $0x80, v4, vm1, $0xb8;
	[tilespmem:$0x1A000] =	vst v63  }
0x480: {  	s11 =	simm.s32 $0xFC00  }
0x481: {  	[tilespmem:s11], [sflag:$0x2] =	stream.indirect_vreg.gather [hbm4b:s2+s3], $0x80, v3, vm0, $0xb8;
	[tilespmem:$0x1A000] =	vst v63  }
0x482: {  	s24 =	simm.s32 $0x10400  }
0x483: {  	[tilespmem:s24], [sflag:$0x2] =	stream.indirect_vreg.gather [hbm4b:s8+s3], $0x80, v3, vm1, $0xb8;
	[tilespmem:$0x1A000] =	vst v63  }
0x484: {  	v3 =	vld [tilespmem:s23+$0xD0];
	_ =	sdelay $0x4  }
0x485: {  	v61 =	vshrl.u32 v3, $0x3  }
0x486: {  	v4 =	vmul.u32 $0x18, v61  }
0x487: {  	v3 =	vand.u32 $0x7, v3  }
0x488: {  	v3 =	vor.u32 v3, v4  }
0x489: {  	v4 =	vperm.xlane v3, v0;
	_ =	sdelay $0x1  }
0x48a: {  	v4 =	vadd.s32 v1, v4;
	_ =	sdelay $0x1  }
0x48b: {  	v3 =	vperm.xlane v3, v2;
	_ =	sdelay $0x1  }
0x48c: {  	s25 =	simm.s32 $0x10800;
	v3 =	vadd.s32 v1, v3  }
0x48d: {  	[tilespmem:s25], [sflag:$0x2] =	stream.indirect_vreg.gather [hbm4b:s2+s3], $0x80, v4, vm0, $0xb8;
	[tilespmem:$0x1A000] =	vst v63  }
0x48e: {  	s26 =	simm.s32 $0x11000  }
0x48f: {  	[tilespmem:s26], [sflag:$0x2] =	stream.indirect_vreg.gather [hbm4b:s8+s3], $0x80, v4, vm1, $0xb8;
	[tilespmem:$0x1A000] =	vst v63  }
0x490: {  	s28 =	simm.s32 $0x11400  }
0x491: {  	[tilespmem:s28], [sflag:$0x2] =	stream.indirect_vreg.gather [hbm4b:s2+s3], $0x80, v3, vm0, $0xb8;
	[tilespmem:$0x1A000] =	vst v63  }
0x492: {  	s29 =	simm.s32 $0x11C00  }
0x493: {  	[tilespmem:s29], [sflag:$0x2] =	stream.indirect_vreg.gather [hbm4b:s8+s3], $0x80, v3, vm1, $0xb8;
	[tilespmem:$0x1A000] =	vst v63  }
0x494: {  	v3 =	vld [tilespmem:s23+$0xE0];
	_ =	sdelay $0x4  }
0x495: {  	v62 =	vshrl.u32 v3, $0x3  }
0x496: {  	v4 =	vmul.u32 $0x18, v62  }
0x497: {  	v3 =	vand.u32 $0x7, v3  }
0x498: {  	v3 =	vor.u32 v3, v4  }
0x499: {  	v4 =	vperm.xlane v3, v0;
	_ =	sdelay $0x1  }
0x49a: {  	v4 =	vadd.s32 v1, v4;
	_ =	sdelay $0x1  }
0x49b: {  	v3 =	vperm.xlane v3, v2;
	_ =	sdelay $0x1  }
0x49c: {  	s30 =	simm.s32 $0x12000;
	v3 =	vadd.s32 v1, v3  }
0x49d: {  	[tilespmem:s30], [sflag:$0x2] =	stream.indirect_vreg.gather [hbm4b:s2+s3], $0x80, v4, vm0, $0xb8;
	[tilespmem:$0x1A000] =	vst v63  }
0x49e: {  	s31 =	simm.s32 $0x12800  }
0x49f: {  	[tilespmem:s31], [sflag:$0x2] =	stream.indirect_vreg.gather [hbm4b:s8+s3], $0x80, v4, vm1, $0xb8;
	[tilespmem:$0x1A000] =	vst v63  }
0x4a0: {  	_ = 	snop  }
0x4a1: {  	[tilespmem:s12], [sflag:$0x2] =	stream.indirect_vreg.gather [hbm4b:s2+s3], $0x80, v3, vm0, $0xb8;
	[tilespmem:$0x1A000] =	vst v63  }
0x4a2: {  	_ = 	snop  }
0x4a3: {  	[tilespmem:s13], [sflag:$0x2] =	stream.indirect_vreg.gather [hbm4b:s8+s3], $0x80, v3, vm1, $0xb8;
	[tilespmem:$0x1A000] =	vst v63  }
0x4a4: {  	v3 =	vld [tilespmem:s23+$0xF0];
	_ =	sdelay $0x4  }
0x4a5: {  	v63 =	vshrl.u32 v3, $0x3  }
0x4a6: {  	v4 =	vmul.u32 $0x18, v63  }
0x4a7: {  	v3 =	vand.u32 $0x7, v3  }
0x4a8: {  	v3 =	vor.u32 v3, v4  }
0x4a9: {  	v4 =	vperm.xlane v3, v0;
	_ =	sdelay $0x1  }
0x4aa: {  	v4 =	vadd.s32 v1, v4;
	_ =	sdelay $0x2  }
0x4ab: {  	v3 =	vperm.xlane v3, v2;
	_ =	sdelay $0x1  }
0x4ac: {  	v3 =	vadd.s32 v1, v3;
	[tilespmem:s14], [sflag:$0x2] =	stream.indirect_vreg.gather [hbm4b:s2+s3], $0x80, v4, vm0, $0xb8;
	[tilespmem:$0x1A000] =	vst v63  }
0x4ad: {  	_ = 	snop  }
0x4ae: {  	[tilespmem:s15], [sflag:$0x2] =	stream.indirect_vreg.gather [hbm4b:s8+s3], $0x80, v4, vm1, $0xb8;
	[tilespmem:$0x1A000] =	vst v63  }
.Ltmp6:
0x4af: {  	_ = 	snop;
	(pc) =	sbr.rel .LBB2_2-.Ltmp6, $4  }
0x4b0: {  	_ = 	snop  }
0x4b1: {  	[tilespmem:s16], [sflag:$0x2] =	stream.indirect_vreg.gather [hbm4b:s2+s3], $0x80, v3, vm0, $0xb8;
	[tilespmem:$0x1A000] =	vst v63  }
0x4b2: {  	s22 =	sadd.s32 $0x1, s22  }
0x4b3: {  	[tilespmem:s17], [sflag:$0x2] =	stream.indirect_vreg.gather [hbm4b:s8+s3], $0x80, v3, vm1, $0xb8;
	[tilespmem:$0x1A000] =	vst v63  }
.LBB2_11:
0x4b4: {  	_ =	sfence.sel $0x180000  }
0x4b5: {  	[bflag:$0x0] =	sbarrier.arrive $0xFFFF  }
0x4b6: {  	_ =	strace $0x90000047  }
0x4b7: {  	s0 =	stileid.u32;
	[bflag:$0x2] =	sbarrier.arrive $0xFFFF  }
0x4b8: {  	p0 =	sne.s32 s0, $0x0;
	s0 =	rddreg [dreg:$0x2]  }
0x4b9: {  	s0 =	sadd.s32 @!p0 $0x100000, s0  }
0x4ba: {  	[sflag:s0] =	ssyncadd.tile.s32 @!p0 $0x1;
	_ =	shalt  }
.Lfunc_end2:
_tile_overlayer_lowered:
.L_overlay_start_2:
0x4bb: {  	(tag) =	ssettag $0x2  }
0x4bc: {  	s0 =	rddreg [dreg:$0x0];
	s2 =	stileid.u32  }
0x4bd: {  	s1 =	rddreg [dreg:$0x1];
	p0 =	sne.s32 s2, $0x0  }
0x4be: {  	s3 =	rddreg [dreg:$0x2];
	[bflag:$0x3] =	sbarrier.arrive $0xFFFF;
	s2 =	simm.s32 @!p0 $0x1C05  }
0x4bf: {  	[timem:s3], [sflag:s2] =	dma.local @!p0 [hbm:s0], s1  }
0x4c0: {  	s0 =	simm.s32 @!p0 $0x5  }
0x4c1: {  	_ =	swait.ge @!p0 [sflag:s0], s1  }
0x4c2: {  	s1 =	ssub.s32 @!p0 $0x0, s1;
	[sflag:s0] =	ssyncset.done @!p0 $0x0  }
0x4c3: {  	[sflag:s0] =	ssyncadd.s32 @!p0 s1  }
0x4c4: {  	[bflag:$0x3] =	sbarrier.arrive $0xFFFF  }
0x4c5: {  	_ =	shalt  }

// kernel: sparse-core-data-format-call.cloned.1.call-start
scs
called_computation_lowered:
.L_overlay_start_0:
0x0: {  	s2 =	sld [smem:$0x3FD9]  }
0x1: {  	s3 =	sld [smem:$0x3FFE];
	_ =	sdelay $0x1  }
0x2: {  	s1 =	srdreg.scid  }
0x3: {  	s0 =	sand.u32 $0x1, s1  }
0x4: {  	s18 =	sshll.u32 s0, $0xA;
	s2 =	sadd.s32 s3, s2  }
0x5: {  	s2 =	sadd.s32 s2, s18  }
0x6: {  	[smem:$0x3FC6] =	sst s2  }
0x7: {  	_ = 	snop  }
0x8: {  	s2 =	sld [smem:$0x3FD0];
	(tm) =	ssettm $0x1  }
0x9: {  	s19 =	sld [smem:$0x3FFB];
	_ =	sdelay $0x3  }
0xa: {  	_ =	strace s19  }
0xb: {  	s3 =	sld [smem:$0x3FFC];
	_ =	sdelay $0x3  }
0xc: {  	_ =	strace s3  }
0xd: {  	s3 =	sld [smem:$0x3FFD];
	_ =	sdelay $0x3  }
0xe: {  	_ =	strace s3  }
0xf: {  	_ =	strace $0x8FFFFFFF  }
0x10: {  	s20 =	sld [smem:$0x3FDB];
	_ =	sdelay $0x1  }
0x11: {  	s4 =	simm.s32 $_scs_section_size  }
0x12: {  	s5 =	simm.s32 $_size__tile_overlayer_lowered;
	s6 =	simm.s32 $_tile_overlayer_lowered  }
0x13: {  	s23 =	simm.s32 $0x1BFF;
	s22 =	sshll.u32 s6, $0x1;
	s3 =	sadd.s32 s4, s20  }
0x14: {  	s7 =	simm.s32 $0x0;
	s21 =	sshll.u32 s5, $0x1;
	s5 =	sadd.s32 s22, s3  }
0x15: {  	[timem:s7], [sflag:s23] =	dma.local [hbm:s5], s21  }
0x16: {  	_ =	swait.ge [sflag:s23], s21  }
0x17: {  	s4 =	ssub.s32 $0x0, s21;
	[sflag:s23] =	ssyncset.done $0x0  }
0x18: {  	[sflag:s23] =	ssyncadd.s32 s4;
	_ =	sdelay $0x1  }
0x19: {  	s24 =	simm.s32 $0x1B8B  }
0x1a: {  	_ =	swait.ge [sflag:s24], $0x1  }
0x1b: {  	[sflag:s24] =	ssyncset.done $0x0  }
0x1c: {  	s26 =	simm.s32 $0x1B8E;
	s25 =	sld [smem:$0x3FFE];
	[sflag:s24] =	ssyncadd.s32 $0xFFFFFFFF  }
0x1d: {  	s27 =	simm.s32 $execute0_lowered;
	[smem:$0x3FD2] =	sst s26  }
0x1e: {  	s5 =	sshll.u32 s27, $0x1;
	_ =	strace $0x80000049;
	[dreg:$0x1] =	wrdreg $0xFFFFFFFF  }
0x1f: {  	s28 =	simm.s32 $_size_execute0_lowered;
	s3 =	sadd.s32 s3, s5;
	[dreg:$0x0] =	wrdreg $0x0  }
0x20: {  	s5 =	sshll.u32 s28, $0x1;
	[dreg:$0x2] =	wrdreg s3  }
0x21: {  	[dreg:$0x3] =	wrdreg s5  }
0x22: {  	[dreg:$0x4] =	wrdreg $0xC0  }
0x23: {  	_ =	task [dreg:s7], $0x5FFFF  }
0x24: {  	[dreg:$0x1] =	wrdreg $0xFFFFFFFF  }
0x25: {  	[dreg:$0x0] =	wrdreg $0x60  }
0x26: {  	[dreg:$0x2] =	wrdreg s25  }
0x27: {  	[dreg:$0x3] =	wrdreg s2  }
0x28: {  	[dreg:$0x4] =	wrdreg $0x9  }
0x29: {  	_ =	task.clear_ibuf [dreg:s7], $0x5FFFF;
	_ =	strace $0x90000049  }
0x2a: {  	s29 =	simm.s32 $0x9;
	_ =	strace $0x8000004B  }
0x2b: {  	_ =	swait.ge [sflag:s29], $0x1  }
0x2c: {  	[sflag:s29] =	ssyncadd.s32 $0xFFFFFFFF  }
0x2d: {  	_ =	strace $0x9000004B  }
0x2e: {  	_ =	sfence  }
0x2f: {  	s30 =	sld [smem:$0x0];
	_ =	sdelay $0x2  }
0x30: {  	s31 =	sshll.u32 s1, $0xD;
	s1 =	sshrl.u32 s1, $0x2  }
0x31: {  	s3 =	sand.u32 $0x4000, s31;
	s1 =	sadd.s32 s1, s30  }
0x32: {  	s0 =	sor.u32 s3, s0;
	s1 =	sshll.u32 s1, $0x11  }
0x33: {  	s0 =	sor.u32 s1, s0  }
0x34: {  	s0 =	sadd.s32 $0x8F2B, s0  }
0x35: {  	[sflag:s0] =	ssyncadd.remote.s32 $0x1  }
0x36: {  	_ =	sfence.sel $0xFFFF  }
0x37: {  	[dreg:$0x0] =	wrdreg $0xFFFFFFFF;
	(pc) =	sbr.abs _section_cstart, $3  }
0x38: {  	[dreg:$0x1] =	wrdreg $0xFFFFFFFF  }
0x39: {  	_ =	task.clear_ibuf [dreg:s7], $0x2FFFF;
	_ =	strace $0x9FFFFFFF  }
0x3a: {  	(tm) =	ssettm $0x7FFFFFFF  }
0x3b: {  	_ =	shalt  }
tec
execute0_lowered:
.L_overlay_start_1:
0x0: {  	(tag) =	ssettag $0x1  }
0x1: {  	s1 =	rddreg [dreg:$0x0]  }
0x2: {  	s2 =	rddreg [dreg:$0x1]  }
0x3: {  	s0 =	rddreg [dreg:$0x2]  }
0x4: {  	s4 =	srdreg.scid;
	_ =	strace $0x8000004A;
	s6 =	simm.s32 $0x2  }
0x5: {  	s11 =	simm.s32 $0x0;
	p0 =	por $0x0, $0x0;
	s12 =	simm.s32 $0x0  }
.Ltmp0:
0x6: {  	s13 =	simm.s32 $0x0;
	s8 =	simm.s32 $0x0;
	(pc) =	sbr.rel .LBB1_1-.Ltmp0, $4  }
0x7: {  	s9 =	simm.s32 $0x0;
	s3 =	sadd.s32 $0x24E00, s1;
	s4 =	sshll.u32 s4, $0x4  }
0x8: {  	s1 =	stileid.u32;
	s5 =	sand.u32 $0x10, s4;
	s4 =	simm.s32 $0x1  }
0x9: {  	s7 =	simm.s32 $0x0;
	s5 =	sor.u32 s1, s5;
	[sflag:s4] =	ssyncpa.u1 $0x0  }
0xa: {  	[sflag:s6] =	ssyncpa.u1 $0x0;
	s6 =	simm.s32 $0x24000;
	s10 =	smov.u32 s5  }
.LBB1_5:
0xb: {  	s14 =	sadd.s32 $0x80, s8  }
0xc: {  	s11 =	sadd.s32 $0x80, s9;
	s15 =	smov.u32 s9;
	p2 =	sgt.s32 s14, $0x17F  }
0xd: {  	s15 =	smov.u32 @p2 s11  }
0xe: {  	s17 =	smov.u32 s10;
	s11 =	sadd.s32 $0x20, s10;
	p3 =	sgt.s32 s15, $0x17F  }
0xf: {  	p1 =	slt.u32 s7, $0x2;
	s17 =	smov.u32 @p3 s11  }
0x10: {  	s7 =	sadd.s32 $0x1, s7;
	s14 =	simm.s32 @p2 $0x0;
	p2 =	sgt.s32 s17, $0x17F  }
0x11: {  	s17 =	smov.u32 @p2 s5;
	p2 =	sne.s32 s7, $0x6E  }
.Ltmp1:
0x12: {  	s16 =	simm.s32 @!p1 $0x2;
	(pc) =	sbr.rel @!p2 .LBB1_6-.Ltmp1, $4  }
0x13: {  	s12 =	smov.u32 s9;
	_ =	swait.ge @!p1 [sflag:s16], $0x4000  }
0x14: {  	s13 =	smov.u32 s10;
	p0 =	por !p0, !p0;
	[sflag:s16] =	ssyncset.done @!p1 $0x0  }
0x15: {  	s15 =	simm.s32 @p3 $0x0;
	s11 =	smov.u32 s8;
	[sflag:s16] =	ssyncadd.s32 @!p1 $0xFFFFC000  }
0x16: {  	s8 =	smov.u32 s14;
	s9 =	smov.u32 s15;
	s10 =	smov.u32 s17  }
.LBB1_1:
0x17: {  	p1 =	sgt.u32 s7, $0x6B  }
0x18: {  	s14 =	sshrl.u32 @!p1 s9, $0x3  }
0x19: {  	s15 =	sshll.u32 @!p1 s8, $0x3;
	s14 =	smul.u32 @!p1 $0xC00, s14  }
0x1a: {  	s16 =	sshll.u32 @!p1 s9, $0x7;
	s15 =	sand.u32 @!p1 $0xFFFFFC00, s15  }
0x1b: {  	s14 =	sadd.s32 @!p1 s14, s15;
	s15 =	sand.u32 @!p1 $0x380, s16  }
0x1c: {  	s14 =	sor.u32 @!p1 s15, s14  }
0x1d: {  	s15 =	sand.u32 @!p1 $0x7F, s8;
	s16 =	smulhi.u32 @!p1 $0xAAAAAAAB, s14  }
0x1e: {  	s14 =	sor.u32 @!p1 s15, s14  }
0x1f: {  	s15 =	smulhi.u32 @!p1 $0xAAAAAAAB, s14;
	s16 =	sshrl.u32 @!p1 s16, $0x8  }
0x20: {  	s17 =	smulhi.u32 @!p1 $0xAAAAAB, s16;
	_ =	sdelay $0x1  }
0x21: {  	s15 =	sshrl.u32 @!p1 s15, $0x8;
	s17 =	smul.u32 @!p1 $0x180, s17  }
0x22: {  	s15 =	smul.u32 @!p1 $0x180, s15  }
0x23: {  	s18 =	sxor.u32 @!p1 $0xFFFFFFFF, s7;
	s16 =	ssub.s32 @!p1 s16, s17;
	s17 =	smul.u32 @!p1 $0x4800, s10  }
0x24: {  	s18 =	sshll.u32 @!p1 s18, $0xE;
	s14 =	ssub.s32 @!p1 s14, s15;
	s15 =	smul.u32 @!p1 $0x30, s16  }
0x25: {  	s16 =	sand.u32 @!p1 $0x4000, s18;
	s18 =	sand.u32 @!p1 $0x7, s14;
	s17 =	sadd.s32 @!p1 s3, s17  }
0x26: {  	s14 =	sshrl.u32 @!p1 s14, $0x3;
	s15 =	sadd.s32 @!p1 s15, s17;
	s17 =	sshll.u32 @!p1 s18, $0x12  }
0x27: {  	s14 =	sadd.s32 @!p1 s14, s15;
	s15 =	sor.u32 @!p1 $0x400, s17;
	s17 =	simm.s32 @!p1 $0xC00  }
0x28: {  	[tilespmem:s16], [sflag:$0x1] =	stream.strided.gather @!p1 [hbm4b:s14+s15], $0x4000, s17, s15, $0x38;
	[tilespmem:$0x10100] =	vst v63  }
0x29: {  	p1 =	seq.s32 s7, $0x0  }
0x2a: {  	p2 =	seq.s32 @!p1 s7, $0x6D  }
0x2b: {  	p1 =	por p1, p2  }
.Ltmp2:
0x2c: {  	_ = 	snop;
	(pc) =	sbr.rel @p1 .LBB1_5-.Ltmp2, $1  }
0x2d: {  	_ =	sdelay $0x3  }
0x2e: {  	s14 =	simm.s32 $0x1  }
0x2f: {  	_ =	swait.ge [sflag:s4], $0x4000;
	s14 =	simm.s32 @!p0 $0x0  }
0x30: {  	[sflag:s4] =	ssyncset.done $0x0;
	s15 =	sshll.u32 s14, $0xE  }
0x31: {  	[sflag:s4] =	ssyncadd.s32 $0xFFFFC000;
	s17 =	sor.u32 $0x40, s15  }
0x32: {  	s14 =	smul.u32 $0x10200, s14;
	v0 =	vld [tilespmem:s17+$0x30]  }
0x33: {  	v1 =	vld [tilespmem:s17+$0xFFFFFFD0]  }
0x34: {  	s14 =	sshrl.u32 s14, $0x2;
	v5 =	vld [tilespmem:s17+$0xFFFFFFE0]  }
0x35: {  	v6 =	vld [tilespmem:s17+$0xFFFFFFF0];
	s15 =	sor.u32 $0x8000, s14  }
0x36: {  	s31 =	sand.u32 $0x1, s7;
	v4 =	vld [tilespmem:s17+$0x0];
	s16 =	sadd.s32 $0x0, s15  }
0x37: {  	v3 =	vld [tilespmem:s17+$0x10];
	s14 =	smul.u32 $0x10200, s31;
	[tilespmem:s16+$0x3870 ss:$0x81] =	vst.msk $0xffff, v0  }
0x38: {  	v2 =	vld [tilespmem:s17+$0x20];
	[tilespmem:s16+$0x810 ss:$0x81] =	vst.msk $0xffff, v1  }
0x39: {  	s14 =	sshrl.u32 s14, $0x2;
	v0 =	vld [tilespmem:s17+$0xFFFFFFC0];
	[tilespmem:s16+$0x1020 ss:$0x81] =	vst.msk $0xffff, v5;
	s17 =	sadd.s32 $0x80, s17  }
0x3a: {  	s18 =	simm.s32 $0x4;
	s19 =	simm.s32 $0x8;
	s14 =	sor.u32 $0x8000, s14;
	[tilespmem:s16+$0x1830 ss:$0x81] =	vst.msk $0xffff, v6;
	v1 =	vld [tilespmem:s17+$0x30]  }
.LBB1_3:
0x3b: {  	p1 =	sne.s32 s19, $0x1FC;
	v5 =	vld [tilespmem:s17+$0xFFFFFFD0];
	[tilespmem:s16+$0x2040 ss:$0x81] =	vst.msk $0xffff, v4  }
0x3c: {  	v6 =	vld [tilespmem:s17+$0xFFFFFFE0];
	[tilespmem:s16+$0x2850 ss:$0x81] =	vst.msk $0xffff, v3  }
0x3d: {  	s20 =	sshra.s32 s18, $0x2;
	s18 =	smov.u32 s19;
	v7 =	vld [tilespmem:s17+$0xFFFFFFF0];
	[tilespmem:s16+$0x3060 ss:$0x81] =	vst.msk $0xffff, v2  }
.Ltmp3:
0x3e: {  	v4 =	vld [tilespmem:s17+$0x0];
	[tilespmem:s16+$0x0 ss:$0x81] =	vst.msk $0xffff, v0;
	s16 =	sadd.s32 s20, s15;
	(pc) =	sbr.rel @p1 .LBB1_3-.Ltmp3, $4  }
0x3f: {  	v3 =	vld [tilespmem:s17+$0x10];
	[tilespmem:s16+$0x3870 ss:$0x81] =	vst.msk $0xffff, v1  }
0x40: {  	[tilespmem:s16+$0x810 ss:$0x81] =	vst.msk $0xffff, v5;
	v2 =	vld [tilespmem:s17+$0x20]  }
0x41: {  	v0 =	vld [tilespmem:s17+$0xFFFFFFC0];
	[tilespmem:s16+$0x1020 ss:$0x81] =	vst.msk $0xffff, v6;
	s17 =	sadd.s32 $0x80, s17  }
0x42: {  	s19 =	sadd.s32 $0x4, s19;
	v1 =	vld [tilespmem:s17+$0x30];
	[tilespmem:s16+$0x1830 ss:$0x81] =	vst.msk $0xffff, v7  }
0x43: {  	s19 =	sshrl.u32 s13, $0x3  }
0x44: {  	s20 =	sshll.u32 s12, $0x3;
	s19 =	smul.u32 $0xC00, s19  }
0x45: {  	s24 =	sshll.u32 s13, $0x7;
	s20 =	sand.u32 $0xFFFFFC00, s20  }
0x46: {  	s13 =	sand.u32 $0x380, s24;
	s19 =	sadd.s32 s19, s20  }
0x47: {  	s13 =	sor.u32 s13, s19  }
0x48: {  	s19 =	smulhi.u32 $0xAAAAAAAB, s13  }
0x49: {  	v5 =	vld [tilespmem:s17+$0xFFFFFFD0];
	[tilespmem:s16+$0x2040 ss:$0x81] =	vst.msk $0xffff, v4  }
0x4a: {  	s25 =	sand.u32 $0x7F, s12;
	v58 =	vld [tilespmem:s17+$0xFFFFFFE0];
	[tilespmem:s16+$0x2850 ss:$0x81] =	vst.msk $0xffff, v3;
	s19 =	sshrl.u32 s19, $0x8  }
0x4b: {  	s26 =	sshra.s32 s18, $0x2;
	v59 =	vld [tilespmem:s17+$0xFFFFFFF0];
	[tilespmem:s16+$0x3060 ss:$0x81] =	vst.msk $0xffff, v2;
	s12 =	sor.u32 s25, s13;
	s28 =	smulhi.u32 $0xAAAAAB, s19  }
0x4c: {  	v60 =	vld [tilespmem:s17+$0x0];
	[tilespmem:s16+$0x0 ss:$0x81] =	vst.msk $0xffff, v0;
	s13 =	sadd.s32 s26, s15;
	s27 =	smulhi.u32 $0xAAAAAAAB, s12  }
0x4d: {  	v61 =	vld [tilespmem:s17+$0x10];
	[tilespmem:s13+$0x3870 ss:$0x81] =	vst.msk $0xffff, v1;
	s15 =	smul.u32 $0x180, s28  }
0x4e: {  	v62 =	vld [tilespmem:s17+$0x20];
	s11 =	smul.u32 $0x4800, s11;
	[tilespmem:s13+$0x810 ss:$0x81] =	vst.msk $0xffff, v5;
	s29 =	sshrl.u32 s27, $0x8  }
0x4f: {  	v63 =	vld [tilespmem:s17+$0xFFFFFFC0];
	[tilespmem:s13+$0x1020 ss:$0x81] =	vst.msk $0xffff, v58;
	s16 =	smul.u32 $0x180, s29;
	s15 =	ssub.s32 s19, s15  }
0x50: {  	[tilespmem:s13+$0x1830 ss:$0x81] =	vst.msk $0xffff, v59;
	s15 =	smul.u32 $0x30, s15  }
.Ltmp4:
0x51: {  	[tilespmem:s13+$0x2040 ss:$0x81] =	vst.msk $0xffff, v60;
	s12 =	ssub.s32 s12, s16;
	(pc) =	sbr.rel .LBB1_5-.Ltmp4, $4  }
0x52: {  	s11 =	sadd.s32 s2, s11;
	[tilespmem:s13+$0x2850 ss:$0x81] =	vst.msk $0xffff, v61;
	s16 =	sand.u32 $0x7, s12  }
0x53: {  	[tilespmem:s13+$0x3060 ss:$0x81] =	vst.msk $0xffff, v62;
	s12 =	sshrl.u32 s12, $0x3;
	s30 =	sshll.u32 s16, $0x12;
	s11 =	sadd.s32 s15, s11  }
0x54: {  	[tilespmem:s13+$0x0 ss:$0x81] =	vst.msk $0xffff, v63;
	s31 =	sor.u32 $0x80, s30;
	s11 =	sadd.s32 s12, s11  }
0x55: {  	[hbm4b:s11+s31] =	stream.strided.scatter [tilespmem:s14], [sflag:$0x2], $0x4000, s6, s31, $0x20;
	[tilespmem:$0x10100] =	vst v63  }
.LBB1_6:
0x56: {  	_ =	sfence.sel $0x180000  }
0x57: {  	s2 =	simm.s32 $0x1;
	[bflag:$0x0] =	sbarrier.arrive $0xFFFF  }
0x58: {  	s31 =	simm.s32 $0x2;
	[sflag:s2] =	ssyncpa.u1 $0x1  }
0x59: {  	[sflag:s31] =	ssyncpa.u1 $0x1  }
0x5a: {  	p0 =	sne.s32 s1, $0x0;
	_ =	strace $0x9000004A  }
0x5b: {  	s0 =	sadd.s32 @!p0 $0x100000, s0;
	[bflag:$0x2] =	sbarrier.arrive $0xFFFF  }
0x5c: {  	[sflag:s0] =	ssyncadd.tile.s32 @!p0 $0x1;
	_ =	shalt  }
.Lfunc_end1:
_tile_overlayer_lowered:
.L_overlay_start_2:
0x5d: {  	(tag) =	ssettag $0x2  }
0x5e: {  	s0 =	rddreg [dreg:$0x0];
	s2 =	stileid.u32  }
0x5f: {  	s1 =	rddreg [dreg:$0x1];
	p0 =	sne.s32 s2, $0x0  }
0x60: {  	s3 =	rddreg [dreg:$0x2];
	[bflag:$0x3] =	sbarrier.arrive $0xFFFF;
	s2 =	simm.s32 @!p0 $0x1C01  }
0x61: {  	[timem:s3], [sflag:s2] =	dma.local @!p0 [hbm:s0], s1  }
0x62: {  	s0 =	simm.s32 @!p0 $0x1  }
0x63: {  	_ =	swait.ge @!p0 [sflag:s0], s1  }
0x64: {  	s1 =	ssub.s32 @!p0 $0x0, s1;
	[sflag:s0] =	ssyncset.done @!p0 $0x0  }
0x65: {  	[sflag:s0] =	ssyncadd.s32 @!p0 s1  }
0x66: {  	[bflag:$0x3] =	sbarrier.arrive $0xFFFF  }
0x67: {  	_ =	shalt  }

</sc_bundles>
